<compile_context>
chip_gen: v7x
topology: tpu7x:2x2x1
jax: 0.10.2.dev20260603
libtpu: 0.0.44.dev20260713+nightly
codegen_flags: <defaults>
</compile_context>

<pallas_src>
import functools

import jax
import jax.numpy as jnp
import numpy as np
from jax import lax
from jax.experimental import pallas as pl
from jax.experimental.pallas import tpu as pltpu
from jax.experimental.pallas import tpu_sc as plsc

_NEG_INF = np.float32(-np.inf)
_TINY = np.float32(np.finfo(np.float32).tiny)
_LOG_CLAMP = np.float32(np.log(1e-12))


def _threefry_bits(x1):
    ks0 = np.uint32(0)
    ks1 = np.uint32(42)
    ks2 = np.uint32(ks0 ^ ks1 ^ np.uint32(0x1BD11BDA))

    def rotl(x, d):
        return (x << np.uint32(d)) | (x >> np.uint32(32 - d))

    def rounds(x0, x1, rots):
        for r in rots:
            x0 = x0 + x1
            x1 = rotl(x1, r)
            x1 = x0 ^ x1
        return x0, x1

    x0 = x1
    x1 = rotl(x1, 13) ^ x1
    x0, x1 = rounds(x0, x1, (15, 26, 6))
    x0 = x0 + ks1
    x1 = x1 + (ks2 + np.uint32(1))
    x0, x1 = rounds(x0, x1, (17, 29, 16, 24))
    x0 = x0 + ks2
    x1 = x1 + (ks0 + np.uint32(2))
    x0, x1 = rounds(x0, x1, (13, 15, 26, 6))
    x1 = x1 + (ks1 + np.uint32(3))
    x0, x1 = rounds(x0, x1, (17, 29, 16, 24))
    x0 = x0 + ks1
    x1 = x1 + (ks2 + np.uint32(4))
    x0, x1 = rounds(x0, x1, (13, 15, 26, 6))
    x0 = x0 + ks2
    x1 = x1 + (ks0 + np.uint32(5))
    return x0 ^ x1


def _uniform_from_bits(bits):
    fb = (bits >> np.uint32(9)) | np.uint32(0x3F800000)
    f = jax.lax.bitcast_convert_type(fb, jnp.float32) - np.float32(1.0)
    return jnp.maximum(_TINY, f + _TINY)



_SC_ROWS = 128
_SC_K = 20000


def _sc_u_body(out_hbm, b0, b1, b2, b3):
    n_cores = 2
    wid = lax.axis_index("s") * n_cores + lax.axis_index("c")
    rows_per_w = _SC_ROWS // 32
    lane = lax.iota(jnp.int32, 16)
    n_chunks = 1_000_000 // _SC_K
    bufs = (b0, b1, b2, b3)

    def chunk_body(k, _):
        v0 = k * _SC_K

        def vec_body(i, _):
            off = i * 16
            for r in range(rows_per_w):
                row = wid * rows_per_w + r
                base = (np.int32(384_000_000 + 42) + row * np.int32(1_000_000)
                        + v0 + off)
                x1 = (lane + base).astype(jnp.uint32)
                u = _uniform_from_bits(_threefry_bits(x1))
                bufs[r][pl.ds(off, 16)] = u
            return 0

        lax.fori_loop(0, _SC_K // 16, vec_body, 0)
        for r in range(rows_per_w):
            row = wid * rows_per_w + r
            off = pl.multiple_of(row * np.int32(1_000_000) + v0, 8)
            pltpu.sync_copy(bufs[r], out_hbm.at[pl.ds(off, _SC_K)])
        return 0

    lax.fori_loop(0, n_chunks, chunk_body, 0)


def _make_sc_u():
    mesh = plsc.VectorSubcoreMesh(core_axis_name="c", subcore_axis_name="s")
    return pl.kernel(
        _sc_u_body,
        out_type=jax.ShapeDtypeStruct((_SC_ROWS * 1_000_000,), jnp.float32),
        scratch_types=[pltpu.VMEM((_SC_K,), jnp.float32)] * 4,
        mesh=mesh,
    )



def _tc1_kernel(logits_ref, chosen_ref, scores_ref, logp_ref, logz_ref,
                bz_ref, bi_ref, m_ref, s_ref,
                *, b_rows, v_cols, c_chunk, n_chunks, n_samp):
    j = pl.program_id(0)

    @pl.when(j == 0)
    def _init():
        bz_ref[...] = jnp.full((b_rows, n_samp), _NEG_INF, jnp.float32)
        bi_ref[...] = jnp.zeros((b_rows, n_samp), jnp.int32)
        m_ref[...] = jnp.full((b_rows, 1), _NEG_INF, jnp.float32)
        s_ref[...] = jnp.zeros((b_rows, 1), jnp.float32)

    lb = logits_ref[...]
    col_l = jax.lax.broadcasted_iota(jnp.int32, (b_rows, c_chunk), 1)
    row_base = jax.lax.broadcasted_iota(jnp.int32, (b_rows, c_chunk), 0) * v_cols
    n_base = col_l + row_base

    masked = (v_cols % c_chunk != 0)
    if masked:
        valid = col_l < v_cols - j * c_chunk
        lbm = jnp.where(valid, lb, _NEG_INF)
    else:
        lbm = lb

    m_old = m_ref[...]
    m_new = jnp.maximum(m_old, jnp.max(lbm, axis=1, keepdims=True))
    e = jnp.exp(lbm - m_new)
    s_ref[...] = s_ref[...] * jnp.exp(m_old - m_new) + jnp.sum(
        e, axis=1, keepdims=True)
    m_ref[...] = m_new

    for s in range(n_samp):
        x1 = (n_base + (j * c_chunk + np.int32(s * b_rows * v_cols + 42))
              ).astype(jnp.uint32)
        bits = _threefry_bits(x1)
        u = _uniform_from_bits(bits)
        g = -jnp.log(-jnp.log(u))
        z = g + lbm
        zmax = jnp.max(z, axis=1, keepdims=True)
        eq = z == zmax
        idx_l = jnp.min(jnp.where(eq, col_l, np.int32(0x7FFFFFFF)),
                        axis=1, keepdims=True)
        better = zmax > bz_ref[:, s:s + 1]
        bz_ref[:, s:s + 1] = jnp.where(better, zmax, bz_ref[:, s:s + 1])
        bi_ref[:, s:s + 1] = jnp.where(better, idx_l + j * c_chunk,
                                       bi_ref[:, s:s + 1])

    @pl.when(j == n_chunks - 1)
    def _finish():
        bi = bi_ref[...]
        chosen_ref[...] = bi
        r_iota = jax.lax.broadcasted_iota(jnp.int32, (b_rows, n_samp), 0)
        s_iota = jax.lax.broadcasted_iota(jnp.int32, (b_rows, n_samp), 1)
        n = (s_iota * np.int32(b_rows * v_cols) + r_iota * np.int32(v_cols)
             + bi + np.int32(42)).astype(jnp.uint32)
        g_star = -jnp.log(-jnp.log(_uniform_from_bits(_threefry_bits(n))))
        scores = bz_ref[...] - g_star
        scores_ref[...] = scores
        log_z = m_ref[...] + jnp.log(s_ref[...])
        logz_ref[...] = log_z
        logp_ref[...] = jnp.maximum(scores - log_z, _LOG_CLAMP)



def _tc2_kernel(logits_ref, u_ref, logz_ref, chosen_ref, scores_ref, logp_ref,
                bz_ref, bi_ref,
                *, b_rows, v_cols, c_chunk, n_chunks, s_lo, n_samp):
    j = pl.program_id(0)

    @pl.when(j == 0)
    def _init():
        bz_ref[...] = jnp.full((b_rows, n_samp), _NEG_INF, jnp.float32)
        bi_ref[...] = jnp.zeros((b_rows, n_samp), jnp.int32)

    lb = logits_ref[...]
    col_l = jax.lax.broadcasted_iota(jnp.int32, (b_rows, c_chunk), 1)
    masked = (v_cols % c_chunk != 0)
    if masked:
        valid = col_l < v_cols - j * c_chunk
        lbm = jnp.where(valid, lb, _NEG_INF)
    else:
        lbm = lb

    for s in range(n_samp):
        u = u_ref[s * b_rows:(s + 1) * b_rows, :]
        g = -jnp.log(-jnp.log(u))
        z = g + lbm
        zmax = jnp.max(z, axis=1, keepdims=True)
        eq = z == zmax
        idx_l = jnp.min(jnp.where(eq, col_l, np.int32(0x7FFFFFFF)),
                        axis=1, keepdims=True)
        better = zmax > bz_ref[:, s:s + 1]
        bz_ref[:, s:s + 1] = jnp.where(better, zmax, bz_ref[:, s:s + 1])
        bi_ref[:, s:s + 1] = jnp.where(better, idx_l + j * c_chunk,
                                       bi_ref[:, s:s + 1])

    @pl.when(j == n_chunks - 1)
    def _finish():
        bi = bi_ref[...]
        chosen_ref[...] = bi
        r_iota = jax.lax.broadcasted_iota(jnp.int32, (b_rows, n_samp), 0)
        s_iota = jax.lax.broadcasted_iota(jnp.int32, (b_rows, n_samp), 1)
        n = ((s_iota + np.int32(s_lo)) * np.int32(b_rows * v_cols)
             + r_iota * np.int32(v_cols) + bi + np.int32(42)).astype(jnp.uint32)
        g_star = -jnp.log(-jnp.log(_uniform_from_bits(_threefry_bits(n))))
        scores = bz_ref[...] - g_star
        scores_ref[...] = scores
        logp_ref[...] = jnp.maximum(scores - logz_ref[...], _LOG_CLAMP)


@jax.jit
def kernel(logits):
    b_rows, v_cols = logits.shape
    c_chunk = 1024
    n_chunks = -(-v_cols // c_chunk)
    n1 = 6

    u = _make_sc_u()().reshape(_SC_ROWS, 1_000_000)

    body1 = functools.partial(_tc1_kernel, b_rows=b_rows, v_cols=v_cols,
                              c_chunk=c_chunk, n_chunks=n_chunks, n_samp=n1)
    c1, s1, p1, logz = pl.pallas_call(
        body1,
        grid=(n_chunks,),
        in_specs=[pl.BlockSpec((b_rows, c_chunk), lambda j: (0, j))],
        out_specs=[
            pl.BlockSpec((b_rows, n1), lambda j: (0, 0)),
            pl.BlockSpec((b_rows, n1), lambda j: (0, 0)),
            pl.BlockSpec((b_rows, n1), lambda j: (0, 0)),
            pl.BlockSpec((b_rows, 1), lambda j: (0, 0)),
        ],
        out_shape=[
            jax.ShapeDtypeStruct((b_rows, n1), jnp.int32),
            jax.ShapeDtypeStruct((b_rows, n1), jnp.float32),
            jax.ShapeDtypeStruct((b_rows, n1), jnp.float32),
            jax.ShapeDtypeStruct((b_rows, 1), jnp.float32),
        ],
        scratch_shapes=[
            pltpu.VMEM((b_rows, n1), jnp.float32),
            pltpu.VMEM((b_rows, n1), jnp.int32),
            pltpu.VMEM((b_rows, 1), jnp.float32),
            pltpu.VMEM((b_rows, 1), jnp.float32),
        ],
        compiler_params=pltpu.CompilerParams(
            dimension_semantics=("arbitrary",),
        ),
    )(logits)

    n2 = 2
    body2 = functools.partial(_tc2_kernel, b_rows=b_rows, v_cols=v_cols,
                              c_chunk=c_chunk, n_chunks=n_chunks,
                              s_lo=n1, n_samp=n2)
    c2, s2, p2 = pl.pallas_call(
        body2,
        grid=(n_chunks,),
        in_specs=[
            pl.BlockSpec((b_rows, c_chunk), lambda j: (0, j)),
            pl.BlockSpec((n2 * b_rows, c_chunk), lambda j: (0, j)),
            pl.BlockSpec((b_rows, 1), lambda j: (0, 0)),
        ],
        out_specs=[
            pl.BlockSpec((b_rows, n2), lambda j: (0, 0)),
            pl.BlockSpec((b_rows, n2), lambda j: (0, 0)),
            pl.BlockSpec((b_rows, n2), lambda j: (0, 0)),
        ],
        out_shape=[
            jax.ShapeDtypeStruct((b_rows, n2), jnp.int32),
            jax.ShapeDtypeStruct((b_rows, n2), jnp.float32),
            jax.ShapeDtypeStruct((b_rows, n2), jnp.float32),
        ],
        scratch_shapes=[
            pltpu.VMEM((b_rows, n2), jnp.float32),
            pltpu.VMEM((b_rows, n2), jnp.int32),
        ],
        compiler_params=pltpu.CompilerParams(
            dimension_semantics=("arbitrary",),
        ),
    )(logits, u, logz)

    chosen = jnp.concatenate([c1, c2], axis=1)
    scores = jnp.concatenate([s1, s2], axis=1)
    logp = jnp.concatenate([p1, p2], axis=1)
    return (chosen, scores, logp)

# --- scband reference (transcript-rebuilt; emitter-appended) ---
"""Pipeline reference for scband-sample-select-41970420417998 (READ-ONLY COPY).

The authoritative reference and input builder live on the scoring server;
editing this copy changes nothing except your own understanding.
"""

import jax, jax.numpy as jnp
import numpy as np

N_SAMPLES = 8


def setup_inputs(seed: int = 0) -> dict:
    key = jax.random.key(seed)
    logits = jax.random.normal(key, (64, 1000000), dtype=jnp.float32)
    return {"logits": logits}


def reference(logits):
    # probs = softmax(logits)
    probs = jax.nn.softmax(logits, axis=-1)
    # categorical sampling with replacement (torch.multinomial equivalent)
    skey = jax.random.key(42)
    chosen = jax.random.categorical(
        skey, logits, axis=-1, shape=(N_SAMPLES, logits.shape[0])
    ).T  # [B, n]
    chosen = chosen.astype(jnp.int32)
    # log_p = log(probs.clamp(min=1e-12))
    log_p = jnp.log(jnp.maximum(probs, 1e-12))
    chosen_log_p = jnp.take_along_axis(log_p, chosen, axis=-1)
    chosen_scores = jnp.take_along_axis(logits, chosen, axis=-1)
    return (chosen, chosen_scores, chosen_log_p)

if __name__ == "__main__":
    import jax
    _d = setup_inputs()
    print(jax.jit(kernel)(*tuple(_d.values())))

</pallas_src>

<mosaic_0001>
#map = affine_map<(d0, d1) -> (0)>
module attributes {stable_mosaic.version = 14 : i64} {
  func.func @_sc_u_body(%arg0: i32, %arg1: i32, %arg2: memref<128000000xf32, #tpu.memory_space<hbm>>, %arg3: memref<20000xf32, #tpu.memory_space<vmem>>, %arg4: memref<20000xf32, #tpu.memory_space<vmem>>, %arg5: memref<20000xf32, #tpu.memory_space<vmem>>, %arg6: memref<20000xf32, #tpu.memory_space<vmem>>) attributes {dimension_semantics = [#tpu.dimension_semantics<core_parallel>, #tpu.dimension_semantics<subcore_parallel>], iteration_bounds = array<i64: 2, 16>, scalar_prefetch = 0 : i64, scratch_operands = 4 : i64, tpu.core_type = #tpu.core_type<sc_vector_subcore>, window_params = [{transform_indices = #map}]} {
    %mul3A = arith.constant 2 : i32
    %mul3A_0 = arith.muli %arg1, %mul3A : i32
    %add3A = arith.addi %mul3A_0, %arg0 : i32
    %iota3A = tpu.iota {dimensions = array<i32: 0>} : vector<16xi32>
    %scan3A = arith.constant 0 : i32
    %scan3A_1 = arith.constant 0 : i32
    %scan3A_2 = arith.constant 50 : i32
    %scan3A_3 = arith.addi %scan3A_1, %scan3A_2 : i32
    %scan3A_4 = arith.constant 1 : i32
    %scan3A_5 = scf.for %scan3A_7 = %scan3A_1 to %scan3A_3 step %scan3A_4 iter_args(%scan3A_8 = %scan3A) -> (i32)  : i32 {
      %mul3A_9 = arith.constant 20000 : i32
      %mul3A_10 = arith.muli %scan3A_7, %mul3A_9 : i32
      %scan3A_11 = arith.constant 0 : i32
      %scan3A_12 = arith.constant 0 : i32
      %scan3A_13 = arith.constant 1250 : i32
      %scan3A_14 = arith.addi %scan3A_12, %scan3A_13 : i32
      %scan3A_15 = arith.constant 1 : i32
      %scan3A_16 = scf.for %scan3A_50 = %scan3A_12 to %scan3A_14 step %scan3A_15 iter_args(%scan3A_51 = %scan3A_11) -> (i32)  : i32 {
        %mul3A_52 = arith.constant 16 : i32
        %mul3A_53 = arith.muli %scan3A_50, %mul3A_52 : i32
        %mul3A_54 = arith.constant 4 : i32
        %mul3A_55 = arith.muli %add3A, %mul3A_54 : i32
        %add3A_56 = arith.constant 0 : i32
        %add3A_57 = arith.addi %mul3A_55, %add3A_56 : i32
        %mul3A_58 = arith.constant 1000000 : i32
        %mul3A_59 = arith.muli %add3A_57, %mul3A_58 : i32
        %add3A_60 = arith.constant 384000042 : i32
        %add3A_61 = arith.addi %add3A_60, %mul3A_59 : i32
        %add3A_62 = arith.addi %add3A_61, %mul3A_10 : i32
        %add3A_63 = arith.addi %add3A_62, %mul3A_53 : i32
        %add3A_64 = vector.broadcast %add3A_63 : i32 to vector<16xi32>
        %add3A_65 = arith.addi %iota3A, %add3A_64 : vector<16xi32>
        %shift_left3A = arith.constant 13 : i32
        %shift_left3A_66 = vector.broadcast %shift_left3A : i32 to vector<16xi32>
        %shift_left3A_67 = arith.shli %add3A_65, %shift_left3A_66 : vector<16xi32>
        %shift_right_logical3A = arith.constant 19 : i32
        %shift_right_logical3A_68 = vector.broadcast %shift_right_logical3A : i32 to vector<16xi32>
        %shift_right_logical3A_69 = arith.shrui %add3A_65, %shift_right_logical3A_68 : vector<16xi32>
        %or3A = arith.ori %shift_left3A_67, %shift_right_logical3A_69 : vector<16xi32>
        %xor3A = arith.xori %or3A, %add3A_65 : vector<16xi32>
        %add3A_70 = arith.addi %add3A_65, %xor3A : vector<16xi32>
        %shift_left3A_71 = arith.constant 15 : i32
        %shift_left3A_72 = vector.broadcast %shift_left3A_71 : i32 to vector<16xi32>
        %shift_left3A_73 = arith.shli %xor3A, %shift_left3A_72 : vector<16xi32>
        %shift_right_logical3A_74 = arith.constant 17 : i32
        %shift_right_logical3A_75 = vector.broadcast %shift_right_logical3A_74 : i32 to vector<16xi32>
        %shift_right_logical3A_76 = arith.shrui %xor3A, %shift_right_logical3A_75 : vector<16xi32>
        %or3A_77 = arith.ori %shift_left3A_73, %shift_right_logical3A_76 : vector<16xi32>
        %xor3A_78 = arith.xori %add3A_70, %or3A_77 : vector<16xi32>
        %add3A_79 = arith.addi %add3A_70, %xor3A_78 : vector<16xi32>
        %shift_left3A_80 = arith.constant 26 : i32
        %shift_left3A_81 = vector.broadcast %shift_left3A_80 : i32 to vector<16xi32>
        %shift_left3A_82 = arith.shli %xor3A_78, %shift_left3A_81 : vector<16xi32>
        %shift_right_logical3A_83 = arith.constant 6 : i32
        %shift_right_logical3A_84 = vector.broadcast %shift_right_logical3A_83 : i32 to vector<16xi32>
        %shift_right_logical3A_85 = arith.shrui %xor3A_78, %shift_right_logical3A_84 : vector<16xi32>
        %or3A_86 = arith.ori %shift_left3A_82, %shift_right_logical3A_85 : vector<16xi32>
        %xor3A_87 = arith.xori %add3A_79, %or3A_86 : vector<16xi32>
        %add3A_88 = arith.addi %add3A_79, %xor3A_87 : vector<16xi32>
        %shift_left3A_89 = arith.constant 6 : i32
        %shift_left3A_90 = vector.broadcast %shift_left3A_89 : i32 to vector<16xi32>
        %shift_left3A_91 = arith.shli %xor3A_87, %shift_left3A_90 : vector<16xi32>
        %shift_right_logical3A_92 = arith.constant 26 : i32
        %shift_right_logical3A_93 = vector.broadcast %shift_right_logical3A_92 : i32 to vector<16xi32>
        %shift_right_logical3A_94 = arith.shrui %xor3A_87, %shift_right_logical3A_93 : vector<16xi32>
        %or3A_95 = arith.ori %shift_left3A_91, %shift_right_logical3A_94 : vector<16xi32>
        %xor3A_96 = arith.xori %add3A_88, %or3A_95 : vector<16xi32>
        %add3A_97 = arith.constant 42 : i32
        %add3A_98 = vector.broadcast %add3A_97 : i32 to vector<16xi32>
        %add3A_99 = arith.addi %add3A_88, %add3A_98 : vector<16xi32>
        %add3A_100 = arith.constant 466689009 : i32
        %add3A_101 = vector.broadcast %add3A_100 : i32 to vector<16xi32>
        %add3A_102 = arith.addi %xor3A_96, %add3A_101 : vector<16xi32>
        %add3A_103 = arith.addi %add3A_99, %add3A_102 : vector<16xi32>
        %shift_left3A_104 = arith.constant 17 : i32
        %shift_left3A_105 = vector.broadcast %shift_left3A_104 : i32 to vector<16xi32>
        %shift_left3A_106 = arith.shli %add3A_102, %shift_left3A_105 : vector<16xi32>
        %shift_right_logical3A_107 = arith.constant 15 : i32
        %shift_right_logical3A_108 = vector.broadcast %shift_right_logical3A_107 : i32 to vector<16xi32>
        %shift_right_logical3A_109 = arith.shrui %add3A_102, %shift_right_logical3A_108 : vector<16xi32>
        %or3A_110 = arith.ori %shift_left3A_106, %shift_right_logical3A_109 : vector<16xi32>
        %xor3A_111 = arith.xori %add3A_103, %or3A_110 : vector<16xi32>
        %add3A_112 = arith.addi %add3A_103, %xor3A_111 : vector<16xi32>
        %shift_left3A_113 = arith.constant 29 : i32
        %shift_left3A_114 = vector.broadcast %shift_left3A_113 : i32 to vector<16xi32>
        %shift_left3A_115 = arith.shli %xor3A_111, %shift_left3A_114 : vector<16xi32>
        %shift_right_logical3A_116 = arith.constant 3 : i32
        %shift_right_logical3A_117 = vector.broadcast %shift_right_logical3A_116 : i32 to vector<16xi32>
        %shift_right_logical3A_118 = arith.shrui %xor3A_111, %shift_right_logical3A_117 : vector<16xi32>
        %or3A_119 = arith.ori %shift_left3A_115, %shift_right_logical3A_118 : vector<16xi32>
        %xor3A_120 = arith.xori %add3A_112, %or3A_119 : vector<16xi32>
        %add3A_121 = arith.addi %add3A_112, %xor3A_120 : vector<16xi32>
        %shift_left3A_122 = arith.constant 16 : i32
        %shift_left3A_123 = vector.broadcast %shift_left3A_122 : i32 to vector<16xi32>
        %shift_left3A_124 = arith.shli %xor3A_120, %shift_left3A_123 : vector<16xi32>
        %shift_right_logical3A_125 = arith.constant 16 : i32
        %shift_right_logical3A_126 = vector.broadcast %shift_right_logical3A_125 : i32 to vector<16xi32>
        %shift_right_logical3A_127 = arith.shrui %xor3A_120, %shift_right_logical3A_126 : vector<16xi32>
        %or3A_128 = arith.ori %shift_left3A_124, %shift_right_logical3A_127 : vector<16xi32>
        %xor3A_129 = arith.xori %add3A_121, %or3A_128 : vector<16xi32>
        %add3A_130 = arith.addi %add3A_121, %xor3A_129 : vector<16xi32>
        %shift_left3A_131 = arith.constant 24 : i32
        %shift_left3A_132 = vector.broadcast %shift_left3A_131 : i32 to vector<16xi32>
        %shift_left3A_133 = arith.shli %xor3A_129, %shift_left3A_132 : vector<16xi32>
        %shift_right_logical3A_134 = arith.constant 8 : i32
        %shift_right_logical3A_135 = vector.broadcast %shift_right_logical3A_134 : i32 to vector<16xi32>
        %shift_right_logical3A_136 = arith.shrui %xor3A_129, %shift_right_logical3A_135 : vector<16xi32>
        %or3A_137 = arith.ori %shift_left3A_133, %shift_right_logical3A_136 : vector<16xi32>
        %xor3A_138 = arith.xori %add3A_130, %or3A_137 : vector<16xi32>
        %add3A_139 = arith.constant 466689008 : i32
        %add3A_140 = vector.broadcast %add3A_139 : i32 to vector<16xi32>
        %add3A_141 = arith.addi %add3A_130, %add3A_140 : vector<16xi32>
        %add3A_142 = arith.constant 2 : i32
        %add3A_143 = vector.broadcast %add3A_142 : i32 to vector<16xi32>
        %add3A_144 = arith.addi %xor3A_138, %add3A_143 : vector<16xi32>
        %add3A_145 = arith.addi %add3A_141, %add3A_144 : vector<16xi32>
        %shift_left3A_146 = arith.constant 13 : i32
        %shift_left3A_147 = vector.broadcast %shift_left3A_146 : i32 to vector<16xi32>
        %shift_left3A_148 = arith.shli %add3A_144, %shift_left3A_147 : vector<16xi32>
        %shift_right_logical3A_149 = arith.constant 19 : i32
        %shift_right_logical3A_150 = vector.broadcast %shift_right_logical3A_149 : i32 to vector<16xi32>
        %shift_right_logical3A_151 = arith.shrui %add3A_144, %shift_right_logical3A_150 : vector<16xi32>
        %or3A_152 = arith.ori %shift_left3A_148, %shift_right_logical3A_151 : vector<16xi32>
        %xor3A_153 = arith.xori %add3A_145, %or3A_152 : vector<16xi32>
        %add3A_154 = arith.addi %add3A_145, %xor3A_153 : vector<16xi32>
        %shift_left3A_155 = arith.constant 15 : i32
        %shift_left3A_156 = vector.broadcast %shift_left3A_155 : i32 to vector<16xi32>
        %shift_left3A_157 = arith.shli %xor3A_153, %shift_left3A_156 : vector<16xi32>
        %shift_right_logical3A_158 = arith.constant 17 : i32
        %shift_right_logical3A_159 = vector.broadcast %shift_right_logical3A_158 : i32 to vector<16xi32>
        %shift_right_logical3A_160 = arith.shrui %xor3A_153, %shift_right_logical3A_159 : vector<16xi32>
        %or3A_161 = arith.ori %shift_left3A_157, %shift_right_logical3A_160 : vector<16xi32>
        %xor3A_162 = arith.xori %add3A_154, %or3A_161 : vector<16xi32>
        %add3A_163 = arith.addi %add3A_154, %xor3A_162 : vector<16xi32>
        %shift_left3A_164 = arith.constant 26 : i32
        %shift_left3A_165 = vector.broadcast %shift_left3A_164 : i32 to vector<16xi32>
        %shift_left3A_166 = arith.shli %xor3A_162, %shift_left3A_165 : vector<16xi32>
        %shift_right_logical3A_167 = arith.constant 6 : i32
        %shift_right_logical3A_168 = vector.broadcast %shift_right_logical3A_167 : i32 to vector<16xi32>
        %shift_right_logical3A_169 = arith.shrui %xor3A_162, %shift_right_logical3A_168 : vector<16xi32>
        %or3A_170 = arith.ori %shift_left3A_166, %shift_right_logical3A_169 : vector<16xi32>
        %xor3A_171 = arith.xori %add3A_163, %or3A_170 : vector<16xi32>
        %add3A_172 = arith.addi %add3A_163, %xor3A_171 : vector<16xi32>
        %shift_left3A_173 = arith.constant 6 : i32
        %shift_left3A_174 = vector.broadcast %shift_left3A_173 : i32 to vector<16xi32>
        %shift_left3A_175 = arith.shli %xor3A_171, %shift_left3A_174 : vector<16xi32>
        %shift_right_logical3A_176 = arith.constant 26 : i32
        %shift_right_logical3A_177 = vector.broadcast %shift_right_logical3A_176 : i32 to vector<16xi32>
        %shift_right_logical3A_178 = arith.shrui %xor3A_171, %shift_right_logical3A_177 : vector<16xi32>
        %or3A_179 = arith.ori %shift_left3A_175, %shift_right_logical3A_178 : vector<16xi32>
        %xor3A_180 = arith.xori %add3A_172, %or3A_179 : vector<16xi32>
        %add3A_181 = arith.constant 45 : i32
        %add3A_182 = vector.broadcast %add3A_181 : i32 to vector<16xi32>
        %add3A_183 = arith.addi %xor3A_180, %add3A_182 : vector<16xi32>
        %add3A_184 = arith.addi %add3A_172, %add3A_183 : vector<16xi32>
        %shift_left3A_185 = arith.constant 17 : i32
        %shift_left3A_186 = vector.broadcast %shift_left3A_185 : i32 to vector<16xi32>
        %shift_left3A_187 = arith.shli %add3A_183, %shift_left3A_186 : vector<16xi32>
        %shift_right_logical3A_188 = arith.constant 15 : i32
        %shift_right_logical3A_189 = vector.broadcast %shift_right_logical3A_188 : i32 to vector<16xi32>
        %shift_right_logical3A_190 = arith.shrui %add3A_183, %shift_right_logical3A_189 : vector<16xi32>
        %or3A_191 = arith.ori %shift_left3A_187, %shift_right_logical3A_190 : vector<16xi32>
        %xor3A_192 = arith.xori %add3A_184, %or3A_191 : vector<16xi32>
        %add3A_193 = arith.addi %add3A_184, %xor3A_192 : vector<16xi32>
        %shift_left3A_194 = arith.constant 29 : i32
        %shift_left3A_195 = vector.broadcast %shift_left3A_194 : i32 to vector<16xi32>
        %shift_left3A_196 = arith.shli %xor3A_192, %shift_left3A_195 : vector<16xi32>
        %shift_right_logical3A_197 = arith.constant 3 : i32
        %shift_right_logical3A_198 = vector.broadcast %shift_right_logical3A_197 : i32 to vector<16xi32>
        %shift_right_logical3A_199 = arith.shrui %xor3A_192, %shift_right_logical3A_198 : vector<16xi32>
        %or3A_200 = arith.ori %shift_left3A_196, %shift_right_logical3A_199 : vector<16xi32>
        %xor3A_201 = arith.xori %add3A_193, %or3A_200 : vector<16xi32>
        %add3A_202 = arith.addi %add3A_193, %xor3A_201 : vector<16xi32>
        %shift_left3A_203 = arith.constant 16 : i32
        %shift_left3A_204 = vector.broadcast %shift_left3A_203 : i32 to vector<16xi32>
        %shift_left3A_205 = arith.shli %xor3A_201, %shift_left3A_204 : vector<16xi32>
        %shift_right_logical3A_206 = arith.constant 16 : i32
        %shift_right_logical3A_207 = vector.broadcast %shift_right_logical3A_206 : i32 to vector<16xi32>
        %shift_right_logical3A_208 = arith.shrui %xor3A_201, %shift_right_logical3A_207 : vector<16xi32>
        %or3A_209 = arith.ori %shift_left3A_205, %shift_right_logical3A_208 : vector<16xi32>
        %xor3A_210 = arith.xori %add3A_202, %or3A_209 : vector<16xi32>
        %add3A_211 = arith.addi %add3A_202, %xor3A_210 : vector<16xi32>
        %shift_left3A_212 = arith.constant 24 : i32
        %shift_left3A_213 = vector.broadcast %shift_left3A_212 : i32 to vector<16xi32>
        %shift_left3A_214 = arith.shli %xor3A_210, %shift_left3A_213 : vector<16xi32>
        %shift_right_logical3A_215 = arith.constant 8 : i32
        %shift_right_logical3A_216 = vector.broadcast %shift_right_logical3A_215 : i32 to vector<16xi32>
        %shift_right_logical3A_217 = arith.shrui %xor3A_210, %shift_right_logical3A_216 : vector<16xi32>
        %or3A_218 = arith.ori %shift_left3A_214, %shift_right_logical3A_217 : vector<16xi32>
        %xor3A_219 = arith.xori %add3A_211, %or3A_218 : vector<16xi32>
        %add3A_220 = arith.constant 42 : i32
        %add3A_221 = vector.broadcast %add3A_220 : i32 to vector<16xi32>
        %add3A_222 = arith.addi %add3A_211, %add3A_221 : vector<16xi32>
        %add3A_223 = arith.constant 466689012 : i32
        %add3A_224 = vector.broadcast %add3A_223 : i32 to vector<16xi32>
        %add3A_225 = arith.addi %xor3A_219, %add3A_224 : vector<16xi32>
        %add3A_226 = arith.addi %add3A_222, %add3A_225 : vector<16xi32>
        %shift_left3A_227 = arith.constant 13 : i32
        %shift_left3A_228 = vector.broadcast %shift_left3A_227 : i32 to vector<16xi32>
        %shift_left3A_229 = arith.shli %add3A_225, %shift_left3A_228 : vector<16xi32>
        %shift_right_logical3A_230 = arith.constant 19 : i32
        %shift_right_logical3A_231 = vector.broadcast %shift_right_logical3A_230 : i32 to vector<16xi32>
        %shift_right_logical3A_232 = arith.shrui %add3A_225, %shift_right_logical3A_231 : vector<16xi32>
        %or3A_233 = arith.ori %shift_left3A_229, %shift_right_logical3A_232 : vector<16xi32>
        %xor3A_234 = arith.xori %add3A_226, %or3A_233 : vector<16xi32>
        %add3A_235 = arith.addi %add3A_226, %xor3A_234 : vector<16xi32>
        %shift_left3A_236 = arith.constant 15 : i32
        %shift_left3A_237 = vector.broadcast %shift_left3A_236 : i32 to vector<16xi32>
        %shift_left3A_238 = arith.shli %xor3A_234, %shift_left3A_237 : vector<16xi32>
        %shift_right_logical3A_239 = arith.constant 17 : i32
        %shift_right_logical3A_240 = vector.broadcast %shift_right_logical3A_239 : i32 to vector<16xi32>
        %shift_right_logical3A_241 = arith.shrui %xor3A_234, %shift_right_logical3A_240 : vector<16xi32>
        %or3A_242 = arith.ori %shift_left3A_238, %shift_right_logical3A_241 : vector<16xi32>
        %xor3A_243 = arith.xori %add3A_235, %or3A_242 : vector<16xi32>
        %add3A_244 = arith.addi %add3A_235, %xor3A_243 : vector<16xi32>
        %shift_left3A_245 = arith.constant 26 : i32
        %shift_left3A_246 = vector.broadcast %shift_left3A_245 : i32 to vector<16xi32>
        %shift_left3A_247 = arith.shli %xor3A_243, %shift_left3A_246 : vector<16xi32>
        %shift_right_logical3A_248 = arith.constant 6 : i32
        %shift_right_logical3A_249 = vector.broadcast %shift_right_logical3A_248 : i32 to vector<16xi32>
        %shift_right_logical3A_250 = arith.shrui %xor3A_243, %shift_right_logical3A_249 : vector<16xi32>
        %or3A_251 = arith.ori %shift_left3A_247, %shift_right_logical3A_250 : vector<16xi32>
        %xor3A_252 = arith.xori %add3A_244, %or3A_251 : vector<16xi32>
        %add3A_253 = arith.addi %add3A_244, %xor3A_252 : vector<16xi32>
        %shift_left3A_254 = arith.constant 6 : i32
        %shift_left3A_255 = vector.broadcast %shift_left3A_254 : i32 to vector<16xi32>
        %shift_left3A_256 = arith.shli %xor3A_252, %shift_left3A_255 : vector<16xi32>
        %shift_right_logical3A_257 = arith.constant 26 : i32
        %shift_right_logical3A_258 = vector.broadcast %shift_right_logical3A_257 : i32 to vector<16xi32>
        %shift_right_logical3A_259 = arith.shrui %xor3A_252, %shift_right_logical3A_258 : vector<16xi32>
        %or3A_260 = arith.ori %shift_left3A_256, %shift_right_logical3A_259 : vector<16xi32>
        %xor3A_261 = arith.xori %add3A_253, %or3A_260 : vector<16xi32>
        %add3A_262 = arith.constant 466689008 : i32
        %add3A_263 = vector.broadcast %add3A_262 : i32 to vector<16xi32>
        %add3A_264 = arith.addi %add3A_253, %add3A_263 : vector<16xi32>
        %add3A_265 = arith.constant 5 : i32
        %add3A_266 = vector.broadcast %add3A_265 : i32 to vector<16xi32>
        %add3A_267 = arith.addi %xor3A_261, %add3A_266 : vector<16xi32>
        %xor3A_268 = arith.xori %add3A_264, %add3A_267 : vector<16xi32>
        %shift_right_logical3A_269 = arith.constant 9 : i32
        %shift_right_logical3A_270 = vector.broadcast %shift_right_logical3A_269 : i32 to vector<16xi32>
        %shift_right_logical3A_271 = arith.shrui %xor3A_268, %shift_right_logical3A_270 : vector<16xi32>
        %or3A_272 = arith.constant 1065353216 : i32
        %or3A_273 = vector.broadcast %or3A_272 : i32 to vector<16xi32>
        %or3A_274 = arith.ori %shift_right_logical3A_271, %or3A_273 : vector<16xi32>
        %bitcast_convert_type3A = tpu.bitcast %or3A_274 : vector<16xi32> -> vector<16xf32>
        %sub3A = arith.constant 1.000000e+00 : f32
        %sub3A_275 = vector.broadcast %sub3A : f32 to vector<16xf32>
        %sub3A_276 = arith.subf %bitcast_convert_type3A, %sub3A_275 : vector<16xf32>
        %add3A_277 = arith.constant 1.17549435E-38 : f32
        %add3A_278 = vector.broadcast %add3A_277 : f32 to vector<16xf32>
        %add3A_279 = arith.addf %sub3A_276, %add3A_278 : vector<16xf32>
        %max3A = arith.constant 1.17549435E-38 : f32
        %max3A_280 = vector.broadcast %max3A : f32 to vector<16xf32>
        %max3A_281 = arith.maximumf %max3A_280, %add3A_279 : vector<16xf32>
        %swap3A = arith.index_cast %mul3A_53 : i32 to index
        %swap3A_282 = tpu.vector_load %arg3[%swap3A] {strides = array<i32>} : memref<20000xf32, #tpu.memory_space<vmem>>, vector<16xf32>,
        %swap3A_283 = vector.shape_cast %swap3A_282 : vector<16xf32> to vector<16xf32>
        %swap3A_284 = vector.shape_cast %max3A_281 : vector<16xf32> to vector<16xf32>
        tpu.vector_store %arg3[%swap3A], %swap3A_284 {strides = array<i32>} : memref<20000xf32, #tpu.memory_space<vmem>>, vector<16xf32>,
        %mul3A_285 = arith.constant 4 : i32
        %mul3A_286 = arith.muli %add3A, %mul3A_285 : i32
        %add3A_287 = arith.constant 1 : i32
        %add3A_288 = arith.addi %mul3A_286, %add3A_287 : i32
        %mul3A_289 = arith.constant 1000000 : i32
        %mul3A_290 = arith.muli %add3A_288, %mul3A_289 : i32
        %add3A_291 = arith.constant 384000042 : i32
        %add3A_292 = arith.addi %add3A_291, %mul3A_290 : i32
        %add3A_293 = arith.addi %add3A_292, %mul3A_10 : i32
        %add3A_294 = arith.addi %add3A_293, %mul3A_53 : i32
        %add3A_295 = vector.broadcast %add3A_294 : i32 to vector<16xi32>
        %add3A_296 = arith.addi %iota3A, %add3A_295 : vector<16xi32>
        %shift_left3A_297 = arith.constant 13 : i32
        %shift_left3A_298 = vector.broadcast %shift_left3A_297 : i32 to vector<16xi32>
        %shift_left3A_299 = arith.shli %add3A_296, %shift_left3A_298 : vector<16xi32>
        %shift_right_logical3A_300 = arith.constant 19 : i32
        %shift_right_logical3A_301 = vector.broadcast %shift_right_logical3A_300 : i32 to vector<16xi32>
        %shift_right_logical3A_302 = arith.shrui %add3A_296, %shift_right_logical3A_301 : vector<16xi32>
        %or3A_303 = arith.ori %shift_left3A_299, %shift_right_logical3A_302 : vector<16xi32>
        %xor3A_304 = arith.xori %or3A_303, %add3A_296 : vector<16xi32>
        %add3A_305 = arith.addi %add3A_296, %xor3A_304 : vector<16xi32>
        %shift_left3A_306 = arith.constant 15 : i32
        %shift_left3A_307 = vector.broadcast %shift_left3A_306 : i32 to vector<16xi32>
        %shift_left3A_308 = arith.shli %xor3A_304, %shift_left3A_307 : vector<16xi32>
        %shift_right_logical3A_309 = arith.constant 17 : i32
        %shift_right_logical3A_310 = vector.broadcast %shift_right_logical3A_309 : i32 to vector<16xi32>
        %shift_right_logical3A_311 = arith.shrui %xor3A_304, %shift_right_logical3A_310 : vector<16xi32>
        %or3A_312 = arith.ori %shift_left3A_308, %shift_right_logical3A_311 : vector<16xi32>
        %xor3A_313 = arith.xori %add3A_305, %or3A_312 : vector<16xi32>
        %add3A_314 = arith.addi %add3A_305, %xor3A_313 : vector<16xi32>
        %shift_left3A_315 = arith.constant 26 : i32
        %shift_left3A_316 = vector.broadcast %shift_left3A_315 : i32 to vector<16xi32>
        %shift_left3A_317 = arith.shli %xor3A_313, %shift_left3A_316 : vector<16xi32>
        %shift_right_logical3A_318 = arith.constant 6 : i32
        %shift_right_logical3A_319 = vector.broadcast %shift_right_logical3A_318 : i32 to vector<16xi32>
        %shift_right_logical3A_320 = arith.shrui %xor3A_313, %shift_right_logical3A_319 : vector<16xi32>
        %or3A_321 = arith.ori %shift_left3A_317, %shift_right_logical3A_320 : vector<16xi32>
        %xor3A_322 = arith.xori %add3A_314, %or3A_321 : vector<16xi32>
        %add3A_323 = arith.addi %add3A_314, %xor3A_322 : vector<16xi32>
        %shift_left3A_324 = arith.constant 6 : i32
        %shift_left3A_325 = vector.broadcast %shift_left3A_324 : i32 to vector<16xi32>
        %shift_left3A_326 = arith.shli %xor3A_322, %shift_left3A_325 : vector<16xi32>
        %shift_right_logical3A_327 = arith.constant 26 : i32
        %shift_right_logical3A_328 = vector.broadcast %shift_right_logical3A_327 : i32 to vector<16xi32>
        %shift_right_logical3A_329 = arith.shrui %xor3A_322, %shift_right_logical3A_328 : vector<16xi32>
        %or3A_330 = arith.ori %shift_left3A_326, %shift_right_logical3A_329 : vector<16xi32>
        %xor3A_331 = arith.xori %add3A_323, %or3A_330 : vector<16xi32>
        %add3A_332 = arith.constant 42 : i32
        %add3A_333 = vector.broadcast %add3A_332 : i32 to vector<16xi32>
        %add3A_334 = arith.addi %add3A_323, %add3A_333 : vector<16xi32>
        %add3A_335 = arith.constant 466689009 : i32
        %add3A_336 = vector.broadcast %add3A_335 : i32 to vector<16xi32>
        %add3A_337 = arith.addi %xor3A_331, %add3A_336 : vector<16xi32>
        %add3A_338 = arith.addi %add3A_334, %add3A_337 : vector<16xi32>
        %shift_left3A_339 = arith.constant 17 : i32
        %shift_left3A_340 = vector.broadcast %shift_left3A_339 : i32 to vector<16xi32>
        %shift_left3A_341 = arith.shli %add3A_337, %shift_left3A_340 : vector<16xi32>
        %shift_right_logical3A_342 = arith.constant 15 : i32
        %shift_right_logical3A_343 = vector.broadcast %shift_right_logical3A_342 : i32 to vector<16xi32>
        %shift_right_logical3A_344 = arith.shrui %add3A_337, %shift_right_logical3A_343 : vector<16xi32>
        %or3A_345 = arith.ori %shift_left3A_341, %shift_right_logical3A_344 : vector<16xi32>
        %xor3A_346 = arith.xori %add3A_338, %or3A_345 : vector<16xi32>
        %add3A_347 = arith.addi %add3A_338, %xor3A_346 : vector<16xi32>
        %shift_left3A_348 = arith.constant 29 : i32
        %shift_left3A_349 = vector.broadcast %shift_left3A_348 : i32 to vector<16xi32>
        %shift_left3A_350 = arith.shli %xor3A_346, %shift_left3A_349 : vector<16xi32>
        %shift_right_logical3A_351 = arith.constant 3 : i32
        %shift_right_logical3A_352 = vector.broadcast %shift_right_logical3A_351 : i32 to vector<16xi32>
        %shift_right_logical3A_353 = arith.shrui %xor3A_346, %shift_right_logical3A_352 : vector<16xi32>
        %or3A_354 = arith.ori %shift_left3A_350, %shift_right_logical3A_353 : vector<16xi32>
        %xor3A_355 = arith.xori %add3A_347, %or3A_354 : vector<16xi32>
        %add3A_356 = arith.addi %add3A_347, %xor3A_355 : vector<16xi32>
        %shift_left3A_357 = arith.constant 16 : i32
        %shift_left3A_358 = vector.broadcast %shift_left3A_357 : i32 to vector<16xi32>
        %shift_left3A_359 = arith.shli %xor3A_355, %shift_left3A_358 : vector<16xi32>
        %shift_right_logical3A_360 = arith.constant 16 : i32
        %shift_right_logical3A_361 = vector.broadcast %shift_right_logical3A_360 : i32 to vector<16xi32>
        %shift_right_logical3A_362 = arith.shrui %xor3A_355, %shift_right_logical3A_361 : vector<16xi32>
        %or3A_363 = arith.ori %shift_left3A_359, %shift_right_logical3A_362 : vector<16xi32>
        %xor3A_364 = arith.xori %add3A_356, %or3A_363 : vector<16xi32>
        %add3A_365 = arith.addi %add3A_356, %xor3A_364 : vector<16xi32>
        %shift_left3A_366 = arith.constant 24 : i32
        %shift_left3A_367 = vector.broadcast %shift_left3A_366 : i32 to vector<16xi32>
        %shift_left3A_368 = arith.shli %xor3A_364, %shift_left3A_367 : vector<16xi32>
        %shift_right_logical3A_369 = arith.constant 8 : i32
        %shift_right_logical3A_370 = vector.broadcast %shift_right_logical3A_369 : i32 to vector<16xi32>
        %shift_right_logical3A_371 = arith.shrui %xor3A_364, %shift_right_logical3A_370 : vector<16xi32>
        %or3A_372 = arith.ori %shift_left3A_368, %shift_right_logical3A_371 : vector<16xi32>
        %xor3A_373 = arith.xori %add3A_365, %or3A_372 : vector<16xi32>
        %add3A_374 = arith.constant 466689008 : i32
        %add3A_375 = vector.broadcast %add3A_374 : i32 to vector<16xi32>
        %add3A_376 = arith.addi %add3A_365, %add3A_375 : vector<16xi32>
        %add3A_377 = arith.constant 2 : i32
        %add3A_378 = vector.broadcast %add3A_377 : i32 to vector<16xi32>
        %add3A_379 = arith.addi %xor3A_373, %add3A_378 : vector<16xi32>
        %add3A_380 = arith.addi %add3A_376, %add3A_379 : vector<16xi32>
        %shift_left3A_381 = arith.constant 13 : i32
        %shift_left3A_382 = vector.broadcast %shift_left3A_381 : i32 to vector<16xi32>
        %shift_left3A_383 = arith.shli %add3A_379, %shift_left3A_382 : vector<16xi32>
        %shift_right_logical3A_384 = arith.constant 19 : i32
        %shift_right_logical3A_385 = vector.broadcast %shift_right_logical3A_384 : i32 to vector<16xi32>
        %shift_right_logical3A_386 = arith.shrui %add3A_379, %shift_right_logical3A_385 : vector<16xi32>
        %or3A_387 = arith.ori %shift_left3A_383, %shift_right_logical3A_386 : vector<16xi32>
        %xor3A_388 = arith.xori %add3A_380, %or3A_387 : vector<16xi32>
        %add3A_389 = arith.addi %add3A_380, %xor3A_388 : vector<16xi32>
        %shift_left3A_390 = arith.constant 15 : i32
        %shift_left3A_391 = vector.broadcast %shift_left3A_390 : i32 to vector<16xi32>
        %shift_left3A_392 = arith.shli %xor3A_388, %shift_left3A_391 : vector<16xi32>
        %shift_right_logical3A_393 = arith.constant 17 : i32
        %shift_right_logical3A_394 = vector.broadcast %shift_right_logical3A_393 : i32 to vector<16xi32>
        %shift_right_logical3A_395 = arith.shrui %xor3A_388, %shift_right_logical3A_394 : vector<16xi32>
        %or3A_396 = arith.ori %shift_left3A_392, %shift_right_logical3A_395 : vector<16xi32>
        %xor3A_397 = arith.xori %add3A_389, %or3A_396 : vector<16xi32>
        %add3A_398 = arith.addi %add3A_389, %xor3A_397 : vector<16xi32>
        %shift_left3A_399 = arith.constant 26 : i32
        %shift_left3A_400 = vector.broadcast %shift_left3A_399 : i32 to vector<16xi32>
        %shift_left3A_401 = arith.shli %xor3A_397, %shift_left3A_400 : vector<16xi32>
        %shift_right_logical3A_402 = arith.constant 6 : i32
        %shift_right_logical3A_403 = vector.broadcast %shift_right_logical3A_402 : i32 to vector<16xi32>
        %shift_right_logical3A_404 = arith.shrui %xor3A_397, %shift_right_logical3A_403 : vector<16xi32>
        %or3A_405 = arith.ori %shift_left3A_401, %shift_right_logical3A_404 : vector<16xi32>
        %xor3A_406 = arith.xori %add3A_398, %or3A_405 : vector<16xi32>
        %add3A_407 = arith.addi %add3A_398, %xor3A_406 : vector<16xi32>
        %shift_left3A_408 = arith.constant 6 : i32
        %shift_left3A_409 = vector.broadcast %shift_left3A_408 : i32 to vector<16xi32>
        %shift_left3A_410 = arith.shli %xor3A_406, %shift_left3A_409 : vector<16xi32>
        %shift_right_logical3A_411 = arith.constant 26 : i32
        %shift_right_logical3A_412 = vector.broadcast %shift_right_logical3A_411 : i32 to vector<16xi32>
        %shift_right_logical3A_413 = arith.shrui %xor3A_406, %shift_right_logical3A_412 : vector<16xi32>
        %or3A_414 = arith.ori %shift_left3A_410, %shift_right_logical3A_413 : vector<16xi32>
        %xor3A_415 = arith.xori %add3A_407, %or3A_414 : vector<16xi32>
        %add3A_416 = arith.constant 45 : i32
        %add3A_417 = vector.broadcast %add3A_416 : i32 to vector<16xi32>
        %add3A_418 = arith.addi %xor3A_415, %add3A_417 : vector<16xi32>
        %add3A_419 = arith.addi %add3A_407, %add3A_418 : vector<16xi32>
        %shift_left3A_420 = arith.constant 17 : i32
        %shift_left3A_421 = vector.broadcast %shift_left3A_420 : i32 to vector<16xi32>
        %shift_left3A_422 = arith.shli %add3A_418, %shift_left3A_421 : vector<16xi32>
        %shift_right_logical3A_423 = arith.constant 15 : i32
        %shift_right_logical3A_424 = vector.broadcast %shift_right_logical3A_423 : i32 to vector<16xi32>
        %shift_right_logical3A_425 = arith.shrui %add3A_418, %shift_right_logical3A_424 : vector<16xi32>
        %or3A_426 = arith.ori %shift_left3A_422, %shift_right_logical3A_425 : vector<16xi32>
        %xor3A_427 = arith.xori %add3A_419, %or3A_426 : vector<16xi32>
        %add3A_428 = arith.addi %add3A_419, %xor3A_427 : vector<16xi32>
        %shift_left3A_429 = arith.constant 29 : i32
        %shift_left3A_430 = vector.broadcast %shift_left3A_429 : i32 to vector<16xi32>
        %shift_left3A_431 = arith.shli %xor3A_427, %shift_left3A_430 : vector<16xi32>
        %shift_right_logical3A_432 = arith.constant 3 : i32
        %shift_right_logical3A_433 = vector.broadcast %shift_right_logical3A_432 : i32 to vector<16xi32>
        %shift_right_logical3A_434 = arith.shrui %xor3A_427, %shift_right_logical3A_433 : vector<16xi32>
        %or3A_435 = arith.ori %shift_left3A_431, %shift_right_logical3A_434 : vector<16xi32>
        %xor3A_436 = arith.xori %add3A_428, %or3A_435 : vector<16xi32>
        %add3A_437 = arith.addi %add3A_428, %xor3A_436 : vector<16xi32>
        %shift_left3A_438 = arith.constant 16 : i32
        %shift_left3A_439 = vector.broadcast %shift_left3A_438 : i32 to vector<16xi32>
        %shift_left3A_440 = arith.shli %xor3A_436, %shift_left3A_439 : vector<16xi32>
        %shift_right_logical3A_441 = arith.constant 16 : i32
        %shift_right_logical3A_442 = vector.broadcast %shift_right_logical3A_441 : i32 to vector<16xi32>
        %shift_right_logical3A_443 = arith.shrui %xor3A_436, %shift_right_logical3A_442 : vector<16xi32>
        %or3A_444 = arith.ori %shift_left3A_440, %shift_right_logical3A_443 : vector<16xi32>
        %xor3A_445 = arith.xori %add3A_437, %or3A_444 : vector<16xi32>
        %add3A_446 = arith.addi %add3A_437, %xor3A_445 : vector<16xi32>
        %shift_left3A_447 = arith.constant 24 : i32
        %shift_left3A_448 = vector.broadcast %shift_left3A_447 : i32 to vector<16xi32>
        %shift_left3A_449 = arith.shli %xor3A_445, %shift_left3A_448 : vector<16xi32>
        %shift_right_logical3A_450 = arith.constant 8 : i32
        %shift_right_logical3A_451 = vector.broadcast %shift_right_logical3A_450 : i32 to vector<16xi32>
        %shift_right_logical3A_452 = arith.shrui %xor3A_445, %shift_right_logical3A_451 : vector<16xi32>
        %or3A_453 = arith.ori %shift_left3A_449, %shift_right_logical3A_452 : vector<16xi32>
        %xor3A_454 = arith.xori %add3A_446, %or3A_453 : vector<16xi32>
        %add3A_455 = arith.constant 42 : i32
        %add3A_456 = vector.broadcast %add3A_455 : i32 to vector<16xi32>
        %add3A_457 = arith.addi %add3A_446, %add3A_456 : vector<16xi32>
        %add3A_458 = arith.constant 466689012 : i32
        %add3A_459 = vector.broadcast %add3A_458 : i32 to vector<16xi32>
        %add3A_460 = arith.addi %xor3A_454, %add3A_459 : vector<16xi32>
        %add3A_461 = arith.addi %add3A_457, %add3A_460 : vector<16xi32>
        %shift_left3A_462 = arith.constant 13 : i32
        %shift_left3A_463 = vector.broadcast %shift_left3A_462 : i32 to vector<16xi32>
        %shift_left3A_464 = arith.shli %add3A_460, %shift_left3A_463 : vector<16xi32>
        %shift_right_logical3A_465 = arith.constant 19 : i32
        %shift_right_logical3A_466 = vector.broadcast %shift_right_logical3A_465 : i32 to vector<16xi32>
        %shift_right_logical3A_467 = arith.shrui %add3A_460, %shift_right_logical3A_466 : vector<16xi32>
        %or3A_468 = arith.ori %shift_left3A_464, %shift_right_logical3A_467 : vector<16xi32>
        %xor3A_469 = arith.xori %add3A_461, %or3A_468 : vector<16xi32>
        %add3A_470 = arith.addi %add3A_461, %xor3A_469 : vector<16xi32>
        %shift_left3A_471 = arith.constant 15 : i32
        %shift_left3A_472 = vector.broadcast %shift_left3A_471 : i32 to vector<16xi32>
        %shift_left3A_473 = arith.shli %xor3A_469, %shift_left3A_472 : vector<16xi32>
        %shift_right_logical3A_474 = arith.constant 17 : i32
        %shift_right_logical3A_475 = vector.broadcast %shift_right_logical3A_474 : i32 to vector<16xi32>
        %shift_right_logical3A_476 = arith.shrui %xor3A_469, %shift_right_logical3A_475 : vector<16xi32>
        %or3A_477 = arith.ori %shift_left3A_473, %shift_right_logical3A_476 : vector<16xi32>
        %xor3A_478 = arith.xori %add3A_470, %or3A_477 : vector<16xi32>
        %add3A_479 = arith.addi %add3A_470, %xor3A_478 : vector<16xi32>
        %shift_left3A_480 = arith.constant 26 : i32
        %shift_left3A_481 = vector.broadcast %shift_left3A_480 : i32 to vector<16xi32>
        %shift_left3A_482 = arith.shli %xor3A_478, %shift_left3A_481 : vector<16xi32>
        %shift_right_logical3A_483 = arith.constant 6 : i32
        %shift_right_logical3A_484 = vector.broadcast %shift_right_logical3A_483 : i32 to vector<16xi32>
        %shift_right_logical3A_485 = arith.shrui %xor3A_478, %shift_right_logical3A_484 : vector<16xi32>
        %or3A_486 = arith.ori %shift_left3A_482, %shift_right_logical3A_485 : vector<16xi32>
        %xor3A_487 = arith.xori %add3A_479, %or3A_486 : vector<16xi32>
        %add3A_488 = arith.addi %add3A_479, %xor3A_487 : vector<16xi32>
        %shift_left3A_489 = arith.constant 6 : i32
        %shift_left3A_490 = vector.broadcast %shift_left3A_489 : i32 to vector<16xi32>
        %shift_left3A_491 = arith.shli %xor3A_487, %shift_left3A_490 : vector<16xi32>
        %shift_right_logical3A_492 = arith.constant 26 : i32
        %shift_right_logical3A_493 = vector.broadcast %shift_right_logical3A_492 : i32 to vector<16xi32>
        %shift_right_logical3A_494 = arith.shrui %xor3A_487, %shift_right_logical3A_493 : vector<16xi32>
        %or3A_495 = arith.ori %shift_left3A_491, %shift_right_logical3A_494 : vector<16xi32>
        %xor3A_496 = arith.xori %add3A_488, %or3A_495 : vector<16xi32>
        %add3A_497 = arith.constant 466689008 : i32
        %add3A_498 = vector.broadcast %add3A_497 : i32 to vector<16xi32>
        %add3A_499 = arith.addi %add3A_488, %add3A_498 : vector<16xi32>
        %add3A_500 = arith.constant 5 : i32
        %add3A_501 = vector.broadcast %add3A_500 : i32 to vector<16xi32>
        %add3A_502 = arith.addi %xor3A_496, %add3A_501 : vector<16xi32>
        %xor3A_503 = arith.xori %add3A_499, %add3A_502 : vector<16xi32>
        %shift_right_logical3A_504 = arith.constant 9 : i32
        %shift_right_logical3A_505 = vector.broadcast %shift_right_logical3A_504 : i32 to vector<16xi32>
        %shift_right_logical3A_506 = arith.shrui %xor3A_503, %shift_right_logical3A_505 : vector<16xi32>
        %or3A_507 = arith.constant 1065353216 : i32
        %or3A_508 = vector.broadcast %or3A_507 : i32 to vector<16xi32>
        %or3A_509 = arith.ori %shift_right_logical3A_506, %or3A_508 : vector<16xi32>
        %bitcast_convert_type3A_510 = tpu.bitcast %or3A_509 : vector<16xi32> -> vector<16xf32>
        %sub3A_511 = arith.constant 1.000000e+00 : f32
        %sub3A_512 = vector.broadcast %sub3A_511 : f32 to vector<16xf32>
        %sub3A_513 = arith.subf %bitcast_convert_type3A_510, %sub3A_512 : vector<16xf32>
        %add3A_514 = arith.constant 1.17549435E-38 : f32
        %add3A_515 = vector.broadcast %add3A_514 : f32 to vector<16xf32>
        %add3A_516 = arith.addf %sub3A_513, %add3A_515 : vector<16xf32>
        %max3A_517 = arith.constant 1.17549435E-38 : f32
        %max3A_518 = vector.broadcast %max3A_517 : f32 to vector<16xf32>
        %max3A_519 = arith.maximumf %max3A_518, %add3A_516 : vector<16xf32>
        %swap3A_520 = arith.index_cast %mul3A_53 : i32 to index
        %swap3A_521 = tpu.vector_load %arg4[%swap3A_520] {strides = array<i32>} : memref<20000xf32, #tpu.memory_space<vmem>>, vector<16xf32>,
        %swap3A_522 = vector.shape_cast %swap3A_521 : vector<16xf32> to vector<16xf32>
        %swap3A_523 = vector.shape_cast %max3A_519 : vector<16xf32> to vector<16xf32>
        tpu.vector_store %arg4[%swap3A_520], %swap3A_523 {strides = array<i32>} : memref<20000xf32, #tpu.memory_space<vmem>>, vector<16xf32>,
        %mul3A_524 = arith.constant 4 : i32
        %mul3A_525 = arith.muli %add3A, %mul3A_524 : i32
        %add3A_526 = arith.constant 2 : i32
        %add3A_527 = arith.addi %mul3A_525, %add3A_526 : i32
        %mul3A_528 = arith.constant 1000000 : i32
        %mul3A_529 = arith.muli %add3A_527, %mul3A_528 : i32
        %add3A_530 = arith.constant 384000042 : i32
        %add3A_531 = arith.addi %add3A_530, %mul3A_529 : i32
        %add3A_532 = arith.addi %add3A_531, %mul3A_10 : i32
        %add3A_533 = arith.addi %add3A_532, %mul3A_53 : i32
        %add3A_534 = vector.broadcast %add3A_533 : i32 to vector<16xi32>
        %add3A_535 = arith.addi %iota3A, %add3A_534 : vector<16xi32>
        %shift_left3A_536 = arith.constant 13 : i32
        %shift_left3A_537 = vector.broadcast %shift_left3A_536 : i32 to vector<16xi32>
        %shift_left3A_538 = arith.shli %add3A_535, %shift_left3A_537 : vector<16xi32>
        %shift_right_logical3A_539 = arith.constant 19 : i32
        %shift_right_logical3A_540 = vector.broadcast %shift_right_logical3A_539 : i32 to vector<16xi32>
        %shift_right_logical3A_541 = arith.shrui %add3A_535, %shift_right_logical3A_540 : vector<16xi32>
        %or3A_542 = arith.ori %shift_left3A_538, %shift_right_logical3A_541 : vector<16xi32>
        %xor3A_543 = arith.xori %or3A_542, %add3A_535 : vector<16xi32>
        %add3A_544 = arith.addi %add3A_535, %xor3A_543 : vector<16xi32>
        %shift_left3A_545 = arith.constant 15 : i32
        %shift_left3A_546 = vector.broadcast %shift_left3A_545 : i32 to vector<16xi32>
        %shift_left3A_547 = arith.shli %xor3A_543, %shift_left3A_546 : vector<16xi32>
        %shift_right_logical3A_548 = arith.constant 17 : i32
        %shift_right_logical3A_549 = vector.broadcast %shift_right_logical3A_548 : i32 to vector<16xi32>
        %shift_right_logical3A_550 = arith.shrui %xor3A_543, %shift_right_logical3A_549 : vector<16xi32>
        %or3A_551 = arith.ori %shift_left3A_547, %shift_right_logical3A_550 : vector<16xi32>
        %xor3A_552 = arith.xori %add3A_544, %or3A_551 : vector<16xi32>
        %add3A_553 = arith.addi %add3A_544, %xor3A_552 : vector<16xi32>
        %shift_left3A_554 = arith.constant 26 : i32
        %shift_left3A_555 = vector.broadcast %shift_left3A_554 : i32 to vector<16xi32>
        %shift_left3A_556 = arith.shli %xor3A_552, %shift_left3A_555 : vector<16xi32>
        %shift_right_logical3A_557 = arith.constant 6 : i32
        %shift_right_logical3A_558 = vector.broadcast %shift_right_logical3A_557 : i32 to vector<16xi32>
        %shift_right_logical3A_559 = arith.shrui %xor3A_552, %shift_right_logical3A_558 : vector<16xi32>
        %or3A_560 = arith.ori %shift_left3A_556, %shift_right_logical3A_559 : vector<16xi32>
        %xor3A_561 = arith.xori %add3A_553, %or3A_560 : vector<16xi32>
        %add3A_562 = arith.addi %add3A_553, %xor3A_561 : vector<16xi32>
        %shift_left3A_563 = arith.constant 6 : i32
        %shift_left3A_564 = vector.broadcast %shift_left3A_563 : i32 to vector<16xi32>
        %shift_left3A_565 = arith.shli %xor3A_561, %shift_left3A_564 : vector<16xi32>
        %shift_right_logical3A_566 = arith.constant 26 : i32
        %shift_right_logical3A_567 = vector.broadcast %shift_right_logical3A_566 : i32 to vector<16xi32>
        %shift_right_logical3A_568 = arith.shrui %xor3A_561, %shift_right_logical3A_567 : vector<16xi32>
        %or3A_569 = arith.ori %shift_left3A_565, %shift_right_logical3A_568 : vector<16xi32>
        %xor3A_570 = arith.xori %add3A_562, %or3A_569 : vector<16xi32>
        %add3A_571 = arith.constant 42 : i32
        %add3A_572 = vector.broadcast %add3A_571 : i32 to vector<16xi32>
        %add3A_573 = arith.addi %add3A_562, %add3A_572 : vector<16xi32>
        %add3A_574 = arith.constant 466689009 : i32
        %add3A_575 = vector.broadcast %add3A_574 : i32 to vector<16xi32>
        %add3A_576 = arith.addi %xor3A_570, %add3A_575 : vector<16xi32>
        %add3A_577 = arith.addi %add3A_573, %add3A_576 : vector<16xi32>
        %shift_left3A_578 = arith.constant 17 : i32
        %shift_left3A_579 = vector.broadcast %shift_left3A_578 : i32 to vector<16xi32>
        %shift_left3A_580 = arith.shli %add3A_576, %shift_left3A_579 : vector<16xi32>
        %shift_right_logical3A_581 = arith.constant 15 : i32
        %shift_right_logical3A_582 = vector.broadcast %shift_right_logical3A_581 : i32 to vector<16xi32>
        %shift_right_logical3A_583 = arith.shrui %add3A_576, %shift_right_logical3A_582 : vector<16xi32>
        %or3A_584 = arith.ori %shift_left3A_580, %shift_right_logical3A_583 : vector<16xi32>
        %xor3A_585 = arith.xori %add3A_577, %or3A_584 : vector<16xi32>
        %add3A_586 = arith.addi %add3A_577, %xor3A_585 : vector<16xi32>
        %shift_left3A_587 = arith.constant 29 : i32
        %shift_left3A_588 = vector.broadcast %shift_left3A_587 : i32 to vector<16xi32>
        %shift_left3A_589 = arith.shli %xor3A_585, %shift_left3A_588 : vector<16xi32>
        %shift_right_logical3A_590 = arith.constant 3 : i32
        %shift_right_logical3A_591 = vector.broadcast %shift_right_logical3A_590 : i32 to vector<16xi32>
        %shift_right_logical3A_592 = arith.shrui %xor3A_585, %shift_right_logical3A_591 : vector<16xi32>
        %or3A_593 = arith.ori %shift_left3A_589, %shift_right_logical3A_592 : vector<16xi32>
        %xor3A_594 = arith.xori %add3A_586, %or3A_593 : vector<16xi32>
        %add3A_595 = arith.addi %add3A_586, %xor3A_594 : vector<16xi32>
        %shift_left3A_596 = arith.constant 16 : i32
        %shift_left3A_597 = vector.broadcast %shift_left3A_596 : i32 to vector<16xi32>
        %shift_left3A_598 = arith.shli %xor3A_594, %shift_left3A_597 : vector<16xi32>
        %shift_right_logical3A_599 = arith.constant 16 : i32
        %shift_right_logical3A_600 = vector.broadcast %shift_right_logical3A_599 : i32 to vector<16xi32>
        %shift_right_logical3A_601 = arith.shrui %xor3A_594, %shift_right_logical3A_600 : vector<16xi32>
        %or3A_602 = arith.ori %shift_left3A_598, %shift_right_logical3A_601 : vector<16xi32>
        %xor3A_603 = arith.xori %add3A_595, %or3A_602 : vector<16xi32>
        %add3A_604 = arith.addi %add3A_595, %xor3A_603 : vector<16xi32>
        %shift_left3A_605 = arith.constant 24 : i32
        %shift_left3A_606 = vector.broadcast %shift_left3A_605 : i32 to vector<16xi32>
        %shift_left3A_607 = arith.shli %xor3A_603, %shift_left3A_606 : vector<16xi32>
        %shift_right_logical3A_608 = arith.constant 8 : i32
        %shift_right_logical3A_609 = vector.broadcast %shift_right_logical3A_608 : i32 to vector<16xi32>
        %shift_right_logical3A_610 = arith.shrui %xor3A_603, %shift_right_logical3A_609 : vector<16xi32>
        %or3A_611 = arith.ori %shift_left3A_607, %shift_right_logical3A_610 : vector<16xi32>
        %xor3A_612 = arith.xori %add3A_604, %or3A_611 : vector<16xi32>
        %add3A_613 = arith.constant 466689008 : i32
        %add3A_614 = vector.broadcast %add3A_613 : i32 to vector<16xi32>
        %add3A_615 = arith.addi %add3A_604, %add3A_614 : vector<16xi32>
        %add3A_616 = arith.constant 2 : i32
        %add3A_617 = vector.broadcast %add3A_616 : i32 to vector<16xi32>
        %add3A_618 = arith.addi %xor3A_612, %add3A_617 : vector<16xi32>
        %add3A_619 = arith.addi %add3A_615, %add3A_618 : vector<16xi32>
        %shift_left3A_620 = arith.constant 13 : i32
        %shift_left3A_621 = vector.broadcast %shift_left3A_620 : i32 to vector<16xi32>
        %shift_left3A_622 = arith.shli %add3A_618, %shift_left3A_621 : vector<16xi32>
        %shift_right_logical3A_623 = arith.constant 19 : i32
        %shift_right_logical3A_624 = vector.broadcast %shift_right_logical3A_623 : i32 to vector<16xi32>
        %shift_right_logical3A_625 = arith.shrui %add3A_618, %shift_right_logical3A_624 : vector<16xi32>
        %or3A_626 = arith.ori %shift_left3A_622, %shift_right_logical3A_625 : vector<16xi32>
        %xor3A_627 = arith.xori %add3A_619, %or3A_626 : vector<16xi32>
        %add3A_628 = arith.addi %add3A_619, %xor3A_627 : vector<16xi32>
        %shift_left3A_629 = arith.constant 15 : i32
        %shift_left3A_630 = vector.broadcast %shift_left3A_629 : i32 to vector<16xi32>
        %shift_left3A_631 = arith.shli %xor3A_627, %shift_left3A_630 : vector<16xi32>
        %shift_right_logical3A_632 = arith.constant 17 : i32
        %shift_right_logical3A_633 = vector.broadcast %shift_right_logical3A_632 : i32 to vector<16xi32>
        %shift_right_logical3A_634 = arith.shrui %xor3A_627, %shift_right_logical3A_633 : vector<16xi32>
        %or3A_635 = arith.ori %shift_left3A_631, %shift_right_logical3A_634 : vector<16xi32>
        %xor3A_636 = arith.xori %add3A_628, %or3A_635 : vector<16xi32>
        %add3A_637 = arith.addi %add3A_628, %xor3A_636 : vector<16xi32>
        %shift_left3A_638 = arith.constant 26 : i32
        %shift_left3A_639 = vector.broadcast %shift_left3A_638 : i32 to vector<16xi32>
        %shift_left3A_640 = arith.shli %xor3A_636, %shift_left3A_639 : vector<16xi32>
        %shift_right_logical3A_641 = arith.constant 6 : i32
        %shift_right_logical3A_642 = vector.broadcast %shift_right_logical3A_641 : i32 to vector<16xi32>
        %shift_right_logical3A_643 = arith.shrui %xor3A_636, %shift_right_logical3A_642 : vector<16xi32>
        %or3A_644 = arith.ori %shift_left3A_640, %shift_right_logical3A_643 : vector<16xi32>
        %xor3A_645 = arith.xori %add3A_637, %or3A_644 : vector<16xi32>
        %add3A_646 = arith.addi %add3A_637, %xor3A_645 : vector<16xi32>
        %shift_left3A_647 = arith.constant 6 : i32
        %shift_left3A_648 = vector.broadcast %shift_left3A_647 : i32 to vector<16xi32>
        %shift_left3A_649 = arith.shli %xor3A_645, %shift_left3A_648 : vector<16xi32>
        %shift_right_logical3A_650 = arith.constant 26 : i32
        %shift_right_logical3A_651 = vector.broadcast %shift_right_logical3A_650 : i32 to vector<16xi32>
        %shift_right_logical3A_652 = arith.shrui %xor3A_645, %shift_right_logical3A_651 : vector<16xi32>
        %or3A_653 = arith.ori %shift_left3A_649, %shift_right_logical3A_652 : vector<16xi32>
        %xor3A_654 = arith.xori %add3A_646, %or3A_653 : vector<16xi32>
        %add3A_655 = arith.constant 45 : i32
        %add3A_656 = vector.broadcast %add3A_655 : i32 to vector<16xi32>
        %add3A_657 = arith.addi %xor3A_654, %add3A_656 : vector<16xi32>
        %add3A_658 = arith.addi %add3A_646, %add3A_657 : vector<16xi32>
        %shift_left3A_659 = arith.constant 17 : i32
        %shift_left3A_660 = vector.broadcast %shift_left3A_659 : i32 to vector<16xi32>
        %shift_left3A_661 = arith.shli %add3A_657, %shift_left3A_660 : vector<16xi32>
        %shift_right_logical3A_662 = arith.constant 15 : i32
        %shift_right_logical3A_663 = vector.broadcast %shift_right_logical3A_662 : i32 to vector<16xi32>
        %shift_right_logical3A_664 = arith.shrui %add3A_657, %shift_right_logical3A_663 : vector<16xi32>
        %or3A_665 = arith.ori %shift_left3A_661, %shift_right_logical3A_664 : vector<16xi32>
        %xor3A_666 = arith.xori %add3A_658, %or3A_665 : vector<16xi32>
        %add3A_667 = arith.addi %add3A_658, %xor3A_666 : vector<16xi32>
        %shift_left3A_668 = arith.constant 29 : i32
        %shift_left3A_669 = vector.broadcast %shift_left3A_668 : i32 to vector<16xi32>
        %shift_left3A_670 = arith.shli %xor3A_666, %shift_left3A_669 : vector<16xi32>
        %shift_right_logical3A_671 = arith.constant 3 : i32
        %shift_right_logical3A_672 = vector.broadcast %shift_right_logical3A_671 : i32 to vector<16xi32>
        %shift_right_logical3A_673 = arith.shrui %xor3A_666, %shift_right_logical3A_672 : vector<16xi32>
        %or3A_674 = arith.ori %shift_left3A_670, %shift_right_logical3A_673 : vector<16xi32>
        %xor3A_675 = arith.xori %add3A_667, %or3A_674 : vector<16xi32>
        %add3A_676 = arith.addi %add3A_667, %xor3A_675 : vector<16xi32>
        %shift_left3A_677 = arith.constant 16 : i32
        %shift_left3A_678 = vector.broadcast %shift_left3A_677 : i32 to vector<16xi32>
        %shift_left3A_679 = arith.shli %xor3A_675, %shift_left3A_678 : vector<16xi32>
        %shift_right_logical3A_680 = arith.constant 16 : i32
        %shift_right_logical3A_681 = vector.broadcast %shift_right_logical3A_680 : i32 to vector<16xi32>
        %shift_right_logical3A_682 = arith.shrui %xor3A_675, %shift_right_logical3A_681 : vector<16xi32>
        %or3A_683 = arith.ori %shift_left3A_679, %shift_right_logical3A_682 : vector<16xi32>
        %xor3A_684 = arith.xori %add3A_676, %or3A_683 : vector<16xi32>
        %add3A_685 = arith.addi %add3A_676, %xor3A_684 : vector<16xi32>
        %shift_left3A_686 = arith.constant 24 : i32
        %shift_left3A_687 = vector.broadcast %shift_left3A_686 : i32 to vector<16xi32>
        %shift_left3A_688 = arith.shli %xor3A_684, %shift_left3A_687 : vector<16xi32>
        %shift_right_logical3A_689 = arith.constant 8 : i32
        %shift_right_logical3A_690 = vector.broadcast %shift_right_logical3A_689 : i32 to vector<16xi32>
        %shift_right_logical3A_691 = arith.shrui %xor3A_684, %shift_right_logical3A_690 : vector<16xi32>
        %or3A_692 = arith.ori %shift_left3A_688, %shift_right_logical3A_691 : vector<16xi32>
        %xor3A_693 = arith.xori %add3A_685, %or3A_692 : vector<16xi32>
        %add3A_694 = arith.constant 42 : i32
        %add3A_695 = vector.broadcast %add3A_694 : i32 to vector<16xi32>
        %add3A_696 = arith.addi %add3A_685, %add3A_695 : vector<16xi32>
        %add3A_697 = arith.constant 466689012 : i32
        %add3A_698 = vector.broadcast %add3A_697 : i32 to vector<16xi32>
        %add3A_699 = arith.addi %xor3A_693, %add3A_698 : vector<16xi32>
        %add3A_700 = arith.addi %add3A_696, %add3A_699 : vector<16xi32>
        %shift_left3A_701 = arith.constant 13 : i32
        %shift_left3A_702 = vector.broadcast %shift_left3A_701 : i32 to vector<16xi32>
        %shift_left3A_703 = arith.shli %add3A_699, %shift_left3A_702 : vector<16xi32>
        %shift_right_logical3A_704 = arith.constant 19 : i32
        %shift_right_logical3A_705 = vector.broadcast %shift_right_logical3A_704 : i32 to vector<16xi32>
        %shift_right_logical3A_706 = arith.shrui %add3A_699, %shift_right_logical3A_705 : vector<16xi32>
        %or3A_707 = arith.ori %shift_left3A_703, %shift_right_logical3A_706 : vector<16xi32>
        %xor3A_708 = arith.xori %add3A_700, %or3A_707 : vector<16xi32>
        %add3A_709 = arith.addi %add3A_700, %xor3A_708 : vector<16xi32>
        %shift_left3A_710 = arith.constant 15 : i32
        %shift_left3A_711 = vector.broadcast %shift_left3A_710 : i32 to vector<16xi32>
        %shift_left3A_712 = arith.shli %xor3A_708, %shift_left3A_711 : vector<16xi32>
        %shift_right_logical3A_713 = arith.constant 17 : i32
        %shift_right_logical3A_714 = vector.broadcast %shift_right_logical3A_713 : i32 to vector<16xi32>
        %shift_right_logical3A_715 = arith.shrui %xor3A_708, %shift_right_logical3A_714 : vector<16xi32>
        %or3A_716 = arith.ori %shift_left3A_712, %shift_right_logical3A_715 : vector<16xi32>
        %xor3A_717 = arith.xori %add3A_709, %or3A_716 : vector<16xi32>
        %add3A_718 = arith.addi %add3A_709, %xor3A_717 : vector<16xi32>
        %shift_left3A_719 = arith.constant 26 : i32
        %shift_left3A_720 = vector.broadcast %shift_left3A_719 : i32 to vector<16xi32>
        %shift_left3A_721 = arith.shli %xor3A_717, %shift_left3A_720 : vector<16xi32>
        %shift_right_logical3A_722 = arith.constant 6 : i32
        %shift_right_logical3A_723 = vector.broadcast %shift_right_logical3A_722 : i32 to vector<16xi32>
        %shift_right_logical3A_724 = arith.shrui %xor3A_717, %shift_right_logical3A_723 : vector<16xi32>
        %or3A_725 = arith.ori %shift_left3A_721, %shift_right_logical3A_724 : vector<16xi32>
        %xor3A_726 = arith.xori %add3A_718, %or3A_725 : vector<16xi32>
        %add3A_727 = arith.addi %add3A_718, %xor3A_726 : vector<16xi32>
        %shift_left3A_728 = arith.constant 6 : i32
        %shift_left3A_729 = vector.broadcast %shift_left3A_728 : i32 to vector<16xi32>
        %shift_left3A_730 = arith.shli %xor3A_726, %shift_left3A_729 : vector<16xi32>
        %shift_right_logical3A_731 = arith.constant 26 : i32
        %shift_right_logical3A_732 = vector.broadcast %shift_right_logical3A_731 : i32 to vector<16xi32>
        %shift_right_logical3A_733 = arith.shrui %xor3A_726, %shift_right_logical3A_732 : vector<16xi32>
        %or3A_734 = arith.ori %shift_left3A_730, %shift_right_logical3A_733 : vector<16xi32>
        %xor3A_735 = arith.xori %add3A_727, %or3A_734 : vector<16xi32>
        %add3A_736 = arith.constant 466689008 : i32
        %add3A_737 = vector.broadcast %add3A_736 : i32 to vector<16xi32>
        %add3A_738 = arith.addi %add3A_727, %add3A_737 : vector<16xi32>
        %add3A_739 = arith.constant 5 : i32
        %add3A_740 = vector.broadcast %add3A_739 : i32 to vector<16xi32>
        %add3A_741 = arith.addi %xor3A_735, %add3A_740 : vector<16xi32>
        %xor3A_742 = arith.xori %add3A_738, %add3A_741 : vector<16xi32>
        %shift_right_logical3A_743 = arith.constant 9 : i32
        %shift_right_logical3A_744 = vector.broadcast %shift_right_logical3A_743 : i32 to vector<16xi32>
        %shift_right_logical3A_745 = arith.shrui %xor3A_742, %shift_right_logical3A_744 : vector<16xi32>
        %or3A_746 = arith.constant 1065353216 : i32
        %or3A_747 = vector.broadcast %or3A_746 : i32 to vector<16xi32>
        %or3A_748 = arith.ori %shift_right_logical3A_745, %or3A_747 : vector<16xi32>
        %bitcast_convert_type3A_749 = tpu.bitcast %or3A_748 : vector<16xi32> -> vector<16xf32>
        %sub3A_750 = arith.constant 1.000000e+00 : f32
        %sub3A_751 = vector.broadcast %sub3A_750 : f32 to vector<16xf32>
        %sub3A_752 = arith.subf %bitcast_convert_type3A_749, %sub3A_751 : vector<16xf32>
        %add3A_753 = arith.constant 1.17549435E-38 : f32
        %add3A_754 = vector.broadcast %add3A_753 : f32 to vector<16xf32>
        %add3A_755 = arith.addf %sub3A_752, %add3A_754 : vector<16xf32>
        %max3A_756 = arith.constant 1.17549435E-38 : f32
        %max3A_757 = vector.broadcast %max3A_756 : f32 to vector<16xf32>
        %max3A_758 = arith.maximumf %max3A_757, %add3A_755 : vector<16xf32>
        %swap3A_759 = arith.index_cast %mul3A_53 : i32 to index
        %swap3A_760 = tpu.vector_load %arg5[%swap3A_759] {strides = array<i32>} : memref<20000xf32, #tpu.memory_space<vmem>>, vector<16xf32>,
        %swap3A_761 = vector.shape_cast %swap3A_760 : vector<16xf32> to vector<16xf32>
        %swap3A_762 = vector.shape_cast %max3A_758 : vector<16xf32> to vector<16xf32>
        tpu.vector_store %arg5[%swap3A_759], %swap3A_762 {strides = array<i32>} : memref<20000xf32, #tpu.memory_space<vmem>>, vector<16xf32>,
        %mul3A_763 = arith.constant 4 : i32
        %mul3A_764 = arith.muli %add3A, %mul3A_763 : i32
        %add3A_765 = arith.constant 3 : i32
        %add3A_766 = arith.addi %mul3A_764, %add3A_765 : i32
        %mul3A_767 = arith.constant 1000000 : i32
        %mul3A_768 = arith.muli %add3A_766, %mul3A_767 : i32
        %add3A_769 = arith.constant 384000042 : i32
        %add3A_770 = arith.addi %add3A_769, %mul3A_768 : i32
        %add3A_771 = arith.addi %add3A_770, %mul3A_10 : i32
        %add3A_772 = arith.addi %add3A_771, %mul3A_53 : i32
        %add3A_773 = vector.broadcast %add3A_772 : i32 to vector<16xi32>
        %add3A_774 = arith.addi %iota3A, %add3A_773 : vector<16xi32>
        %shift_left3A_775 = arith.constant 13 : i32
        %shift_left3A_776 = vector.broadcast %shift_left3A_775 : i32 to vector<16xi32>
        %shift_left3A_777 = arith.shli %add3A_774, %shift_left3A_776 : vector<16xi32>
        %shift_right_logical3A_778 = arith.constant 19 : i32
        %shift_right_logical3A_779 = vector.broadcast %shift_right_logical3A_778 : i32 to vector<16xi32>
        %shift_right_logical3A_780 = arith.shrui %add3A_774, %shift_right_logical3A_779 : vector<16xi32>
        %or3A_781 = arith.ori %shift_left3A_777, %shift_right_logical3A_780 : vector<16xi32>
        %xor3A_782 = arith.xori %or3A_781, %add3A_774 : vector<16xi32>
        %add3A_783 = arith.addi %add3A_774, %xor3A_782 : vector<16xi32>
        %shift_left3A_784 = arith.constant 15 : i32
        %shift_left3A_785 = vector.broadcast %shift_left3A_784 : i32 to vector<16xi32>
        %shift_left3A_786 = arith.shli %xor3A_782, %shift_left3A_785 : vector<16xi32>
        %shift_right_logical3A_787 = arith.constant 17 : i32
        %shift_right_logical3A_788 = vector.broadcast %shift_right_logical3A_787 : i32 to vector<16xi32>
        %shift_right_logical3A_789 = arith.shrui %xor3A_782, %shift_right_logical3A_788 : vector<16xi32>
        %or3A_790 = arith.ori %shift_left3A_786, %shift_right_logical3A_789 : vector<16xi32>
        %xor3A_791 = arith.xori %add3A_783, %or3A_790 : vector<16xi32>
        %add3A_792 = arith.addi %add3A_783, %xor3A_791 : vector<16xi32>
        %shift_left3A_793 = arith.constant 26 : i32
        %shift_left3A_794 = vector.broadcast %shift_left3A_793 : i32 to vector<16xi32>
        %shift_left3A_795 = arith.shli %xor3A_791, %shift_left3A_794 : vector<16xi32>
        %shift_right_logical3A_796 = arith.constant 6 : i32
        %shift_right_logical3A_797 = vector.broadcast %shift_right_logical3A_796 : i32 to vector<16xi32>
        %shift_right_logical3A_798 = arith.shrui %xor3A_791, %shift_right_logical3A_797 : vector<16xi32>
        %or3A_799 = arith.ori %shift_left3A_795, %shift_right_logical3A_798 : vector<16xi32>
        %xor3A_800 = arith.xori %add3A_792, %or3A_799 : vector<16xi32>
        %add3A_801 = arith.addi %add3A_792, %xor3A_800 : vector<16xi32>
        %shift_left3A_802 = arith.constant 6 : i32
        %shift_left3A_803 = vector.broadcast %shift_left3A_802 : i32 to vector<16xi32>
        %shift_left3A_804 = arith.shli %xor3A_800, %shift_left3A_803 : vector<16xi32>
        %shift_right_logical3A_805 = arith.constant 26 : i32
        %shift_right_logical3A_806 = vector.broadcast %shift_right_logical3A_805 : i32 to vector<16xi32>
        %shift_right_logical3A_807 = arith.shrui %xor3A_800, %shift_right_logical3A_806 : vector<16xi32>
        %or3A_808 = arith.ori %shift_left3A_804, %shift_right_logical3A_807 : vector<16xi32>
        %xor3A_809 = arith.xori %add3A_801, %or3A_808 : vector<16xi32>
        %add3A_810 = arith.constant 42 : i32
        %add3A_811 = vector.broadcast %add3A_810 : i32 to vector<16xi32>
        %add3A_812 = arith.addi %add3A_801, %add3A_811 : vector<16xi32>
        %add3A_813 = arith.constant 466689009 : i32
        %add3A_814 = vector.broadcast %add3A_813 : i32 to vector<16xi32>
        %add3A_815 = arith.addi %xor3A_809, %add3A_814 : vector<16xi32>
        %add3A_816 = arith.addi %add3A_812, %add3A_815 : vector<16xi32>
        %shift_left3A_817 = arith.constant 17 : i32
        %shift_left3A_818 = vector.broadcast %shift_left3A_817 : i32 to vector<16xi32>
        %shift_left3A_819 = arith.shli %add3A_815, %shift_left3A_818 : vector<16xi32>
        %shift_right_logical3A_820 = arith.constant 15 : i32
        %shift_right_logical3A_821 = vector.broadcast %shift_right_logical3A_820 : i32 to vector<16xi32>
        %shift_right_logical3A_822 = arith.shrui %add3A_815, %shift_right_logical3A_821 : vector<16xi32>
        %or3A_823 = arith.ori %shift_left3A_819, %shift_right_logical3A_822 : vector<16xi32>
        %xor3A_824 = arith.xori %add3A_816, %or3A_823 : vector<16xi32>
        %add3A_825 = arith.addi %add3A_816, %xor3A_824 : vector<16xi32>
        %shift_left3A_826 = arith.constant 29 : i32
        %shift_left3A_827 = vector.broadcast %shift_left3A_826 : i32 to vector<16xi32>
        %shift_left3A_828 = arith.shli %xor3A_824, %shift_left3A_827 : vector<16xi32>
        %shift_right_logical3A_829 = arith.constant 3 : i32
        %shift_right_logical3A_830 = vector.broadcast %shift_right_logical3A_829 : i32 to vector<16xi32>
        %shift_right_logical3A_831 = arith.shrui %xor3A_824, %shift_right_logical3A_830 : vector<16xi32>
        %or3A_832 = arith.ori %shift_left3A_828, %shift_right_logical3A_831 : vector<16xi32>
        %xor3A_833 = arith.xori %add3A_825, %or3A_832 : vector<16xi32>
        %add3A_834 = arith.addi %add3A_825, %xor3A_833 : vector<16xi32>
        %shift_left3A_835 = arith.constant 16 : i32
        %shift_left3A_836 = vector.broadcast %shift_left3A_835 : i32 to vector<16xi32>
        %shift_left3A_837 = arith.shli %xor3A_833, %shift_left3A_836 : vector<16xi32>
        %shift_right_logical3A_838 = arith.constant 16 : i32
        %shift_right_logical3A_839 = vector.broadcast %shift_right_logical3A_838 : i32 to vector<16xi32>
        %shift_right_logical3A_840 = arith.shrui %xor3A_833, %shift_right_logical3A_839 : vector<16xi32>
        %or3A_841 = arith.ori %shift_left3A_837, %shift_right_logical3A_840 : vector<16xi32>
        %xor3A_842 = arith.xori %add3A_834, %or3A_841 : vector<16xi32>
        %add3A_843 = arith.addi %add3A_834, %xor3A_842 : vector<16xi32>
        %shift_left3A_844 = arith.constant 24 : i32
        %shift_left3A_845 = vector.broadcast %shift_left3A_844 : i32 to vector<16xi32>
        %shift_left3A_846 = arith.shli %xor3A_842, %shift_left3A_845 : vector<16xi32>
        %shift_right_logical3A_847 = arith.constant 8 : i32
        %shift_right_logical3A_848 = vector.broadcast %shift_right_logical3A_847 : i32 to vector<16xi32>
        %shift_right_logical3A_849 = arith.shrui %xor3A_842, %shift_right_logical3A_848 : vector<16xi32>
        %or3A_850 = arith.ori %shift_left3A_846, %shift_right_logical3A_849 : vector<16xi32>
        %xor3A_851 = arith.xori %add3A_843, %or3A_850 : vector<16xi32>
        %add3A_852 = arith.constant 466689008 : i32
        %add3A_853 = vector.broadcast %add3A_852 : i32 to vector<16xi32>
        %add3A_854 = arith.addi %add3A_843, %add3A_853 : vector<16xi32>
        %add3A_855 = arith.constant 2 : i32
        %add3A_856 = vector.broadcast %add3A_855 : i32 to vector<16xi32>
        %add3A_857 = arith.addi %xor3A_851, %add3A_856 : vector<16xi32>
        %add3A_858 = arith.addi %add3A_854, %add3A_857 : vector<16xi32>
        %shift_left3A_859 = arith.constant 13 : i32
        %shift_left3A_860 = vector.broadcast %shift_left3A_859 : i32 to vector<16xi32>
        %shift_left3A_861 = arith.shli %add3A_857, %shift_left3A_860 : vector<16xi32>
        %shift_right_logical3A_862 = arith.constant 19 : i32
        %shift_right_logical3A_863 = vector.broadcast %shift_right_logical3A_862 : i32 to vector<16xi32>
        %shift_right_logical3A_864 = arith.shrui %add3A_857, %shift_right_logical3A_863 : vector<16xi32>
        %or3A_865 = arith.ori %shift_left3A_861, %shift_right_logical3A_864 : vector<16xi32>
        %xor3A_866 = arith.xori %add3A_858, %or3A_865 : vector<16xi32>
        %add3A_867 = arith.addi %add3A_858, %xor3A_866 : vector<16xi32>
        %shift_left3A_868 = arith.constant 15 : i32
        %shift_left3A_869 = vector.broadcast %shift_left3A_868 : i32 to vector<16xi32>
        %shift_left3A_870 = arith.shli %xor3A_866, %shift_left3A_869 : vector<16xi32>
        %shift_right_logical3A_871 = arith.constant 17 : i32
        %shift_right_logical3A_872 = vector.broadcast %shift_right_logical3A_871 : i32 to vector<16xi32>
        %shift_right_logical3A_873 = arith.shrui %xor3A_866, %shift_right_logical3A_872 : vector<16xi32>
        %or3A_874 = arith.ori %shift_left3A_870, %shift_right_logical3A_873 : vector<16xi32>
        %xor3A_875 = arith.xori %add3A_867, %or3A_874 : vector<16xi32>
        %add3A_876 = arith.addi %add3A_867, %xor3A_875 : vector<16xi32>
        %shift_left3A_877 = arith.constant 26 : i32
        %shift_left3A_878 = vector.broadcast %shift_left3A_877 : i32 to vector<16xi32>
        %shift_left3A_879 = arith.shli %xor3A_875, %shift_left3A_878 : vector<16xi32>
        %shift_right_logical3A_880 = arith.constant 6 : i32
        %shift_right_logical3A_881 = vector.broadcast %shift_right_logical3A_880 : i32 to vector<16xi32>
        %shift_right_logical3A_882 = arith.shrui %xor3A_875, %shift_right_logical3A_881 : vector<16xi32>
        %or3A_883 = arith.ori %shift_left3A_879, %shift_right_logical3A_882 : vector<16xi32>
        %xor3A_884 = arith.xori %add3A_876, %or3A_883 : vector<16xi32>
        %add3A_885 = arith.addi %add3A_876, %xor3A_884 : vector<16xi32>
        %shift_left3A_886 = arith.constant 6 : i32
        %shift_left3A_887 = vector.broadcast %shift_left3A_886 : i32 to vector<16xi32>
        %shift_left3A_888 = arith.shli %xor3A_884, %shift_left3A_887 : vector<16xi32>
        %shift_right_logical3A_889 = arith.constant 26 : i32
        %shift_right_logical3A_890 = vector.broadcast %shift_right_logical3A_889 : i32 to vector<16xi32>
        %shift_right_logical3A_891 = arith.shrui %xor3A_884, %shift_right_logical3A_890 : vector<16xi32>
        %or3A_892 = arith.ori %shift_left3A_888, %shift_right_logical3A_891 : vector<16xi32>
        %xor3A_893 = arith.xori %add3A_885, %or3A_892 : vector<16xi32>
        %add3A_894 = arith.constant 45 : i32
        %add3A_895 = vector.broadcast %add3A_894 : i32 to vector<16xi32>
        %add3A_896 = arith.addi %xor3A_893, %add3A_895 : vector<16xi32>
        %add3A_897 = arith.addi %add3A_885, %add3A_896 : vector<16xi32>
        %shift_left3A_898 = arith.constant 17 : i32
        %shift_left3A_899 = vector.broadcast %shift_left3A_898 : i32 to vector<16xi32>
        %shift_left3A_900 = arith.shli %add3A_896, %shift_left3A_899 : vector<16xi32>
        %shift_right_logical3A_901 = arith.constant 15 : i32
        %shift_right_logical3A_902 = vector.broadcast %shift_right_logical3A_901 : i32 to vector<16xi32>
        %shift_right_logical3A_903 = arith.shrui %add3A_896, %shift_right_logical3A_902 : vector<16xi32>
        %or3A_904 = arith.ori %shift_left3A_900, %shift_right_logical3A_903 : vector<16xi32>
        %xor3A_905 = arith.xori %add3A_897, %or3A_904 : vector<16xi32>
        %add3A_906 = arith.addi %add3A_897, %xor3A_905 : vector<16xi32>
        %shift_left3A_907 = arith.constant 29 : i32
        %shift_left3A_908 = vector.broadcast %shift_left3A_907 : i32 to vector<16xi32>
        %shift_left3A_909 = arith.shli %xor3A_905, %shift_left3A_908 : vector<16xi32>
        %shift_right_logical3A_910 = arith.constant 3 : i32
        %shift_right_logical3A_911 = vector.broadcast %shift_right_logical3A_910 : i32 to vector<16xi32>
        %shift_right_logical3A_912 = arith.shrui %xor3A_905, %shift_right_logical3A_911 : vector<16xi32>
        %or3A_913 = arith.ori %shift_left3A_909, %shift_right_logical3A_912 : vector<16xi32>
        %xor3A_914 = arith.xori %add3A_906, %or3A_913 : vector<16xi32>
        %add3A_915 = arith.addi %add3A_906, %xor3A_914 : vector<16xi32>
        %shift_left3A_916 = arith.constant 16 : i32
        %shift_left3A_917 = vector.broadcast %shift_left3A_916 : i32 to vector<16xi32>
        %shift_left3A_918 = arith.shli %xor3A_914, %shift_left3A_917 : vector<16xi32>
        %shift_right_logical3A_919 = arith.constant 16 : i32
        %shift_right_logical3A_920 = vector.broadcast %shift_right_logical3A_919 : i32 to vector<16xi32>
        %shift_right_logical3A_921 = arith.shrui %xor3A_914, %shift_right_logical3A_920 : vector<16xi32>
        %or3A_922 = arith.ori %shift_left3A_918, %shift_right_logical3A_921 : vector<16xi32>
        %xor3A_923 = arith.xori %add3A_915, %or3A_922 : vector<16xi32>
        %add3A_924 = arith.addi %add3A_915, %xor3A_923 : vector<16xi32>
        %shift_left3A_925 = arith.constant 24 : i32
        %shift_left3A_926 = vector.broadcast %shift_left3A_925 : i32 to vector<16xi32>
        %shift_left3A_927 = arith.shli %xor3A_923, %shift_left3A_926 : vector<16xi32>
        %shift_right_logical3A_928 = arith.constant 8 : i32
        %shift_right_logical3A_929 = vector.broadcast %shift_right_logical3A_928 : i32 to vector<16xi32>
        %shift_right_logical3A_930 = arith.shrui %xor3A_923, %shift_right_logical3A_929 : vector<16xi32>
        %or3A_931 = arith.ori %shift_left3A_927, %shift_right_logical3A_930 : vector<16xi32>
        %xor3A_932 = arith.xori %add3A_924, %or3A_931 : vector<16xi32>
        %add3A_933 = arith.constant 42 : i32
        %add3A_934 = vector.broadcast %add3A_933 : i32 to vector<16xi32>
        %add3A_935 = arith.addi %add3A_924, %add3A_934 : vector<16xi32>
        %add3A_936 = arith.constant 466689012 : i32
        %add3A_937 = vector.broadcast %add3A_936 : i32 to vector<16xi32>
        %add3A_938 = arith.addi %xor3A_932, %add3A_937 : vector<16xi32>
        %add3A_939 = arith.addi %add3A_935, %add3A_938 : vector<16xi32>
        %shift_left3A_940 = arith.constant 13 : i32
        %shift_left3A_941 = vector.broadcast %shift_left3A_940 : i32 to vector<16xi32>
        %shift_left3A_942 = arith.shli %add3A_938, %shift_left3A_941 : vector<16xi32>
        %shift_right_logical3A_943 = arith.constant 19 : i32
        %shift_right_logical3A_944 = vector.broadcast %shift_right_logical3A_943 : i32 to vector<16xi32>
        %shift_right_logical3A_945 = arith.shrui %add3A_938, %shift_right_logical3A_944 : vector<16xi32>
        %or3A_946 = arith.ori %shift_left3A_942, %shift_right_logical3A_945 : vector<16xi32>
        %xor3A_947 = arith.xori %add3A_939, %or3A_946 : vector<16xi32>
        %add3A_948 = arith.addi %add3A_939, %xor3A_947 : vector<16xi32>
        %shift_left3A_949 = arith.constant 15 : i32
        %shift_left3A_950 = vector.broadcast %shift_left3A_949 : i32 to vector<16xi32>
        %shift_left3A_951 = arith.shli %xor3A_947, %shift_left3A_950 : vector<16xi32>
        %shift_right_logical3A_952 = arith.constant 17 : i32
        %shift_right_logical3A_953 = vector.broadcast %shift_right_logical3A_952 : i32 to vector<16xi32>
        %shift_right_logical3A_954 = arith.shrui %xor3A_947, %shift_right_logical3A_953 : vector<16xi32>
        %or3A_955 = arith.ori %shift_left3A_951, %shift_right_logical3A_954 : vector<16xi32>
        %xor3A_956 = arith.xori %add3A_948, %or3A_955 : vector<16xi32>
        %add3A_957 = arith.addi %add3A_948, %xor3A_956 : vector<16xi32>
        %shift_left3A_958 = arith.constant 26 : i32
        %shift_left3A_959 = vector.broadcast %shift_left3A_958 : i32 to vector<16xi32>
        %shift_left3A_960 = arith.shli %xor3A_956, %shift_left3A_959 : vector<16xi32>
        %shift_right_logical3A_961 = arith.constant 6 : i32
        %shift_right_logical3A_962 = vector.broadcast %shift_right_logical3A_961 : i32 to vector<16xi32>
        %shift_right_logical3A_963 = arith.shrui %xor3A_956, %shift_right_logical3A_962 : vector<16xi32>
        %or3A_964 = arith.ori %shift_left3A_960, %shift_right_logical3A_963 : vector<16xi32>
        %xor3A_965 = arith.xori %add3A_957, %or3A_964 : vector<16xi32>
        %add3A_966 = arith.addi %add3A_957, %xor3A_965 : vector<16xi32>
        %shift_left3A_967 = arith.constant 6 : i32
        %shift_left3A_968 = vector.broadcast %shift_left3A_967 : i32 to vector<16xi32>
        %shift_left3A_969 = arith.shli %xor3A_965, %shift_left3A_968 : vector<16xi32>
        %shift_right_logical3A_970 = arith.constant 26 : i32
        %shift_right_logical3A_971 = vector.broadcast %shift_right_logical3A_970 : i32 to vector<16xi32>
        %shift_right_logical3A_972 = arith.shrui %xor3A_965, %shift_right_logical3A_971 : vector<16xi32>
        %or3A_973 = arith.ori %shift_left3A_969, %shift_right_logical3A_972 : vector<16xi32>
        %xor3A_974 = arith.xori %add3A_966, %or3A_973 : vector<16xi32>
        %add3A_975 = arith.constant 466689008 : i32
        %add3A_976 = vector.broadcast %add3A_975 : i32 to vector<16xi32>
        %add3A_977 = arith.addi %add3A_966, %add3A_976 : vector<16xi32>
        %add3A_978 = arith.constant 5 : i32
        %add3A_979 = vector.broadcast %add3A_978 : i32 to vector<16xi32>
        %add3A_980 = arith.addi %xor3A_974, %add3A_979 : vector<16xi32>
        %xor3A_981 = arith.xori %add3A_977, %add3A_980 : vector<16xi32>
        %shift_right_logical3A_982 = arith.constant 9 : i32
        %shift_right_logical3A_983 = vector.broadcast %shift_right_logical3A_982 : i32 to vector<16xi32>
        %shift_right_logical3A_984 = arith.shrui %xor3A_981, %shift_right_logical3A_983 : vector<16xi32>
        %or3A_985 = arith.constant 1065353216 : i32
        %or3A_986 = vector.broadcast %or3A_985 : i32 to vector<16xi32>
        %or3A_987 = arith.ori %shift_right_logical3A_984, %or3A_986 : vector<16xi32>
        %bitcast_convert_type3A_988 = tpu.bitcast %or3A_987 : vector<16xi32> -> vector<16xf32>
        %sub3A_989 = arith.constant 1.000000e+00 : f32
        %sub3A_990 = vector.broadcast %sub3A_989 : f32 to vector<16xf32>
        %sub3A_991 = arith.subf %bitcast_convert_type3A_988, %sub3A_990 : vector<16xf32>
        %add3A_992 = arith.constant 1.17549435E-38 : f32
        %add3A_993 = vector.broadcast %add3A_992 : f32 to vector<16xf32>
        %add3A_994 = arith.addf %sub3A_991, %add3A_993 : vector<16xf32>
        %max3A_995 = arith.constant 1.17549435E-38 : f32
        %max3A_996 = vector.broadcast %max3A_995 : f32 to vector<16xf32>
        %max3A_997 = arith.maximumf %max3A_996, %add3A_994 : vector<16xf32>
        %swap3A_998 = arith.index_cast %mul3A_53 : i32 to index
        %swap3A_999 = tpu.vector_load %arg6[%swap3A_998] {strides = array<i32>} : memref<20000xf32, #tpu.memory_space<vmem>>, vector<16xf32>,
        %swap3A_1000 = vector.shape_cast %swap3A_999 : vector<16xf32> to vector<16xf32>
        %swap3A_1001 = vector.shape_cast %max3A_997 : vector<16xf32> to vector<16xf32>
        tpu.vector_store %arg6[%swap3A_998], %swap3A_1001 {strides = array<i32>} : memref<20000xf32, #tpu.memory_space<vmem>>, vector<16xf32>,
        %scan3A_1002 = arith.constant 0 : i32
        scf.yield %scan3A_1002 : i32
      }
      %scan3A_17 = arith.constant 1250 : i32
      %mul3A_18 = arith.constant 4 : i32
      %mul3A_19 = arith.muli %add3A, %mul3A_18 : i32
      %add3A_20 = arith.constant 0 : i32
      %add3A_21 = arith.addi %mul3A_19, %add3A_20 : i32
      %mul3A_22 = arith.constant 1000000 : i32
      %mul3A_23 = arith.muli %add3A_21, %mul3A_22 : i32
      %add3A_24 = arith.addi %mul3A_23, %mul3A_10 : i32
      %multiple_of3A = tpu.assume_multiple %add3A_24, 8 : i32
      "tpu.region"() ({
        %run_scoped3A = tpu.sem_alloc : memref<!tpu.dma_semaphore, #tpu.memory_space<semaphore_mem>>
        %dma_start3A = tpu.memref_slice %arg2[%multiple_of3A] : memref<128000000xf32, #tpu.memory_space<hbm>> -> memref<20000xf32, #tpu.memory_space<hbm>>
        %dma_start3A_50 = tpu.memref_slice %arg2[%multiple_of3A] : memref<128000000xf32, #tpu.memory_space<hbm>> -> memref<20000xf32, #tpu.memory_space<hbm>>
        tpu.enqueue_dma source(%arg3 : memref<20000xf32, #tpu.memory_space<vmem>>) target(%dma_start3A_50 : memref<20000xf32, #tpu.memory_space<hbm>>) target_semaphore(%run_scoped3A : memref<!tpu.dma_semaphore, #tpu.memory_space<semaphore_mem>>)
        %dma_wait3A = tpu.memref_slice %arg2[%multiple_of3A] : memref<128000000xf32, #tpu.memory_space<hbm>> -> memref<20000xf32, #tpu.memory_space<hbm>>
        %dma_wait3A_51 = tpu.memref_slice %arg2[%multiple_of3A] : memref<128000000xf32, #tpu.memory_space<hbm>> -> memref<20000xf32, #tpu.memory_space<hbm>>
        tpu.wait_dma2 semaphore(%run_scoped3A : memref<!tpu.dma_semaphore, #tpu.memory_space<semaphore_mem>>) src(%arg3 : memref<20000xf32, #tpu.memory_space<vmem>>) dst(%dma_wait3A_51 : memref<20000xf32, #tpu.memory_space<hbm>>)
        tpu.yield
      }) : () -> ()
      %mul3A_25 = arith.constant 4 : i32
      %mul3A_26 = arith.muli %add3A, %mul3A_25 : i32
      %add3A_27 = arith.constant 1 : i32
      %add3A_28 = arith.addi %mul3A_26, %add3A_27 : i32
      %mul3A_29 = arith.constant 1000000 : i32
      %mul3A_30 = arith.muli %add3A_28, %mul3A_29 : i32
      %add3A_31 = arith.addi %mul3A_30, %mul3A_10 : i32
      %multiple_of3A_32 = tpu.assume_multiple %add3A_31, 8 : i32
      "tpu.region"() ({
        %run_scoped3A = tpu.sem_alloc : memref<!tpu.dma_semaphore, #tpu.memory_space<semaphore_mem>>
        %dma_start3A = tpu.memref_slice %arg2[%multiple_of3A_32] : memref<128000000xf32, #tpu.memory_space<hbm>> -> memref<20000xf32, #tpu.memory_space<hbm>>
        %dma_start3A_50 = tpu.memref_slice %arg2[%multiple_of3A_32] : memref<128000000xf32, #tpu.memory_space<hbm>> -> memref<20000xf32, #tpu.memory_space<hbm>>
        tpu.enqueue_dma source(%arg4 : memref<20000xf32, #tpu.memory_space<vmem>>) target(%dma_start3A_50 : memref<20000xf32, #tpu.memory_space<hbm>>) target_semaphore(%run_scoped3A : memref<!tpu.dma_semaphore, #tpu.memory_space<semaphore_mem>>)
        %dma_wait3A = tpu.memref_slice %arg2[%multiple_of3A_32] : memref<128000000xf32, #tpu.memory_space<hbm>> -> memref<20000xf32, #tpu.memory_space<hbm>>
        %dma_wait3A_51 = tpu.memref_slice %arg2[%multiple_of3A_32] : memref<128000000xf32, #tpu.memory_space<hbm>> -> memref<20000xf32, #tpu.memory_space<hbm>>
        tpu.wait_dma2 semaphore(%run_scoped3A : memref<!tpu.dma_semaphore, #tpu.memory_space<semaphore_mem>>) src(%arg4 : memref<20000xf32, #tpu.memory_space<vmem>>) dst(%dma_wait3A_51 : memref<20000xf32, #tpu.memory_space<hbm>>)
        tpu.yield
      }) : () -> ()
      %mul3A_33 = arith.constant 4 : i32
      %mul3A_34 = arith.muli %add3A, %mul3A_33 : i32
      %add3A_35 = arith.constant 2 : i32
      %add3A_36 = arith.addi %mul3A_34, %add3A_35 : i32
      %mul3A_37 = arith.constant 1000000 : i32
      %mul3A_38 = arith.muli %add3A_36, %mul3A_37 : i32
      %add3A_39 = arith.addi %mul3A_38, %mul3A_10 : i32
      %multiple_of3A_40 = tpu.assume_multiple %add3A_39, 8 : i32
      "tpu.region"() ({
        %run_scoped3A = tpu.sem_alloc : memref<!tpu.dma_semaphore, #tpu.memory_space<semaphore_mem>>
        %dma_start3A = tpu.memref_slice %arg2[%multiple_of3A_40] : memref<128000000xf32, #tpu.memory_space<hbm>> -> memref<20000xf32, #tpu.memory_space<hbm>>
        %dma_start3A_50 = tpu.memref_slice %arg2[%multiple_of3A_40] : memref<128000000xf32, #tpu.memory_space<hbm>> -> memref<20000xf32, #tpu.memory_space<hbm>>
        tpu.enqueue_dma source(%arg5 : memref<20000xf32, #tpu.memory_space<vmem>>) target(%dma_start3A_50 : memref<20000xf32, #tpu.memory_space<hbm>>) target_semaphore(%run_scoped3A : memref<!tpu.dma_semaphore, #tpu.memory_space<semaphore_mem>>)
        %dma_wait3A = tpu.memref_slice %arg2[%multiple_of3A_40] : memref<128000000xf32, #tpu.memory_space<hbm>> -> memref<20000xf32, #tpu.memory_space<hbm>>
        %dma_wait3A_51 = tpu.memref_slice %arg2[%multiple_of3A_40] : memref<128000000xf32, #tpu.memory_space<hbm>> -> memref<20000xf32, #tpu.memory_space<hbm>>
        tpu.wait_dma2 semaphore(%run_scoped3A : memref<!tpu.dma_semaphore, #tpu.memory_space<semaphore_mem>>) src(%arg5 : memref<20000xf32, #tpu.memory_space<vmem>>) dst(%dma_wait3A_51 : memref<20000xf32, #tpu.memory_space<hbm>>)
        tpu.yield
      }) : () -> ()
      %mul3A_41 = arith.constant 4 : i32
      %mul3A_42 = arith.muli %add3A, %mul3A_41 : i32
      %add3A_43 = arith.constant 3 : i32
      %add3A_44 = arith.addi %mul3A_42, %add3A_43 : i32
      %mul3A_45 = arith.constant 1000000 : i32
      %mul3A_46 = arith.muli %add3A_44, %mul3A_45 : i32
      %add3A_47 = arith.addi %mul3A_46, %mul3A_10 : i32
      %multiple_of3A_48 = tpu.assume_multiple %add3A_47, 8 : i32
      "tpu.region"() ({
        %run_scoped3A = tpu.sem_alloc : memref<!tpu.dma_semaphore, #tpu.memory_space<semaphore_mem>>
        %dma_start3A = tpu.memref_slice %arg2[%multiple_of3A_48] : memref<128000000xf32, #tpu.memory_space<hbm>> -> memref<20000xf32, #tpu.memory_space<hbm>>
        %dma_start3A_50 = tpu.memref_slice %arg2[%multiple_of3A_48] : memref<128000000xf32, #tpu.memory_space<hbm>> -> memref<20000xf32, #tpu.memory_space<hbm>>
        tpu.enqueue_dma source(%arg6 : memref<20000xf32, #tpu.memory_space<vmem>>) target(%dma_start3A_50 : memref<20000xf32, #tpu.memory_space<hbm>>) target_semaphore(%run_scoped3A : memref<!tpu.dma_semaphore, #tpu.memory_space<semaphore_mem>>)
        %dma_wait3A = tpu.memref_slice %arg2[%multiple_of3A_48] : memref<128000000xf32, #tpu.memory_space<hbm>> -> memref<20000xf32, #tpu.memory_space<hbm>>
        %dma_wait3A_51 = tpu.memref_slice %arg2[%multiple_of3A_48] : memref<128000000xf32, #tpu.memory_space<hbm>> -> memref<20000xf32, #tpu.memory_space<hbm>>
        tpu.wait_dma2 semaphore(%run_scoped3A : memref<!tpu.dma_semaphore, #tpu.memory_space<semaphore_mem>>) src(%arg6 : memref<20000xf32, #tpu.memory_space<vmem>>) dst(%dma_wait3A_51 : memref<20000xf32, #tpu.memory_space<hbm>>)
        tpu.yield
      }) : () -> ()
      %scan3A_49 = arith.constant 0 : i32
      scf.yield %scan3A_49 : i32
    }
    %scan3A_6 = arith.constant 50 : i32
    return
  }
}

module attributes {stable_mosaic.version = 14 : i64} {
  func.func @_tc1_kernel(%arg0: i32, %arg1: memref<64x1024xf32, #tpu.memory_space<vmem>>, %arg2: memref<64x6xi32, #tpu.memory_space<vmem>>, %arg3: memref<64x6xf32, #tpu.memory_space<vmem>>, %arg4: memref<64x6xf32, #tpu.memory_space<vmem>>, %arg5: memref<64x1xf32, #tpu.memory_space<vmem>>, %arg6: memref<64x6xf32, #tpu.memory_space<vmem>>, %arg7: memref<64x6xi32, #tpu.memory_space<vmem>>, %arg8: memref<64x1xf32, #tpu.memory_space<vmem>>, %arg9: memref<64x1xf32, #tpu.memory_space<vmem>>) attributes {dimension_semantics = [#tpu.dimension_semantics<arbitrary>], iteration_bounds = array<i64: 977>, scalar_prefetch = 0 : i64, scratch_operands = 4 : i64, tpu.core_type = #tpu.core_type<tc>, window_params = [{transform_indices = @transform_0, window_bounds = array<i64: 64, 1024>}, {pipeline_mode = #tpu.pipeline_mode<synchronous>, transform_indices = @transform_1, window_bounds = array<i64: 64, 6>}, {pipeline_mode = #tpu.pipeline_mode<synchronous>, transform_indices = @transform_2, window_bounds = array<i64: 64, 6>}, {pipeline_mode = #tpu.pipeline_mode<synchronous>, transform_indices = @transform_3, window_bounds = array<i64: 64, 6>}, {pipeline_mode = #tpu.pipeline_mode<synchronous>, transform_indices = @transform_4, window_bounds = array<i64: 64, 1>}]} {
    %eq3A = arith.constant 0 : i32
    %eq3A_0 = arith.cmpi eq, %arg0, %eq3A : i32
    %convert_element_type3A = arith.extui %eq3A_0 : i1 to i32
    %cond3A = arith.constant 0 : i32
    %cond3A_1 = arith.cmpi ne, %convert_element_type3A, %cond3A : i32
    scf.if %cond3A_1 {
      %broadcast_in_dim3A_1654 = arith.constant 0xFF800000 : f32
      %broadcast_in_dim3A_1655 = vector.broadcast %broadcast_in_dim3A_1654 : f32 to vector<64x6xf32>
      %swap3A_1656 = arith.constant 0 : index
      %swap3A_1657 = arith.constant 0 : index
      %swap3A_1658 = vector.load %arg6[%swap3A_1656, %swap3A_1657] : memref<64x6xf32, #tpu.memory_space<vmem>>, vector<64x6xf32>
      tpu.vector_store %arg6[%swap3A_1656, %swap3A_1657], %broadcast_in_dim3A_1655 {strides = array<i32>} : memref<64x6xf32, #tpu.memory_space<vmem>>, vector<64x6xf32>,
      %broadcast_in_dim3A_1659 = arith.constant 0 : i32
      %broadcast_in_dim3A_1660 = vector.broadcast %broadcast_in_dim3A_1659 : i32 to vector<64x6xi32>
      %swap3A_1661 = arith.constant 0 : index
      %swap3A_1662 = arith.constant 0 : index
      %swap3A_1663 = vector.load %arg7[%swap3A_1661, %swap3A_1662] : memref<64x6xi32, #tpu.memory_space<vmem>>, vector<64x6xi32>
      tpu.vector_store %arg7[%swap3A_1661, %swap3A_1662], %broadcast_in_dim3A_1660 {strides = array<i32>} : memref<64x6xi32, #tpu.memory_space<vmem>>, vector<64x6xi32>,
      %broadcast_in_dim3A_1664 = arith.constant 0xFF800000 : f32
      %broadcast_in_dim3A_1665 = vector.broadcast %broadcast_in_dim3A_1664 : f32 to vector<64x1xf32>
      %swap3A_1666 = arith.constant 0 : index
      %swap3A_1667 = arith.constant 0 : index
      %swap3A_1668 = vector.load %arg8[%swap3A_1666, %swap3A_1667] : memref<64x1xf32, #tpu.memory_space<vmem>>, vector<64x1xf32>
      tpu.vector_store %arg8[%swap3A_1666, %swap3A_1667], %broadcast_in_dim3A_1665 {strides = array<i32>} : memref<64x1xf32, #tpu.memory_space<vmem>>, vector<64x1xf32>,
      %broadcast_in_dim3A_1669 = arith.constant 0.000000e+00 : f32
      %broadcast_in_dim3A_1670 = vector.broadcast %broadcast_in_dim3A_1669 : f32 to vector<64x1xf32>
      %swap3A_1671 = arith.constant 0 : index
      %swap3A_1672 = arith.constant 0 : index
      %swap3A_1673 = vector.load %arg9[%swap3A_1671, %swap3A_1672] : memref<64x1xf32, #tpu.memory_space<vmem>>, vector<64x1xf32>
      tpu.vector_store %arg9[%swap3A_1671, %swap3A_1672], %broadcast_in_dim3A_1670 {strides = array<i32>} : memref<64x1xf32, #tpu.memory_space<vmem>>, vector<64x1xf32>,
    } else {
    }
    %get3A = arith.constant 0 : index
    %get3A_2 = arith.constant 0 : index
    %get3A_3 = vector.load %arg1[%get3A, %get3A_2] : memref<64x1024xf32, #tpu.memory_space<vmem>>, vector<64x1024xf32>
    %iota3A = tpu.iota {dimensions = array<i32: 1>} : vector<64x1024xi32>
    %iota3A_4 = tpu.iota {dimensions = array<i32: 0>} : vector<64x1024xi32>
    %mul3A = arith.constant 1000000 : i32
    %mul3A_5 = vector.broadcast %mul3A : i32 to vector<64x1024xi32>
    %mul3A_6 = arith.muli %iota3A_4, %mul3A_5 : vector<64x1024xi32>
    %add3A = arith.addi %iota3A, %mul3A_6 : vector<64x1024xi32>
    %mul3A_7 = arith.constant 1024 : i32
    %mul3A_8 = arith.muli %arg0, %mul3A_7 : i32
    %sub3A = arith.constant 1000000 : i32
    %sub3A_9 = arith.subi %sub3A, %mul3A_8 : i32
    %lt3A = vector.broadcast %sub3A_9 : i32 to vector<64x1024xi32>
    %lt3A_10 = arith.cmpi slt, %iota3A, %lt3A : vector<64x1024xi32>
    %jit3A = arith.constant 0xFF800000 : f32
    %broadcast_in_dim3A = vector.broadcast %jit3A : f32 to vector<64x1024xf32>
    %select_n3A = arith.select %lt3A_10, %get3A_3, %broadcast_in_dim3A : vector<64x1024xi1>, vector<64x1024xf32>
    %get3A_11 = arith.constant 0 : index
    %get3A_12 = arith.constant 0 : index
    %get3A_13 = vector.load %arg8[%get3A_11, %get3A_12] : memref<64x1xf32, #tpu.memory_space<vmem>>, vector<64x1xf32>
    %reduce_max3A = arith.constant dense<0xFF800000> : vector<64xf32>
    %reduce_max3A_14 = vector.multi_reduction <maximumf>, %select_n3A, %reduce_max3A [1] : vector<64x1024xf32> to vector<64xf32>
    %broadcast_in_dim3A_15 = vector.shape_cast %reduce_max3A_14 : vector<64xf32> to vector<64x1xf32>
    %max3A = arith.maximumf %get3A_13, %broadcast_in_dim3A_15 : vector<64x1xf32>
    %sub3A_16 = vector.broadcast %max3A : vector<64x1xf32> to vector<64x1024xf32>
    %sub3A_17 = arith.subf %select_n3A, %sub3A_16 : vector<64x1024xf32>
    %exp3A = math.exp %sub3A_17 : vector<64x1024xf32>
    %get3A_18 = arith.constant 0 : index
    %get3A_19 = arith.constant 0 : index
    %get3A_20 = vector.load %arg9[%get3A_18, %get3A_19] : memref<64x1xf32, #tpu.memory_space<vmem>>, vector<64x1xf32>
    %sub3A_21 = arith.subf %get3A_13, %max3A : vector<64x1xf32>
    %exp3A_22 = math.exp %sub3A_21 : vector<64x1xf32>
    %mul3A_23 = arith.mulf %get3A_20, %exp3A_22 : vector<64x1xf32>
    %reduce_sum3A = arith.constant dense<0.000000e+00> : vector<64xf32>
    %reduce_sum3A_24 = vector.multi_reduction <add>, %exp3A, %reduce_sum3A [1] : vector<64x1024xf32> to vector<64xf32>
    %broadcast_in_dim3A_25 = vector.shape_cast %reduce_sum3A_24 : vector<64xf32> to vector<64x1xf32>
    %add3A_26 = arith.addf %mul3A_23, %broadcast_in_dim3A_25 : vector<64x1xf32>
    %swap3A = arith.constant 0 : index
    %swap3A_27 = arith.constant 0 : index
    %swap3A_28 = vector.load %arg9[%swap3A, %swap3A_27] : memref<64x1xf32, #tpu.memory_space<vmem>>, vector<64x1xf32>
    tpu.vector_store %arg9[%swap3A, %swap3A_27], %add3A_26 {strides = array<i32>} : memref<64x1xf32, #tpu.memory_space<vmem>>, vector<64x1xf32>,
    %swap3A_29 = arith.constant 0 : index
    %swap3A_30 = arith.constant 0 : index
    %swap3A_31 = vector.load %arg8[%swap3A_29, %swap3A_30] : memref<64x1xf32, #tpu.memory_space<vmem>>, vector<64x1xf32>
    tpu.vector_store %arg8[%swap3A_29, %swap3A_30], %max3A {strides = array<i32>} : memref<64x1xf32, #tpu.memory_space<vmem>>, vector<64x1xf32>,
    %mul3A_32 = arith.constant 1024 : i32
    %mul3A_33 = arith.muli %arg0, %mul3A_32 : i32
    %add3A_34 = arith.constant 42 : i32
    %add3A_35 = arith.addi %mul3A_33, %add3A_34 : i32
    %add3A_36 = vector.broadcast %add3A_35 : i32 to vector<64x1024xi32>
    %add3A_37 = arith.addi %add3A, %add3A_36 : vector<64x1024xi32>
    %shift_left3A = arith.constant 13 : i32
    %shift_left3A_38 = vector.broadcast %shift_left3A : i32 to vector<64x1024xi32>
    %shift_left3A_39 = arith.shli %add3A_37, %shift_left3A_38 : vector<64x1024xi32>
    %shift_right_logical3A = arith.constant 19 : i32
    %shift_right_logical3A_40 = vector.broadcast %shift_right_logical3A : i32 to vector<64x1024xi32>
    %shift_right_logical3A_41 = arith.shrui %add3A_37, %shift_right_logical3A_40 : vector<64x1024xi32>
    %or3A = arith.ori %shift_left3A_39, %shift_right_logical3A_41 : vector<64x1024xi32>
    %xor3A = arith.xori %or3A, %add3A_37 : vector<64x1024xi32>
    %add3A_42 = arith.addi %add3A_37, %xor3A : vector<64x1024xi32>
    %shift_left3A_43 = arith.constant 15 : i32
    %shift_left3A_44 = vector.broadcast %shift_left3A_43 : i32 to vector<64x1024xi32>
    %shift_left3A_45 = arith.shli %xor3A, %shift_left3A_44 : vector<64x1024xi32>
    %shift_right_logical3A_46 = arith.constant 17 : i32
    %shift_right_logical3A_47 = vector.broadcast %shift_right_logical3A_46 : i32 to vector<64x1024xi32>
    %shift_right_logical3A_48 = arith.shrui %xor3A, %shift_right_logical3A_47 : vector<64x1024xi32>
    %or3A_49 = arith.ori %shift_left3A_45, %shift_right_logical3A_48 : vector<64x1024xi32>
    %xor3A_50 = arith.xori %add3A_42, %or3A_49 : vector<64x1024xi32>
    %add3A_51 = arith.addi %add3A_42, %xor3A_50 : vector<64x1024xi32>
    %shift_left3A_52 = arith.constant 26 : i32
    %shift_left3A_53 = vector.broadcast %shift_left3A_52 : i32 to vector<64x1024xi32>
    %shift_left3A_54 = arith.shli %xor3A_50, %shift_left3A_53 : vector<64x1024xi32>
    %shift_right_logical3A_55 = arith.constant 6 : i32
    %shift_right_logical3A_56 = vector.broadcast %shift_right_logical3A_55 : i32 to vector<64x1024xi32>
    %shift_right_logical3A_57 = arith.shrui %xor3A_50, %shift_right_logical3A_56 : vector<64x1024xi32>
    %or3A_58 = arith.ori %shift_left3A_54, %shift_right_logical3A_57 : vector<64x1024xi32>
    %xor3A_59 = arith.xori %add3A_51, %or3A_58 : vector<64x1024xi32>
    %add3A_60 = arith.addi %add3A_51, %xor3A_59 : vector<64x1024xi32>
    %shift_left3A_61 = arith.constant 6 : i32
    %shift_left3A_62 = vector.broadcast %shift_left3A_61 : i32 to vector<64x1024xi32>
    %shift_left3A_63 = arith.shli %xor3A_59, %shift_left3A_62 : vector<64x1024xi32>
    %shift_right_logical3A_64 = arith.constant 26 : i32
    %shift_right_logical3A_65 = vector.broadcast %shift_right_logical3A_64 : i32 to vector<64x1024xi32>
    %shift_right_logical3A_66 = arith.shrui %xor3A_59, %shift_right_logical3A_65 : vector<64x1024xi32>
    %or3A_67 = arith.ori %shift_left3A_63, %shift_right_logical3A_66 : vector<64x1024xi32>
    %xor3A_68 = arith.xori %add3A_60, %or3A_67 : vector<64x1024xi32>
    %add3A_69 = arith.constant 42 : i32
    %add3A_70 = vector.broadcast %add3A_69 : i32 to vector<64x1024xi32>
    %add3A_71 = arith.addi %add3A_60, %add3A_70 : vector<64x1024xi32>
    %add3A_72 = arith.constant 466689009 : i32
    %add3A_73 = vector.broadcast %add3A_72 : i32 to vector<64x1024xi32>
    %add3A_74 = arith.addi %xor3A_68, %add3A_73 : vector<64x1024xi32>
    %add3A_75 = arith.addi %add3A_71, %add3A_74 : vector<64x1024xi32>
    %shift_left3A_76 = arith.constant 17 : i32
    %shift_left3A_77 = vector.broadcast %shift_left3A_76 : i32 to vector<64x1024xi32>
    %shift_left3A_78 = arith.shli %add3A_74, %shift_left3A_77 : vector<64x1024xi32>
    %shift_right_logical3A_79 = arith.constant 15 : i32
    %shift_right_logical3A_80 = vector.broadcast %shift_right_logical3A_79 : i32 to vector<64x1024xi32>
    %shift_right_logical3A_81 = arith.shrui %add3A_74, %shift_right_logical3A_80 : vector<64x1024xi32>
    %or3A_82 = arith.ori %shift_left3A_78, %shift_right_logical3A_81 : vector<64x1024xi32>
    %xor3A_83 = arith.xori %add3A_75, %or3A_82 : vector<64x1024xi32>
    %add3A_84 = arith.addi %add3A_75, %xor3A_83 : vector<64x1024xi32>
    %shift_left3A_85 = arith.constant 29 : i32
    %shift_left3A_86 = vector.broadcast %shift_left3A_85 : i32 to vector<64x1024xi32>
    %shift_left3A_87 = arith.shli %xor3A_83, %shift_left3A_86 : vector<64x1024xi32>
    %shift_right_logical3A_88 = arith.constant 3 : i32
    %shift_right_logical3A_89 = vector.broadcast %shift_right_logical3A_88 : i32 to vector<64x1024xi32>
    %shift_right_logical3A_90 = arith.shrui %xor3A_83, %shift_right_logical3A_89 : vector<64x1024xi32>
    %or3A_91 = arith.ori %shift_left3A_87, %shift_right_logical3A_90 : vector<64x1024xi32>
    %xor3A_92 = arith.xori %add3A_84, %or3A_91 : vector<64x1024xi32>
    %add3A_93 = arith.addi %add3A_84, %xor3A_92 : vector<64x1024xi32>
    %shift_left3A_94 = arith.constant 16 : i32
    %shift_left3A_95 = vector.broadcast %shift_left3A_94 : i32 to vector<64x1024xi32>
    %shift_left3A_96 = arith.shli %xor3A_92, %shift_left3A_95 : vector<64x1024xi32>
    %shift_right_logical3A_97 = arith.constant 16 : i32
    %shift_right_logical3A_98 = vector.broadcast %shift_right_logical3A_97 : i32 to vector<64x1024xi32>
    %shift_right_logical3A_99 = arith.shrui %xor3A_92, %shift_right_logical3A_98 : vector<64x1024xi32>
    %or3A_100 = arith.ori %shift_left3A_96, %shift_right_logical3A_99 : vector<64x1024xi32>
    %xor3A_101 = arith.xori %add3A_93, %or3A_100 : vector<64x1024xi32>
    %add3A_102 = arith.addi %add3A_93, %xor3A_101 : vector<64x1024xi32>
    %shift_left3A_103 = arith.constant 24 : i32
    %shift_left3A_104 = vector.broadcast %shift_left3A_103 : i32 to vector<64x1024xi32>
    %shift_left3A_105 = arith.shli %xor3A_101, %shift_left3A_104 : vector<64x1024xi32>
    %shift_right_logical3A_106 = arith.constant 8 : i32
    %shift_right_logical3A_107 = vector.broadcast %shift_right_logical3A_106 : i32 to vector<64x1024xi32>
    %shift_right_logical3A_108 = arith.shrui %xor3A_101, %shift_right_logical3A_107 : vector<64x1024xi32>
    %or3A_109 = arith.ori %shift_left3A_105, %shift_right_logical3A_108 : vector<64x1024xi32>
    %xor3A_110 = arith.xori %add3A_102, %or3A_109 : vector<64x1024xi32>
    %add3A_111 = arith.constant 466689008 : i32
    %add3A_112 = vector.broadcast %add3A_111 : i32 to vector<64x1024xi32>
    %add3A_113 = arith.addi %add3A_102, %add3A_112 : vector<64x1024xi32>
    %add3A_114 = arith.constant 2 : i32
    %add3A_115 = vector.broadcast %add3A_114 : i32 to vector<64x1024xi32>
    %add3A_116 = arith.addi %xor3A_110, %add3A_115 : vector<64x1024xi32>
    %add3A_117 = arith.addi %add3A_113, %add3A_116 : vector<64x1024xi32>
    %shift_left3A_118 = arith.constant 13 : i32
    %shift_left3A_119 = vector.broadcast %shift_left3A_118 : i32 to vector<64x1024xi32>
    %shift_left3A_120 = arith.shli %add3A_116, %shift_left3A_119 : vector<64x1024xi32>
    %shift_right_logical3A_121 = arith.constant 19 : i32
    %shift_right_logical3A_122 = vector.broadcast %shift_right_logical3A_121 : i32 to vector<64x1024xi32>
    %shift_right_logical3A_123 = arith.shrui %add3A_116, %shift_right_logical3A_122 : vector<64x1024xi32>
    %or3A_124 = arith.ori %shift_left3A_120, %shift_right_logical3A_123 : vector<64x1024xi32>
    %xor3A_125 = arith.xori %add3A_117, %or3A_124 : vector<64x1024xi32>
    %add3A_126 = arith.addi %add3A_117, %xor3A_125 : vector<64x1024xi32>
    %shift_left3A_127 = arith.constant 15 : i32
    %shift_left3A_128 = vector.broadcast %shift_left3A_127 : i32 to vector<64x1024xi32>
    %shift_left3A_129 = arith.shli %xor3A_125, %shift_left3A_128 : vector<64x1024xi32>
    %shift_right_logical3A_130 = arith.constant 17 : i32
    %shift_right_logical3A_131 = vector.broadcast %shift_right_logical3A_130 : i32 to vector<64x1024xi32>
    %shift_right_logical3A_132 = arith.shrui %xor3A_125, %shift_right_logical3A_131 : vector<64x1024xi32>
    %or3A_133 = arith.ori %shift_left3A_129, %shift_right_logical3A_132 : vector<64x1024xi32>
    %xor3A_134 = arith.xori %add3A_126, %or3A_133 : vector<64x1024xi32>
    %add3A_135 = arith.addi %add3A_126, %xor3A_134 : vector<64x1024xi32>
    %shift_left3A_136 = arith.constant 26 : i32
    %shift_left3A_137 = vector.broadcast %shift_left3A_136 : i32 to vector<64x1024xi32>
    %shift_left3A_138 = arith.shli %xor3A_134, %shift_left3A_137 : vector<64x1024xi32>
    %shift_right_logical3A_139 = arith.constant 6 : i32
    %shift_right_logical3A_140 = vector.broadcast %shift_right_logical3A_139 : i32 to vector<64x1024xi32>
    %shift_right_logical3A_141 = arith.shrui %xor3A_134, %shift_right_logical3A_140 : vector<64x1024xi32>
    %or3A_142 = arith.ori %shift_left3A_138, %shift_right_logical3A_141 : vector<64x1024xi32>
    %xor3A_143 = arith.xori %add3A_135, %or3A_142 : vector<64x1024xi32>
    %add3A_144 = arith.addi %add3A_135, %xor3A_143 : vector<64x1024xi32>
    %shift_left3A_145 = arith.constant 6 : i32
    %shift_left3A_146 = vector.broadcast %shift_left3A_145 : i32 to vector<64x1024xi32>
    %shift_left3A_147 = arith.shli %xor3A_143, %shift_left3A_146 : vector<64x1024xi32>
    %shift_right_logical3A_148 = arith.constant 26 : i32
    %shift_right_logical3A_149 = vector.broadcast %shift_right_logical3A_148 : i32 to vector<64x1024xi32>
    %shift_right_logical3A_150 = arith.shrui %xor3A_143, %shift_right_logical3A_149 : vector<64x1024xi32>
    %or3A_151 = arith.ori %shift_left3A_147, %shift_right_logical3A_150 : vector<64x1024xi32>
    %xor3A_152 = arith.xori %add3A_144, %or3A_151 : vector<64x1024xi32>
    %add3A_153 = arith.constant 45 : i32
    %add3A_154 = vector.broadcast %add3A_153 : i32 to vector<64x1024xi32>
    %add3A_155 = arith.addi %xor3A_152, %add3A_154 : vector<64x1024xi32>
    %add3A_156 = arith.addi %add3A_144, %add3A_155 : vector<64x1024xi32>
    %shift_left3A_157 = arith.constant 17 : i32
    %shift_left3A_158 = vector.broadcast %shift_left3A_157 : i32 to vector<64x1024xi32>
    %shift_left3A_159 = arith.shli %add3A_155, %shift_left3A_158 : vector<64x1024xi32>
    %shift_right_logical3A_160 = arith.constant 15 : i32
    %shift_right_logical3A_161 = vector.broadcast %shift_right_logical3A_160 : i32 to vector<64x1024xi32>
    %shift_right_logical3A_162 = arith.shrui %add3A_155, %shift_right_logical3A_161 : vector<64x1024xi32>
    %or3A_163 = arith.ori %shift_left3A_159, %shift_right_logical3A_162 : vector<64x1024xi32>
    %xor3A_164 = arith.xori %add3A_156, %or3A_163 : vector<64x1024xi32>
    %add3A_165 = arith.addi %add3A_156, %xor3A_164 : vector<64x1024xi32>
    %shift_left3A_166 = arith.constant 29 : i32
    %shift_left3A_167 = vector.broadcast %shift_left3A_166 : i32 to vector<64x1024xi32>
    %shift_left3A_168 = arith.shli %xor3A_164, %shift_left3A_167 : vector<64x1024xi32>
    %shift_right_logical3A_169 = arith.constant 3 : i32
    %shift_right_logical3A_170 = vector.broadcast %shift_right_logical3A_169 : i32 to vector<64x1024xi32>
    %shift_right_logical3A_171 = arith.shrui %xor3A_164, %shift_right_logical3A_170 : vector<64x1024xi32>
    %or3A_172 = arith.ori %shift_left3A_168, %shift_right_logical3A_171 : vector<64x1024xi32>
    %xor3A_173 = arith.xori %add3A_165, %or3A_172 : vector<64x1024xi32>
    %add3A_174 = arith.addi %add3A_165, %xor3A_173 : vector<64x1024xi32>
    %shift_left3A_175 = arith.constant 16 : i32
    %shift_left3A_176 = vector.broadcast %shift_left3A_175 : i32 to vector<64x1024xi32>
    %shift_left3A_177 = arith.shli %xor3A_173, %shift_left3A_176 : vector<64x1024xi32>
    %shift_right_logical3A_178 = arith.constant 16 : i32
    %shift_right_logical3A_179 = vector.broadcast %shift_right_logical3A_178 : i32 to vector<64x1024xi32>
    %shift_right_logical3A_180 = arith.shrui %xor3A_173, %shift_right_logical3A_179 : vector<64x1024xi32>
    %or3A_181 = arith.ori %shift_left3A_177, %shift_right_logical3A_180 : vector<64x1024xi32>
    %xor3A_182 = arith.xori %add3A_174, %or3A_181 : vector<64x1024xi32>
    %add3A_183 = arith.addi %add3A_174, %xor3A_182 : vector<64x1024xi32>
    %shift_left3A_184 = arith.constant 24 : i32
    %shift_left3A_185 = vector.broadcast %shift_left3A_184 : i32 to vector<64x1024xi32>
    %shift_left3A_186 = arith.shli %xor3A_182, %shift_left3A_185 : vector<64x1024xi32>
    %shift_right_logical3A_187 = arith.constant 8 : i32
    %shift_right_logical3A_188 = vector.broadcast %shift_right_logical3A_187 : i32 to vector<64x1024xi32>
    %shift_right_logical3A_189 = arith.shrui %xor3A_182, %shift_right_logical3A_188 : vector<64x1024xi32>
    %or3A_190 = arith.ori %shift_left3A_186, %shift_right_logical3A_189 : vector<64x1024xi32>
    %xor3A_191 = arith.xori %add3A_183, %or3A_190 : vector<64x1024xi32>
    %add3A_192 = arith.constant 42 : i32
    %add3A_193 = vector.broadcast %add3A_192 : i32 to vector<64x1024xi32>
    %add3A_194 = arith.addi %add3A_183, %add3A_193 : vector<64x1024xi32>
    %add3A_195 = arith.constant 466689012 : i32
    %add3A_196 = vector.broadcast %add3A_195 : i32 to vector<64x1024xi32>
    %add3A_197 = arith.addi %xor3A_191, %add3A_196 : vector<64x1024xi32>
    %add3A_198 = arith.addi %add3A_194, %add3A_197 : vector<64x1024xi32>
    %shift_left3A_199 = arith.constant 13 : i32
    %shift_left3A_200 = vector.broadcast %shift_left3A_199 : i32 to vector<64x1024xi32>
    %shift_left3A_201 = arith.shli %add3A_197, %shift_left3A_200 : vector<64x1024xi32>
    %shift_right_logical3A_202 = arith.constant 19 : i32
    %shift_right_logical3A_203 = vector.broadcast %shift_right_logical3A_202 : i32 to vector<64x1024xi32>
    %shift_right_logical3A_204 = arith.shrui %add3A_197, %shift_right_logical3A_203 : vector<64x1024xi32>
    %or3A_205 = arith.ori %shift_left3A_201, %shift_right_logical3A_204 : vector<64x1024xi32>
    %xor3A_206 = arith.xori %add3A_198, %or3A_205 : vector<64x1024xi32>
    %add3A_207 = arith.addi %add3A_198, %xor3A_206 : vector<64x1024xi32>
    %shift_left3A_208 = arith.constant 15 : i32
    %shift_left3A_209 = vector.broadcast %shift_left3A_208 : i32 to vector<64x1024xi32>
    %shift_left3A_210 = arith.shli %xor3A_206, %shift_left3A_209 : vector<64x1024xi32>
    %shift_right_logical3A_211 = arith.constant 17 : i32
    %shift_right_logical3A_212 = vector.broadcast %shift_right_logical3A_211 : i32 to vector<64x1024xi32>
    %shift_right_logical3A_213 = arith.shrui %xor3A_206, %shift_right_logical3A_212 : vector<64x1024xi32>
    %or3A_214 = arith.ori %shift_left3A_210, %shift_right_logical3A_213 : vector<64x1024xi32>
    %xor3A_215 = arith.xori %add3A_207, %or3A_214 : vector<64x1024xi32>
    %add3A_216 = arith.addi %add3A_207, %xor3A_215 : vector<64x1024xi32>
    %shift_left3A_217 = arith.constant 26 : i32
    %shift_left3A_218 = vector.broadcast %shift_left3A_217 : i32 to vector<64x1024xi32>
    %shift_left3A_219 = arith.shli %xor3A_215, %shift_left3A_218 : vector<64x1024xi32>
    %shift_right_logical3A_220 = arith.constant 6 : i32
    %shift_right_logical3A_221 = vector.broadcast %shift_right_logical3A_220 : i32 to vector<64x1024xi32>
    %shift_right_logical3A_222 = arith.shrui %xor3A_215, %shift_right_logical3A_221 : vector<64x1024xi32>
    %or3A_223 = arith.ori %shift_left3A_219, %shift_right_logical3A_222 : vector<64x1024xi32>
    %xor3A_224 = arith.xori %add3A_216, %or3A_223 : vector<64x1024xi32>
    %add3A_225 = arith.addi %add3A_216, %xor3A_224 : vector<64x1024xi32>
    %shift_left3A_226 = arith.constant 6 : i32
    %shift_left3A_227 = vector.broadcast %shift_left3A_226 : i32 to vector<64x1024xi32>
    %shift_left3A_228 = arith.shli %xor3A_224, %shift_left3A_227 : vector<64x1024xi32>
    %shift_right_logical3A_229 = arith.constant 26 : i32
    %shift_right_logical3A_230 = vector.broadcast %shift_right_logical3A_229 : i32 to vector<64x1024xi32>
    %shift_right_logical3A_231 = arith.shrui %xor3A_224, %shift_right_logical3A_230 : vector<64x1024xi32>
    %or3A_232 = arith.ori %shift_left3A_228, %shift_right_logical3A_231 : vector<64x1024xi32>
    %xor3A_233 = arith.xori %add3A_225, %or3A_232 : vector<64x1024xi32>
    %add3A_234 = arith.constant 466689008 : i32
    %add3A_235 = vector.broadcast %add3A_234 : i32 to vector<64x1024xi32>
    %add3A_236 = arith.addi %add3A_225, %add3A_235 : vector<64x1024xi32>
    %add3A_237 = arith.constant 5 : i32
    %add3A_238 = vector.broadcast %add3A_237 : i32 to vector<64x1024xi32>
    %add3A_239 = arith.addi %xor3A_233, %add3A_238 : vector<64x1024xi32>
    %xor3A_240 = arith.xori %add3A_236, %add3A_239 : vector<64x1024xi32>
    %shift_right_logical3A_241 = arith.constant 9 : i32
    %shift_right_logical3A_242 = vector.broadcast %shift_right_logical3A_241 : i32 to vector<64x1024xi32>
    %shift_right_logical3A_243 = arith.shrui %xor3A_240, %shift_right_logical3A_242 : vector<64x1024xi32>
    %or3A_244 = arith.constant 1065353216 : i32
    %or3A_245 = vector.broadcast %or3A_244 : i32 to vector<64x1024xi32>
    %or3A_246 = arith.ori %shift_right_logical3A_243, %or3A_245 : vector<64x1024xi32>
    %bitcast_convert_type3A = tpu.bitcast %or3A_246 : vector<64x1024xi32> -> vector<64x1024xf32>
    %sub3A_247 = arith.constant 1.000000e+00 : f32
    %sub3A_248 = vector.broadcast %sub3A_247 : f32 to vector<64x1024xf32>
    %sub3A_249 = arith.subf %bitcast_convert_type3A, %sub3A_248 : vector<64x1024xf32>
    %add3A_250 = arith.constant 1.17549435E-38 : f32
    %add3A_251 = vector.broadcast %add3A_250 : f32 to vector<64x1024xf32>
    %add3A_252 = arith.addf %sub3A_249, %add3A_251 : vector<64x1024xf32>
    %max3A_253 = arith.constant 1.17549435E-38 : f32
    %max3A_254 = vector.broadcast %max3A_253 : f32 to vector<64x1024xf32>
    %max3A_255 = arith.maximumf %max3A_254, %add3A_252 : vector<64x1024xf32>
    %log3A = math.log %max3A_255 : vector<64x1024xf32>
    %neg3A = arith.constant 0.000000e+00 : f32
    %neg3A_256 = vector.broadcast %neg3A : f32 to vector<64x1024xf32>
    %neg3A_257 = arith.subf %neg3A_256, %log3A : vector<64x1024xf32>
    %log3A_258 = math.log %neg3A_257 : vector<64x1024xf32>
    %neg3A_259 = arith.constant 0.000000e+00 : f32
    %neg3A_260 = vector.broadcast %neg3A_259 : f32 to vector<64x1024xf32>
    %neg3A_261 = arith.subf %neg3A_260, %log3A_258 : vector<64x1024xf32>
    %add3A_262 = arith.addf %neg3A_261, %select_n3A : vector<64x1024xf32>
    %reduce_max3A_263 = arith.constant dense<0xFF800000> : vector<64xf32>
    %reduce_max3A_264 = vector.multi_reduction <maximumf>, %add3A_262, %reduce_max3A_263 [1] : vector<64x1024xf32> to vector<64xf32>
    %broadcast_in_dim3A_265 = vector.shape_cast %reduce_max3A_264 : vector<64xf32> to vector<64x1xf32>
    %eq3A_266 = vector.broadcast %broadcast_in_dim3A_265 : vector<64x1xf32> to vector<64x1024xf32>
    %eq3A_267 = arith.cmpf oeq, %add3A_262, %eq3A_266 : vector<64x1024xf32>
    %jit3A_268 = arith.constant 2147483647 : i32
    %broadcast_in_dim3A_269 = vector.broadcast %jit3A_268 : i32 to vector<64x1024xi32>
    %select_n3A_270 = arith.select %eq3A_267, %iota3A, %broadcast_in_dim3A_269 : vector<64x1024xi1>, vector<64x1024xi32>
    %reduce_min3A = arith.constant dense<2147483647> : vector<64xi32>
    %reduce_min3A_271 = vector.multi_reduction <minsi>, %select_n3A_270, %reduce_min3A [1] : vector<64x1024xi32> to vector<64xi32>
    %broadcast_in_dim3A_272 = vector.shape_cast %reduce_min3A_271 : vector<64xi32> to vector<64x1xi32>
    %get3A_273 = arith.constant 0 : index
    %get3A_274 = arith.constant 0 : index
    %get3A_275 = vector.load %arg6[%get3A_273, %get3A_274] : memref<64x6xf32, #tpu.memory_space<vmem>>, vector<64x1xf32>
    %gt3A = arith.cmpf ogt, %broadcast_in_dim3A_265, %get3A_275 : vector<64x1xf32>
    %get3A_276 = arith.constant 0 : index
    %get3A_277 = arith.constant 0 : index
    %get3A_278 = vector.load %arg6[%get3A_276, %get3A_277] : memref<64x6xf32, #tpu.memory_space<vmem>>, vector<64x1xf32>
    %select_n3A_279 = arith.select %gt3A, %broadcast_in_dim3A_265, %get3A_278 : vector<64x1xi1>, vector<64x1xf32>
    %swap3A_280 = arith.constant 0 : index
    %swap3A_281 = arith.constant 0 : index
    %swap3A_282 = vector.load %arg6[%swap3A_280, %swap3A_281] : memref<64x6xf32, #tpu.memory_space<vmem>>, vector<64x1xf32>
    tpu.vector_store %arg6[%swap3A_280, %swap3A_281], %select_n3A_279 {strides = array<i32>} : memref<64x6xf32, #tpu.memory_space<vmem>>, vector<64x1xf32>,
    %mul3A_283 = arith.constant 1024 : i32
    %mul3A_284 = arith.muli %arg0, %mul3A_283 : i32
    %add3A_285 = vector.broadcast %mul3A_284 : i32 to vector<64x1xi32>
    %add3A_286 = arith.addi %broadcast_in_dim3A_272, %add3A_285 : vector<64x1xi32>
    %get3A_287 = arith.constant 0 : index
    %get3A_288 = arith.constant 0 : index
    %get3A_289 = vector.load %arg7[%get3A_287, %get3A_288] : memref<64x6xi32, #tpu.memory_space<vmem>>, vector<64x1xi32>
    %select_n3A_290 = arith.select %gt3A, %add3A_286, %get3A_289 : vector<64x1xi1>, vector<64x1xi32>
    %swap3A_291 = arith.constant 0 : index
    %swap3A_292 = arith.constant 0 : index
    %swap3A_293 = vector.load %arg7[%swap3A_291, %swap3A_292] : memref<64x6xi32, #tpu.memory_space<vmem>>, vector<64x1xi32>
    tpu.vector_store %arg7[%swap3A_291, %swap3A_292], %select_n3A_290 {strides = array<i32>} : memref<64x6xi32, #tpu.memory_space<vmem>>, vector<64x1xi32>,
    %mul3A_294 = arith.constant 1024 : i32
    %mul3A_295 = arith.muli %arg0, %mul3A_294 : i32
    %add3A_296 = arith.constant 64000042 : i32
    %add3A_297 = arith.addi %mul3A_295, %add3A_296 : i32
    %add3A_298 = vector.broadcast %add3A_297 : i32 to vector<64x1024xi32>
    %add3A_299 = arith.addi %add3A, %add3A_298 : vector<64x1024xi32>
    %shift_left3A_300 = arith.constant 13 : i32
    %shift_left3A_301 = vector.broadcast %shift_left3A_300 : i32 to vector<64x1024xi32>
    %shift_left3A_302 = arith.shli %add3A_299, %shift_left3A_301 : vector<64x1024xi32>
    %shift_right_logical3A_303 = arith.constant 19 : i32
    %shift_right_logical3A_304 = vector.broadcast %shift_right_logical3A_303 : i32 to vector<64x1024xi32>
    %shift_right_logical3A_305 = arith.shrui %add3A_299, %shift_right_logical3A_304 : vector<64x1024xi32>
    %or3A_306 = arith.ori %shift_left3A_302, %shift_right_logical3A_305 : vector<64x1024xi32>
    %xor3A_307 = arith.xori %or3A_306, %add3A_299 : vector<64x1024xi32>
    %add3A_308 = arith.addi %add3A_299, %xor3A_307 : vector<64x1024xi32>
    %shift_left3A_309 = arith.constant 15 : i32
    %shift_left3A_310 = vector.broadcast %shift_left3A_309 : i32 to vector<64x1024xi32>
    %shift_left3A_311 = arith.shli %xor3A_307, %shift_left3A_310 : vector<64x1024xi32>
    %shift_right_logical3A_312 = arith.constant 17 : i32
    %shift_right_logical3A_313 = vector.broadcast %shift_right_logical3A_312 : i32 to vector<64x1024xi32>
    %shift_right_logical3A_314 = arith.shrui %xor3A_307, %shift_right_logical3A_313 : vector<64x1024xi32>
    %or3A_315 = arith.ori %shift_left3A_311, %shift_right_logical3A_314 : vector<64x1024xi32>
    %xor3A_316 = arith.xori %add3A_308, %or3A_315 : vector<64x1024xi32>
    %add3A_317 = arith.addi %add3A_308, %xor3A_316 : vector<64x1024xi32>
    %shift_left3A_318 = arith.constant 26 : i32
    %shift_left3A_319 = vector.broadcast %shift_left3A_318 : i32 to vector<64x1024xi32>
    %shift_left3A_320 = arith.shli %xor3A_316, %shift_left3A_319 : vector<64x1024xi32>
    %shift_right_logical3A_321 = arith.constant 6 : i32
    %shift_right_logical3A_322 = vector.broadcast %shift_right_logical3A_321 : i32 to vector<64x1024xi32>
    %shift_right_logical3A_323 = arith.shrui %xor3A_316, %shift_right_logical3A_322 : vector<64x1024xi32>
    %or3A_324 = arith.ori %shift_left3A_320, %shift_right_logical3A_323 : vector<64x1024xi32>
    %xor3A_325 = arith.xori %add3A_317, %or3A_324 : vector<64x1024xi32>
    %add3A_326 = arith.addi %add3A_317, %xor3A_325 : vector<64x1024xi32>
    %shift_left3A_327 = arith.constant 6 : i32
    %shift_left3A_328 = vector.broadcast %shift_left3A_327 : i32 to vector<64x1024xi32>
    %shift_left3A_329 = arith.shli %xor3A_325, %shift_left3A_328 : vector<64x1024xi32>
    %shift_right_logical3A_330 = arith.constant 26 : i32
    %shift_right_logical3A_331 = vector.broadcast %shift_right_logical3A_330 : i32 to vector<64x1024xi32>
    %shift_right_logical3A_332 = arith.shrui %xor3A_325, %shift_right_logical3A_331 : vector<64x1024xi32>
    %or3A_333 = arith.ori %shift_left3A_329, %shift_right_logical3A_332 : vector<64x1024xi32>
    %xor3A_334 = arith.xori %add3A_326, %or3A_333 : vector<64x1024xi32>
    %add3A_335 = arith.constant 42 : i32
    %add3A_336 = vector.broadcast %add3A_335 : i32 to vector<64x1024xi32>
    %add3A_337 = arith.addi %add3A_326, %add3A_336 : vector<64x1024xi32>
    %add3A_338 = arith.constant 466689009 : i32
    %add3A_339 = vector.broadcast %add3A_338 : i32 to vector<64x1024xi32>
    %add3A_340 = arith.addi %xor3A_334, %add3A_339 : vector<64x1024xi32>
    %add3A_341 = arith.addi %add3A_337, %add3A_340 : vector<64x1024xi32>
    %shift_left3A_342 = arith.constant 17 : i32
    %shift_left3A_343 = vector.broadcast %shift_left3A_342 : i32 to vector<64x1024xi32>
    %shift_left3A_344 = arith.shli %add3A_340, %shift_left3A_343 : vector<64x1024xi32>
    %shift_right_logical3A_345 = arith.constant 15 : i32
    %shift_right_logical3A_346 = vector.broadcast %shift_right_logical3A_345 : i32 to vector<64x1024xi32>
    %shift_right_logical3A_347 = arith.shrui %add3A_340, %shift_right_logical3A_346 : vector<64x1024xi32>
    %or3A_348 = arith.ori %shift_left3A_344, %shift_right_logical3A_347 : vector<64x1024xi32>
    %xor3A_349 = arith.xori %add3A_341, %or3A_348 : vector<64x1024xi32>
    %add3A_350 = arith.addi %add3A_341, %xor3A_349 : vector<64x1024xi32>
    %shift_left3A_351 = arith.constant 29 : i32
    %shift_left3A_352 = vector.broadcast %shift_left3A_351 : i32 to vector<64x1024xi32>
    %shift_left3A_353 = arith.shli %xor3A_349, %shift_left3A_352 : vector<64x1024xi32>
    %shift_right_logical3A_354 = arith.constant 3 : i32
    %shift_right_logical3A_355 = vector.broadcast %shift_right_logical3A_354 : i32 to vector<64x1024xi32>
    %shift_right_logical3A_356 = arith.shrui %xor3A_349, %shift_right_logical3A_355 : vector<64x1024xi32>
    %or3A_357 = arith.ori %shift_left3A_353, %shift_right_logical3A_356 : vector<64x1024xi32>
    %xor3A_358 = arith.xori %add3A_350, %or3A_357 : vector<64x1024xi32>
    %add3A_359 = arith.addi %add3A_350, %xor3A_358 : vector<64x1024xi32>
    %shift_left3A_360 = arith.constant 16 : i32
    %shift_left3A_361 = vector.broadcast %shift_left3A_360 : i32 to vector<64x1024xi32>
    %shift_left3A_362 = arith.shli %xor3A_358, %shift_left3A_361 : vector<64x1024xi32>
    %shift_right_logical3A_363 = arith.constant 16 : i32
    %shift_right_logical3A_364 = vector.broadcast %shift_right_logical3A_363 : i32 to vector<64x1024xi32>
    %shift_right_logical3A_365 = arith.shrui %xor3A_358, %shift_right_logical3A_364 : vector<64x1024xi32>
    %or3A_366 = arith.ori %shift_left3A_362, %shift_right_logical3A_365 : vector<64x1024xi32>
    %xor3A_367 = arith.xori %add3A_359, %or3A_366 : vector<64x1024xi32>
    %add3A_368 = arith.addi %add3A_359, %xor3A_367 : vector<64x1024xi32>
    %shift_left3A_369 = arith.constant 24 : i32
    %shift_left3A_370 = vector.broadcast %shift_left3A_369 : i32 to vector<64x1024xi32>
    %shift_left3A_371 = arith.shli %xor3A_367, %shift_left3A_370 : vector<64x1024xi32>
    %shift_right_logical3A_372 = arith.constant 8 : i32
    %shift_right_logical3A_373 = vector.broadcast %shift_right_logical3A_372 : i32 to vector<64x1024xi32>
    %shift_right_logical3A_374 = arith.shrui %xor3A_367, %shift_right_logical3A_373 : vector<64x1024xi32>
    %or3A_375 = arith.ori %shift_left3A_371, %shift_right_logical3A_374 : vector<64x1024xi32>
    %xor3A_376 = arith.xori %add3A_368, %or3A_375 : vector<64x1024xi32>
    %add3A_377 = arith.constant 466689008 : i32
    %add3A_378 = vector.broadcast %add3A_377 : i32 to vector<64x1024xi32>
    %add3A_379 = arith.addi %add3A_368, %add3A_378 : vector<64x1024xi32>
    %add3A_380 = arith.constant 2 : i32
    %add3A_381 = vector.broadcast %add3A_380 : i32 to vector<64x1024xi32>
    %add3A_382 = arith.addi %xor3A_376, %add3A_381 : vector<64x1024xi32>
    %add3A_383 = arith.addi %add3A_379, %add3A_382 : vector<64x1024xi32>
    %shift_left3A_384 = arith.constant 13 : i32
    %shift_left3A_385 = vector.broadcast %shift_left3A_384 : i32 to vector<64x1024xi32>
    %shift_left3A_386 = arith.shli %add3A_382, %shift_left3A_385 : vector<64x1024xi32>
    %shift_right_logical3A_387 = arith.constant 19 : i32
    %shift_right_logical3A_388 = vector.broadcast %shift_right_logical3A_387 : i32 to vector<64x1024xi32>
    %shift_right_logical3A_389 = arith.shrui %add3A_382, %shift_right_logical3A_388 : vector<64x1024xi32>
    %or3A_390 = arith.ori %shift_left3A_386, %shift_right_logical3A_389 : vector<64x1024xi32>
    %xor3A_391 = arith.xori %add3A_383, %or3A_390 : vector<64x1024xi32>
    %add3A_392 = arith.addi %add3A_383, %xor3A_391 : vector<64x1024xi32>
    %shift_left3A_393 = arith.constant 15 : i32
    %shift_left3A_394 = vector.broadcast %shift_left3A_393 : i32 to vector<64x1024xi32>
    %shift_left3A_395 = arith.shli %xor3A_391, %shift_left3A_394 : vector<64x1024xi32>
    %shift_right_logical3A_396 = arith.constant 17 : i32
    %shift_right_logical3A_397 = vector.broadcast %shift_right_logical3A_396 : i32 to vector<64x1024xi32>
    %shift_right_logical3A_398 = arith.shrui %xor3A_391, %shift_right_logical3A_397 : vector<64x1024xi32>
    %or3A_399 = arith.ori %shift_left3A_395, %shift_right_logical3A_398 : vector<64x1024xi32>
    %xor3A_400 = arith.xori %add3A_392, %or3A_399 : vector<64x1024xi32>
    %add3A_401 = arith.addi %add3A_392, %xor3A_400 : vector<64x1024xi32>
    %shift_left3A_402 = arith.constant 26 : i32
    %shift_left3A_403 = vector.broadcast %shift_left3A_402 : i32 to vector<64x1024xi32>
    %shift_left3A_404 = arith.shli %xor3A_400, %shift_left3A_403 : vector<64x1024xi32>
    %shift_right_logical3A_405 = arith.constant 6 : i32
    %shift_right_logical3A_406 = vector.broadcast %shift_right_logical3A_405 : i32 to vector<64x1024xi32>
    %shift_right_logical3A_407 = arith.shrui %xor3A_400, %shift_right_logical3A_406 : vector<64x1024xi32>
    %or3A_408 = arith.ori %shift_left3A_404, %shift_right_logical3A_407 : vector<64x1024xi32>
    %xor3A_409 = arith.xori %add3A_401, %or3A_408 : vector<64x1024xi32>
    %add3A_410 = arith.addi %add3A_401, %xor3A_409 : vector<64x1024xi32>
    %shift_left3A_411 = arith.constant 6 : i32
    %shift_left3A_412 = vector.broadcast %shift_left3A_411 : i32 to vector<64x1024xi32>
    %shift_left3A_413 = arith.shli %xor3A_409, %shift_left3A_412 : vector<64x1024xi32>
    %shift_right_logical3A_414 = arith.constant 26 : i32
    %shift_right_logical3A_415 = vector.broadcast %shift_right_logical3A_414 : i32 to vector<64x1024xi32>
    %shift_right_logical3A_416 = arith.shrui %xor3A_409, %shift_right_logical3A_415 : vector<64x1024xi32>
    %or3A_417 = arith.ori %shift_left3A_413, %shift_right_logical3A_416 : vector<64x1024xi32>
    %xor3A_418 = arith.xori %add3A_410, %or3A_417 : vector<64x1024xi32>
    %add3A_419 = arith.constant 45 : i32
    %add3A_420 = vector.broadcast %add3A_419 : i32 to vector<64x1024xi32>
    %add3A_421 = arith.addi %xor3A_418, %add3A_420 : vector<64x1024xi32>
    %add3A_422 = arith.addi %add3A_410, %add3A_421 : vector<64x1024xi32>
    %shift_left3A_423 = arith.constant 17 : i32
    %shift_left3A_424 = vector.broadcast %shift_left3A_423 : i32 to vector<64x1024xi32>
    %shift_left3A_425 = arith.shli %add3A_421, %shift_left3A_424 : vector<64x1024xi32>
    %shift_right_logical3A_426 = arith.constant 15 : i32
    %shift_right_logical3A_427 = vector.broadcast %shift_right_logical3A_426 : i32 to vector<64x1024xi32>
    %shift_right_logical3A_428 = arith.shrui %add3A_421, %shift_right_logical3A_427 : vector<64x1024xi32>
    %or3A_429 = arith.ori %shift_left3A_425, %shift_right_logical3A_428 : vector<64x1024xi32>
    %xor3A_430 = arith.xori %add3A_422, %or3A_429 : vector<64x1024xi32>
    %add3A_431 = arith.addi %add3A_422, %xor3A_430 : vector<64x1024xi32>
    %shift_left3A_432 = arith.constant 29 : i32
    %shift_left3A_433 = vector.broadcast %shift_left3A_432 : i32 to vector<64x1024xi32>
    %shift_left3A_434 = arith.shli %xor3A_430, %shift_left3A_433 : vector<64x1024xi32>
    %shift_right_logical3A_435 = arith.constant 3 : i32
    %shift_right_logical3A_436 = vector.broadcast %shift_right_logical3A_435 : i32 to vector<64x1024xi32>
    %shift_right_logical3A_437 = arith.shrui %xor3A_430, %shift_right_logical3A_436 : vector<64x1024xi32>
    %or3A_438 = arith.ori %shift_left3A_434, %shift_right_logical3A_437 : vector<64x1024xi32>
    %xor3A_439 = arith.xori %add3A_431, %or3A_438 : vector<64x1024xi32>
    %add3A_440 = arith.addi %add3A_431, %xor3A_439 : vector<64x1024xi32>
    %shift_left3A_441 = arith.constant 16 : i32
    %shift_left3A_442 = vector.broadcast %shift_left3A_441 : i32 to vector<64x1024xi32>
    %shift_left3A_443 = arith.shli %xor3A_439, %shift_left3A_442 : vector<64x1024xi32>
    %shift_right_logical3A_444 = arith.constant 16 : i32
    %shift_right_logical3A_445 = vector.broadcast %shift_right_logical3A_444 : i32 to vector<64x1024xi32>
    %shift_right_logical3A_446 = arith.shrui %xor3A_439, %shift_right_logical3A_445 : vector<64x1024xi32>
    %or3A_447 = arith.ori %shift_left3A_443, %shift_right_logical3A_446 : vector<64x1024xi32>
    %xor3A_448 = arith.xori %add3A_440, %or3A_447 : vector<64x1024xi32>
    %add3A_449 = arith.addi %add3A_440, %xor3A_448 : vector<64x1024xi32>
    %shift_left3A_450 = arith.constant 24 : i32
    %shift_left3A_451 = vector.broadcast %shift_left3A_450 : i32 to vector<64x1024xi32>
    %shift_left3A_452 = arith.shli %xor3A_448, %shift_left3A_451 : vector<64x1024xi32>
    %shift_right_logical3A_453 = arith.constant 8 : i32
    %shift_right_logical3A_454 = vector.broadcast %shift_right_logical3A_453 : i32 to vector<64x1024xi32>
    %shift_right_logical3A_455 = arith.shrui %xor3A_448, %shift_right_logical3A_454 : vector<64x1024xi32>
    %or3A_456 = arith.ori %shift_left3A_452, %shift_right_logical3A_455 : vector<64x1024xi32>
    %xor3A_457 = arith.xori %add3A_449, %or3A_456 : vector<64x1024xi32>
    %add3A_458 = arith.constant 42 : i32
    %add3A_459 = vector.broadcast %add3A_458 : i32 to vector<64x1024xi32>
    %add3A_460 = arith.addi %add3A_449, %add3A_459 : vector<64x1024xi32>
    %add3A_461 = arith.constant 466689012 : i32
    %add3A_462 = vector.broadcast %add3A_461 : i32 to vector<64x1024xi32>
    %add3A_463 = arith.addi %xor3A_457, %add3A_462 : vector<64x1024xi32>
    %add3A_464 = arith.addi %add3A_460, %add3A_463 : vector<64x1024xi32>
    %shift_left3A_465 = arith.constant 13 : i32
    %shift_left3A_466 = vector.broadcast %shift_left3A_465 : i32 to vector<64x1024xi32>
    %shift_left3A_467 = arith.shli %add3A_463, %shift_left3A_466 : vector<64x1024xi32>
    %shift_right_logical3A_468 = arith.constant 19 : i32
    %shift_right_logical3A_469 = vector.broadcast %shift_right_logical3A_468 : i32 to vector<64x1024xi32>
    %shift_right_logical3A_470 = arith.shrui %add3A_463, %shift_right_logical3A_469 : vector<64x1024xi32>
    %or3A_471 = arith.ori %shift_left3A_467, %shift_right_logical3A_470 : vector<64x1024xi32>
    %xor3A_472 = arith.xori %add3A_464, %or3A_471 : vector<64x1024xi32>
    %add3A_473 = arith.addi %add3A_464, %xor3A_472 : vector<64x1024xi32>
    %shift_left3A_474 = arith.constant 15 : i32
    %shift_left3A_475 = vector.broadcast %shift_left3A_474 : i32 to vector<64x1024xi32>
    %shift_left3A_476 = arith.shli %xor3A_472, %shift_left3A_475 : vector<64x1024xi32>
    %shift_right_logical3A_477 = arith.constant 17 : i32
    %shift_right_logical3A_478 = vector.broadcast %shift_right_logical3A_477 : i32 to vector<64x1024xi32>
    %shift_right_logical3A_479 = arith.shrui %xor3A_472, %shift_right_logical3A_478 : vector<64x1024xi32>
    %or3A_480 = arith.ori %shift_left3A_476, %shift_right_logical3A_479 : vector<64x1024xi32>
    %xor3A_481 = arith.xori %add3A_473, %or3A_480 : vector<64x1024xi32>
    %add3A_482 = arith.addi %add3A_473, %xor3A_481 : vector<64x1024xi32>
    %shift_left3A_483 = arith.constant 26 : i32
    %shift_left3A_484 = vector.broadcast %shift_left3A_483 : i32 to vector<64x1024xi32>
    %shift_left3A_485 = arith.shli %xor3A_481, %shift_left3A_484 : vector<64x1024xi32>
    %shift_right_logical3A_486 = arith.constant 6 : i32
    %shift_right_logical3A_487 = vector.broadcast %shift_right_logical3A_486 : i32 to vector<64x1024xi32>
    %shift_right_logical3A_488 = arith.shrui %xor3A_481, %shift_right_logical3A_487 : vector<64x1024xi32>
    %or3A_489 = arith.ori %shift_left3A_485, %shift_right_logical3A_488 : vector<64x1024xi32>
    %xor3A_490 = arith.xori %add3A_482, %or3A_489 : vector<64x1024xi32>
    %add3A_491 = arith.addi %add3A_482, %xor3A_490 : vector<64x1024xi32>
    %shift_left3A_492 = arith.constant 6 : i32
    %shift_left3A_493 = vector.broadcast %shift_left3A_492 : i32 to vector<64x1024xi32>
    %shift_left3A_494 = arith.shli %xor3A_490, %shift_left3A_493 : vector<64x1024xi32>
    %shift_right_logical3A_495 = arith.constant 26 : i32
    %shift_right_logical3A_496 = vector.broadcast %shift_right_logical3A_495 : i32 to vector<64x1024xi32>
    %shift_right_logical3A_497 = arith.shrui %xor3A_490, %shift_right_logical3A_496 : vector<64x1024xi32>
    %or3A_498 = arith.ori %shift_left3A_494, %shift_right_logical3A_497 : vector<64x1024xi32>
    %xor3A_499 = arith.xori %add3A_491, %or3A_498 : vector<64x1024xi32>
    %add3A_500 = arith.constant 466689008 : i32
    %add3A_501 = vector.broadcast %add3A_500 : i32 to vector<64x1024xi32>
    %add3A_502 = arith.addi %add3A_491, %add3A_501 : vector<64x1024xi32>
    %add3A_503 = arith.constant 5 : i32
    %add3A_504 = vector.broadcast %add3A_503 : i32 to vector<64x1024xi32>
    %add3A_505 = arith.addi %xor3A_499, %add3A_504 : vector<64x1024xi32>
    %xor3A_506 = arith.xori %add3A_502, %add3A_505 : vector<64x1024xi32>
    %shift_right_logical3A_507 = arith.constant 9 : i32
    %shift_right_logical3A_508 = vector.broadcast %shift_right_logical3A_507 : i32 to vector<64x1024xi32>
    %shift_right_logical3A_509 = arith.shrui %xor3A_506, %shift_right_logical3A_508 : vector<64x1024xi32>
    %or3A_510 = arith.constant 1065353216 : i32
    %or3A_511 = vector.broadcast %or3A_510 : i32 to vector<64x1024xi32>
    %or3A_512 = arith.ori %shift_right_logical3A_509, %or3A_511 : vector<64x1024xi32>
    %bitcast_convert_type3A_513 = tpu.bitcast %or3A_512 : vector<64x1024xi32> -> vector<64x1024xf32>
    %sub3A_514 = arith.constant 1.000000e+00 : f32
    %sub3A_515 = vector.broadcast %sub3A_514 : f32 to vector<64x1024xf32>
    %sub3A_516 = arith.subf %bitcast_convert_type3A_513, %sub3A_515 : vector<64x1024xf32>
    %add3A_517 = arith.constant 1.17549435E-38 : f32
    %add3A_518 = vector.broadcast %add3A_517 : f32 to vector<64x1024xf32>
    %add3A_519 = arith.addf %sub3A_516, %add3A_518 : vector<64x1024xf32>
    %max3A_520 = arith.constant 1.17549435E-38 : f32
    %max3A_521 = vector.broadcast %max3A_520 : f32 to vector<64x1024xf32>
    %max3A_522 = arith.maximumf %max3A_521, %add3A_519 : vector<64x1024xf32>
    %log3A_523 = math.log %max3A_522 : vector<64x1024xf32>
    %neg3A_524 = arith.constant 0.000000e+00 : f32
    %neg3A_525 = vector.broadcast %neg3A_524 : f32 to vector<64x1024xf32>
    %neg3A_526 = arith.subf %neg3A_525, %log3A_523 : vector<64x1024xf32>
    %log3A_527 = math.log %neg3A_526 : vector<64x1024xf32>
    %neg3A_528 = arith.constant 0.000000e+00 : f32
    %neg3A_529 = vector.broadcast %neg3A_528 : f32 to vector<64x1024xf32>
    %neg3A_530 = arith.subf %neg3A_529, %log3A_527 : vector<64x1024xf32>
    %add3A_531 = arith.addf %neg3A_530, %select_n3A : vector<64x1024xf32>
    %reduce_max3A_532 = arith.constant dense<0xFF800000> : vector<64xf32>
    %reduce_max3A_533 = vector.multi_reduction <maximumf>, %add3A_531, %reduce_max3A_532 [1] : vector<64x1024xf32> to vector<64xf32>
    %broadcast_in_dim3A_534 = vector.shape_cast %reduce_max3A_533 : vector<64xf32> to vector<64x1xf32>
    %eq3A_535 = vector.broadcast %broadcast_in_dim3A_534 : vector<64x1xf32> to vector<64x1024xf32>
    %eq3A_536 = arith.cmpf oeq, %add3A_531, %eq3A_535 : vector<64x1024xf32>
    %jit3A_537 = arith.constant 2147483647 : i32
    %broadcast_in_dim3A_538 = vector.broadcast %jit3A_537 : i32 to vector<64x1024xi32>
    %select_n3A_539 = arith.select %eq3A_536, %iota3A, %broadcast_in_dim3A_538 : vector<64x1024xi1>, vector<64x1024xi32>
    %reduce_min3A_540 = arith.constant dense<2147483647> : vector<64xi32>
    %reduce_min3A_541 = vector.multi_reduction <minsi>, %select_n3A_539, %reduce_min3A_540 [1] : vector<64x1024xi32> to vector<64xi32>
    %broadcast_in_dim3A_542 = vector.shape_cast %reduce_min3A_541 : vector<64xi32> to vector<64x1xi32>
    %get3A_543 = arith.constant 0 : index
    %get3A_544 = arith.constant 1 : index
    %get3A_545 = vector.load %arg6[%get3A_543, %get3A_544] : memref<64x6xf32, #tpu.memory_space<vmem>>, vector<64x1xf32>
    %gt3A_546 = arith.cmpf ogt, %broadcast_in_dim3A_534, %get3A_545 : vector<64x1xf32>
    %get3A_547 = arith.constant 0 : index
    %get3A_548 = arith.constant 1 : index
    %get3A_549 = vector.load %arg6[%get3A_547, %get3A_548] : memref<64x6xf32, #tpu.memory_space<vmem>>, vector<64x1xf32>
    %select_n3A_550 = arith.select %gt3A_546, %broadcast_in_dim3A_534, %get3A_549 : vector<64x1xi1>, vector<64x1xf32>
    %swap3A_551 = arith.constant 0 : index
    %swap3A_552 = arith.constant 1 : index
    %swap3A_553 = vector.load %arg6[%swap3A_551, %swap3A_552] : memref<64x6xf32, #tpu.memory_space<vmem>>, vector<64x1xf32>
    tpu.vector_store %arg6[%swap3A_551, %swap3A_552], %select_n3A_550 {strides = array<i32>} : memref<64x6xf32, #tpu.memory_space<vmem>>, vector<64x1xf32>,
    %mul3A_554 = arith.constant 1024 : i32
    %mul3A_555 = arith.muli %arg0, %mul3A_554 : i32
    %add3A_556 = vector.broadcast %mul3A_555 : i32 to vector<64x1xi32>
    %add3A_557 = arith.addi %broadcast_in_dim3A_542, %add3A_556 : vector<64x1xi32>
    %get3A_558 = arith.constant 0 : index
    %get3A_559 = arith.constant 1 : index
    %get3A_560 = vector.load %arg7[%get3A_558, %get3A_559] : memref<64x6xi32, #tpu.memory_space<vmem>>, vector<64x1xi32>
    %select_n3A_561 = arith.select %gt3A_546, %add3A_557, %get3A_560 : vector<64x1xi1>, vector<64x1xi32>
    %swap3A_562 = arith.constant 0 : index
    %swap3A_563 = arith.constant 1 : index
    %swap3A_564 = vector.load %arg7[%swap3A_562, %swap3A_563] : memref<64x6xi32, #tpu.memory_space<vmem>>, vector<64x1xi32>
    tpu.vector_store %arg7[%swap3A_562, %swap3A_563], %select_n3A_561 {strides = array<i32>} : memref<64x6xi32, #tpu.memory_space<vmem>>, vector<64x1xi32>,
    %mul3A_565 = arith.constant 1024 : i32
    %mul3A_566 = arith.muli %arg0, %mul3A_565 : i32
    %add3A_567 = arith.constant 128000042 : i32
    %add3A_568 = arith.addi %mul3A_566, %add3A_567 : i32
    %add3A_569 = vector.broadcast %add3A_568 : i32 to vector<64x1024xi32>
    %add3A_570 = arith.addi %add3A, %add3A_569 : vector<64x1024xi32>
    %shift_left3A_571 = arith.constant 13 : i32
    %shift_left3A_572 = vector.broadcast %shift_left3A_571 : i32 to vector<64x1024xi32>
    %shift_left3A_573 = arith.shli %add3A_570, %shift_left3A_572 : vector<64x1024xi32>
    %shift_right_logical3A_574 = arith.constant 19 : i32
    %shift_right_logical3A_575 = vector.broadcast %shift_right_logical3A_574 : i32 to vector<64x1024xi32>
    %shift_right_logical3A_576 = arith.shrui %add3A_570, %shift_right_logical3A_575 : vector<64x1024xi32>
    %or3A_577 = arith.ori %shift_left3A_573, %shift_right_logical3A_576 : vector<64x1024xi32>
    %xor3A_578 = arith.xori %or3A_577, %add3A_570 : vector<64x1024xi32>
    %add3A_579 = arith.addi %add3A_570, %xor3A_578 : vector<64x1024xi32>
    %shift_left3A_580 = arith.constant 15 : i32
    %shift_left3A_581 = vector.broadcast %shift_left3A_580 : i32 to vector<64x1024xi32>
    %shift_left3A_582 = arith.shli %xor3A_578, %shift_left3A_581 : vector<64x1024xi32>
    %shift_right_logical3A_583 = arith.constant 17 : i32
    %shift_right_logical3A_584 = vector.broadcast %shift_right_logical3A_583 : i32 to vector<64x1024xi32>
    %shift_right_logical3A_585 = arith.shrui %xor3A_578, %shift_right_logical3A_584 : vector<64x1024xi32>
    %or3A_586 = arith.ori %shift_left3A_582, %shift_right_logical3A_585 : vector<64x1024xi32>
    %xor3A_587 = arith.xori %add3A_579, %or3A_586 : vector<64x1024xi32>
    %add3A_588 = arith.addi %add3A_579, %xor3A_587 : vector<64x1024xi32>
    %shift_left3A_589 = arith.constant 26 : i32
    %shift_left3A_590 = vector.broadcast %shift_left3A_589 : i32 to vector<64x1024xi32>
    %shift_left3A_591 = arith.shli %xor3A_587, %shift_left3A_590 : vector<64x1024xi32>
    %shift_right_logical3A_592 = arith.constant 6 : i32
    %shift_right_logical3A_593 = vector.broadcast %shift_right_logical3A_592 : i32 to vector<64x1024xi32>
    %shift_right_logical3A_594 = arith.shrui %xor3A_587, %shift_right_logical3A_593 : vector<64x1024xi32>
    %or3A_595 = arith.ori %shift_left3A_591, %shift_right_logical3A_594 : vector<64x1024xi32>
    %xor3A_596 = arith.xori %add3A_588, %or3A_595 : vector<64x1024xi32>
    %add3A_597 = arith.addi %add3A_588, %xor3A_596 : vector<64x1024xi32>
    %shift_left3A_598 = arith.constant 6 : i32
    %shift_left3A_599 = vector.broadcast %shift_left3A_598 : i32 to vector<64x1024xi32>
    %shift_left3A_600 = arith.shli %xor3A_596, %shift_left3A_599 : vector<64x1024xi32>
    %shift_right_logical3A_601 = arith.constant 26 : i32
    %shift_right_logical3A_602 = vector.broadcast %shift_right_logical3A_601 : i32 to vector<64x1024xi32>
    %shift_right_logical3A_603 = arith.shrui %xor3A_596, %shift_right_logical3A_602 : vector<64x1024xi32>
    %or3A_604 = arith.ori %shift_left3A_600, %shift_right_logical3A_603 : vector<64x1024xi32>
    %xor3A_605 = arith.xori %add3A_597, %or3A_604 : vector<64x1024xi32>
    %add3A_606 = arith.constant 42 : i32
    %add3A_607 = vector.broadcast %add3A_606 : i32 to vector<64x1024xi32>
    %add3A_608 = arith.addi %add3A_597, %add3A_607 : vector<64x1024xi32>
    %add3A_609 = arith.constant 466689009 : i32
    %add3A_610 = vector.broadcast %add3A_609 : i32 to vector<64x1024xi32>
    %add3A_611 = arith.addi %xor3A_605, %add3A_610 : vector<64x1024xi32>
    %add3A_612 = arith.addi %add3A_608, %add3A_611 : vector<64x1024xi32>
    %shift_left3A_613 = arith.constant 17 : i32
    %shift_left3A_614 = vector.broadcast %shift_left3A_613 : i32 to vector<64x1024xi32>
    %shift_left3A_615 = arith.shli %add3A_611, %shift_left3A_614 : vector<64x1024xi32>
    %shift_right_logical3A_616 = arith.constant 15 : i32
    %shift_right_logical3A_617 = vector.broadcast %shift_right_logical3A_616 : i32 to vector<64x1024xi32>
    %shift_right_logical3A_618 = arith.shrui %add3A_611, %shift_right_logical3A_617 : vector<64x1024xi32>
    %or3A_619 = arith.ori %shift_left3A_615, %shift_right_logical3A_618 : vector<64x1024xi32>
    %xor3A_620 = arith.xori %add3A_612, %or3A_619 : vector<64x1024xi32>
    %add3A_621 = arith.addi %add3A_612, %xor3A_620 : vector<64x1024xi32>
    %shift_left3A_622 = arith.constant 29 : i32
    %shift_left3A_623 = vector.broadcast %shift_left3A_622 : i32 to vector<64x1024xi32>
    %shift_left3A_624 = arith.shli %xor3A_620, %shift_left3A_623 : vector<64x1024xi32>
    %shift_right_logical3A_625 = arith.constant 3 : i32
    %shift_right_logical3A_626 = vector.broadcast %shift_right_logical3A_625 : i32 to vector<64x1024xi32>
    %shift_right_logical3A_627 = arith.shrui %xor3A_620, %shift_right_logical3A_626 : vector<64x1024xi32>
    %or3A_628 = arith.ori %shift_left3A_624, %shift_right_logical3A_627 : vector<64x1024xi32>
    %xor3A_629 = arith.xori %add3A_621, %or3A_628 : vector<64x1024xi32>
    %add3A_630 = arith.addi %add3A_621, %xor3A_629 : vector<64x1024xi32>
    %shift_left3A_631 = arith.constant 16 : i32
    %shift_left3A_632 = vector.broadcast %shift_left3A_631 : i32 to vector<64x1024xi32>
    %shift_left3A_633 = arith.shli %xor3A_629, %shift_left3A_632 : vector<64x1024xi32>
    %shift_right_logical3A_634 = arith.constant 16 : i32
    %shift_right_logical3A_635 = vector.broadcast %shift_right_logical3A_634 : i32 to vector<64x1024xi32>
    %shift_right_logical3A_636 = arith.shrui %xor3A_629, %shift_right_logical3A_635 : vector<64x1024xi32>
    %or3A_637 = arith.ori %shift_left3A_633, %shift_right_logical3A_636 : vector<64x1024xi32>
    %xor3A_638 = arith.xori %add3A_630, %or3A_637 : vector<64x1024xi32>
    %add3A_639 = arith.addi %add3A_630, %xor3A_638 : vector<64x1024xi32>
    %shift_left3A_640 = arith.constant 24 : i32
    %shift_left3A_641 = vector.broadcast %shift_left3A_640 : i32 to vector<64x1024xi32>
    %shift_left3A_642 = arith.shli %xor3A_638, %shift_left3A_641 : vector<64x1024xi32>
    %shift_right_logical3A_643 = arith.constant 8 : i32
    %shift_right_logical3A_644 = vector.broadcast %shift_right_logical3A_643 : i32 to vector<64x1024xi32>
    %shift_right_logical3A_645 = arith.shrui %xor3A_638, %shift_right_logical3A_644 : vector<64x1024xi32>
    %or3A_646 = arith.ori %shift_left3A_642, %shift_right_logical3A_645 : vector<64x1024xi32>
    %xor3A_647 = arith.xori %add3A_639, %or3A_646 : vector<64x1024xi32>
    %add3A_648 = arith.constant 466689008 : i32
    %add3A_649 = vector.broadcast %add3A_648 : i32 to vector<64x1024xi32>
    %add3A_650 = arith.addi %add3A_639, %add3A_649 : vector<64x1024xi32>
    %add3A_651 = arith.constant 2 : i32
    %add3A_652 = vector.broadcast %add3A_651 : i32 to vector<64x1024xi32>
    %add3A_653 = arith.addi %xor3A_647, %add3A_652 : vector<64x1024xi32>
    %add3A_654 = arith.addi %add3A_650, %add3A_653 : vector<64x1024xi32>
    %shift_left3A_655 = arith.constant 13 : i32
    %shift_left3A_656 = vector.broadcast %shift_left3A_655 : i32 to vector<64x1024xi32>
    %shift_left3A_657 = arith.shli %add3A_653, %shift_left3A_656 : vector<64x1024xi32>
    %shift_right_logical3A_658 = arith.constant 19 : i32
    %shift_right_logical3A_659 = vector.broadcast %shift_right_logical3A_658 : i32 to vector<64x1024xi32>
    %shift_right_logical3A_660 = arith.shrui %add3A_653, %shift_right_logical3A_659 : vector<64x1024xi32>
    %or3A_661 = arith.ori %shift_left3A_657, %shift_right_logical3A_660 : vector<64x1024xi32>
    %xor3A_662 = arith.xori %add3A_654, %or3A_661 : vector<64x1024xi32>
    %add3A_663 = arith.addi %add3A_654, %xor3A_662 : vector<64x1024xi32>
    %shift_left3A_664 = arith.constant 15 : i32
    %shift_left3A_665 = vector.broadcast %shift_left3A_664 : i32 to vector<64x1024xi32>
    %shift_left3A_666 = arith.shli %xor3A_662, %shift_left3A_665 : vector<64x1024xi32>
    %shift_right_logical3A_667 = arith.constant 17 : i32
    %shift_right_logical3A_668 = vector.broadcast %shift_right_logical3A_667 : i32 to vector<64x1024xi32>
    %shift_right_logical3A_669 = arith.shrui %xor3A_662, %shift_right_logical3A_668 : vector<64x1024xi32>
    %or3A_670 = arith.ori %shift_left3A_666, %shift_right_logical3A_669 : vector<64x1024xi32>
    %xor3A_671 = arith.xori %add3A_663, %or3A_670 : vector<64x1024xi32>
    %add3A_672 = arith.addi %add3A_663, %xor3A_671 : vector<64x1024xi32>
    %shift_left3A_673 = arith.constant 26 : i32
    %shift_left3A_674 = vector.broadcast %shift_left3A_673 : i32 to vector<64x1024xi32>
    %shift_left3A_675 = arith.shli %xor3A_671, %shift_left3A_674 : vector<64x1024xi32>
    %shift_right_logical3A_676 = arith.constant 6 : i32
    %shift_right_logical3A_677 = vector.broadcast %shift_right_logical3A_676 : i32 to vector<64x1024xi32>
    %shift_right_logical3A_678 = arith.shrui %xor3A_671, %shift_right_logical3A_677 : vector<64x1024xi32>
    %or3A_679 = arith.ori %shift_left3A_675, %shift_right_logical3A_678 : vector<64x1024xi32>
    %xor3A_680 = arith.xori %add3A_672, %or3A_679 : vector<64x1024xi32>
    %add3A_681 = arith.addi %add3A_672, %xor3A_680 : vector<64x1024xi32>
    %shift_left3A_682 = arith.constant 6 : i32
    %shift_left3A_683 = vector.broadcast %shift_left3A_682 : i32 to vector<64x1024xi32>
    %shift_left3A_684 = arith.shli %xor3A_680, %shift_left3A_683 : vector<64x1024xi32>
    %shift_right_logical3A_685 = arith.constant 26 : i32
    %shift_right_logical3A_686 = vector.broadcast %shift_right_logical3A_685 : i32 to vector<64x1024xi32>
    %shift_right_logical3A_687 = arith.shrui %xor3A_680, %shift_right_logical3A_686 : vector<64x1024xi32>
    %or3A_688 = arith.ori %shift_left3A_684, %shift_right_logical3A_687 : vector<64x1024xi32>
    %xor3A_689 = arith.xori %add3A_681, %or3A_688 : vector<64x1024xi32>
    %add3A_690 = arith.constant 45 : i32
    %add3A_691 = vector.broadcast %add3A_690 : i32 to vector<64x1024xi32>
    %add3A_692 = arith.addi %xor3A_689, %add3A_691 : vector<64x1024xi32>
    %add3A_693 = arith.addi %add3A_681, %add3A_692 : vector<64x1024xi32>
    %shift_left3A_694 = arith.constant 17 : i32
    %shift_left3A_695 = vector.broadcast %shift_left3A_694 : i32 to vector<64x1024xi32>
    %shift_left3A_696 = arith.shli %add3A_692, %shift_left3A_695 : vector<64x1024xi32>
    %shift_right_logical3A_697 = arith.constant 15 : i32
    %shift_right_logical3A_698 = vector.broadcast %shift_right_logical3A_697 : i32 to vector<64x1024xi32>
    %shift_right_logical3A_699 = arith.shrui %add3A_692, %shift_right_logical3A_698 : vector<64x1024xi32>
    %or3A_700 = arith.ori %shift_left3A_696, %shift_right_logical3A_699 : vector<64x1024xi32>
    %xor3A_701 = arith.xori %add3A_693, %or3A_700 : vector<64x1024xi32>
    %add3A_702 = arith.addi %add3A_693, %xor3A_701 : vector<64x1024xi32>
    %shift_left3A_703 = arith.constant 29 : i32
    %shift_left3A_704 = vector.broadcast %shift_left3A_703 : i32 to vector<64x1024xi32>
    %shift_left3A_705 = arith.shli %xor3A_701, %shift_left3A_704 : vector<64x1024xi32>
    %shift_right_logical3A_706 = arith.constant 3 : i32
    %shift_right_logical3A_707 = vector.broadcast %shift_right_logical3A_706 : i32 to vector<64x1024xi32>
    %shift_right_logical3A_708 = arith.shrui %xor3A_701, %shift_right_logical3A_707 : vector<64x1024xi32>
    %or3A_709 = arith.ori %shift_left3A_705, %shift_right_logical3A_708 : vector<64x1024xi32>
    %xor3A_710 = arith.xori %add3A_702, %or3A_709 : vector<64x1024xi32>
    %add3A_711 = arith.addi %add3A_702, %xor3A_710 : vector<64x1024xi32>
    %shift_left3A_712 = arith.constant 16 : i32
    %shift_left3A_713 = vector.broadcast %shift_left3A_712 : i32 to vector<64x1024xi32>
    %shift_left3A_714 = arith.shli %xor3A_710, %shift_left3A_713 : vector<64x1024xi32>
    %shift_right_logical3A_715 = arith.constant 16 : i32
    %shift_right_logical3A_716 = vector.broadcast %shift_right_logical3A_715 : i32 to vector<64x1024xi32>
    %shift_right_logical3A_717 = arith.shrui %xor3A_710, %shift_right_logical3A_716 : vector<64x1024xi32>
    %or3A_718 = arith.ori %shift_left3A_714, %shift_right_logical3A_717 : vector<64x1024xi32>
    %xor3A_719 = arith.xori %add3A_711, %or3A_718 : vector<64x1024xi32>
    %add3A_720 = arith.addi %add3A_711, %xor3A_719 : vector<64x1024xi32>
    %shift_left3A_721 = arith.constant 24 : i32
    %shift_left3A_722 = vector.broadcast %shift_left3A_721 : i32 to vector<64x1024xi32>
    %shift_left3A_723 = arith.shli %xor3A_719, %shift_left3A_722 : vector<64x1024xi32>
    %shift_right_logical3A_724 = arith.constant 8 : i32
    %shift_right_logical3A_725 = vector.broadcast %shift_right_logical3A_724 : i32 to vector<64x1024xi32>
    %shift_right_logical3A_726 = arith.shrui %xor3A_719, %shift_right_logical3A_725 : vector<64x1024xi32>
    %or3A_727 = arith.ori %shift_left3A_723, %shift_right_logical3A_726 : vector<64x1024xi32>
    %xor3A_728 = arith.xori %add3A_720, %or3A_727 : vector<64x1024xi32>
    %add3A_729 = arith.constant 42 : i32
    %add3A_730 = vector.broadcast %add3A_729 : i32 to vector<64x1024xi32>
    %add3A_731 = arith.addi %add3A_720, %add3A_730 : vector<64x1024xi32>
    %add3A_732 = arith.constant 466689012 : i32
    %add3A_733 = vector.broadcast %add3A_732 : i32 to vector<64x1024xi32>
    %add3A_734 = arith.addi %xor3A_728, %add3A_733 : vector<64x1024xi32>
    %add3A_735 = arith.addi %add3A_731, %add3A_734 : vector<64x1024xi32>
    %shift_left3A_736 = arith.constant 13 : i32
    %shift_left3A_737 = vector.broadcast %shift_left3A_736 : i32 to vector<64x1024xi32>
    %shift_left3A_738 = arith.shli %add3A_734, %shift_left3A_737 : vector<64x1024xi32>
    %shift_right_logical3A_739 = arith.constant 19 : i32
    %shift_right_logical3A_740 = vector.broadcast %shift_right_logical3A_739 : i32 to vector<64x1024xi32>
    %shift_right_logical3A_741 = arith.shrui %add3A_734, %shift_right_logical3A_740 : vector<64x1024xi32>
    %or3A_742 = arith.ori %shift_left3A_738, %shift_right_logical3A_741 : vector<64x1024xi32>
    %xor3A_743 = arith.xori %add3A_735, %or3A_742 : vector<64x1024xi32>
    %add3A_744 = arith.addi %add3A_735, %xor3A_743 : vector<64x1024xi32>
    %shift_left3A_745 = arith.constant 15 : i32
    %shift_left3A_746 = vector.broadcast %shift_left3A_745 : i32 to vector<64x1024xi32>
    %shift_left3A_747 = arith.shli %xor3A_743, %shift_left3A_746 : vector<64x1024xi32>
    %shift_right_logical3A_748 = arith.constant 17 : i32
    %shift_right_logical3A_749 = vector.broadcast %shift_right_logical3A_748 : i32 to vector<64x1024xi32>
    %shift_right_logical3A_750 = arith.shrui %xor3A_743, %shift_right_logical3A_749 : vector<64x1024xi32>
    %or3A_751 = arith.ori %shift_left3A_747, %shift_right_logical3A_750 : vector<64x1024xi32>
    %xor3A_752 = arith.xori %add3A_744, %or3A_751 : vector<64x1024xi32>
    %add3A_753 = arith.addi %add3A_744, %xor3A_752 : vector<64x1024xi32>
    %shift_left3A_754 = arith.constant 26 : i32
    %shift_left3A_755 = vector.broadcast %shift_left3A_754 : i32 to vector<64x1024xi32>
    %shift_left3A_756 = arith.shli %xor3A_752, %shift_left3A_755 : vector<64x1024xi32>
    %shift_right_logical3A_757 = arith.constant 6 : i32
    %shift_right_logical3A_758 = vector.broadcast %shift_right_logical3A_757 : i32 to vector<64x1024xi32>
    %shift_right_logical3A_759 = arith.shrui %xor3A_752, %shift_right_logical3A_758 : vector<64x1024xi32>
    %or3A_760 = arith.ori %shift_left3A_756, %shift_right_logical3A_759 : vector<64x1024xi32>
    %xor3A_761 = arith.xori %add3A_753, %or3A_760 : vector<64x1024xi32>
    %add3A_762 = arith.addi %add3A_753, %xor3A_761 : vector<64x1024xi32>
    %shift_left3A_763 = arith.constant 6 : i32
    %shift_left3A_764 = vector.broadcast %shift_left3A_763 : i32 to vector<64x1024xi32>
    %shift_left3A_765 = arith.shli %xor3A_761, %shift_left3A_764 : vector<64x1024xi32>
    %shift_right_logical3A_766 = arith.constant 26 : i32
    %shift_right_logical3A_767 = vector.broadcast %shift_right_logical3A_766 : i32 to vector<64x1024xi32>
    %shift_right_logical3A_768 = arith.shrui %xor3A_761, %shift_right_logical3A_767 : vector<64x1024xi32>
    %or3A_769 = arith.ori %shift_left3A_765, %shift_right_logical3A_768 : vector<64x1024xi32>
    %xor3A_770 = arith.xori %add3A_762, %or3A_769 : vector<64x1024xi32>
    %add3A_771 = arith.constant 466689008 : i32
    %add3A_772 = vector.broadcast %add3A_771 : i32 to vector<64x1024xi32>
    %add3A_773 = arith.addi %add3A_762, %add3A_772 : vector<64x1024xi32>
    %add3A_774 = arith.constant 5 : i32
    %add3A_775 = vector.broadcast %add3A_774 : i32 to vector<64x1024xi32>
    %add3A_776 = arith.addi %xor3A_770, %add3A_775 : vector<64x1024xi32>
    %xor3A_777 = arith.xori %add3A_773, %add3A_776 : vector<64x1024xi32>
    %shift_right_logical3A_778 = arith.constant 9 : i32
    %shift_right_logical3A_779 = vector.broadcast %shift_right_logical3A_778 : i32 to vector<64x1024xi32>
    %shift_right_logical3A_780 = arith.shrui %xor3A_777, %shift_right_logical3A_779 : vector<64x1024xi32>
    %or3A_781 = arith.constant 1065353216 : i32
    %or3A_782 = vector.broadcast %or3A_781 : i32 to vector<64x1024xi32>
    %or3A_783 = arith.ori %shift_right_logical3A_780, %or3A_782 : vector<64x1024xi32>
    %bitcast_convert_type3A_784 = tpu.bitcast %or3A_783 : vector<64x1024xi32> -> vector<64x1024xf32>
    %sub3A_785 = arith.constant 1.000000e+00 : f32
    %sub3A_786 = vector.broadcast %sub3A_785 : f32 to vector<64x1024xf32>
    %sub3A_787 = arith.subf %bitcast_convert_type3A_784, %sub3A_786 : vector<64x1024xf32>
    %add3A_788 = arith.constant 1.17549435E-38 : f32
    %add3A_789 = vector.broadcast %add3A_788 : f32 to vector<64x1024xf32>
    %add3A_790 = arith.addf %sub3A_787, %add3A_789 : vector<64x1024xf32>
    %max3A_791 = arith.constant 1.17549435E-38 : f32
    %max3A_792 = vector.broadcast %max3A_791 : f32 to vector<64x1024xf32>
    %max3A_793 = arith.maximumf %max3A_792, %add3A_790 : vector<64x1024xf32>
    %log3A_794 = math.log %max3A_793 : vector<64x1024xf32>
    %neg3A_795 = arith.constant 0.000000e+00 : f32
    %neg3A_796 = vector.broadcast %neg3A_795 : f32 to vector<64x1024xf32>
    %neg3A_797 = arith.subf %neg3A_796, %log3A_794 : vector<64x1024xf32>
    %log3A_798 = math.log %neg3A_797 : vector<64x1024xf32>
    %neg3A_799 = arith.constant 0.000000e+00 : f32
    %neg3A_800 = vector.broadcast %neg3A_799 : f32 to vector<64x1024xf32>
    %neg3A_801 = arith.subf %neg3A_800, %log3A_798 : vector<64x1024xf32>
    %add3A_802 = arith.addf %neg3A_801, %select_n3A : vector<64x1024xf32>
    %reduce_max3A_803 = arith.constant dense<0xFF800000> : vector<64xf32>
    %reduce_max3A_804 = vector.multi_reduction <maximumf>, %add3A_802, %reduce_max3A_803 [1] : vector<64x1024xf32> to vector<64xf32>
    %broadcast_in_dim3A_805 = vector.shape_cast %reduce_max3A_804 : vector<64xf32> to vector<64x1xf32>
    %eq3A_806 = vector.broadcast %broadcast_in_dim3A_805 : vector<64x1xf32> to vector<64x1024xf32>
    %eq3A_807 = arith.cmpf oeq, %add3A_802, %eq3A_806 : vector<64x1024xf32>
    %jit3A_808 = arith.constant 2147483647 : i32
    %broadcast_in_dim3A_809 = vector.broadcast %jit3A_808 : i32 to vector<64x1024xi32>
    %select_n3A_810 = arith.select %eq3A_807, %iota3A, %broadcast_in_dim3A_809 : vector<64x1024xi1>, vector<64x1024xi32>
    %reduce_min3A_811 = arith.constant dense<2147483647> : vector<64xi32>
    %reduce_min3A_812 = vector.multi_reduction <minsi>, %select_n3A_810, %reduce_min3A_811 [1] : vector<64x1024xi32> to vector<64xi32>
    %broadcast_in_dim3A_813 = vector.shape_cast %reduce_min3A_812 : vector<64xi32> to vector<64x1xi32>
    %get3A_814 = arith.constant 0 : index
    %get3A_815 = arith.constant 2 : index
    %get3A_816 = vector.load %arg6[%get3A_814, %get3A_815] : memref<64x6xf32, #tpu.memory_space<vmem>>, vector<64x1xf32>
    %gt3A_817 = arith.cmpf ogt, %broadcast_in_dim3A_805, %get3A_816 : vector<64x1xf32>
    %get3A_818 = arith.constant 0 : index
    %get3A_819 = arith.constant 2 : index
    %get3A_820 = vector.load %arg6[%get3A_818, %get3A_819] : memref<64x6xf32, #tpu.memory_space<vmem>>, vector<64x1xf32>
    %select_n3A_821 = arith.select %gt3A_817, %broadcast_in_dim3A_805, %get3A_820 : vector<64x1xi1>, vector<64x1xf32>
    %swap3A_822 = arith.constant 0 : index
    %swap3A_823 = arith.constant 2 : index
    %swap3A_824 = vector.load %arg6[%swap3A_822, %swap3A_823] : memref<64x6xf32, #tpu.memory_space<vmem>>, vector<64x1xf32>
    tpu.vector_store %arg6[%swap3A_822, %swap3A_823], %select_n3A_821 {strides = array<i32>} : memref<64x6xf32, #tpu.memory_space<vmem>>, vector<64x1xf32>,
    %mul3A_825 = arith.constant 1024 : i32
    %mul3A_826 = arith.muli %arg0, %mul3A_825 : i32
    %add3A_827 = vector.broadcast %mul3A_826 : i32 to vector<64x1xi32>
    %add3A_828 = arith.addi %broadcast_in_dim3A_813, %add3A_827 : vector<64x1xi32>
    %get3A_829 = arith.constant 0 : index
    %get3A_830 = arith.constant 2 : index
    %get3A_831 = vector.load %arg7[%get3A_829, %get3A_830] : memref<64x6xi32, #tpu.memory_space<vmem>>, vector<64x1xi32>
    %select_n3A_832 = arith.select %gt3A_817, %add3A_828, %get3A_831 : vector<64x1xi1>, vector<64x1xi32>
    %swap3A_833 = arith.constant 0 : index
    %swap3A_834 = arith.constant 2 : index
    %swap3A_835 = vector.load %arg7[%swap3A_833, %swap3A_834] : memref<64x6xi32, #tpu.memory_space<vmem>>, vector<64x1xi32>
    tpu.vector_store %arg7[%swap3A_833, %swap3A_834], %select_n3A_832 {strides = array<i32>} : memref<64x6xi32, #tpu.memory_space<vmem>>, vector<64x1xi32>,
    %mul3A_836 = arith.constant 1024 : i32
    %mul3A_837 = arith.muli %arg0, %mul3A_836 : i32
    %add3A_838 = arith.constant 192000042 : i32
    %add3A_839 = arith.addi %mul3A_837, %add3A_838 : i32
    %add3A_840 = vector.broadcast %add3A_839 : i32 to vector<64x1024xi32>
    %add3A_841 = arith.addi %add3A, %add3A_840 : vector<64x1024xi32>
    %shift_left3A_842 = arith.constant 13 : i32
    %shift_left3A_843 = vector.broadcast %shift_left3A_842 : i32 to vector<64x1024xi32>
    %shift_left3A_844 = arith.shli %add3A_841, %shift_left3A_843 : vector<64x1024xi32>
    %shift_right_logical3A_845 = arith.constant 19 : i32
    %shift_right_logical3A_846 = vector.broadcast %shift_right_logical3A_845 : i32 to vector<64x1024xi32>
    %shift_right_logical3A_847 = arith.shrui %add3A_841, %shift_right_logical3A_846 : vector<64x1024xi32>
    %or3A_848 = arith.ori %shift_left3A_844, %shift_right_logical3A_847 : vector<64x1024xi32>
    %xor3A_849 = arith.xori %or3A_848, %add3A_841 : vector<64x1024xi32>
    %add3A_850 = arith.addi %add3A_841, %xor3A_849 : vector<64x1024xi32>
    %shift_left3A_851 = arith.constant 15 : i32
    %shift_left3A_852 = vector.broadcast %shift_left3A_851 : i32 to vector<64x1024xi32>
    %shift_left3A_853 = arith.shli %xor3A_849, %shift_left3A_852 : vector<64x1024xi32>
    %shift_right_logical3A_854 = arith.constant 17 : i32
    %shift_right_logical3A_855 = vector.broadcast %shift_right_logical3A_854 : i32 to vector<64x1024xi32>
    %shift_right_logical3A_856 = arith.shrui %xor3A_849, %shift_right_logical3A_855 : vector<64x1024xi32>
    %or3A_857 = arith.ori %shift_left3A_853, %shift_right_logical3A_856 : vector<64x1024xi32>
    %xor3A_858 = arith.xori %add3A_850, %or3A_857 : vector<64x1024xi32>
    %add3A_859 = arith.addi %add3A_850, %xor3A_858 : vector<64x1024xi32>
    %shift_left3A_860 = arith.constant 26 : i32
    %shift_left3A_861 = vector.broadcast %shift_left3A_860 : i32 to vector<64x1024xi32>
    %shift_left3A_862 = arith.shli %xor3A_858, %shift_left3A_861 : vector<64x1024xi32>
    %shift_right_logical3A_863 = arith.constant 6 : i32
    %shift_right_logical3A_864 = vector.broadcast %shift_right_logical3A_863 : i32 to vector<64x1024xi32>
    %shift_right_logical3A_865 = arith.shrui %xor3A_858, %shift_right_logical3A_864 : vector<64x1024xi32>
    %or3A_866 = arith.ori %shift_left3A_862, %shift_right_logical3A_865 : vector<64x1024xi32>
    %xor3A_867 = arith.xori %add3A_859, %or3A_866 : vector<64x1024xi32>
    %add3A_868 = arith.addi %add3A_859, %xor3A_867 : vector<64x1024xi32>
    %shift_left3A_869 = arith.constant 6 : i32
    %shift_left3A_870 = vector.broadcast %shift_left3A_869 : i32 to vector<64x1024xi32>
    %shift_left3A_871 = arith.shli %xor3A_867, %shift_left3A_870 : vector<64x1024xi32>
    %shift_right_logical3A_872 = arith.constant 26 : i32
    %shift_right_logical3A_873 = vector.broadcast %shift_right_logical3A_872 : i32 to vector<64x1024xi32>
    %shift_right_logical3A_874 = arith.shrui %xor3A_867, %shift_right_logical3A_873 : vector<64x1024xi32>
    %or3A_875 = arith.ori %shift_left3A_871, %shift_right_logical3A_874 : vector<64x1024xi32>
    %xor3A_876 = arith.xori %add3A_868, %or3A_875 : vector<64x1024xi32>
    %add3A_877 = arith.constant 42 : i32
    %add3A_878 = vector.broadcast %add3A_877 : i32 to vector<64x1024xi32>
    %add3A_879 = arith.addi %add3A_868, %add3A_878 : vector<64x1024xi32>
    %add3A_880 = arith.constant 466689009 : i32
    %add3A_881 = vector.broadcast %add3A_880 : i32 to vector<64x1024xi32>
    %add3A_882 = arith.addi %xor3A_876, %add3A_881 : vector<64x1024xi32>
    %add3A_883 = arith.addi %add3A_879, %add3A_882 : vector<64x1024xi32>
    %shift_left3A_884 = arith.constant 17 : i32
    %shift_left3A_885 = vector.broadcast %shift_left3A_884 : i32 to vector<64x1024xi32>
    %shift_left3A_886 = arith.shli %add3A_882, %shift_left3A_885 : vector<64x1024xi32>
    %shift_right_logical3A_887 = arith.constant 15 : i32
    %shift_right_logical3A_888 = vector.broadcast %shift_right_logical3A_887 : i32 to vector<64x1024xi32>
    %shift_right_logical3A_889 = arith.shrui %add3A_882, %shift_right_logical3A_888 : vector<64x1024xi32>
    %or3A_890 = arith.ori %shift_left3A_886, %shift_right_logical3A_889 : vector<64x1024xi32>
    %xor3A_891 = arith.xori %add3A_883, %or3A_890 : vector<64x1024xi32>
    %add3A_892 = arith.addi %add3A_883, %xor3A_891 : vector<64x1024xi32>
    %shift_left3A_893 = arith.constant 29 : i32
    %shift_left3A_894 = vector.broadcast %shift_left3A_893 : i32 to vector<64x1024xi32>
    %shift_left3A_895 = arith.shli %xor3A_891, %shift_left3A_894 : vector<64x1024xi32>
    %shift_right_logical3A_896 = arith.constant 3 : i32
    %shift_right_logical3A_897 = vector.broadcast %shift_right_logical3A_896 : i32 to vector<64x1024xi32>
    %shift_right_logical3A_898 = arith.shrui %xor3A_891, %shift_right_logical3A_897 : vector<64x1024xi32>
    %or3A_899 = arith.ori %shift_left3A_895, %shift_right_logical3A_898 : vector<64x1024xi32>
    %xor3A_900 = arith.xori %add3A_892, %or3A_899 : vector<64x1024xi32>
    %add3A_901 = arith.addi %add3A_892, %xor3A_900 : vector<64x1024xi32>
    %shift_left3A_902 = arith.constant 16 : i32
    %shift_left3A_903 = vector.broadcast %shift_left3A_902 : i32 to vector<64x1024xi32>
    %shift_left3A_904 = arith.shli %xor3A_900, %shift_left3A_903 : vector<64x1024xi32>
    %shift_right_logical3A_905 = arith.constant 16 : i32
    %shift_right_logical3A_906 = vector.broadcast %shift_right_logical3A_905 : i32 to vector<64x1024xi32>
    %shift_right_logical3A_907 = arith.shrui %xor3A_900, %shift_right_logical3A_906 : vector<64x1024xi32>
    %or3A_908 = arith.ori %shift_left3A_904, %shift_right_logical3A_907 : vector<64x1024xi32>
    %xor3A_909 = arith.xori %add3A_901, %or3A_908 : vector<64x1024xi32>
    %add3A_910 = arith.addi %add3A_901, %xor3A_909 : vector<64x1024xi32>
    %shift_left3A_911 = arith.constant 24 : i32
    %shift_left3A_912 = vector.broadcast %shift_left3A_911 : i32 to vector<64x1024xi32>
    %shift_left3A_913 = arith.shli %xor3A_909, %shift_left3A_912 : vector<64x1024xi32>
    %shift_right_logical3A_914 = arith.constant 8 : i32
    %shift_right_logical3A_915 = vector.broadcast %shift_right_logical3A_914 : i32 to vector<64x1024xi32>
    %shift_right_logical3A_916 = arith.shrui %xor3A_909, %shift_right_logical3A_915 : vector<64x1024xi32>
    %or3A_917 = arith.ori %shift_left3A_913, %shift_right_logical3A_916 : vector<64x1024xi32>
    %xor3A_918 = arith.xori %add3A_910, %or3A_917 : vector<64x1024xi32>
    %add3A_919 = arith.constant 466689008 : i32
    %add3A_920 = vector.broadcast %add3A_919 : i32 to vector<64x1024xi32>
    %add3A_921 = arith.addi %add3A_910, %add3A_920 : vector<64x1024xi32>
    %add3A_922 = arith.constant 2 : i32
    %add3A_923 = vector.broadcast %add3A_922 : i32 to vector<64x1024xi32>
    %add3A_924 = arith.addi %xor3A_918, %add3A_923 : vector<64x1024xi32>
    %add3A_925 = arith.addi %add3A_921, %add3A_924 : vector<64x1024xi32>
    %shift_left3A_926 = arith.constant 13 : i32
    %shift_left3A_927 = vector.broadcast %shift_left3A_926 : i32 to vector<64x1024xi32>
    %shift_left3A_928 = arith.shli %add3A_924, %shift_left3A_927 : vector<64x1024xi32>
    %shift_right_logical3A_929 = arith.constant 19 : i32
    %shift_right_logical3A_930 = vector.broadcast %shift_right_logical3A_929 : i32 to vector<64x1024xi32>
    %shift_right_logical3A_931 = arith.shrui %add3A_924, %shift_right_logical3A_930 : vector<64x1024xi32>
    %or3A_932 = arith.ori %shift_left3A_928, %shift_right_logical3A_931 : vector<64x1024xi32>
    %xor3A_933 = arith.xori %add3A_925, %or3A_932 : vector<64x1024xi32>
    %add3A_934 = arith.addi %add3A_925, %xor3A_933 : vector<64x1024xi32>
    %shift_left3A_935 = arith.constant 15 : i32
    %shift_left3A_936 = vector.broadcast %shift_left3A_935 : i32 to vector<64x1024xi32>
    %shift_left3A_937 = arith.shli %xor3A_933, %shift_left3A_936 : vector<64x1024xi32>
    %shift_right_logical3A_938 = arith.constant 17 : i32
    %shift_right_logical3A_939 = vector.broadcast %shift_right_logical3A_938 : i32 to vector<64x1024xi32>
    %shift_right_logical3A_940 = arith.shrui %xor3A_933, %shift_right_logical3A_939 : vector<64x1024xi32>
    %or3A_941 = arith.ori %shift_left3A_937, %shift_right_logical3A_940 : vector<64x1024xi32>
    %xor3A_942 = arith.xori %add3A_934, %or3A_941 : vector<64x1024xi32>
    %add3A_943 = arith.addi %add3A_934, %xor3A_942 : vector<64x1024xi32>
    %shift_left3A_944 = arith.constant 26 : i32
    %shift_left3A_945 = vector.broadcast %shift_left3A_944 : i32 to vector<64x1024xi32>
    %shift_left3A_946 = arith.shli %xor3A_942, %shift_left3A_945 : vector<64x1024xi32>
    %shift_right_logical3A_947 = arith.constant 6 : i32
    %shift_right_logical3A_948 = vector.broadcast %shift_right_logical3A_947 : i32 to vector<64x1024xi32>
    %shift_right_logical3A_949 = arith.shrui %xor3A_942, %shift_right_logical3A_948 : vector<64x1024xi32>
    %or3A_950 = arith.ori %shift_left3A_946, %shift_right_logical3A_949 : vector<64x1024xi32>
    %xor3A_951 = arith.xori %add3A_943, %or3A_950 : vector<64x1024xi32>
    %add3A_952 = arith.addi %add3A_943, %xor3A_951 : vector<64x1024xi32>
    %shift_left3A_953 = arith.constant 6 : i32
    %shift_left3A_954 = vector.broadcast %shift_left3A_953 : i32 to vector<64x1024xi32>
    %shift_left3A_955 = arith.shli %xor3A_951, %shift_left3A_954 : vector<64x1024xi32>
    %shift_right_logical3A_956 = arith.constant 26 : i32
    %shift_right_logical3A_957 = vector.broadcast %shift_right_logical3A_956 : i32 to vector<64x1024xi32>
    %shift_right_logical3A_958 = arith.shrui %xor3A_951, %shift_right_logical3A_957 : vector<64x1024xi32>
    %or3A_959 = arith.ori %shift_left3A_955, %shift_right_logical3A_958 : vector<64x1024xi32>
    %xor3A_960 = arith.xori %add3A_952, %or3A_959 : vector<64x1024xi32>
    %add3A_961 = arith.constant 45 : i32
    %add3A_962 = vector.broadcast %add3A_961 : i32 to vector<64x1024xi32>
    %add3A_963 = arith.addi %xor3A_960, %add3A_962 : vector<64x1024xi32>
    %add3A_964 = arith.addi %add3A_952, %add3A_963 : vector<64x1024xi32>
    %shift_left3A_965 = arith.constant 17 : i32
    %shift_left3A_966 = vector.broadcast %shift_left3A_965 : i32 to vector<64x1024xi32>
    %shift_left3A_967 = arith.shli %add3A_963, %shift_left3A_966 : vector<64x1024xi32>
    %shift_right_logical3A_968 = arith.constant 15 : i32
    %shift_right_logical3A_969 = vector.broadcast %shift_right_logical3A_968 : i32 to vector<64x1024xi32>
    %shift_right_logical3A_970 = arith.shrui %add3A_963, %shift_right_logical3A_969 : vector<64x1024xi32>
    %or3A_971 = arith.ori %shift_left3A_967, %shift_right_logical3A_970 : vector<64x1024xi32>
    %xor3A_972 = arith.xori %add3A_964, %or3A_971 : vector<64x1024xi32>
    %add3A_973 = arith.addi %add3A_964, %xor3A_972 : vector<64x1024xi32>
    %shift_left3A_974 = arith.constant 29 : i32
    %shift_left3A_975 = vector.broadcast %shift_left3A_974 : i32 to vector<64x1024xi32>
    %shift_left3A_976 = arith.shli %xor3A_972, %shift_left3A_975 : vector<64x1024xi32>
    %shift_right_logical3A_977 = arith.constant 3 : i32
    %shift_right_logical3A_978 = vector.broadcast %shift_right_logical3A_977 : i32 to vector<64x1024xi32>
    %shift_right_logical3A_979 = arith.shrui %xor3A_972, %shift_right_logical3A_978 : vector<64x1024xi32>
    %or3A_980 = arith.ori %shift_left3A_976, %shift_right_logical3A_979 : vector<64x1024xi32>
    %xor3A_981 = arith.xori %add3A_973, %or3A_980 : vector<64x1024xi32>
    %add3A_982 = arith.addi %add3A_973, %xor3A_981 : vector<64x1024xi32>
    %shift_left3A_983 = arith.constant 16 : i32
    %shift_left3A_984 = vector.broadcast %shift_left3A_983 : i32 to vector<64x1024xi32>
    %shift_left3A_985 = arith.shli %xor3A_981, %shift_left3A_984 : vector<64x1024xi32>
    %shift_right_logical3A_986 = arith.constant 16 : i32
    %shift_right_logical3A_987 = vector.broadcast %shift_right_logical3A_986 : i32 to vector<64x1024xi32>
    %shift_right_logical3A_988 = arith.shrui %xor3A_981, %shift_right_logical3A_987 : vector<64x1024xi32>
    %or3A_989 = arith.ori %shift_left3A_985, %shift_right_logical3A_988 : vector<64x1024xi32>
    %xor3A_990 = arith.xori %add3A_982, %or3A_989 : vector<64x1024xi32>
    %add3A_991 = arith.addi %add3A_982, %xor3A_990 : vector<64x1024xi32>
    %shift_left3A_992 = arith.constant 24 : i32
    %shift_left3A_993 = vector.broadcast %shift_left3A_992 : i32 to vector<64x1024xi32>
    %shift_left3A_994 = arith.shli %xor3A_990, %shift_left3A_993 : vector<64x1024xi32>
    %shift_right_logical3A_995 = arith.constant 8 : i32
    %shift_right_logical3A_996 = vector.broadcast %shift_right_logical3A_995 : i32 to vector<64x1024xi32>
    %shift_right_logical3A_997 = arith.shrui %xor3A_990, %shift_right_logical3A_996 : vector<64x1024xi32>
    %or3A_998 = arith.ori %shift_left3A_994, %shift_right_logical3A_997 : vector<64x1024xi32>
    %xor3A_999 = arith.xori %add3A_991, %or3A_998 : vector<64x1024xi32>
    %add3A_1000 = arith.constant 42 : i32
    %add3A_1001 = vector.broadcast %add3A_1000 : i32 to vector<64x1024xi32>
    %add3A_1002 = arith.addi %add3A_991, %add3A_1001 : vector<64x1024xi32>
    %add3A_1003 = arith.constant 466689012 : i32
    %add3A_1004 = vector.broadcast %add3A_1003 : i32 to vector<64x1024xi32>
    %add3A_1005 = arith.addi %xor3A_999, %add3A_1004 : vector<64x1024xi32>
    %add3A_1006 = arith.addi %add3A_1002, %add3A_1005 : vector<64x1024xi32>
    %shift_left3A_1007 = arith.constant 13 : i32
    %shift_left3A_1008 = vector.broadcast %shift_left3A_1007 : i32 to vector<64x1024xi32>
    %shift_left3A_1009 = arith.shli %add3A_1005, %shift_left3A_1008 : vector<64x1024xi32>
    %shift_right_logical3A_1010 = arith.constant 19 : i32
    %shift_right_logical3A_1011 = vector.broadcast %shift_right_logical3A_1010 : i32 to vector<64x1024xi32>
    %shift_right_logical3A_1012 = arith.shrui %add3A_1005, %shift_right_logical3A_1011 : vector<64x1024xi32>
    %or3A_1013 = arith.ori %shift_left3A_1009, %shift_right_logical3A_1012 : vector<64x1024xi32>
    %xor3A_1014 = arith.xori %add3A_1006, %or3A_1013 : vector<64x1024xi32>
    %add3A_1015 = arith.addi %add3A_1006, %xor3A_1014 : vector<64x1024xi32>
    %shift_left3A_1016 = arith.constant 15 : i32
    %shift_left3A_1017 = vector.broadcast %shift_left3A_1016 : i32 to vector<64x1024xi32>
    %shift_left3A_1018 = arith.shli %xor3A_1014, %shift_left3A_1017 : vector<64x1024xi32>
    %shift_right_logical3A_1019 = arith.constant 17 : i32
    %shift_right_logical3A_1020 = vector.broadcast %shift_right_logical3A_1019 : i32 to vector<64x1024xi32>
    %shift_right_logical3A_1021 = arith.shrui %xor3A_1014, %shift_right_logical3A_1020 : vector<64x1024xi32>
    %or3A_1022 = arith.ori %shift_left3A_1018, %shift_right_logical3A_1021 : vector<64x1024xi32>
    %xor3A_1023 = arith.xori %add3A_1015, %or3A_1022 : vector<64x1024xi32>
    %add3A_1024 = arith.addi %add3A_1015, %xor3A_1023 : vector<64x1024xi32>
    %shift_left3A_1025 = arith.constant 26 : i32
    %shift_left3A_1026 = vector.broadcast %shift_left3A_1025 : i32 to vector<64x1024xi32>
    %shift_left3A_1027 = arith.shli %xor3A_1023, %shift_left3A_1026 : vector<64x1024xi32>
    %shift_right_logical3A_1028 = arith.constant 6 : i32
    %shift_right_logical3A_1029 = vector.broadcast %shift_right_logical3A_1028 : i32 to vector<64x1024xi32>
    %shift_right_logical3A_1030 = arith.shrui %xor3A_1023, %shift_right_logical3A_1029 : vector<64x1024xi32>
    %or3A_1031 = arith.ori %shift_left3A_1027, %shift_right_logical3A_1030 : vector<64x1024xi32>
    %xor3A_1032 = arith.xori %add3A_1024, %or3A_1031 : vector<64x1024xi32>
    %add3A_1033 = arith.addi %add3A_1024, %xor3A_1032 : vector<64x1024xi32>
    %shift_left3A_1034 = arith.constant 6 : i32
    %shift_left3A_1035 = vector.broadcast %shift_left3A_1034 : i32 to vector<64x1024xi32>
    %shift_left3A_1036 = arith.shli %xor3A_1032, %shift_left3A_1035 : vector<64x1024xi32>
    %shift_right_logical3A_1037 = arith.constant 26 : i32
    %shift_right_logical3A_1038 = vector.broadcast %shift_right_logical3A_1037 : i32 to vector<64x1024xi32>
    %shift_right_logical3A_1039 = arith.shrui %xor3A_1032, %shift_right_logical3A_1038 : vector<64x1024xi32>
    %or3A_1040 = arith.ori %shift_left3A_1036, %shift_right_logical3A_1039 : vector<64x1024xi32>
    %xor3A_1041 = arith.xori %add3A_1033, %or3A_1040 : vector<64x1024xi32>
    %add3A_1042 = arith.constant 466689008 : i32
    %add3A_1043 = vector.broadcast %add3A_1042 : i32 to vector<64x1024xi32>
    %add3A_1044 = arith.addi %add3A_1033, %add3A_1043 : vector<64x1024xi32>
    %add3A_1045 = arith.constant 5 : i32
    %add3A_1046 = vector.broadcast %add3A_1045 : i32 to vector<64x1024xi32>
    %add3A_1047 = arith.addi %xor3A_1041, %add3A_1046 : vector<64x1024xi32>
    %xor3A_1048 = arith.xori %add3A_1044, %add3A_1047 : vector<64x1024xi32>
    %shift_right_logical3A_1049 = arith.constant 9 : i32
    %shift_right_logical3A_1050 = vector.broadcast %shift_right_logical3A_1049 : i32 to vector<64x1024xi32>
    %shift_right_logical3A_1051 = arith.shrui %xor3A_1048, %shift_right_logical3A_1050 : vector<64x1024xi32>
    %or3A_1052 = arith.constant 1065353216 : i32
    %or3A_1053 = vector.broadcast %or3A_1052 : i32 to vector<64x1024xi32>
    %or3A_1054 = arith.ori %shift_right_logical3A_1051, %or3A_1053 : vector<64x1024xi32>
    %bitcast_convert_type3A_1055 = tpu.bitcast %or3A_1054 : vector<64x1024xi32> -> vector<64x1024xf32>
    %sub3A_1056 = arith.constant 1.000000e+00 : f32
    %sub3A_1057 = vector.broadcast %sub3A_1056 : f32 to vector<64x1024xf32>
    %sub3A_1058 = arith.subf %bitcast_convert_type3A_1055, %sub3A_1057 : vector<64x1024xf32>
    %add3A_1059 = arith.constant 1.17549435E-38 : f32
    %add3A_1060 = vector.broadcast %add3A_1059 : f32 to vector<64x1024xf32>
    %add3A_1061 = arith.addf %sub3A_1058, %add3A_1060 : vector<64x1024xf32>
    %max3A_1062 = arith.constant 1.17549435E-38 : f32
    %max3A_1063 = vector.broadcast %max3A_1062 : f32 to vector<64x1024xf32>
    %max3A_1064 = arith.maximumf %max3A_1063, %add3A_1061 : vector<64x1024xf32>
    %log3A_1065 = math.log %max3A_1064 : vector<64x1024xf32>
    %neg3A_1066 = arith.constant 0.000000e+00 : f32
    %neg3A_1067 = vector.broadcast %neg3A_1066 : f32 to vector<64x1024xf32>
    %neg3A_1068 = arith.subf %neg3A_1067, %log3A_1065 : vector<64x1024xf32>
    %log3A_1069 = math.log %neg3A_1068 : vector<64x1024xf32>
    %neg3A_1070 = arith.constant 0.000000e+00 : f32
    %neg3A_1071 = vector.broadcast %neg3A_1070 : f32 to vector<64x1024xf32>
    %neg3A_1072 = arith.subf %neg3A_1071, %log3A_1069 : vector<64x1024xf32>
    %add3A_1073 = arith.addf %neg3A_1072, %select_n3A : vector<64x1024xf32>
    %reduce_max3A_1074 = arith.constant dense<0xFF800000> : vector<64xf32>
    %reduce_max3A_1075 = vector.multi_reduction <maximumf>, %add3A_1073, %reduce_max3A_1074 [1] : vector<64x1024xf32> to vector<64xf32>
    %broadcast_in_dim3A_1076 = vector.shape_cast %reduce_max3A_1075 : vector<64xf32> to vector<64x1xf32>
    %eq3A_1077 = vector.broadcast %broadcast_in_dim3A_1076 : vector<64x1xf32> to vector<64x1024xf32>
    %eq3A_1078 = arith.cmpf oeq, %add3A_1073, %eq3A_1077 : vector<64x1024xf32>
    %jit3A_1079 = arith.constant 2147483647 : i32
    %broadcast_in_dim3A_1080 = vector.broadcast %jit3A_1079 : i32 to vector<64x1024xi32>
    %select_n3A_1081 = arith.select %eq3A_1078, %iota3A, %broadcast_in_dim3A_1080 : vector<64x1024xi1>, vector<64x1024xi32>
    %reduce_min3A_1082 = arith.constant dense<2147483647> : vector<64xi32>
    %reduce_min3A_1083 = vector.multi_reduction <minsi>, %select_n3A_1081, %reduce_min3A_1082 [1] : vector<64x1024xi32> to vector<64xi32>
    %broadcast_in_dim3A_1084 = vector.shape_cast %reduce_min3A_1083 : vector<64xi32> to vector<64x1xi32>
    %get3A_1085 = arith.constant 0 : index
    %get3A_1086 = arith.constant 3 : index
    %get3A_1087 = vector.load %arg6[%get3A_1085, %get3A_1086] : memref<64x6xf32, #tpu.memory_space<vmem>>, vector<64x1xf32>
    %gt3A_1088 = arith.cmpf ogt, %broadcast_in_dim3A_1076, %get3A_1087 : vector<64x1xf32>
    %get3A_1089 = arith.constant 0 : index
    %get3A_1090 = arith.constant 3 : index
    %get3A_1091 = vector.load %arg6[%get3A_1089, %get3A_1090] : memref<64x6xf32, #tpu.memory_space<vmem>>, vector<64x1xf32>
    %select_n3A_1092 = arith.select %gt3A_1088, %broadcast_in_dim3A_1076, %get3A_1091 : vector<64x1xi1>, vector<64x1xf32>
    %swap3A_1093 = arith.constant 0 : index
    %swap3A_1094 = arith.constant 3 : index
    %swap3A_1095 = vector.load %arg6[%swap3A_1093, %swap3A_1094] : memref<64x6xf32, #tpu.memory_space<vmem>>, vector<64x1xf32>
    tpu.vector_store %arg6[%swap3A_1093, %swap3A_1094], %select_n3A_1092 {strides = array<i32>} : memref<64x6xf32, #tpu.memory_space<vmem>>, vector<64x1xf32>,
    %mul3A_1096 = arith.constant 1024 : i32
    %mul3A_1097 = arith.muli %arg0, %mul3A_1096 : i32
    %add3A_1098 = vector.broadcast %mul3A_1097 : i32 to vector<64x1xi32>
    %add3A_1099 = arith.addi %broadcast_in_dim3A_1084, %add3A_1098 : vector<64x1xi32>
    %get3A_1100 = arith.constant 0 : index
    %get3A_1101 = arith.constant 3 : index
    %get3A_1102 = vector.load %arg7[%get3A_1100, %get3A_1101] : memref<64x6xi32, #tpu.memory_space<vmem>>, vector<64x1xi32>
    %select_n3A_1103 = arith.select %gt3A_1088, %add3A_1099, %get3A_1102 : vector<64x1xi1>, vector<64x1xi32>
    %swap3A_1104 = arith.constant 0 : index
    %swap3A_1105 = arith.constant 3 : index
    %swap3A_1106 = vector.load %arg7[%swap3A_1104, %swap3A_1105] : memref<64x6xi32, #tpu.memory_space<vmem>>, vector<64x1xi32>
    tpu.vector_store %arg7[%swap3A_1104, %swap3A_1105], %select_n3A_1103 {strides = array<i32>} : memref<64x6xi32, #tpu.memory_space<vmem>>, vector<64x1xi32>,
    %mul3A_1107 = arith.constant 1024 : i32
    %mul3A_1108 = arith.muli %arg0, %mul3A_1107 : i32
    %add3A_1109 = arith.constant 256000042 : i32
    %add3A_1110 = arith.addi %mul3A_1108, %add3A_1109 : i32
    %add3A_1111 = vector.broadcast %add3A_1110 : i32 to vector<64x1024xi32>
    %add3A_1112 = arith.addi %add3A, %add3A_1111 : vector<64x1024xi32>
    %shift_left3A_1113 = arith.constant 13 : i32
    %shift_left3A_1114 = vector.broadcast %shift_left3A_1113 : i32 to vector<64x1024xi32>
    %shift_left3A_1115 = arith.shli %add3A_1112, %shift_left3A_1114 : vector<64x1024xi32>
    %shift_right_logical3A_1116 = arith.constant 19 : i32
    %shift_right_logical3A_1117 = vector.broadcast %shift_right_logical3A_1116 : i32 to vector<64x1024xi32>
    %shift_right_logical3A_1118 = arith.shrui %add3A_1112, %shift_right_logical3A_1117 : vector<64x1024xi32>
    %or3A_1119 = arith.ori %shift_left3A_1115, %shift_right_logical3A_1118 : vector<64x1024xi32>
    %xor3A_1120 = arith.xori %or3A_1119, %add3A_1112 : vector<64x1024xi32>
    %add3A_1121 = arith.addi %add3A_1112, %xor3A_1120 : vector<64x1024xi32>
    %shift_left3A_1122 = arith.constant 15 : i32
    %shift_left3A_1123 = vector.broadcast %shift_left3A_1122 : i32 to vector<64x1024xi32>
    %shift_left3A_1124 = arith.shli %xor3A_1120, %shift_left3A_1123 : vector<64x1024xi32>
    %shift_right_logical3A_1125 = arith.constant 17 : i32
    %shift_right_logical3A_1126 = vector.broadcast %shift_right_logical3A_1125 : i32 to vector<64x1024xi32>
    %shift_right_logical3A_1127 = arith.shrui %xor3A_1120, %shift_right_logical3A_1126 : vector<64x1024xi32>
    %or3A_1128 = arith.ori %shift_left3A_1124, %shift_right_logical3A_1127 : vector<64x1024xi32>
    %xor3A_1129 = arith.xori %add3A_1121, %or3A_1128 : vector<64x1024xi32>
    %add3A_1130 = arith.addi %add3A_1121, %xor3A_1129 : vector<64x1024xi32>
    %shift_left3A_1131 = arith.constant 26 : i32
    %shift_left3A_1132 = vector.broadcast %shift_left3A_1131 : i32 to vector<64x1024xi32>
    %shift_left3A_1133 = arith.shli %xor3A_1129, %shift_left3A_1132 : vector<64x1024xi32>
    %shift_right_logical3A_1134 = arith.constant 6 : i32
    %shift_right_logical3A_1135 = vector.broadcast %shift_right_logical3A_1134 : i32 to vector<64x1024xi32>
    %shift_right_logical3A_1136 = arith.shrui %xor3A_1129, %shift_right_logical3A_1135 : vector<64x1024xi32>
    %or3A_1137 = arith.ori %shift_left3A_1133, %shift_right_logical3A_1136 : vector<64x1024xi32>
    %xor3A_1138 = arith.xori %add3A_1130, %or3A_1137 : vector<64x1024xi32>
    %add3A_1139 = arith.addi %add3A_1130, %xor3A_1138 : vector<64x1024xi32>
    %shift_left3A_1140 = arith.constant 6 : i32
    %shift_left3A_1141 = vector.broadcast %shift_left3A_1140 : i32 to vector<64x1024xi32>
    %shift_left3A_1142 = arith.shli %xor3A_1138, %shift_left3A_1141 : vector<64x1024xi32>
    %shift_right_logical3A_1143 = arith.constant 26 : i32
    %shift_right_logical3A_1144 = vector.broadcast %shift_right_logical3A_1143 : i32 to vector<64x1024xi32>
    %shift_right_logical3A_1145 = arith.shrui %xor3A_1138, %shift_right_logical3A_1144 : vector<64x1024xi32>
    %or3A_1146 = arith.ori %shift_left3A_1142, %shift_right_logical3A_1145 : vector<64x1024xi32>
    %xor3A_1147 = arith.xori %add3A_1139, %or3A_1146 : vector<64x1024xi32>
    %add3A_1148 = arith.constant 42 : i32
    %add3A_1149 = vector.broadcast %add3A_1148 : i32 to vector<64x1024xi32>
    %add3A_1150 = arith.addi %add3A_1139, %add3A_1149 : vector<64x1024xi32>
    %add3A_1151 = arith.constant 466689009 : i32
    %add3A_1152 = vector.broadcast %add3A_1151 : i32 to vector<64x1024xi32>
    %add3A_1153 = arith.addi %xor3A_1147, %add3A_1152 : vector<64x1024xi32>
    %add3A_1154 = arith.addi %add3A_1150, %add3A_1153 : vector<64x1024xi32>
    %shift_left3A_1155 = arith.constant 17 : i32
    %shift_left3A_1156 = vector.broadcast %shift_left3A_1155 : i32 to vector<64x1024xi32>
    %shift_left3A_1157 = arith.shli %add3A_1153, %shift_left3A_1156 : vector<64x1024xi32>
    %shift_right_logical3A_1158 = arith.constant 15 : i32
    %shift_right_logical3A_1159 = vector.broadcast %shift_right_logical3A_1158 : i32 to vector<64x1024xi32>
    %shift_right_logical3A_1160 = arith.shrui %add3A_1153, %shift_right_logical3A_1159 : vector<64x1024xi32>
    %or3A_1161 = arith.ori %shift_left3A_1157, %shift_right_logical3A_1160 : vector<64x1024xi32>
    %xor3A_1162 = arith.xori %add3A_1154, %or3A_1161 : vector<64x1024xi32>
    %add3A_1163 = arith.addi %add3A_1154, %xor3A_1162 : vector<64x1024xi32>
    %shift_left3A_1164 = arith.constant 29 : i32
    %shift_left3A_1165 = vector.broadcast %shift_left3A_1164 : i32 to vector<64x1024xi32>
    %shift_left3A_1166 = arith.shli %xor3A_1162, %shift_left3A_1165 : vector<64x1024xi32>
    %shift_right_logical3A_1167 = arith.constant 3 : i32
    %shift_right_logical3A_1168 = vector.broadcast %shift_right_logical3A_1167 : i32 to vector<64x1024xi32>
    %shift_right_logical3A_1169 = arith.shrui %xor3A_1162, %shift_right_logical3A_1168 : vector<64x1024xi32>
    %or3A_1170 = arith.ori %shift_left3A_1166, %shift_right_logical3A_1169 : vector<64x1024xi32>
    %xor3A_1171 = arith.xori %add3A_1163, %or3A_1170 : vector<64x1024xi32>
    %add3A_1172 = arith.addi %add3A_1163, %xor3A_1171 : vector<64x1024xi32>
    %shift_left3A_1173 = arith.constant 16 : i32
    %shift_left3A_1174 = vector.broadcast %shift_left3A_1173 : i32 to vector<64x1024xi32>
    %shift_left3A_1175 = arith.shli %xor3A_1171, %shift_left3A_1174 : vector<64x1024xi32>
    %shift_right_logical3A_1176 = arith.constant 16 : i32
    %shift_right_logical3A_1177 = vector.broadcast %shift_right_logical3A_1176 : i32 to vector<64x1024xi32>
    %shift_right_logical3A_1178 = arith.shrui %xor3A_1171, %shift_right_logical3A_1177 : vector<64x1024xi32>
    %or3A_1179 = arith.ori %shift_left3A_1175, %shift_right_logical3A_1178 : vector<64x1024xi32>
    %xor3A_1180 = arith.xori %add3A_1172, %or3A_1179 : vector<64x1024xi32>
    %add3A_1181 = arith.addi %add3A_1172, %xor3A_1180 : vector<64x1024xi32>
    %shift_left3A_1182 = arith.constant 24 : i32
    %shift_left3A_1183 = vector.broadcast %shift_left3A_1182 : i32 to vector<64x1024xi32>
    %shift_left3A_1184 = arith.shli %xor3A_1180, %shift_left3A_1183 : vector<64x1024xi32>
    %shift_right_logical3A_1185 = arith.constant 8 : i32
    %shift_right_logical3A_1186 = vector.broadcast %shift_right_logical3A_1185 : i32 to vector<64x1024xi32>
    %shift_right_logical3A_1187 = arith.shrui %xor3A_1180, %shift_right_logical3A_1186 : vector<64x1024xi32>
    %or3A_1188 = arith.ori %shift_left3A_1184, %shift_right_logical3A_1187 : vector<64x1024xi32>
    %xor3A_1189 = arith.xori %add3A_1181, %or3A_1188 : vector<64x1024xi32>
    %add3A_1190 = arith.constant 466689008 : i32
    %add3A_1191 = vector.broadcast %add3A_1190 : i32 to vector<64x1024xi32>
    %add3A_1192 = arith.addi %add3A_1181, %add3A_1191 : vector<64x1024xi32>
    %add3A_1193 = arith.constant 2 : i32
    %add3A_1194 = vector.broadcast %add3A_1193 : i32 to vector<64x1024xi32>
    %add3A_1195 = arith.addi %xor3A_1189, %add3A_1194 : vector<64x1024xi32>
    %add3A_1196 = arith.addi %add3A_1192, %add3A_1195 : vector<64x1024xi32>
    %shift_left3A_1197 = arith.constant 13 : i32
    %shift_left3A_1198 = vector.broadcast %shift_left3A_1197 : i32 to vector<64x1024xi32>
    %shift_left3A_1199 = arith.shli %add3A_1195, %shift_left3A_1198 : vector<64x1024xi32>
    %shift_right_logical3A_1200 = arith.constant 19 : i32
    %shift_right_logical3A_1201 = vector.broadcast %shift_right_logical3A_1200 : i32 to vector<64x1024xi32>
    %shift_right_logical3A_1202 = arith.shrui %add3A_1195, %shift_right_logical3A_1201 : vector<64x1024xi32>
    %or3A_1203 = arith.ori %shift_left3A_1199, %shift_right_logical3A_1202 : vector<64x1024xi32>
    %xor3A_1204 = arith.xori %add3A_1196, %or3A_1203 : vector<64x1024xi32>
    %add3A_1205 = arith.addi %add3A_1196, %xor3A_1204 : vector<64x1024xi32>
    %shift_left3A_1206 = arith.constant 15 : i32
    %shift_left3A_1207 = vector.broadcast %shift_left3A_1206 : i32 to vector<64x1024xi32>
    %shift_left3A_1208 = arith.shli %xor3A_1204, %shift_left3A_1207 : vector<64x1024xi32>
    %shift_right_logical3A_1209 = arith.constant 17 : i32
    %shift_right_logical3A_1210 = vector.broadcast %shift_right_logical3A_1209 : i32 to vector<64x1024xi32>
    %shift_right_logical3A_1211 = arith.shrui %xor3A_1204, %shift_right_logical3A_1210 : vector<64x1024xi32>
    %or3A_1212 = arith.ori %shift_left3A_1208, %shift_right_logical3A_1211 : vector<64x1024xi32>
    %xor3A_1213 = arith.xori %add3A_1205, %or3A_1212 : vector<64x1024xi32>
    %add3A_1214 = arith.addi %add3A_1205, %xor3A_1213 : vector<64x1024xi32>
    %shift_left3A_1215 = arith.constant 26 : i32
    %shift_left3A_1216 = vector.broadcast %shift_left3A_1215 : i32 to vector<64x1024xi32>
    %shift_left3A_1217 = arith.shli %xor3A_1213, %shift_left3A_1216 : vector<64x1024xi32>
    %shift_right_logical3A_1218 = arith.constant 6 : i32
    %shift_right_logical3A_1219 = vector.broadcast %shift_right_logical3A_1218 : i32 to vector<64x1024xi32>
    %shift_right_logical3A_1220 = arith.shrui %xor3A_1213, %shift_right_logical3A_1219 : vector<64x1024xi32>
    %or3A_1221 = arith.ori %shift_left3A_1217, %shift_right_logical3A_1220 : vector<64x1024xi32>
    %xor3A_1222 = arith.xori %add3A_1214, %or3A_1221 : vector<64x1024xi32>
    %add3A_1223 = arith.addi %add3A_1214, %xor3A_1222 : vector<64x1024xi32>
    %shift_left3A_1224 = arith.constant 6 : i32
    %shift_left3A_1225 = vector.broadcast %shift_left3A_1224 : i32 to vector<64x1024xi32>
    %shift_left3A_1226 = arith.shli %xor3A_1222, %shift_left3A_1225 : vector<64x1024xi32>
    %shift_right_logical3A_1227 = arith.constant 26 : i32
    %shift_right_logical3A_1228 = vector.broadcast %shift_right_logical3A_1227 : i32 to vector<64x1024xi32>
    %shift_right_logical3A_1229 = arith.shrui %xor3A_1222, %shift_right_logical3A_1228 : vector<64x1024xi32>
    %or3A_1230 = arith.ori %shift_left3A_1226, %shift_right_logical3A_1229 : vector<64x1024xi32>
    %xor3A_1231 = arith.xori %add3A_1223, %or3A_1230 : vector<64x1024xi32>
    %add3A_1232 = arith.constant 45 : i32
    %add3A_1233 = vector.broadcast %add3A_1232 : i32 to vector<64x1024xi32>
    %add3A_1234 = arith.addi %xor3A_1231, %add3A_1233 : vector<64x1024xi32>
    %add3A_1235 = arith.addi %add3A_1223, %add3A_1234 : vector<64x1024xi32>
    %shift_left3A_1236 = arith.constant 17 : i32
    %shift_left3A_1237 = vector.broadcast %shift_left3A_1236 : i32 to vector<64x1024xi32>
    %shift_left3A_1238 = arith.shli %add3A_1234, %shift_left3A_1237 : vector<64x1024xi32>
    %shift_right_logical3A_1239 = arith.constant 15 : i32
    %shift_right_logical3A_1240 = vector.broadcast %shift_right_logical3A_1239 : i32 to vector<64x1024xi32>
    %shift_right_logical3A_1241 = arith.shrui %add3A_1234, %shift_right_logical3A_1240 : vector<64x1024xi32>
    %or3A_1242 = arith.ori %shift_left3A_1238, %shift_right_logical3A_1241 : vector<64x1024xi32>
    %xor3A_1243 = arith.xori %add3A_1235, %or3A_1242 : vector<64x1024xi32>
    %add3A_1244 = arith.addi %add3A_1235, %xor3A_1243 : vector<64x1024xi32>
    %shift_left3A_1245 = arith.constant 29 : i32
    %shift_left3A_1246 = vector.broadcast %shift_left3A_1245 : i32 to vector<64x1024xi32>
    %shift_left3A_1247 = arith.shli %xor3A_1243, %shift_left3A_1246 : vector<64x1024xi32>
    %shift_right_logical3A_1248 = arith.constant 3 : i32
    %shift_right_logical3A_1249 = vector.broadcast %shift_right_logical3A_1248 : i32 to vector<64x1024xi32>
    %shift_right_logical3A_1250 = arith.shrui %xor3A_1243, %shift_right_logical3A_1249 : vector<64x1024xi32>
    %or3A_1251 = arith.ori %shift_left3A_1247, %shift_right_logical3A_1250 : vector<64x1024xi32>
    %xor3A_1252 = arith.xori %add3A_1244, %or3A_1251 : vector<64x1024xi32>
    %add3A_1253 = arith.addi %add3A_1244, %xor3A_1252 : vector<64x1024xi32>
    %shift_left3A_1254 = arith.constant 16 : i32
    %shift_left3A_1255 = vector.broadcast %shift_left3A_1254 : i32 to vector<64x1024xi32>
    %shift_left3A_1256 = arith.shli %xor3A_1252, %shift_left3A_1255 : vector<64x1024xi32>
    %shift_right_logical3A_1257 = arith.constant 16 : i32
    %shift_right_logical3A_1258 = vector.broadcast %shift_right_logical3A_1257 : i32 to vector<64x1024xi32>
    %shift_right_logical3A_1259 = arith.shrui %xor3A_1252, %shift_right_logical3A_1258 : vector<64x1024xi32>
    %or3A_1260 = arith.ori %shift_left3A_1256, %shift_right_logical3A_1259 : vector<64x1024xi32>
    %xor3A_1261 = arith.xori %add3A_1253, %or3A_1260 : vector<64x1024xi32>
    %add3A_1262 = arith.addi %add3A_1253, %xor3A_1261 : vector<64x1024xi32>
    %shift_left3A_1263 = arith.constant 24 : i32
    %shift_left3A_1264 = vector.broadcast %shift_left3A_1263 : i32 to vector<64x1024xi32>
    %shift_left3A_1265 = arith.shli %xor3A_1261, %shift_left3A_1264 : vector<64x1024xi32>
    %shift_right_logical3A_1266 = arith.constant 8 : i32
    %shift_right_logical3A_1267 = vector.broadcast %shift_right_logical3A_1266 : i32 to vector<64x1024xi32>
    %shift_right_logical3A_1268 = arith.shrui %xor3A_1261, %shift_right_logical3A_1267 : vector<64x1024xi32>
    %or3A_1269 = arith.ori %shift_left3A_1265, %shift_right_logical3A_1268 : vector<64x1024xi32>
    %xor3A_1270 = arith.xori %add3A_1262, %or3A_1269 : vector<64x1024xi32>
    %add3A_1271 = arith.constant 42 : i32
    %add3A_1272 = vector.broadcast %add3A_1271 : i32 to vector<64x1024xi32>
    %add3A_1273 = arith.addi %add3A_1262, %add3A_1272 : vector<64x1024xi32>
    %add3A_1274 = arith.constant 466689012 : i32
    %add3A_1275 = vector.broadcast %add3A_1274 : i32 to vector<64x1024xi32>
    %add3A_1276 = arith.addi %xor3A_1270, %add3A_1275 : vector<64x1024xi32>
    %add3A_1277 = arith.addi %add3A_1273, %add3A_1276 : vector<64x1024xi32>
    %shift_left3A_1278 = arith.constant 13 : i32
    %shift_left3A_1279 = vector.broadcast %shift_left3A_1278 : i32 to vector<64x1024xi32>
    %shift_left3A_1280 = arith.shli %add3A_1276, %shift_left3A_1279 : vector<64x1024xi32>
    %shift_right_logical3A_1281 = arith.constant 19 : i32
    %shift_right_logical3A_1282 = vector.broadcast %shift_right_logical3A_1281 : i32 to vector<64x1024xi32>
    %shift_right_logical3A_1283 = arith.shrui %add3A_1276, %shift_right_logical3A_1282 : vector<64x1024xi32>
    %or3A_1284 = arith.ori %shift_left3A_1280, %shift_right_logical3A_1283 : vector<64x1024xi32>
    %xor3A_1285 = arith.xori %add3A_1277, %or3A_1284 : vector<64x1024xi32>
    %add3A_1286 = arith.addi %add3A_1277, %xor3A_1285 : vector<64x1024xi32>
    %shift_left3A_1287 = arith.constant 15 : i32
    %shift_left3A_1288 = vector.broadcast %shift_left3A_1287 : i32 to vector<64x1024xi32>
    %shift_left3A_1289 = arith.shli %xor3A_1285, %shift_left3A_1288 : vector<64x1024xi32>
    %shift_right_logical3A_1290 = arith.constant 17 : i32
    %shift_right_logical3A_1291 = vector.broadcast %shift_right_logical3A_1290 : i32 to vector<64x1024xi32>
    %shift_right_logical3A_1292 = arith.shrui %xor3A_1285, %shift_right_logical3A_1291 : vector<64x1024xi32>
    %or3A_1293 = arith.ori %shift_left3A_1289, %shift_right_logical3A_1292 : vector<64x1024xi32>
    %xor3A_1294 = arith.xori %add3A_1286, %or3A_1293 : vector<64x1024xi32>
    %add3A_1295 = arith.addi %add3A_1286, %xor3A_1294 : vector<64x1024xi32>
    %shift_left3A_1296 = arith.constant 26 : i32
    %shift_left3A_1297 = vector.broadcast %shift_left3A_1296 : i32 to vector<64x1024xi32>
    %shift_left3A_1298 = arith.shli %xor3A_1294, %shift_left3A_1297 : vector<64x1024xi32>
    %shift_right_logical3A_1299 = arith.constant 6 : i32
    %shift_right_logical3A_1300 = vector.broadcast %shift_right_logical3A_1299 : i32 to vector<64x1024xi32>
    %shift_right_logical3A_1301 = arith.shrui %xor3A_1294, %shift_right_logical3A_1300 : vector<64x1024xi32>
    %or3A_1302 = arith.ori %shift_left3A_1298, %shift_right_logical3A_1301 : vector<64x1024xi32>
    %xor3A_1303 = arith.xori %add3A_1295, %or3A_1302 : vector<64x1024xi32>
    %add3A_1304 = arith.addi %add3A_1295, %xor3A_1303 : vector<64x1024xi32>
    %shift_left3A_1305 = arith.constant 6 : i32
    %shift_left3A_1306 = vector.broadcast %shift_left3A_1305 : i32 to vector<64x1024xi32>
    %shift_left3A_1307 = arith.shli %xor3A_1303, %shift_left3A_1306 : vector<64x1024xi32>
    %shift_right_logical3A_1308 = arith.constant 26 : i32
    %shift_right_logical3A_1309 = vector.broadcast %shift_right_logical3A_1308 : i32 to vector<64x1024xi32>
    %shift_right_logical3A_1310 = arith.shrui %xor3A_1303, %shift_right_logical3A_1309 : vector<64x1024xi32>
    %or3A_1311 = arith.ori %shift_left3A_1307, %shift_right_logical3A_1310 : vector<64x1024xi32>
    %xor3A_1312 = arith.xori %add3A_1304, %or3A_1311 : vector<64x1024xi32>
    %add3A_1313 = arith.constant 466689008 : i32
    %add3A_1314 = vector.broadcast %add3A_1313 : i32 to vector<64x1024xi32>
    %add3A_1315 = arith.addi %add3A_1304, %add3A_1314 : vector<64x1024xi32>
    %add3A_1316 = arith.constant 5 : i32
    %add3A_1317 = vector.broadcast %add3A_1316 : i32 to vector<64x1024xi32>
    %add3A_1318 = arith.addi %xor3A_1312, %add3A_1317 : vector<64x1024xi32>
    %xor3A_1319 = arith.xori %add3A_1315, %add3A_1318 : vector<64x1024xi32>
    %shift_right_logical3A_1320 = arith.constant 9 : i32
    %shift_right_logical3A_1321 = vector.broadcast %shift_right_logical3A_1320 : i32 to vector<64x1024xi32>
    %shift_right_logical3A_1322 = arith.shrui %xor3A_1319, %shift_right_logical3A_1321 : vector<64x1024xi32>
    %or3A_1323 = arith.constant 1065353216 : i32
    %or3A_1324 = vector.broadcast %or3A_1323 : i32 to vector<64x1024xi32>
    %or3A_1325 = arith.ori %shift_right_logical3A_1322, %or3A_1324 : vector<64x1024xi32>
    %bitcast_convert_type3A_1326 = tpu.bitcast %or3A_1325 : vector<64x1024xi32> -> vector<64x1024xf32>
    %sub3A_1327 = arith.constant 1.000000e+00 : f32
    %sub3A_1328 = vector.broadcast %sub3A_1327 : f32 to vector<64x1024xf32>
    %sub3A_1329 = arith.subf %bitcast_convert_type3A_1326, %sub3A_1328 : vector<64x1024xf32>
    %add3A_1330 = arith.constant 1.17549435E-38 : f32
    %add3A_1331 = vector.broadcast %add3A_1330 : f32 to vector<64x1024xf32>
    %add3A_1332 = arith.addf %sub3A_1329, %add3A_1331 : vector<64x1024xf32>
    %max3A_1333 = arith.constant 1.17549435E-38 : f32
    %max3A_1334 = vector.broadcast %max3A_1333 : f32 to vector<64x1024xf32>
    %max3A_1335 = arith.maximumf %max3A_1334, %add3A_1332 : vector<64x1024xf32>
    %log3A_1336 = math.log %max3A_1335 : vector<64x1024xf32>
    %neg3A_1337 = arith.constant 0.000000e+00 : f32
    %neg3A_1338 = vector.broadcast %neg3A_1337 : f32 to vector<64x1024xf32>
    %neg3A_1339 = arith.subf %neg3A_1338, %log3A_1336 : vector<64x1024xf32>
    %log3A_1340 = math.log %neg3A_1339 : vector<64x1024xf32>
    %neg3A_1341 = arith.constant 0.000000e+00 : f32
    %neg3A_1342 = vector.broadcast %neg3A_1341 : f32 to vector<64x1024xf32>
    %neg3A_1343 = arith.subf %neg3A_1342, %log3A_1340 : vector<64x1024xf32>
    %add3A_1344 = arith.addf %neg3A_1343, %select_n3A : vector<64x1024xf32>
    %reduce_max3A_1345 = arith.constant dense<0xFF800000> : vector<64xf32>
    %reduce_max3A_1346 = vector.multi_reduction <maximumf>, %add3A_1344, %reduce_max3A_1345 [1] : vector<64x1024xf32> to vector<64xf32>
    %broadcast_in_dim3A_1347 = vector.shape_cast %reduce_max3A_1346 : vector<64xf32> to vector<64x1xf32>
    %eq3A_1348 = vector.broadcast %broadcast_in_dim3A_1347 : vector<64x1xf32> to vector<64x1024xf32>
    %eq3A_1349 = arith.cmpf oeq, %add3A_1344, %eq3A_1348 : vector<64x1024xf32>
    %jit3A_1350 = arith.constant 2147483647 : i32
    %broadcast_in_dim3A_1351 = vector.broadcast %jit3A_1350 : i32 to vector<64x1024xi32>
    %select_n3A_1352 = arith.select %eq3A_1349, %iota3A, %broadcast_in_dim3A_1351 : vector<64x1024xi1>, vector<64x1024xi32>
    %reduce_min3A_1353 = arith.constant dense<2147483647> : vector<64xi32>
    %reduce_min3A_1354 = vector.multi_reduction <minsi>, %select_n3A_1352, %reduce_min3A_1353 [1] : vector<64x1024xi32> to vector<64xi32>
    %broadcast_in_dim3A_1355 = vector.shape_cast %reduce_min3A_1354 : vector<64xi32> to vector<64x1xi32>
    %get3A_1356 = arith.constant 0 : index
    %get3A_1357 = arith.constant 4 : index
    %get3A_1358 = vector.load %arg6[%get3A_1356, %get3A_1357] : memref<64x6xf32, #tpu.memory_space<vmem>>, vector<64x1xf32>
    %gt3A_1359 = arith.cmpf ogt, %broadcast_in_dim3A_1347, %get3A_1358 : vector<64x1xf32>
    %get3A_1360 = arith.constant 0 : index
    %get3A_1361 = arith.constant 4 : index
    %get3A_1362 = vector.load %arg6[%get3A_1360, %get3A_1361] : memref<64x6xf32, #tpu.memory_space<vmem>>, vector<64x1xf32>
    %select_n3A_1363 = arith.select %gt3A_1359, %broadcast_in_dim3A_1347, %get3A_1362 : vector<64x1xi1>, vector<64x1xf32>
    %swap3A_1364 = arith.constant 0 : index
    %swap3A_1365 = arith.constant 4 : index
    %swap3A_1366 = vector.load %arg6[%swap3A_1364, %swap3A_1365] : memref<64x6xf32, #tpu.memory_space<vmem>>, vector<64x1xf32>
    tpu.vector_store %arg6[%swap3A_1364, %swap3A_1365], %select_n3A_1363 {strides = array<i32>} : memref<64x6xf32, #tpu.memory_space<vmem>>, vector<64x1xf32>,
    %mul3A_1367 = arith.constant 1024 : i32
    %mul3A_1368 = arith.muli %arg0, %mul3A_1367 : i32
    %add3A_1369 = vector.broadcast %mul3A_1368 : i32 to vector<64x1xi32>
    %add3A_1370 = arith.addi %broadcast_in_dim3A_1355, %add3A_1369 : vector<64x1xi32>
    %get3A_1371 = arith.constant 0 : index
    %get3A_1372 = arith.constant 4 : index
    %get3A_1373 = vector.load %arg7[%get3A_1371, %get3A_1372] : memref<64x6xi32, #tpu.memory_space<vmem>>, vector<64x1xi32>
    %select_n3A_1374 = arith.select %gt3A_1359, %add3A_1370, %get3A_1373 : vector<64x1xi1>, vector<64x1xi32>
    %swap3A_1375 = arith.constant 0 : index
    %swap3A_1376 = arith.constant 4 : index
    %swap3A_1377 = vector.load %arg7[%swap3A_1375, %swap3A_1376] : memref<64x6xi32, #tpu.memory_space<vmem>>, vector<64x1xi32>
    tpu.vector_store %arg7[%swap3A_1375, %swap3A_1376], %select_n3A_1374 {strides = array<i32>} : memref<64x6xi32, #tpu.memory_space<vmem>>, vector<64x1xi32>,
    %mul3A_1378 = arith.constant 1024 : i32
    %mul3A_1379 = arith.muli %arg0, %mul3A_1378 : i32
    %add3A_1380 = arith.constant 320000042 : i32
    %add3A_1381 = arith.addi %mul3A_1379, %add3A_1380 : i32
    %add3A_1382 = vector.broadcast %add3A_1381 : i32 to vector<64x1024xi32>
    %add3A_1383 = arith.addi %add3A, %add3A_1382 : vector<64x1024xi32>
    %shift_left3A_1384 = arith.constant 13 : i32
    %shift_left3A_1385 = vector.broadcast %shift_left3A_1384 : i32 to vector<64x1024xi32>
    %shift_left3A_1386 = arith.shli %add3A_1383, %shift_left3A_1385 : vector<64x1024xi32>
    %shift_right_logical3A_1387 = arith.constant 19 : i32
    %shift_right_logical3A_1388 = vector.broadcast %shift_right_logical3A_1387 : i32 to vector<64x1024xi32>
    %shift_right_logical3A_1389 = arith.shrui %add3A_1383, %shift_right_logical3A_1388 : vector<64x1024xi32>
    %or3A_1390 = arith.ori %shift_left3A_1386, %shift_right_logical3A_1389 : vector<64x1024xi32>
    %xor3A_1391 = arith.xori %or3A_1390, %add3A_1383 : vector<64x1024xi32>
    %add3A_1392 = arith.addi %add3A_1383, %xor3A_1391 : vector<64x1024xi32>
    %shift_left3A_1393 = arith.constant 15 : i32
    %shift_left3A_1394 = vector.broadcast %shift_left3A_1393 : i32 to vector<64x1024xi32>
    %shift_left3A_1395 = arith.shli %xor3A_1391, %shift_left3A_1394 : vector<64x1024xi32>
    %shift_right_logical3A_1396 = arith.constant 17 : i32
    %shift_right_logical3A_1397 = vector.broadcast %shift_right_logical3A_1396 : i32 to vector<64x1024xi32>
    %shift_right_logical3A_1398 = arith.shrui %xor3A_1391, %shift_right_logical3A_1397 : vector<64x1024xi32>
    %or3A_1399 = arith.ori %shift_left3A_1395, %shift_right_logical3A_1398 : vector<64x1024xi32>
    %xor3A_1400 = arith.xori %add3A_1392, %or3A_1399 : vector<64x1024xi32>
    %add3A_1401 = arith.addi %add3A_1392, %xor3A_1400 : vector<64x1024xi32>
    %shift_left3A_1402 = arith.constant 26 : i32
    %shift_left3A_1403 = vector.broadcast %shift_left3A_1402 : i32 to vector<64x1024xi32>
    %shift_left3A_1404 = arith.shli %xor3A_1400, %shift_left3A_1403 : vector<64x1024xi32>
    %shift_right_logical3A_1405 = arith.constant 6 : i32
    %shift_right_logical3A_1406 = vector.broadcast %shift_right_logical3A_1405 : i32 to vector<64x1024xi32>
    %shift_right_logical3A_1407 = arith.shrui %xor3A_1400, %shift_right_logical3A_1406 : vector<64x1024xi32>
    %or3A_1408 = arith.ori %shift_left3A_1404, %shift_right_logical3A_1407 : vector<64x1024xi32>
    %xor3A_1409 = arith.xori %add3A_1401, %or3A_1408 : vector<64x1024xi32>
    %add3A_1410 = arith.addi %add3A_1401, %xor3A_1409 : vector<64x1024xi32>
    %shift_left3A_1411 = arith.constant 6 : i32
    %shift_left3A_1412 = vector.broadcast %shift_left3A_1411 : i32 to vector<64x1024xi32>
    %shift_left3A_1413 = arith.shli %xor3A_1409, %shift_left3A_1412 : vector<64x1024xi32>
    %shift_right_logical3A_1414 = arith.constant 26 : i32
    %shift_right_logical3A_1415 = vector.broadcast %shift_right_logical3A_1414 : i32 to vector<64x1024xi32>
    %shift_right_logical3A_1416 = arith.shrui %xor3A_1409, %shift_right_logical3A_1415 : vector<64x1024xi32>
    %or3A_1417 = arith.ori %shift_left3A_1413, %shift_right_logical3A_1416 : vector<64x1024xi32>
    %xor3A_1418 = arith.xori %add3A_1410, %or3A_1417 : vector<64x1024xi32>
    %add3A_1419 = arith.constant 42 : i32
    %add3A_1420 = vector.broadcast %add3A_1419 : i32 to vector<64x1024xi32>
    %add3A_1421 = arith.addi %add3A_1410, %add3A_1420 : vector<64x1024xi32>
    %add3A_1422 = arith.constant 466689009 : i32
    %add3A_1423 = vector.broadcast %add3A_1422 : i32 to vector<64x1024xi32>
    %add3A_1424 = arith.addi %xor3A_1418, %add3A_1423 : vector<64x1024xi32>
    %add3A_1425 = arith.addi %add3A_1421, %add3A_1424 : vector<64x1024xi32>
    %shift_left3A_1426 = arith.constant 17 : i32
    %shift_left3A_1427 = vector.broadcast %shift_left3A_1426 : i32 to vector<64x1024xi32>
    %shift_left3A_1428 = arith.shli %add3A_1424, %shift_left3A_1427 : vector<64x1024xi32>
    %shift_right_logical3A_1429 = arith.constant 15 : i32
    %shift_right_logical3A_1430 = vector.broadcast %shift_right_logical3A_1429 : i32 to vector<64x1024xi32>
    %shift_right_logical3A_1431 = arith.shrui %add3A_1424, %shift_right_logical3A_1430 : vector<64x1024xi32>
    %or3A_1432 = arith.ori %shift_left3A_1428, %shift_right_logical3A_1431 : vector<64x1024xi32>
    %xor3A_1433 = arith.xori %add3A_1425, %or3A_1432 : vector<64x1024xi32>
    %add3A_1434 = arith.addi %add3A_1425, %xor3A_1433 : vector<64x1024xi32>
    %shift_left3A_1435 = arith.constant 29 : i32
    %shift_left3A_1436 = vector.broadcast %shift_left3A_1435 : i32 to vector<64x1024xi32>
    %shift_left3A_1437 = arith.shli %xor3A_1433, %shift_left3A_1436 : vector<64x1024xi32>
    %shift_right_logical3A_1438 = arith.constant 3 : i32
    %shift_right_logical3A_1439 = vector.broadcast %shift_right_logical3A_1438 : i32 to vector<64x1024xi32>
    %shift_right_logical3A_1440 = arith.shrui %xor3A_1433, %shift_right_logical3A_1439 : vector<64x1024xi32>
    %or3A_1441 = arith.ori %shift_left3A_1437, %shift_right_logical3A_1440 : vector<64x1024xi32>
    %xor3A_1442 = arith.xori %add3A_1434, %or3A_1441 : vector<64x1024xi32>
    %add3A_1443 = arith.addi %add3A_1434, %xor3A_1442 : vector<64x1024xi32>
    %shift_left3A_1444 = arith.constant 16 : i32
    %shift_left3A_1445 = vector.broadcast %shift_left3A_1444 : i32 to vector<64x1024xi32>
    %shift_left3A_1446 = arith.shli %xor3A_1442, %shift_left3A_1445 : vector<64x1024xi32>
    %shift_right_logical3A_1447 = arith.constant 16 : i32
    %shift_right_logical3A_1448 = vector.broadcast %shift_right_logical3A_1447 : i32 to vector<64x1024xi32>
    %shift_right_logical3A_1449 = arith.shrui %xor3A_1442, %shift_right_logical3A_1448 : vector<64x1024xi32>
    %or3A_1450 = arith.ori %shift_left3A_1446, %shift_right_logical3A_1449 : vector<64x1024xi32>
    %xor3A_1451 = arith.xori %add3A_1443, %or3A_1450 : vector<64x1024xi32>
    %add3A_1452 = arith.addi %add3A_1443, %xor3A_1451 : vector<64x1024xi32>
    %shift_left3A_1453 = arith.constant 24 : i32
    %shift_left3A_1454 = vector.broadcast %shift_left3A_1453 : i32 to vector<64x1024xi32>
    %shift_left3A_1455 = arith.shli %xor3A_1451, %shift_left3A_1454 : vector<64x1024xi32>
    %shift_right_logical3A_1456 = arith.constant 8 : i32
    %shift_right_logical3A_1457 = vector.broadcast %shift_right_logical3A_1456 : i32 to vector<64x1024xi32>
    %shift_right_logical3A_1458 = arith.shrui %xor3A_1451, %shift_right_logical3A_1457 : vector<64x1024xi32>
    %or3A_1459 = arith.ori %shift_left3A_1455, %shift_right_logical3A_1458 : vector<64x1024xi32>
    %xor3A_1460 = arith.xori %add3A_1452, %or3A_1459 : vector<64x1024xi32>
    %add3A_1461 = arith.constant 466689008 : i32
    %add3A_1462 = vector.broadcast %add3A_1461 : i32 to vector<64x1024xi32>
    %add3A_1463 = arith.addi %add3A_1452, %add3A_1462 : vector<64x1024xi32>
    %add3A_1464 = arith.constant 2 : i32
    %add3A_1465 = vector.broadcast %add3A_1464 : i32 to vector<64x1024xi32>
    %add3A_1466 = arith.addi %xor3A_1460, %add3A_1465 : vector<64x1024xi32>
    %add3A_1467 = arith.addi %add3A_1463, %add3A_1466 : vector<64x1024xi32>
    %shift_left3A_1468 = arith.constant 13 : i32
    %shift_left3A_1469 = vector.broadcast %shift_left3A_1468 : i32 to vector<64x1024xi32>
    %shift_left3A_1470 = arith.shli %add3A_1466, %shift_left3A_1469 : vector<64x1024xi32>
    %shift_right_logical3A_1471 = arith.constant 19 : i32
    %shift_right_logical3A_1472 = vector.broadcast %shift_right_logical3A_1471 : i32 to vector<64x1024xi32>
    %shift_right_logical3A_1473 = arith.shrui %add3A_1466, %shift_right_logical3A_1472 : vector<64x1024xi32>
    %or3A_1474 = arith.ori %shift_left3A_1470, %shift_right_logical3A_1473 : vector<64x1024xi32>
    %xor3A_1475 = arith.xori %add3A_1467, %or3A_1474 : vector<64x1024xi32>
    %add3A_1476 = arith.addi %add3A_1467, %xor3A_1475 : vector<64x1024xi32>
    %shift_left3A_1477 = arith.constant 15 : i32
    %shift_left3A_1478 = vector.broadcast %shift_left3A_1477 : i32 to vector<64x1024xi32>
    %shift_left3A_1479 = arith.shli %xor3A_1475, %shift_left3A_1478 : vector<64x1024xi32>
    %shift_right_logical3A_1480 = arith.constant 17 : i32
    %shift_right_logical3A_1481 = vector.broadcast %shift_right_logical3A_1480 : i32 to vector<64x1024xi32>
    %shift_right_logical3A_1482 = arith.shrui %xor3A_1475, %shift_right_logical3A_1481 : vector<64x1024xi32>
    %or3A_1483 = arith.ori %shift_left3A_1479, %shift_right_logical3A_1482 : vector<64x1024xi32>
    %xor3A_1484 = arith.xori %add3A_1476, %or3A_1483 : vector<64x1024xi32>
    %add3A_1485 = arith.addi %add3A_1476, %xor3A_1484 : vector<64x1024xi32>
    %shift_left3A_1486 = arith.constant 26 : i32
    %shift_left3A_1487 = vector.broadcast %shift_left3A_1486 : i32 to vector<64x1024xi32>
    %shift_left3A_1488 = arith.shli %xor3A_1484, %shift_left3A_1487 : vector<64x1024xi32>
    %shift_right_logical3A_1489 = arith.constant 6 : i32
    %shift_right_logical3A_1490 = vector.broadcast %shift_right_logical3A_1489 : i32 to vector<64x1024xi32>
    %shift_right_logical3A_1491 = arith.shrui %xor3A_1484, %shift_right_logical3A_1490 : vector<64x1024xi32>
    %or3A_1492 = arith.ori %shift_left3A_1488, %shift_right_logical3A_1491 : vector<64x1024xi32>
    %xor3A_1493 = arith.xori %add3A_1485, %or3A_1492 : vector<64x1024xi32>
    %add3A_1494 = arith.addi %add3A_1485, %xor3A_1493 : vector<64x1024xi32>
    %shift_left3A_1495 = arith.constant 6 : i32
    %shift_left3A_1496 = vector.broadcast %shift_left3A_1495 : i32 to vector<64x1024xi32>
    %shift_left3A_1497 = arith.shli %xor3A_1493, %shift_left3A_1496 : vector<64x1024xi32>
    %shift_right_logical3A_1498 = arith.constant 26 : i32
    %shift_right_logical3A_1499 = vector.broadcast %shift_right_logical3A_1498 : i32 to vector<64x1024xi32>
    %shift_right_logical3A_1500 = arith.shrui %xor3A_1493, %shift_right_logical3A_1499 : vector<64x1024xi32>
    %or3A_1501 = arith.ori %shift_left3A_1497, %shift_right_logical3A_1500 : vector<64x1024xi32>
    %xor3A_1502 = arith.xori %add3A_1494, %or3A_1501 : vector<64x1024xi32>
    %add3A_1503 = arith.constant 45 : i32
    %add3A_1504 = vector.broadcast %add3A_1503 : i32 to vector<64x1024xi32>
    %add3A_1505 = arith.addi %xor3A_1502, %add3A_1504 : vector<64x1024xi32>
    %add3A_1506 = arith.addi %add3A_1494, %add3A_1505 : vector<64x1024xi32>
    %shift_left3A_1507 = arith.constant 17 : i32
    %shift_left3A_1508 = vector.broadcast %shift_left3A_1507 : i32 to vector<64x1024xi32>
    %shift_left3A_1509 = arith.shli %add3A_1505, %shift_left3A_1508 : vector<64x1024xi32>
    %shift_right_logical3A_1510 = arith.constant 15 : i32
    %shift_right_logical3A_1511 = vector.broadcast %shift_right_logical3A_1510 : i32 to vector<64x1024xi32>
    %shift_right_logical3A_1512 = arith.shrui %add3A_1505, %shift_right_logical3A_1511 : vector<64x1024xi32>
    %or3A_1513 = arith.ori %shift_left3A_1509, %shift_right_logical3A_1512 : vector<64x1024xi32>
    %xor3A_1514 = arith.xori %add3A_1506, %or3A_1513 : vector<64x1024xi32>
    %add3A_1515 = arith.addi %add3A_1506, %xor3A_1514 : vector<64x1024xi32>
    %shift_left3A_1516 = arith.constant 29 : i32
    %shift_left3A_1517 = vector.broadcast %shift_left3A_1516 : i32 to vector<64x1024xi32>
    %shift_left3A_1518 = arith.shli %xor3A_1514, %shift_left3A_1517 : vector<64x1024xi32>
    %shift_right_logical3A_1519 = arith.constant 3 : i32
    %shift_right_logical3A_1520 = vector.broadcast %shift_right_logical3A_1519 : i32 to vector<64x1024xi32>
    %shift_right_logical3A_1521 = arith.shrui %xor3A_1514, %shift_right_logical3A_1520 : vector<64x1024xi32>
    %or3A_1522 = arith.ori %shift_left3A_1518, %shift_right_logical3A_1521 : vector<64x1024xi32>
    %xor3A_1523 = arith.xori %add3A_1515, %or3A_1522 : vector<64x1024xi32>
    %add3A_1524 = arith.addi %add3A_1515, %xor3A_1523 : vector<64x1024xi32>
    %shift_left3A_1525 = arith.constant 16 : i32
    %shift_left3A_1526 = vector.broadcast %shift_left3A_1525 : i32 to vector<64x1024xi32>
    %shift_left3A_1527 = arith.shli %xor3A_1523, %shift_left3A_1526 : vector<64x1024xi32>
    %shift_right_logical3A_1528 = arith.constant 16 : i32
    %shift_right_logical3A_1529 = vector.broadcast %shift_right_logical3A_1528 : i32 to vector<64x1024xi32>
    %shift_right_logical3A_1530 = arith.shrui %xor3A_1523, %shift_right_logical3A_1529 : vector<64x1024xi32>
    %or3A_1531 = arith.ori %shift_left3A_1527, %shift_right_logical3A_1530 : vector<64x1024xi32>
    %xor3A_1532 = arith.xori %add3A_1524, %or3A_1531 : vector<64x1024xi32>
    %add3A_1533 = arith.addi %add3A_1524, %xor3A_1532 : vector<64x1024xi32>
    %shift_left3A_1534 = arith.constant 24 : i32
    %shift_left3A_1535 = vector.broadcast %shift_left3A_1534 : i32 to vector<64x1024xi32>
    %shift_left3A_1536 = arith.shli %xor3A_1532, %shift_left3A_1535 : vector<64x1024xi32>
    %shift_right_logical3A_1537 = arith.constant 8 : i32
    %shift_right_logical3A_1538 = vector.broadcast %shift_right_logical3A_1537 : i32 to vector<64x1024xi32>
    %shift_right_logical3A_1539 = arith.shrui %xor3A_1532, %shift_right_logical3A_1538 : vector<64x1024xi32>
    %or3A_1540 = arith.ori %shift_left3A_1536, %shift_right_logical3A_1539 : vector<64x1024xi32>
    %xor3A_1541 = arith.xori %add3A_1533, %or3A_1540 : vector<64x1024xi32>
    %add3A_1542 = arith.constant 42 : i32
    %add3A_1543 = vector.broadcast %add3A_1542 : i32 to vector<64x1024xi32>
    %add3A_1544 = arith.addi %add3A_1533, %add3A_1543 : vector<64x1024xi32>
    %add3A_1545 = arith.constant 466689012 : i32
    %add3A_1546 = vector.broadcast %add3A_1545 : i32 to vector<64x1024xi32>
    %add3A_1547 = arith.addi %xor3A_1541, %add3A_1546 : vector<64x1024xi32>
    %add3A_1548 = arith.addi %add3A_1544, %add3A_1547 : vector<64x1024xi32>
    %shift_left3A_1549 = arith.constant 13 : i32
    %shift_left3A_1550 = vector.broadcast %shift_left3A_1549 : i32 to vector<64x1024xi32>
    %shift_left3A_1551 = arith.shli %add3A_1547, %shift_left3A_1550 : vector<64x1024xi32>
    %shift_right_logical3A_1552 = arith.constant 19 : i32
    %shift_right_logical3A_1553 = vector.broadcast %shift_right_logical3A_1552 : i32 to vector<64x1024xi32>
    %shift_right_logical3A_1554 = arith.shrui %add3A_1547, %shift_right_logical3A_1553 : vector<64x1024xi32>
    %or3A_1555 = arith.ori %shift_left3A_1551, %shift_right_logical3A_1554 : vector<64x1024xi32>
    %xor3A_1556 = arith.xori %add3A_1548, %or3A_1555 : vector<64x1024xi32>
    %add3A_1557 = arith.addi %add3A_1548, %xor3A_1556 : vector<64x1024xi32>
    %shift_left3A_1558 = arith.constant 15 : i32
    %shift_left3A_1559 = vector.broadcast %shift_left3A_1558 : i32 to vector<64x1024xi32>
    %shift_left3A_1560 = arith.shli %xor3A_1556, %shift_left3A_1559 : vector<64x1024xi32>
    %shift_right_logical3A_1561 = arith.constant 17 : i32
    %shift_right_logical3A_1562 = vector.broadcast %shift_right_logical3A_1561 : i32 to vector<64x1024xi32>
    %shift_right_logical3A_1563 = arith.shrui %xor3A_1556, %shift_right_logical3A_1562 : vector<64x1024xi32>
    %or3A_1564 = arith.ori %shift_left3A_1560, %shift_right_logical3A_1563 : vector<64x1024xi32>
    %xor3A_1565 = arith.xori %add3A_1557, %or3A_1564 : vector<64x1024xi32>
    %add3A_1566 = arith.addi %add3A_1557, %xor3A_1565 : vector<64x1024xi32>
    %shift_left3A_1567 = arith.constant 26 : i32
    %shift_left3A_1568 = vector.broadcast %shift_left3A_1567 : i32 to vector<64x1024xi32>
    %shift_left3A_1569 = arith.shli %xor3A_1565, %shift_left3A_1568 : vector<64x1024xi32>
    %shift_right_logical3A_1570 = arith.constant 6 : i32
    %shift_right_logical3A_1571 = vector.broadcast %shift_right_logical3A_1570 : i32 to vector<64x1024xi32>
    %shift_right_logical3A_1572 = arith.shrui %xor3A_1565, %shift_right_logical3A_1571 : vector<64x1024xi32>
    %or3A_1573 = arith.ori %shift_left3A_1569, %shift_right_logical3A_1572 : vector<64x1024xi32>
    %xor3A_1574 = arith.xori %add3A_1566, %or3A_1573 : vector<64x1024xi32>
    %add3A_1575 = arith.addi %add3A_1566, %xor3A_1574 : vector<64x1024xi32>
    %shift_left3A_1576 = arith.constant 6 : i32
    %shift_left3A_1577 = vector.broadcast %shift_left3A_1576 : i32 to vector<64x1024xi32>
    %shift_left3A_1578 = arith.shli %xor3A_1574, %shift_left3A_1577 : vector<64x1024xi32>
    %shift_right_logical3A_1579 = arith.constant 26 : i32
    %shift_right_logical3A_1580 = vector.broadcast %shift_right_logical3A_1579 : i32 to vector<64x1024xi32>
    %shift_right_logical3A_1581 = arith.shrui %xor3A_1574, %shift_right_logical3A_1580 : vector<64x1024xi32>
    %or3A_1582 = arith.ori %shift_left3A_1578, %shift_right_logical3A_1581 : vector<64x1024xi32>
    %xor3A_1583 = arith.xori %add3A_1575, %or3A_1582 : vector<64x1024xi32>
    %add3A_1584 = arith.constant 466689008 : i32
    %add3A_1585 = vector.broadcast %add3A_1584 : i32 to vector<64x1024xi32>
    %add3A_1586 = arith.addi %add3A_1575, %add3A_1585 : vector<64x1024xi32>
    %add3A_1587 = arith.constant 5 : i32
    %add3A_1588 = vector.broadcast %add3A_1587 : i32 to vector<64x1024xi32>
    %add3A_1589 = arith.addi %xor3A_1583, %add3A_1588 : vector<64x1024xi32>
    %xor3A_1590 = arith.xori %add3A_1586, %add3A_1589 : vector<64x1024xi32>
    %shift_right_logical3A_1591 = arith.constant 9 : i32
    %shift_right_logical3A_1592 = vector.broadcast %shift_right_logical3A_1591 : i32 to vector<64x1024xi32>
    %shift_right_logical3A_1593 = arith.shrui %xor3A_1590, %shift_right_logical3A_1592 : vector<64x1024xi32>
    %or3A_1594 = arith.constant 1065353216 : i32
    %or3A_1595 = vector.broadcast %or3A_1594 : i32 to vector<64x1024xi32>
    %or3A_1596 = arith.ori %shift_right_logical3A_1593, %or3A_1595 : vector<64x1024xi32>
    %bitcast_convert_type3A_1597 = tpu.bitcast %or3A_1596 : vector<64x1024xi32> -> vector<64x1024xf32>
    %sub3A_1598 = arith.constant 1.000000e+00 : f32
    %sub3A_1599 = vector.broadcast %sub3A_1598 : f32 to vector<64x1024xf32>
    %sub3A_1600 = arith.subf %bitcast_convert_type3A_1597, %sub3A_1599 : vector<64x1024xf32>
    %add3A_1601 = arith.constant 1.17549435E-38 : f32
    %add3A_1602 = vector.broadcast %add3A_1601 : f32 to vector<64x1024xf32>
    %add3A_1603 = arith.addf %sub3A_1600, %add3A_1602 : vector<64x1024xf32>
    %max3A_1604 = arith.constant 1.17549435E-38 : f32
    %max3A_1605 = vector.broadcast %max3A_1604 : f32 to vector<64x1024xf32>
    %max3A_1606 = arith.maximumf %max3A_1605, %add3A_1603 : vector<64x1024xf32>
    %log3A_1607 = math.log %max3A_1606 : vector<64x1024xf32>
    %neg3A_1608 = arith.constant 0.000000e+00 : f32
    %neg3A_1609 = vector.broadcast %neg3A_1608 : f32 to vector<64x1024xf32>
    %neg3A_1610 = arith.subf %neg3A_1609, %log3A_1607 : vector<64x1024xf32>
    %log3A_1611 = math.log %neg3A_1610 : vector<64x1024xf32>
    %neg3A_1612 = arith.constant 0.000000e+00 : f32
    %neg3A_1613 = vector.broadcast %neg3A_1612 : f32 to vector<64x1024xf32>
    %neg3A_1614 = arith.subf %neg3A_1613, %log3A_1611 : vector<64x1024xf32>
    %add3A_1615 = arith.addf %neg3A_1614, %select_n3A : vector<64x1024xf32>
    %reduce_max3A_1616 = arith.constant dense<0xFF800000> : vector<64xf32>
    %reduce_max3A_1617 = vector.multi_reduction <maximumf>, %add3A_1615, %reduce_max3A_1616 [1] : vector<64x1024xf32> to vector<64xf32>
    %broadcast_in_dim3A_1618 = vector.shape_cast %reduce_max3A_1617 : vector<64xf32> to vector<64x1xf32>
    %eq3A_1619 = vector.broadcast %broadcast_in_dim3A_1618 : vector<64x1xf32> to vector<64x1024xf32>
    %eq3A_1620 = arith.cmpf oeq, %add3A_1615, %eq3A_1619 : vector<64x1024xf32>
    %jit3A_1621 = arith.constant 2147483647 : i32
    %broadcast_in_dim3A_1622 = vector.broadcast %jit3A_1621 : i32 to vector<64x1024xi32>
    %select_n3A_1623 = arith.select %eq3A_1620, %iota3A, %broadcast_in_dim3A_1622 : vector<64x1024xi1>, vector<64x1024xi32>
    %reduce_min3A_1624 = arith.constant dense<2147483647> : vector<64xi32>
    %reduce_min3A_1625 = vector.multi_reduction <minsi>, %select_n3A_1623, %reduce_min3A_1624 [1] : vector<64x1024xi32> to vector<64xi32>
    %broadcast_in_dim3A_1626 = vector.shape_cast %reduce_min3A_1625 : vector<64xi32> to vector<64x1xi32>
    %get3A_1627 = arith.constant 0 : index
    %get3A_1628 = arith.constant 5 : index
    %get3A_1629 = vector.load %arg6[%get3A_1627, %get3A_1628] : memref<64x6xf32, #tpu.memory_space<vmem>>, vector<64x1xf32>
    %gt3A_1630 = arith.cmpf ogt, %broadcast_in_dim3A_1618, %get3A_1629 : vector<64x1xf32>
    %get3A_1631 = arith.constant 0 : index
    %get3A_1632 = arith.constant 5 : index
    %get3A_1633 = vector.load %arg6[%get3A_1631, %get3A_1632] : memref<64x6xf32, #tpu.memory_space<vmem>>, vector<64x1xf32>
    %select_n3A_1634 = arith.select %gt3A_1630, %broadcast_in_dim3A_1618, %get3A_1633 : vector<64x1xi1>, vector<64x1xf32>
    %swap3A_1635 = arith.constant 0 : index
    %swap3A_1636 = arith.constant 5 : index
    %swap3A_1637 = vector.load %arg6[%swap3A_1635, %swap3A_1636] : memref<64x6xf32, #tpu.memory_space<vmem>>, vector<64x1xf32>
    tpu.vector_store %arg6[%swap3A_1635, %swap3A_1636], %select_n3A_1634 {strides = array<i32>} : memref<64x6xf32, #tpu.memory_space<vmem>>, vector<64x1xf32>,
    %mul3A_1638 = arith.constant 1024 : i32
    %mul3A_1639 = arith.muli %arg0, %mul3A_1638 : i32
    %add3A_1640 = vector.broadcast %mul3A_1639 : i32 to vector<64x1xi32>
    %add3A_1641 = arith.addi %broadcast_in_dim3A_1626, %add3A_1640 : vector<64x1xi32>
    %get3A_1642 = arith.constant 0 : index
    %get3A_1643 = arith.constant 5 : index
    %get3A_1644 = vector.load %arg7[%get3A_1642, %get3A_1643] : memref<64x6xi32, #tpu.memory_space<vmem>>, vector<64x1xi32>
    %select_n3A_1645 = arith.select %gt3A_1630, %add3A_1641, %get3A_1644 : vector<64x1xi1>, vector<64x1xi32>
    %swap3A_1646 = arith.constant 0 : index
    %swap3A_1647 = arith.constant 5 : index
    %swap3A_1648 = vector.load %arg7[%swap3A_1646, %swap3A_1647] : memref<64x6xi32, #tpu.memory_space<vmem>>, vector<64x1xi32>
    tpu.vector_store %arg7[%swap3A_1646, %swap3A_1647], %select_n3A_1645 {strides = array<i32>} : memref<64x6xi32, #tpu.memory_space<vmem>>, vector<64x1xi32>,
    %eq3A_1649 = arith.constant 976 : i32
    %eq3A_1650 = arith.cmpi eq, %arg0, %eq3A_1649 : i32
    %convert_element_type3A_1651 = arith.extui %eq3A_1650 : i1 to i32
    %cond3A_1652 = arith.constant 0 : i32
    %cond3A_1653 = arith.cmpi ne, %convert_element_type3A_1651, %cond3A_1652 : i32
    scf.if %cond3A_1653 {
      %get3A_1654 = arith.constant 0 : index
      %get3A_1655 = arith.constant 0 : index
      %get3A_1656 = vector.load %arg7[%get3A_1654, %get3A_1655] : memref<64x6xi32, #tpu.memory_space<vmem>>, vector<64x6xi32>
      %swap3A_1657 = arith.constant 0 : index
      %swap3A_1658 = arith.constant 0 : index
      %swap3A_1659 = vector.load %arg2[%swap3A_1657, %swap3A_1658] : memref<64x6xi32, #tpu.memory_space<vmem>>, vector<64x6xi32>
      tpu.vector_store %arg2[%swap3A_1657, %swap3A_1658], %get3A_1656 {strides = array<i32>} : memref<64x6xi32, #tpu.memory_space<vmem>>, vector<64x6xi32>,
      %iota3A_1660 = tpu.iota {dimensions = array<i32: 0>} : vector<64x6xi32>
      %iota3A_1661 = tpu.iota {dimensions = array<i32: 1>} : vector<64x6xi32>
      %mul3A_1662 = arith.constant 64000000 : i32
      %mul3A_1663 = vector.broadcast %mul3A_1662 : i32 to vector<64x6xi32>
      %mul3A_1664 = arith.muli %iota3A_1661, %mul3A_1663 : vector<64x6xi32>
      %mul3A_1665 = arith.constant 1000000 : i32
      %mul3A_1666 = vector.broadcast %mul3A_1665 : i32 to vector<64x6xi32>
      %mul3A_1667 = arith.muli %iota3A_1660, %mul3A_1666 : vector<64x6xi32>
      %add3A_1668 = arith.addi %mul3A_1664, %mul3A_1667 : vector<64x6xi32>
      %add3A_1669 = arith.addi %add3A_1668, %get3A_1656 : vector<64x6xi32>
      %add3A_1670 = arith.constant 42 : i32
      %add3A_1671 = vector.broadcast %add3A_1670 : i32 to vector<64x6xi32>
      %add3A_1672 = arith.addi %add3A_1669, %add3A_1671 : vector<64x6xi32>
      %shift_left3A_1673 = arith.constant 13 : i32
      %shift_left3A_1674 = vector.broadcast %shift_left3A_1673 : i32 to vector<64x6xi32>
      %shift_left3A_1675 = arith.shli %add3A_1672, %shift_left3A_1674 : vector<64x6xi32>
      %shift_right_logical3A_1676 = arith.constant 19 : i32
      %shift_right_logical3A_1677 = vector.broadcast %shift_right_logical3A_1676 : i32 to vector<64x6xi32>
      %shift_right_logical3A_1678 = arith.shrui %add3A_1672, %shift_right_logical3A_1677 : vector<64x6xi32>
      %or3A_1679 = arith.ori %shift_left3A_1675, %shift_right_logical3A_1678 : vector<64x6xi32>
      %xor3A_1680 = arith.xori %or3A_1679, %add3A_1672 : vector<64x6xi32>
      %add3A_1681 = arith.addi %add3A_1672, %xor3A_1680 : vector<64x6xi32>
      %shift_left3A_1682 = arith.constant 15 : i32
      %shift_left3A_1683 = vector.broadcast %shift_left3A_1682 : i32 to vector<64x6xi32>
      %shift_left3A_1684 = arith.shli %xor3A_1680, %shift_left3A_1683 : vector<64x6xi32>
      %shift_right_logical3A_1685 = arith.constant 17 : i32
      %shift_right_logical3A_1686 = vector.broadcast %shift_right_logical3A_1685 : i32 to vector<64x6xi32>
      %shift_right_logical3A_1687 = arith.shrui %xor3A_1680, %shift_right_logical3A_1686 : vector<64x6xi32>
      %or3A_1688 = arith.ori %shift_left3A_1684, %shift_right_logical3A_1687 : vector<64x6xi32>
      %xor3A_1689 = arith.xori %add3A_1681, %or3A_1688 : vector<64x6xi32>
      %add3A_1690 = arith.addi %add3A_1681, %xor3A_1689 : vector<64x6xi32>
      %shift_left3A_1691 = arith.constant 26 : i32
      %shift_left3A_1692 = vector.broadcast %shift_left3A_1691 : i32 to vector<64x6xi32>
      %shift_left3A_1693 = arith.shli %xor3A_1689, %shift_left3A_1692 : vector<64x6xi32>
      %shift_right_logical3A_1694 = arith.constant 6 : i32
      %shift_right_logical3A_1695 = vector.broadcast %shift_right_logical3A_1694 : i32 to vector<64x6xi32>
      %shift_right_logical3A_1696 = arith.shrui %xor3A_1689, %shift_right_logical3A_1695 : vector<64x6xi32>
      %or3A_1697 = arith.ori %shift_left3A_1693, %shift_right_logical3A_1696 : vector<64x6xi32>
      %xor3A_1698 = arith.xori %add3A_1690, %or3A_1697 : vector<64x6xi32>
      %add3A_1699 = arith.addi %add3A_1690, %xor3A_1698 : vector<64x6xi32>
      %shift_left3A_1700 = arith.constant 6 : i32
      %shift_left3A_1701 = vector.broadcast %shift_left3A_1700 : i32 to vector<64x6xi32>
      %shift_left3A_1702 = arith.shli %xor3A_1698, %shift_left3A_1701 : vector<64x6xi32>
      %shift_right_logical3A_1703 = arith.constant 26 : i32
      %shift_right_logical3A_1704 = vector.broadcast %shift_right_logical3A_1703 : i32 to vector<64x6xi32>
      %shift_right_logical3A_1705 = arith.shrui %xor3A_1698, %shift_right_logical3A_1704 : vector<64x6xi32>
      %or3A_1706 = arith.ori %shift_left3A_1702, %shift_right_logical3A_1705 : vector<64x6xi32>
      %xor3A_1707 = arith.xori %add3A_1699, %or3A_1706 : vector<64x6xi32>
      %add3A_1708 = arith.constant 42 : i32
      %add3A_1709 = vector.broadcast %add3A_1708 : i32 to vector<64x6xi32>
      %add3A_1710 = arith.addi %add3A_1699, %add3A_1709 : vector<64x6xi32>
      %add3A_1711 = arith.constant 466689009 : i32
      %add3A_1712 = vector.broadcast %add3A_1711 : i32 to vector<64x6xi32>
      %add3A_1713 = arith.addi %xor3A_1707, %add3A_1712 : vector<64x6xi32>
      %add3A_1714 = arith.addi %add3A_1710, %add3A_1713 : vector<64x6xi32>
      %shift_left3A_1715 = arith.constant 17 : i32
      %shift_left3A_1716 = vector.broadcast %shift_left3A_1715 : i32 to vector<64x6xi32>
      %shift_left3A_1717 = arith.shli %add3A_1713, %shift_left3A_1716 : vector<64x6xi32>
      %shift_right_logical3A_1718 = arith.constant 15 : i32
      %shift_right_logical3A_1719 = vector.broadcast %shift_right_logical3A_1718 : i32 to vector<64x6xi32>
      %shift_right_logical3A_1720 = arith.shrui %add3A_1713, %shift_right_logical3A_1719 : vector<64x6xi32>
      %or3A_1721 = arith.ori %shift_left3A_1717, %shift_right_logical3A_1720 : vector<64x6xi32>
      %xor3A_1722 = arith.xori %add3A_1714, %or3A_1721 : vector<64x6xi32>
      %add3A_1723 = arith.addi %add3A_1714, %xor3A_1722 : vector<64x6xi32>
      %shift_left3A_1724 = arith.constant 29 : i32
      %shift_left3A_1725 = vector.broadcast %shift_left3A_1724 : i32 to vector<64x6xi32>
      %shift_left3A_1726 = arith.shli %xor3A_1722, %shift_left3A_1725 : vector<64x6xi32>
      %shift_right_logical3A_1727 = arith.constant 3 : i32
      %shift_right_logical3A_1728 = vector.broadcast %shift_right_logical3A_1727 : i32 to vector<64x6xi32>
      %shift_right_logical3A_1729 = arith.shrui %xor3A_1722, %shift_right_logical3A_1728 : vector<64x6xi32>
      %or3A_1730 = arith.ori %shift_left3A_1726, %shift_right_logical3A_1729 : vector<64x6xi32>
      %xor3A_1731 = arith.xori %add3A_1723, %or3A_1730 : vector<64x6xi32>
      %add3A_1732 = arith.addi %add3A_1723, %xor3A_1731 : vector<64x6xi32>
      %shift_left3A_1733 = arith.constant 16 : i32
      %shift_left3A_1734 = vector.broadcast %shift_left3A_1733 : i32 to vector<64x6xi32>
      %shift_left3A_1735 = arith.shli %xor3A_1731, %shift_left3A_1734 : vector<64x6xi32>
      %shift_right_logical3A_1736 = arith.constant 16 : i32
      %shift_right_logical3A_1737 = vector.broadcast %shift_right_logical3A_1736 : i32 to vector<64x6xi32>
      %shift_right_logical3A_1738 = arith.shrui %xor3A_1731, %shift_right_logical3A_1737 : vector<64x6xi32>
      %or3A_1739 = arith.ori %shift_left3A_1735, %shift_right_logical3A_1738 : vector<64x6xi32>
      %xor3A_1740 = arith.xori %add3A_1732, %or3A_1739 : vector<64x6xi32>
      %add3A_1741 = arith.addi %add3A_1732, %xor3A_1740 : vector<64x6xi32>
      %shift_left3A_1742 = arith.constant 24 : i32
      %shift_left3A_1743 = vector.broadcast %shift_left3A_1742 : i32 to vector<64x6xi32>
      %shift_left3A_1744 = arith.shli %xor3A_1740, %shift_left3A_1743 : vector<64x6xi32>
      %shift_right_logical3A_1745 = arith.constant 8 : i32
      %shift_right_logical3A_1746 = vector.broadcast %shift_right_logical3A_1745 : i32 to vector<64x6xi32>
      %shift_right_logical3A_1747 = arith.shrui %xor3A_1740, %shift_right_logical3A_1746 : vector<64x6xi32>
      %or3A_1748 = arith.ori %shift_left3A_1744, %shift_right_logical3A_1747 : vector<64x6xi32>
      %xor3A_1749 = arith.xori %add3A_1741, %or3A_1748 : vector<64x6xi32>
      %add3A_1750 = arith.constant 466689008 : i32
      %add3A_1751 = vector.broadcast %add3A_1750 : i32 to vector<64x6xi32>
      %add3A_1752 = arith.addi %add3A_1741, %add3A_1751 : vector<64x6xi32>
      %add3A_1753 = arith.constant 2 : i32
      %add3A_1754 = vector.broadcast %add3A_1753 : i32 to vector<64x6xi32>
      %add3A_1755 = arith.addi %xor3A_1749, %add3A_1754 : vector<64x6xi32>
      %add3A_1756 = arith.addi %add3A_1752, %add3A_1755 : vector<64x6xi32>
      %shift_left3A_1757 = arith.constant 13 : i32
      %shift_left3A_1758 = vector.broadcast %shift_left3A_1757 : i32 to vector<64x6xi32>
      %shift_left3A_1759 = arith.shli %add3A_1755, %shift_left3A_1758 : vector<64x6xi32>
      %shift_right_logical3A_1760 = arith.constant 19 : i32
      %shift_right_logical3A_1761 = vector.broadcast %shift_right_logical3A_1760 : i32 to vector<64x6xi32>
      %shift_right_logical3A_1762 = arith.shrui %add3A_1755, %shift_right_logical3A_1761 : vector<64x6xi32>
      %or3A_1763 = arith.ori %shift_left3A_1759, %shift_right_logical3A_1762 : vector<64x6xi32>
      %xor3A_1764 = arith.xori %add3A_1756, %or3A_1763 : vector<64x6xi32>
      %add3A_1765 = arith.addi %add3A_1756, %xor3A_1764 : vector<64x6xi32>
      %shift_left3A_1766 = arith.constant 15 : i32
      %shift_left3A_1767 = vector.broadcast %shift_left3A_1766 : i32 to vector<64x6xi32>
      %shift_left3A_1768 = arith.shli %xor3A_1764, %shift_left3A_1767 : vector<64x6xi32>
      %shift_right_logical3A_1769 = arith.constant 17 : i32
      %shift_right_logical3A_1770 = vector.broadcast %shift_right_logical3A_1769 : i32 to vector<64x6xi32>
      %shift_right_logical3A_1771 = arith.shrui %xor3A_1764, %shift_right_logical3A_1770 : vector<64x6xi32>
      %or3A_1772 = arith.ori %shift_left3A_1768, %shift_right_logical3A_1771 : vector<64x6xi32>
      %xor3A_1773 = arith.xori %add3A_1765, %or3A_1772 : vector<64x6xi32>
      %add3A_1774 = arith.addi %add3A_1765, %xor3A_1773 : vector<64x6xi32>
      %shift_left3A_1775 = arith.constant 26 : i32
      %shift_left3A_1776 = vector.broadcast %shift_left3A_1775 : i32 to vector<64x6xi32>
      %shift_left3A_1777 = arith.shli %xor3A_1773, %shift_left3A_1776 : vector<64x6xi32>
      %shift_right_logical3A_1778 = arith.constant 6 : i32
      %shift_right_logical3A_1779 = vector.broadcast %shift_right_logical3A_1778 : i32 to vector<64x6xi32>
      %shift_right_logical3A_1780 = arith.shrui %xor3A_1773, %shift_right_logical3A_1779 : vector<64x6xi32>
      %or3A_1781 = arith.ori %shift_left3A_1777, %shift_right_logical3A_1780 : vector<64x6xi32>
      %xor3A_1782 = arith.xori %add3A_1774, %or3A_1781 : vector<64x6xi32>
      %add3A_1783 = arith.addi %add3A_1774, %xor3A_1782 : vector<64x6xi32>
      %shift_left3A_1784 = arith.constant 6 : i32
      %shift_left3A_1785 = vector.broadcast %shift_left3A_1784 : i32 to vector<64x6xi32>
      %shift_left3A_1786 = arith.shli %xor3A_1782, %shift_left3A_1785 : vector<64x6xi32>
      %shift_right_logical3A_1787 = arith.constant 26 : i32
      %shift_right_logical3A_1788 = vector.broadcast %shift_right_logical3A_1787 : i32 to vector<64x6xi32>
      %shift_right_logical3A_1789 = arith.shrui %xor3A_1782, %shift_right_logical3A_1788 : vector<64x6xi32>
      %or3A_1790 = arith.ori %shift_left3A_1786, %shift_right_logical3A_1789 : vector<64x6xi32>
      %xor3A_1791 = arith.xori %add3A_1783, %or3A_1790 : vector<64x6xi32>
      %add3A_1792 = arith.constant 45 : i32
      %add3A_1793 = vector.broadcast %add3A_1792 : i32 to vector<64x6xi32>
      %add3A_1794 = arith.addi %xor3A_1791, %add3A_1793 : vector<64x6xi32>
      %add3A_1795 = arith.addi %add3A_1783, %add3A_1794 : vector<64x6xi32>
      %shift_left3A_1796 = arith.constant 17 : i32
      %shift_left3A_1797 = vector.broadcast %shift_left3A_1796 : i32 to vector<64x6xi32>
      %shift_left3A_1798 = arith.shli %add3A_1794, %shift_left3A_1797 : vector<64x6xi32>
      %shift_right_logical3A_1799 = arith.constant 15 : i32
      %shift_right_logical3A_1800 = vector.broadcast %shift_right_logical3A_1799 : i32 to vector<64x6xi32>
      %shift_right_logical3A_1801 = arith.shrui %add3A_1794, %shift_right_logical3A_1800 : vector<64x6xi32>
      %or3A_1802 = arith.ori %shift_left3A_1798, %shift_right_logical3A_1801 : vector<64x6xi32>
      %xor3A_1803 = arith.xori %add3A_1795, %or3A_1802 : vector<64x6xi32>
      %add3A_1804 = arith.addi %add3A_1795, %xor3A_1803 : vector<64x6xi32>
      %shift_left3A_1805 = arith.constant 29 : i32
      %shift_left3A_1806 = vector.broadcast %shift_left3A_1805 : i32 to vector<64x6xi32>
      %shift_left3A_1807 = arith.shli %xor3A_1803, %shift_left3A_1806 : vector<64x6xi32>
      %shift_right_logical3A_1808 = arith.constant 3 : i32
      %shift_right_logical3A_1809 = vector.broadcast %shift_right_logical3A_1808 : i32 to vector<64x6xi32>
      %shift_right_logical3A_1810 = arith.shrui %xor3A_1803, %shift_right_logical3A_1809 : vector<64x6xi32>
      %or3A_1811 = arith.ori %shift_left3A_1807, %shift_right_logical3A_1810 : vector<64x6xi32>
      %xor3A_1812 = arith.xori %add3A_1804, %or3A_1811 : vector<64x6xi32>
      %add3A_1813 = arith.addi %add3A_1804, %xor3A_1812 : vector<64x6xi32>
      %shift_left3A_1814 = arith.constant 16 : i32
      %shift_left3A_1815 = vector.broadcast %shift_left3A_1814 : i32 to vector<64x6xi32>
      %shift_left3A_1816 = arith.shli %xor3A_1812, %shift_left3A_1815 : vector<64x6xi32>
      %shift_right_logical3A_1817 = arith.constant 16 : i32
      %shift_right_logical3A_1818 = vector.broadcast %shift_right_logical3A_1817 : i32 to vector<64x6xi32>
      %shift_right_logical3A_1819 = arith.shrui %xor3A_1812, %shift_right_logical3A_1818 : vector<64x6xi32>
      %or3A_1820 = arith.ori %shift_left3A_1816, %shift_right_logical3A_1819 : vector<64x6xi32>
      %xor3A_1821 = arith.xori %add3A_1813, %or3A_1820 : vector<64x6xi32>
      %add3A_1822 = arith.addi %add3A_1813, %xor3A_1821 : vector<64x6xi32>
      %shift_left3A_1823 = arith.constant 24 : i32
      %shift_left3A_1824 = vector.broadcast %shift_left3A_1823 : i32 to vector<64x6xi32>
      %shift_left3A_1825 = arith.shli %xor3A_1821, %shift_left3A_1824 : vector<64x6xi32>
      %shift_right_logical3A_1826 = arith.constant 8 : i32
      %shift_right_logical3A_1827 = vector.broadcast %shift_right_logical3A_1826 : i32 to vector<64x6xi32>
      %shift_right_logical3A_1828 = arith.shrui %xor3A_1821, %shift_right_logical3A_1827 : vector<64x6xi32>
      %or3A_1829 = arith.ori %shift_left3A_1825, %shift_right_logical3A_1828 : vector<64x6xi32>
      %xor3A_1830 = arith.xori %add3A_1822, %or3A_1829 : vector<64x6xi32>
      %add3A_1831 = arith.constant 42 : i32
      %add3A_1832 = vector.broadcast %add3A_1831 : i32 to vector<64x6xi32>
      %add3A_1833 = arith.addi %add3A_1822, %add3A_1832 : vector<64x6xi32>
      %add3A_1834 = arith.constant 466689012 : i32
      %add3A_1835 = vector.broadcast %add3A_1834 : i32 to vector<64x6xi32>
      %add3A_1836 = arith.addi %xor3A_1830, %add3A_1835 : vector<64x6xi32>
      %add3A_1837 = arith.addi %add3A_1833, %add3A_1836 : vector<64x6xi32>
      %shift_left3A_1838 = arith.constant 13 : i32
      %shift_left3A_1839 = vector.broadcast %shift_left3A_1838 : i32 to vector<64x6xi32>
      %shift_left3A_1840 = arith.shli %add3A_1836, %shift_left3A_1839 : vector<64x6xi32>
      %shift_right_logical3A_1841 = arith.constant 19 : i32
      %shift_right_logical3A_1842 = vector.broadcast %shift_right_logical3A_1841 : i32 to vector<64x6xi32>
      %shift_right_logical3A_1843 = arith.shrui %add3A_1836, %shift_right_logical3A_1842 : vector<64x6xi32>
      %or3A_1844 = arith.ori %shift_left3A_1840, %shift_right_logical3A_1843 : vector<64x6xi32>
      %xor3A_1845 = arith.xori %add3A_1837, %or3A_1844 : vector<64x6xi32>
      %add3A_1846 = arith.addi %add3A_1837, %xor3A_1845 : vector<64x6xi32>
      %shift_left3A_1847 = arith.constant 15 : i32
      %shift_left3A_1848 = vector.broadcast %shift_left3A_1847 : i32 to vector<64x6xi32>
      %shift_left3A_1849 = arith.shli %xor3A_1845, %shift_left3A_1848 : vector<64x6xi32>
      %shift_right_logical3A_1850 = arith.constant 17 : i32
      %shift_right_logical3A_1851 = vector.broadcast %shift_right_logical3A_1850 : i32 to vector<64x6xi32>
      %shift_right_logical3A_1852 = arith.shrui %xor3A_1845, %shift_right_logical3A_1851 : vector<64x6xi32>
      %or3A_1853 = arith.ori %shift_left3A_1849, %shift_right_logical3A_1852 : vector<64x6xi32>
      %xor3A_1854 = arith.xori %add3A_1846, %or3A_1853 : vector<64x6xi32>
      %add3A_1855 = arith.addi %add3A_1846, %xor3A_1854 : vector<64x6xi32>
      %shift_left3A_1856 = arith.constant 26 : i32
      %shift_left3A_1857 = vector.broadcast %shift_left3A_1856 : i32 to vector<64x6xi32>
      %shift_left3A_1858 = arith.shli %xor3A_1854, %shift_left3A_1857 : vector<64x6xi32>
      %shift_right_logical3A_1859 = arith.constant 6 : i32
      %shift_right_logical3A_1860 = vector.broadcast %shift_right_logical3A_1859 : i32 to vector<64x6xi32>
      %shift_right_logical3A_1861 = arith.shrui %xor3A_1854, %shift_right_logical3A_1860 : vector<64x6xi32>
      %or3A_1862 = arith.ori %shift_left3A_1858, %shift_right_logical3A_1861 : vector<64x6xi32>
      %xor3A_1863 = arith.xori %add3A_1855, %or3A_1862 : vector<64x6xi32>
      %add3A_1864 = arith.addi %add3A_1855, %xor3A_1863 : vector<64x6xi32>
      %shift_left3A_1865 = arith.constant 6 : i32
      %shift_left3A_1866 = vector.broadcast %shift_left3A_1865 : i32 to vector<64x6xi32>
      %shift_left3A_1867 = arith.shli %xor3A_1863, %shift_left3A_1866 : vector<64x6xi32>
      %shift_right_logical3A_1868 = arith.constant 26 : i32
      %shift_right_logical3A_1869 = vector.broadcast %shift_right_logical3A_1868 : i32 to vector<64x6xi32>
      %shift_right_logical3A_1870 = arith.shrui %xor3A_1863, %shift_right_logical3A_1869 : vector<64x6xi32>
      %or3A_1871 = arith.ori %shift_left3A_1867, %shift_right_logical3A_1870 : vector<64x6xi32>
      %xor3A_1872 = arith.xori %add3A_1864, %or3A_1871 : vector<64x6xi32>
      %add3A_1873 = arith.constant 466689008 : i32
      %add3A_1874 = vector.broadcast %add3A_1873 : i32 to vector<64x6xi32>
      %add3A_1875 = arith.addi %add3A_1864, %add3A_1874 : vector<64x6xi32>
      %add3A_1876 = arith.constant 5 : i32
      %add3A_1877 = vector.broadcast %add3A_1876 : i32 to vector<64x6xi32>
      %add3A_1878 = arith.addi %xor3A_1872, %add3A_1877 : vector<64x6xi32>
      %xor3A_1879 = arith.xori %add3A_1875, %add3A_1878 : vector<64x6xi32>
      %shift_right_logical3A_1880 = arith.constant 9 : i32
      %shift_right_logical3A_1881 = vector.broadcast %shift_right_logical3A_1880 : i32 to vector<64x6xi32>
      %shift_right_logical3A_1882 = arith.shrui %xor3A_1879, %shift_right_logical3A_1881 : vector<64x6xi32>
      %or3A_1883 = arith.constant 1065353216 : i32
      %or3A_1884 = vector.broadcast %or3A_1883 : i32 to vector<64x6xi32>
      %or3A_1885 = arith.ori %shift_right_logical3A_1882, %or3A_1884 : vector<64x6xi32>
      %bitcast_convert_type3A_1886 = tpu.bitcast %or3A_1885 : vector<64x6xi32> -> vector<64x6xf32>
      %sub3A_1887 = arith.constant 1.000000e+00 : f32
      %sub3A_1888 = vector.broadcast %sub3A_1887 : f32 to vector<64x6xf32>
      %sub3A_1889 = arith.subf %bitcast_convert_type3A_1886, %sub3A_1888 : vector<64x6xf32>
      %add3A_1890 = arith.constant 1.17549435E-38 : f32
      %add3A_1891 = vector.broadcast %add3A_1890 : f32 to vector<64x6xf32>
      %add3A_1892 = arith.addf %sub3A_1889, %add3A_1891 : vector<64x6xf32>
      %max3A_1893 = arith.constant 1.17549435E-38 : f32
      %max3A_1894 = vector.broadcast %max3A_1893 : f32 to vector<64x6xf32>
      %max3A_1895 = arith.maximumf %max3A_1894, %add3A_1892 : vector<64x6xf32>
      %log3A_1896 = math.log %max3A_1895 : vector<64x6xf32>
      %neg3A_1897 = arith.constant 0.000000e+00 : f32
      %neg3A_1898 = vector.broadcast %neg3A_1897 : f32 to vector<64x6xf32>
      %neg3A_1899 = arith.subf %neg3A_1898, %log3A_1896 : vector<64x6xf32>
      %log3A_1900 = math.log %neg3A_1899 : vector<64x6xf32>
      %neg3A_1901 = arith.constant 0.000000e+00 : f32
      %neg3A_1902 = vector.broadcast %neg3A_1901 : f32 to vector<64x6xf32>
      %neg3A_1903 = arith.subf %neg3A_1902, %log3A_1900 : vector<64x6xf32>
      %get3A_1904 = arith.constant 0 : index
      %get3A_1905 = arith.constant 0 : index
      %get3A_1906 = vector.load %arg6[%get3A_1904, %get3A_1905] : memref<64x6xf32, #tpu.memory_space<vmem>>, vector<64x6xf32>
      %sub3A_1907 = arith.subf %get3A_1906, %neg3A_1903 : vector<64x6xf32>
      %swap3A_1908 = arith.constant 0 : index
      %swap3A_1909 = arith.constant 0 : index
      %swap3A_1910 = vector.load %arg3[%swap3A_1908, %swap3A_1909] : memref<64x6xf32, #tpu.memory_space<vmem>>, vector<64x6xf32>
      tpu.vector_store %arg3[%swap3A_1908, %swap3A_1909], %sub3A_1907 {strides = array<i32>} : memref<64x6xf32, #tpu.memory_space<vmem>>, vector<64x6xf32>,
      %get3A_1911 = arith.constant 0 : index
      %get3A_1912 = arith.constant 0 : index
      %get3A_1913 = vector.load %arg8[%get3A_1911, %get3A_1912] : memref<64x1xf32, #tpu.memory_space<vmem>>, vector<64x1xf32>
      %get3A_1914 = arith.constant 0 : index
      %get3A_1915 = arith.constant 0 : index
      %get3A_1916 = vector.load %arg9[%get3A_1914, %get3A_1915] : memref<64x1xf32, #tpu.memory_space<vmem>>, vector<64x1xf32>
      %log3A_1917 = math.log %get3A_1916 : vector<64x1xf32>
      %add3A_1918 = arith.addf %get3A_1913, %log3A_1917 : vector<64x1xf32>
      %swap3A_1919 = arith.constant 0 : index
      %swap3A_1920 = arith.constant 0 : index
      %swap3A_1921 = vector.load %arg5[%swap3A_1919, %swap3A_1920] : memref<64x1xf32, #tpu.memory_space<vmem>>, vector<64x1xf32>
      tpu.vector_store %arg5[%swap3A_1919, %swap3A_1920], %add3A_1918 {strides = array<i32>} : memref<64x1xf32, #tpu.memory_space<vmem>>, vector<64x1xf32>,
      %sub3A_1922 = vector.broadcast %add3A_1918 : vector<64x1xf32> to vector<64x6xf32>
      %sub3A_1923 = arith.subf %sub3A_1907, %sub3A_1922 : vector<64x6xf32>
      %max3A_1924 = arith.constant -27.6310215 : f32
      %max3A_1925 = vector.broadcast %max3A_1924 : f32 to vector<64x6xf32>
      %max3A_1926 = arith.maximumf %sub3A_1923, %max3A_1925 : vector<64x6xf32>
      %swap3A_1927 = arith.constant 0 : index
      %swap3A_1928 = arith.constant 0 : index
      %swap3A_1929 = vector.load %arg4[%swap3A_1927, %swap3A_1928] : memref<64x6xf32, #tpu.memory_space<vmem>>, vector<64x6xf32>
      tpu.vector_store %arg4[%swap3A_1927, %swap3A_1928], %max3A_1926 {strides = array<i32>} : memref<64x6xf32, #tpu.memory_space<vmem>>, vector<64x6xf32>,
    } else {
    }
    return
  }
  func.func @transform_0(%arg0: i32) -> (i32, i32) {
    %c0_i32 = arith.constant 0 : i32
    %c0_i32_0 = arith.constant 0 : i32
    return %c0_i32, %arg0 : i32, i32
  }
  func.func @transform_1(%arg0: i32) -> (i32, i32) {
    %c0_i32 = arith.constant 0 : i32
    %c0_i32_0 = arith.constant 0 : i32
    %c0_i32_1 = arith.constant 0 : i32
    return %c0_i32, %c0_i32_0 : i32, i32
  }
  func.func @transform_2(%arg0: i32) -> (i32, i32) {
    %c0_i32 = arith.constant 0 : i32
    %c0_i32_0 = arith.constant 0 : i32
    %c0_i32_1 = arith.constant 0 : i32
    return %c0_i32, %c0_i32_0 : i32, i32
  }
  func.func @transform_3(%arg0: i32) -> (i32, i32) {
    %c0_i32 = arith.constant 0 : i32
    %c0_i32_0 = arith.constant 0 : i32
    %c0_i32_1 = arith.constant 0 : i32
    return %c0_i32, %c0_i32_0 : i32, i32
  }
  func.func @transform_4(%arg0: i32) -> (i32, i32) {
    %c0_i32 = arith.constant 0 : i32
    %c0_i32_0 = arith.constant 0 : i32
    %c0_i32_1 = arith.constant 0 : i32
    return %c0_i32, %c0_i32_0 : i32, i32
  }
}

module attributes {stable_mosaic.version = 14 : i64} {
  func.func @_tc2_kernel(%arg0: i32, %arg1: memref<64x1024xf32, #tpu.memory_space<vmem>>, %arg2: memref<128x1024xf32, #tpu.memory_space<vmem>>, %arg3: memref<64x1xf32, #tpu.memory_space<vmem>>, %arg4: memref<64x2xi32, #tpu.memory_space<vmem>>, %arg5: memref<64x2xf32, #tpu.memory_space<vmem>>, %arg6: memref<64x2xf32, #tpu.memory_space<vmem>>, %arg7: memref<64x2xf32, #tpu.memory_space<vmem>>, %arg8: memref<64x2xi32, #tpu.memory_space<vmem>>) attributes {dimension_semantics = [#tpu.dimension_semantics<arbitrary>], iteration_bounds = array<i64: 977>, scalar_prefetch = 0 : i64, scratch_operands = 2 : i64, tpu.core_type = #tpu.core_type<tc>, window_params = [{transform_indices = @transform_0, window_bounds = array<i64: 64, 1024>}, {transform_indices = @transform_1, window_bounds = array<i64: 128, 1024>}, {pipeline_mode = #tpu.pipeline_mode<synchronous>, transform_indices = @transform_2, window_bounds = array<i64: 64, 1>}, {pipeline_mode = #tpu.pipeline_mode<synchronous>, transform_indices = @transform_3, window_bounds = array<i64: 64, 2>}, {pipeline_mode = #tpu.pipeline_mode<synchronous>, transform_indices = @transform_4, window_bounds = array<i64: 64, 2>}, {pipeline_mode = #tpu.pipeline_mode<synchronous>, transform_indices = @transform_5, window_bounds = array<i64: 64, 2>}]} {
    %eq3A = arith.constant 0 : i32
    %eq3A_0 = arith.cmpi eq, %arg0, %eq3A : i32
    %convert_element_type3A = arith.extui %eq3A_0 : i1 to i32
    %cond3A = arith.constant 0 : i32
    %cond3A_1 = arith.cmpi ne, %convert_element_type3A, %cond3A : i32
    scf.if %cond3A_1 {
      %broadcast_in_dim3A_95 = arith.constant 0xFF800000 : f32
      %broadcast_in_dim3A_96 = vector.broadcast %broadcast_in_dim3A_95 : f32 to vector<64x2xf32>
      %swap3A_97 = arith.constant 0 : index
      %swap3A_98 = arith.constant 0 : index
      %swap3A_99 = vector.load %arg7[%swap3A_97, %swap3A_98] : memref<64x2xf32, #tpu.memory_space<vmem>>, vector<64x2xf32>
      tpu.vector_store %arg7[%swap3A_97, %swap3A_98], %broadcast_in_dim3A_96 {strides = array<i32>} : memref<64x2xf32, #tpu.memory_space<vmem>>, vector<64x2xf32>,
      %broadcast_in_dim3A_100 = arith.constant 0 : i32
      %broadcast_in_dim3A_101 = vector.broadcast %broadcast_in_dim3A_100 : i32 to vector<64x2xi32>
      %swap3A_102 = arith.constant 0 : index
      %swap3A_103 = arith.constant 0 : index
      %swap3A_104 = vector.load %arg8[%swap3A_102, %swap3A_103] : memref<64x2xi32, #tpu.memory_space<vmem>>, vector<64x2xi32>
      tpu.vector_store %arg8[%swap3A_102, %swap3A_103], %broadcast_in_dim3A_101 {strides = array<i32>} : memref<64x2xi32, #tpu.memory_space<vmem>>, vector<64x2xi32>,
    } else {
    }
    %get3A = arith.constant 0 : index
    %get3A_2 = arith.constant 0 : index
    %get3A_3 = vector.load %arg1[%get3A, %get3A_2] : memref<64x1024xf32, #tpu.memory_space<vmem>>, vector<64x1024xf32>
    %iota3A = tpu.iota {dimensions = array<i32: 1>} : vector<64x1024xi32>
    %mul3A = arith.constant 1024 : i32
    %mul3A_4 = arith.muli %arg0, %mul3A : i32
    %sub3A = arith.constant 1000000 : i32
    %sub3A_5 = arith.subi %sub3A, %mul3A_4 : i32
    %lt3A = vector.broadcast %sub3A_5 : i32 to vector<64x1024xi32>
    %lt3A_6 = arith.cmpi slt, %iota3A, %lt3A : vector<64x1024xi32>
    %jit3A = arith.constant 0xFF800000 : f32
    %broadcast_in_dim3A = vector.broadcast %jit3A : f32 to vector<64x1024xf32>
    %select_n3A = arith.select %lt3A_6, %get3A_3, %broadcast_in_dim3A : vector<64x1024xi1>, vector<64x1024xf32>
    %get3A_7 = arith.constant 0 : index
    %get3A_8 = arith.constant 0 : index
    %get3A_9 = vector.load %arg2[%get3A_7, %get3A_8] : memref<128x1024xf32, #tpu.memory_space<vmem>>, vector<64x1024xf32>
    %log3A = math.log %get3A_9 : vector<64x1024xf32>
    %neg3A = arith.constant 0.000000e+00 : f32
    %neg3A_10 = vector.broadcast %neg3A : f32 to vector<64x1024xf32>
    %neg3A_11 = arith.subf %neg3A_10, %log3A : vector<64x1024xf32>
    %log3A_12 = math.log %neg3A_11 : vector<64x1024xf32>
    %neg3A_13 = arith.constant 0.000000e+00 : f32
    %neg3A_14 = vector.broadcast %neg3A_13 : f32 to vector<64x1024xf32>
    %neg3A_15 = arith.subf %neg3A_14, %log3A_12 : vector<64x1024xf32>
    %add3A = arith.addf %neg3A_15, %select_n3A : vector<64x1024xf32>
    %reduce_max3A = arith.constant dense<0xFF800000> : vector<64xf32>
    %reduce_max3A_16 = vector.multi_reduction <maximumf>, %add3A, %reduce_max3A [1] : vector<64x1024xf32> to vector<64xf32>
    %broadcast_in_dim3A_17 = vector.shape_cast %reduce_max3A_16 : vector<64xf32> to vector<64x1xf32>
    %eq3A_18 = vector.broadcast %broadcast_in_dim3A_17 : vector<64x1xf32> to vector<64x1024xf32>
    %eq3A_19 = arith.cmpf oeq, %add3A, %eq3A_18 : vector<64x1024xf32>
    %jit3A_20 = arith.constant 2147483647 : i32
    %broadcast_in_dim3A_21 = vector.broadcast %jit3A_20 : i32 to vector<64x1024xi32>
    %select_n3A_22 = arith.select %eq3A_19, %iota3A, %broadcast_in_dim3A_21 : vector<64x1024xi1>, vector<64x1024xi32>
    %reduce_min3A = arith.constant dense<2147483647> : vector<64xi32>
    %reduce_min3A_23 = vector.multi_reduction <minsi>, %select_n3A_22, %reduce_min3A [1] : vector<64x1024xi32> to vector<64xi32>
    %broadcast_in_dim3A_24 = vector.shape_cast %reduce_min3A_23 : vector<64xi32> to vector<64x1xi32>
    %get3A_25 = arith.constant 0 : index
    %get3A_26 = arith.constant 0 : index
    %get3A_27 = vector.load %arg7[%get3A_25, %get3A_26] : memref<64x2xf32, #tpu.memory_space<vmem>>, vector<64x1xf32>
    %gt3A = arith.cmpf ogt, %broadcast_in_dim3A_17, %get3A_27 : vector<64x1xf32>
    %get3A_28 = arith.constant 0 : index
    %get3A_29 = arith.constant 0 : index
    %get3A_30 = vector.load %arg7[%get3A_28, %get3A_29] : memref<64x2xf32, #tpu.memory_space<vmem>>, vector<64x1xf32>
    %select_n3A_31 = arith.select %gt3A, %broadcast_in_dim3A_17, %get3A_30 : vector<64x1xi1>, vector<64x1xf32>
    %swap3A = arith.constant 0 : index
    %swap3A_32 = arith.constant 0 : index
    %swap3A_33 = vector.load %arg7[%swap3A, %swap3A_32] : memref<64x2xf32, #tpu.memory_space<vmem>>, vector<64x1xf32>
    tpu.vector_store %arg7[%swap3A, %swap3A_32], %select_n3A_31 {strides = array<i32>} : memref<64x2xf32, #tpu.memory_space<vmem>>, vector<64x1xf32>,
    %mul3A_34 = arith.constant 1024 : i32
    %mul3A_35 = arith.muli %arg0, %mul3A_34 : i32
    %add3A_36 = vector.broadcast %mul3A_35 : i32 to vector<64x1xi32>
    %add3A_37 = arith.addi %broadcast_in_dim3A_24, %add3A_36 : vector<64x1xi32>
    %get3A_38 = arith.constant 0 : index
    %get3A_39 = arith.constant 0 : index
    %get3A_40 = vector.load %arg8[%get3A_38, %get3A_39] : memref<64x2xi32, #tpu.memory_space<vmem>>, vector<64x1xi32>
    %select_n3A_41 = arith.select %gt3A, %add3A_37, %get3A_40 : vector<64x1xi1>, vector<64x1xi32>
    %swap3A_42 = arith.constant 0 : index
    %swap3A_43 = arith.constant 0 : index
    %swap3A_44 = vector.load %arg8[%swap3A_42, %swap3A_43] : memref<64x2xi32, #tpu.memory_space<vmem>>, vector<64x1xi32>
    tpu.vector_store %arg8[%swap3A_42, %swap3A_43], %select_n3A_41 {strides = array<i32>} : memref<64x2xi32, #tpu.memory_space<vmem>>, vector<64x1xi32>,
    %get3A_45 = arith.constant 64 : index
    %get3A_46 = arith.constant 0 : index
    %get3A_47 = vector.load %arg2[%get3A_45, %get3A_46] : memref<128x1024xf32, #tpu.memory_space<vmem>>, vector<64x1024xf32>
    %log3A_48 = math.log %get3A_47 : vector<64x1024xf32>
    %neg3A_49 = arith.constant 0.000000e+00 : f32
    %neg3A_50 = vector.broadcast %neg3A_49 : f32 to vector<64x1024xf32>
    %neg3A_51 = arith.subf %neg3A_50, %log3A_48 : vector<64x1024xf32>
    %log3A_52 = math.log %neg3A_51 : vector<64x1024xf32>
    %neg3A_53 = arith.constant 0.000000e+00 : f32
    %neg3A_54 = vector.broadcast %neg3A_53 : f32 to vector<64x1024xf32>
    %neg3A_55 = arith.subf %neg3A_54, %log3A_52 : vector<64x1024xf32>
    %add3A_56 = arith.addf %neg3A_55, %select_n3A : vector<64x1024xf32>
    %reduce_max3A_57 = arith.constant dense<0xFF800000> : vector<64xf32>
    %reduce_max3A_58 = vector.multi_reduction <maximumf>, %add3A_56, %reduce_max3A_57 [1] : vector<64x1024xf32> to vector<64xf32>
    %broadcast_in_dim3A_59 = vector.shape_cast %reduce_max3A_58 : vector<64xf32> to vector<64x1xf32>
    %eq3A_60 = vector.broadcast %broadcast_in_dim3A_59 : vector<64x1xf32> to vector<64x1024xf32>
    %eq3A_61 = arith.cmpf oeq, %add3A_56, %eq3A_60 : vector<64x1024xf32>
    %jit3A_62 = arith.constant 2147483647 : i32
    %broadcast_in_dim3A_63 = vector.broadcast %jit3A_62 : i32 to vector<64x1024xi32>
    %select_n3A_64 = arith.select %eq3A_61, %iota3A, %broadcast_in_dim3A_63 : vector<64x1024xi1>, vector<64x1024xi32>
    %reduce_min3A_65 = arith.constant dense<2147483647> : vector<64xi32>
    %reduce_min3A_66 = vector.multi_reduction <minsi>, %select_n3A_64, %reduce_min3A_65 [1] : vector<64x1024xi32> to vector<64xi32>
    %broadcast_in_dim3A_67 = vector.shape_cast %reduce_min3A_66 : vector<64xi32> to vector<64x1xi32>
    %get3A_68 = arith.constant 0 : index
    %get3A_69 = arith.constant 1 : index
    %get3A_70 = vector.load %arg7[%get3A_68, %get3A_69] : memref<64x2xf32, #tpu.memory_space<vmem>>, vector<64x1xf32>
    %gt3A_71 = arith.cmpf ogt, %broadcast_in_dim3A_59, %get3A_70 : vector<64x1xf32>
    %get3A_72 = arith.constant 0 : index
    %get3A_73 = arith.constant 1 : index
    %get3A_74 = vector.load %arg7[%get3A_72, %get3A_73] : memref<64x2xf32, #tpu.memory_space<vmem>>, vector<64x1xf32>
    %select_n3A_75 = arith.select %gt3A_71, %broadcast_in_dim3A_59, %get3A_74 : vector<64x1xi1>, vector<64x1xf32>
    %swap3A_76 = arith.constant 0 : index
    %swap3A_77 = arith.constant 1 : index
    %swap3A_78 = vector.load %arg7[%swap3A_76, %swap3A_77] : memref<64x2xf32, #tpu.memory_space<vmem>>, vector<64x1xf32>
    tpu.vector_store %arg7[%swap3A_76, %swap3A_77], %select_n3A_75 {strides = array<i32>} : memref<64x2xf32, #tpu.memory_space<vmem>>, vector<64x1xf32>,
    %mul3A_79 = arith.constant 1024 : i32
    %mul3A_80 = arith.muli %arg0, %mul3A_79 : i32
    %add3A_81 = vector.broadcast %mul3A_80 : i32 to vector<64x1xi32>
    %add3A_82 = arith.addi %broadcast_in_dim3A_67, %add3A_81 : vector<64x1xi32>
    %get3A_83 = arith.constant 0 : index
    %get3A_84 = arith.constant 1 : index
    %get3A_85 = vector.load %arg8[%get3A_83, %get3A_84] : memref<64x2xi32, #tpu.memory_space<vmem>>, vector<64x1xi32>
    %select_n3A_86 = arith.select %gt3A_71, %add3A_82, %get3A_85 : vector<64x1xi1>, vector<64x1xi32>
    %swap3A_87 = arith.constant 0 : index
    %swap3A_88 = arith.constant 1 : index
    %swap3A_89 = vector.load %arg8[%swap3A_87, %swap3A_88] : memref<64x2xi32, #tpu.memory_space<vmem>>, vector<64x1xi32>
    tpu.vector_store %arg8[%swap3A_87, %swap3A_88], %select_n3A_86 {strides = array<i32>} : memref<64x2xi32, #tpu.memory_space<vmem>>, vector<64x1xi32>,
    %eq3A_90 = arith.constant 976 : i32
    %eq3A_91 = arith.cmpi eq, %arg0, %eq3A_90 : i32
    %convert_element_type3A_92 = arith.extui %eq3A_91 : i1 to i32
    %cond3A_93 = arith.constant 0 : i32
    %cond3A_94 = arith.cmpi ne, %convert_element_type3A_92, %cond3A_93 : i32
    scf.if %cond3A_94 {
      %get3A_95 = arith.constant 0 : index
      %get3A_96 = arith.constant 0 : index
      %get3A_97 = vector.load %arg8[%get3A_95, %get3A_96] : memref<64x2xi32, #tpu.memory_space<vmem>>, vector<64x2xi32>
      %swap3A_98 = arith.constant 0 : index
      %swap3A_99 = arith.constant 0 : index
      %swap3A_100 = vector.load %arg4[%swap3A_98, %swap3A_99] : memref<64x2xi32, #tpu.memory_space<vmem>>, vector<64x2xi32>
      tpu.vector_store %arg4[%swap3A_98, %swap3A_99], %get3A_97 {strides = array<i32>} : memref<64x2xi32, #tpu.memory_space<vmem>>, vector<64x2xi32>,
      %iota3A_101 = tpu.iota {dimensions = array<i32: 0>} : vector<64x2xi32>
      %iota3A_102 = tpu.iota {dimensions = array<i32: 1>} : vector<64x2xi32>
      %add3A_103 = arith.constant 6 : i32
      %add3A_104 = vector.broadcast %add3A_103 : i32 to vector<64x2xi32>
      %add3A_105 = arith.addi %iota3A_102, %add3A_104 : vector<64x2xi32>
      %mul3A_106 = arith.constant 64000000 : i32
      %mul3A_107 = vector.broadcast %mul3A_106 : i32 to vector<64x2xi32>
      %mul3A_108 = arith.muli %add3A_105, %mul3A_107 : vector<64x2xi32>
      %mul3A_109 = arith.constant 1000000 : i32
      %mul3A_110 = vector.broadcast %mul3A_109 : i32 to vector<64x2xi32>
      %mul3A_111 = arith.muli %iota3A_101, %mul3A_110 : vector<64x2xi32>
      %add3A_112 = arith.addi %mul3A_108, %mul3A_111 : vector<64x2xi32>
      %add3A_113 = arith.addi %add3A_112, %get3A_97 : vector<64x2xi32>
      %add3A_114 = arith.constant 42 : i32
      %add3A_115 = vector.broadcast %add3A_114 : i32 to vector<64x2xi32>
      %add3A_116 = arith.addi %add3A_113, %add3A_115 : vector<64x2xi32>
      %shift_left3A = arith.constant 13 : i32
      %shift_left3A_117 = vector.broadcast %shift_left3A : i32 to vector<64x2xi32>
      %shift_left3A_118 = arith.shli %add3A_116, %shift_left3A_117 : vector<64x2xi32>
      %shift_right_logical3A = arith.constant 19 : i32
      %shift_right_logical3A_119 = vector.broadcast %shift_right_logical3A : i32 to vector<64x2xi32>
      %shift_right_logical3A_120 = arith.shrui %add3A_116, %shift_right_logical3A_119 : vector<64x2xi32>
      %or3A = arith.ori %shift_left3A_118, %shift_right_logical3A_120 : vector<64x2xi32>
      %xor3A = arith.xori %or3A, %add3A_116 : vector<64x2xi32>
      %add3A_121 = arith.addi %add3A_116, %xor3A : vector<64x2xi32>
      %shift_left3A_122 = arith.constant 15 : i32
      %shift_left3A_123 = vector.broadcast %shift_left3A_122 : i32 to vector<64x2xi32>
      %shift_left3A_124 = arith.shli %xor3A, %shift_left3A_123 : vector<64x2xi32>
      %shift_right_logical3A_125 = arith.constant 17 : i32
      %shift_right_logical3A_126 = vector.broadcast %shift_right_logical3A_125 : i32 to vector<64x2xi32>
      %shift_right_logical3A_127 = arith.shrui %xor3A, %shift_right_logical3A_126 : vector<64x2xi32>
      %or3A_128 = arith.ori %shift_left3A_124, %shift_right_logical3A_127 : vector<64x2xi32>
      %xor3A_129 = arith.xori %add3A_121, %or3A_128 : vector<64x2xi32>
      %add3A_130 = arith.addi %add3A_121, %xor3A_129 : vector<64x2xi32>
      %shift_left3A_131 = arith.constant 26 : i32
      %shift_left3A_132 = vector.broadcast %shift_left3A_131 : i32 to vector<64x2xi32>
      %shift_left3A_133 = arith.shli %xor3A_129, %shift_left3A_132 : vector<64x2xi32>
      %shift_right_logical3A_134 = arith.constant 6 : i32
      %shift_right_logical3A_135 = vector.broadcast %shift_right_logical3A_134 : i32 to vector<64x2xi32>
      %shift_right_logical3A_136 = arith.shrui %xor3A_129, %shift_right_logical3A_135 : vector<64x2xi32>
      %or3A_137 = arith.ori %shift_left3A_133, %shift_right_logical3A_136 : vector<64x2xi32>
      %xor3A_138 = arith.xori %add3A_130, %or3A_137 : vector<64x2xi32>
      %add3A_139 = arith.addi %add3A_130, %xor3A_138 : vector<64x2xi32>
      %shift_left3A_140 = arith.constant 6 : i32
      %shift_left3A_141 = vector.broadcast %shift_left3A_140 : i32 to vector<64x2xi32>
      %shift_left3A_142 = arith.shli %xor3A_138, %shift_left3A_141 : vector<64x2xi32>
      %shift_right_logical3A_143 = arith.constant 26 : i32
      %shift_right_logical3A_144 = vector.broadcast %shift_right_logical3A_143 : i32 to vector<64x2xi32>
      %shift_right_logical3A_145 = arith.shrui %xor3A_138, %shift_right_logical3A_144 : vector<64x2xi32>
      %or3A_146 = arith.ori %shift_left3A_142, %shift_right_logical3A_145 : vector<64x2xi32>
      %xor3A_147 = arith.xori %add3A_139, %or3A_146 : vector<64x2xi32>
      %add3A_148 = arith.constant 42 : i32
      %add3A_149 = vector.broadcast %add3A_148 : i32 to vector<64x2xi32>
      %add3A_150 = arith.addi %add3A_139, %add3A_149 : vector<64x2xi32>
      %add3A_151 = arith.constant 466689009 : i32
      %add3A_152 = vector.broadcast %add3A_151 : i32 to vector<64x2xi32>
      %add3A_153 = arith.addi %xor3A_147, %add3A_152 : vector<64x2xi32>
      %add3A_154 = arith.addi %add3A_150, %add3A_153 : vector<64x2xi32>
      %shift_left3A_155 = arith.constant 17 : i32
      %shift_left3A_156 = vector.broadcast %shift_left3A_155 : i32 to vector<64x2xi32>
      %shift_left3A_157 = arith.shli %add3A_153, %shift_left3A_156 : vector<64x2xi32>
      %shift_right_logical3A_158 = arith.constant 15 : i32
      %shift_right_logical3A_159 = vector.broadcast %shift_right_logical3A_158 : i32 to vector<64x2xi32>
      %shift_right_logical3A_160 = arith.shrui %add3A_153, %shift_right_logical3A_159 : vector<64x2xi32>
      %or3A_161 = arith.ori %shift_left3A_157, %shift_right_logical3A_160 : vector<64x2xi32>
      %xor3A_162 = arith.xori %add3A_154, %or3A_161 : vector<64x2xi32>
      %add3A_163 = arith.addi %add3A_154, %xor3A_162 : vector<64x2xi32>
      %shift_left3A_164 = arith.constant 29 : i32
      %shift_left3A_165 = vector.broadcast %shift_left3A_164 : i32 to vector<64x2xi32>
      %shift_left3A_166 = arith.shli %xor3A_162, %shift_left3A_165 : vector<64x2xi32>
      %shift_right_logical3A_167 = arith.constant 3 : i32
      %shift_right_logical3A_168 = vector.broadcast %shift_right_logical3A_167 : i32 to vector<64x2xi32>
      %shift_right_logical3A_169 = arith.shrui %xor3A_162, %shift_right_logical3A_168 : vector<64x2xi32>
      %or3A_170 = arith.ori %shift_left3A_166, %shift_right_logical3A_169 : vector<64x2xi32>
      %xor3A_171 = arith.xori %add3A_163, %or3A_170 : vector<64x2xi32>
      %add3A_172 = arith.addi %add3A_163, %xor3A_171 : vector<64x2xi32>
      %shift_left3A_173 = arith.constant 16 : i32
      %shift_left3A_174 = vector.broadcast %shift_left3A_173 : i32 to vector<64x2xi32>
      %shift_left3A_175 = arith.shli %xor3A_171, %shift_left3A_174 : vector<64x2xi32>
      %shift_right_logical3A_176 = arith.constant 16 : i32
      %shift_right_logical3A_177 = vector.broadcast %shift_right_logical3A_176 : i32 to vector<64x2xi32>
      %shift_right_logical3A_178 = arith.shrui %xor3A_171, %shift_right_logical3A_177 : vector<64x2xi32>
      %or3A_179 = arith.ori %shift_left3A_175, %shift_right_logical3A_178 : vector<64x2xi32>
      %xor3A_180 = arith.xori %add3A_172, %or3A_179 : vector<64x2xi32>
      %add3A_181 = arith.addi %add3A_172, %xor3A_180 : vector<64x2xi32>
      %shift_left3A_182 = arith.constant 24 : i32
      %shift_left3A_183 = vector.broadcast %shift_left3A_182 : i32 to vector<64x2xi32>
      %shift_left3A_184 = arith.shli %xor3A_180, %shift_left3A_183 : vector<64x2xi32>
      %shift_right_logical3A_185 = arith.constant 8 : i32
      %shift_right_logical3A_186 = vector.broadcast %shift_right_logical3A_185 : i32 to vector<64x2xi32>
      %shift_right_logical3A_187 = arith.shrui %xor3A_180, %shift_right_logical3A_186 : vector<64x2xi32>
      %or3A_188 = arith.ori %shift_left3A_184, %shift_right_logical3A_187 : vector<64x2xi32>
      %xor3A_189 = arith.xori %add3A_181, %or3A_188 : vector<64x2xi32>
      %add3A_190 = arith.constant 466689008 : i32
      %add3A_191 = vector.broadcast %add3A_190 : i32 to vector<64x2xi32>
      %add3A_192 = arith.addi %add3A_181, %add3A_191 : vector<64x2xi32>
      %add3A_193 = arith.constant 2 : i32
      %add3A_194 = vector.broadcast %add3A_193 : i32 to vector<64x2xi32>
      %add3A_195 = arith.addi %xor3A_189, %add3A_194 : vector<64x2xi32>
      %add3A_196 = arith.addi %add3A_192, %add3A_195 : vector<64x2xi32>
      %shift_left3A_197 = arith.constant 13 : i32
      %shift_left3A_198 = vector.broadcast %shift_left3A_197 : i32 to vector<64x2xi32>
      %shift_left3A_199 = arith.shli %add3A_195, %shift_left3A_198 : vector<64x2xi32>
      %shift_right_logical3A_200 = arith.constant 19 : i32
      %shift_right_logical3A_201 = vector.broadcast %shift_right_logical3A_200 : i32 to vector<64x2xi32>
      %shift_right_logical3A_202 = arith.shrui %add3A_195, %shift_right_logical3A_201 : vector<64x2xi32>
      %or3A_203 = arith.ori %shift_left3A_199, %shift_right_logical3A_202 : vector<64x2xi32>
      %xor3A_204 = arith.xori %add3A_196, %or3A_203 : vector<64x2xi32>
      %add3A_205 = arith.addi %add3A_196, %xor3A_204 : vector<64x2xi32>
      %shift_left3A_206 = arith.constant 15 : i32
      %shift_left3A_207 = vector.broadcast %shift_left3A_206 : i32 to vector<64x2xi32>
      %shift_left3A_208 = arith.shli %xor3A_204, %shift_left3A_207 : vector<64x2xi32>
      %shift_right_logical3A_209 = arith.constant 17 : i32
      %shift_right_logical3A_210 = vector.broadcast %shift_right_logical3A_209 : i32 to vector<64x2xi32>
      %shift_right_logical3A_211 = arith.shrui %xor3A_204, %shift_right_logical3A_210 : vector<64x2xi32>
      %or3A_212 = arith.ori %shift_left3A_208, %shift_right_logical3A_211 : vector<64x2xi32>
      %xor3A_213 = arith.xori %add3A_205, %or3A_212 : vector<64x2xi32>
      %add3A_214 = arith.addi %add3A_205, %xor3A_213 : vector<64x2xi32>
      %shift_left3A_215 = arith.constant 26 : i32
      %shift_left3A_216 = vector.broadcast %shift_left3A_215 : i32 to vector<64x2xi32>
      %shift_left3A_217 = arith.shli %xor3A_213, %shift_left3A_216 : vector<64x2xi32>
      %shift_right_logical3A_218 = arith.constant 6 : i32
      %shift_right_logical3A_219 = vector.broadcast %shift_right_logical3A_218 : i32 to vector<64x2xi32>
      %shift_right_logical3A_220 = arith.shrui %xor3A_213, %shift_right_logical3A_219 : vector<64x2xi32>
      %or3A_221 = arith.ori %shift_left3A_217, %shift_right_logical3A_220 : vector<64x2xi32>
      %xor3A_222 = arith.xori %add3A_214, %or3A_221 : vector<64x2xi32>
      %add3A_223 = arith.addi %add3A_214, %xor3A_222 : vector<64x2xi32>
      %shift_left3A_224 = arith.constant 6 : i32
      %shift_left3A_225 = vector.broadcast %shift_left3A_224 : i32 to vector<64x2xi32>
      %shift_left3A_226 = arith.shli %xor3A_222, %shift_left3A_225 : vector<64x2xi32>
      %shift_right_logical3A_227 = arith.constant 26 : i32
      %shift_right_logical3A_228 = vector.broadcast %shift_right_logical3A_227 : i32 to vector<64x2xi32>
      %shift_right_logical3A_229 = arith.shrui %xor3A_222, %shift_right_logical3A_228 : vector<64x2xi32>
      %or3A_230 = arith.ori %shift_left3A_226, %shift_right_logical3A_229 : vector<64x2xi32>
      %xor3A_231 = arith.xori %add3A_223, %or3A_230 : vector<64x2xi32>
      %add3A_232 = arith.constant 45 : i32
      %add3A_233 = vector.broadcast %add3A_232 : i32 to vector<64x2xi32>
      %add3A_234 = arith.addi %xor3A_231, %add3A_233 : vector<64x2xi32>
      %add3A_235 = arith.addi %add3A_223, %add3A_234 : vector<64x2xi32>
      %shift_left3A_236 = arith.constant 17 : i32
      %shift_left3A_237 = vector.broadcast %shift_left3A_236 : i32 to vector<64x2xi32>
      %shift_left3A_238 = arith.shli %add3A_234, %shift_left3A_237 : vector<64x2xi32>
      %shift_right_logical3A_239 = arith.constant 15 : i32
      %shift_right_logical3A_240 = vector.broadcast %shift_right_logical3A_239 : i32 to vector<64x2xi32>
      %shift_right_logical3A_241 = arith.shrui %add3A_234, %shift_right_logical3A_240 : vector<64x2xi32>
      %or3A_242 = arith.ori %shift_left3A_238, %shift_right_logical3A_241 : vector<64x2xi32>
      %xor3A_243 = arith.xori %add3A_235, %or3A_242 : vector<64x2xi32>
      %add3A_244 = arith.addi %add3A_235, %xor3A_243 : vector<64x2xi32>
      %shift_left3A_245 = arith.constant 29 : i32
      %shift_left3A_246 = vector.broadcast %shift_left3A_245 : i32 to vector<64x2xi32>
      %shift_left3A_247 = arith.shli %xor3A_243, %shift_left3A_246 : vector<64x2xi32>
      %shift_right_logical3A_248 = arith.constant 3 : i32
      %shift_right_logical3A_249 = vector.broadcast %shift_right_logical3A_248 : i32 to vector<64x2xi32>
      %shift_right_logical3A_250 = arith.shrui %xor3A_243, %shift_right_logical3A_249 : vector<64x2xi32>
      %or3A_251 = arith.ori %shift_left3A_247, %shift_right_logical3A_250 : vector<64x2xi32>
      %xor3A_252 = arith.xori %add3A_244, %or3A_251 : vector<64x2xi32>
      %add3A_253 = arith.addi %add3A_244, %xor3A_252 : vector<64x2xi32>
      %shift_left3A_254 = arith.constant 16 : i32
      %shift_left3A_255 = vector.broadcast %shift_left3A_254 : i32 to vector<64x2xi32>
      %shift_left3A_256 = arith.shli %xor3A_252, %shift_left3A_255 : vector<64x2xi32>
      %shift_right_logical3A_257 = arith.constant 16 : i32
      %shift_right_logical3A_258 = vector.broadcast %shift_right_logical3A_257 : i32 to vector<64x2xi32>
      %shift_right_logical3A_259 = arith.shrui %xor3A_252, %shift_right_logical3A_258 : vector<64x2xi32>
      %or3A_260 = arith.ori %shift_left3A_256, %shift_right_logical3A_259 : vector<64x2xi32>
      %xor3A_261 = arith.xori %add3A_253, %or3A_260 : vector<64x2xi32>
      %add3A_262 = arith.addi %add3A_253, %xor3A_261 : vector<64x2xi32>
      %shift_left3A_263 = arith.constant 24 : i32
      %shift_left3A_264 = vector.broadcast %shift_left3A_263 : i32 to vector<64x2xi32>
      %shift_left3A_265 = arith.shli %xor3A_261, %shift_left3A_264 : vector<64x2xi32>
      %shift_right_logical3A_266 = arith.constant 8 : i32
      %shift_right_logical3A_267 = vector.broadcast %shift_right_logical3A_266 : i32 to vector<64x2xi32>
      %shift_right_logical3A_268 = arith.shrui %xor3A_261, %shift_right_logical3A_267 : vector<64x2xi32>
      %or3A_269 = arith.ori %shift_left3A_265, %shift_right_logical3A_268 : vector<64x2xi32>
      %xor3A_270 = arith.xori %add3A_262, %or3A_269 : vector<64x2xi32>
      %add3A_271 = arith.constant 42 : i32
      %add3A_272 = vector.broadcast %add3A_271 : i32 to vector<64x2xi32>
      %add3A_273 = arith.addi %add3A_262, %add3A_272 : vector<64x2xi32>
      %add3A_274 = arith.constant 466689012 : i32
      %add3A_275 = vector.broadcast %add3A_274 : i32 to vector<64x2xi32>
      %add3A_276 = arith.addi %xor3A_270, %add3A_275 : vector<64x2xi32>
      %add3A_277 = arith.addi %add3A_273, %add3A_276 : vector<64x2xi32>
      %shift_left3A_278 = arith.constant 13 : i32
      %shift_left3A_279 = vector.broadcast %shift_left3A_278 : i32 to vector<64x2xi32>
      %shift_left3A_280 = arith.shli %add3A_276, %shift_left3A_279 : vector<64x2xi32>
      %shift_right_logical3A_281 = arith.constant 19 : i32
      %shift_right_logical3A_282 = vector.broadcast %shift_right_logical3A_281 : i32 to vector<64x2xi32>
      %shift_right_logical3A_283 = arith.shrui %add3A_276, %shift_right_logical3A_282 : vector<64x2xi32>
      %or3A_284 = arith.ori %shift_left3A_280, %shift_right_logical3A_283 : vector<64x2xi32>
      %xor3A_285 = arith.xori %add3A_277, %or3A_284 : vector<64x2xi32>
      %add3A_286 = arith.addi %add3A_277, %xor3A_285 : vector<64x2xi32>
      %shift_left3A_287 = arith.constant 15 : i32
      %shift_left3A_288 = vector.broadcast %shift_left3A_287 : i32 to vector<64x2xi32>
      %shift_left3A_289 = arith.shli %xor3A_285, %shift_left3A_288 : vector<64x2xi32>
      %shift_right_logical3A_290 = arith.constant 17 : i32
      %shift_right_logical3A_291 = vector.broadcast %shift_right_logical3A_290 : i32 to vector<64x2xi32>
      %shift_right_logical3A_292 = arith.shrui %xor3A_285, %shift_right_logical3A_291 : vector<64x2xi32>
      %or3A_293 = arith.ori %shift_left3A_289, %shift_right_logical3A_292 : vector<64x2xi32>
      %xor3A_294 = arith.xori %add3A_286, %or3A_293 : vector<64x2xi32>
      %add3A_295 = arith.addi %add3A_286, %xor3A_294 : vector<64x2xi32>
      %shift_left3A_296 = arith.constant 26 : i32
      %shift_left3A_297 = vector.broadcast %shift_left3A_296 : i32 to vector<64x2xi32>
      %shift_left3A_298 = arith.shli %xor3A_294, %shift_left3A_297 : vector<64x2xi32>
      %shift_right_logical3A_299 = arith.constant 6 : i32
      %shift_right_logical3A_300 = vector.broadcast %shift_right_logical3A_299 : i32 to vector<64x2xi32>
      %shift_right_logical3A_301 = arith.shrui %xor3A_294, %shift_right_logical3A_300 : vector<64x2xi32>
      %or3A_302 = arith.ori %shift_left3A_298, %shift_right_logical3A_301 : vector<64x2xi32>
      %xor3A_303 = arith.xori %add3A_295, %or3A_302 : vector<64x2xi32>
      %add3A_304 = arith.addi %add3A_295, %xor3A_303 : vector<64x2xi32>
      %shift_left3A_305 = arith.constant 6 : i32
      %shift_left3A_306 = vector.broadcast %shift_left3A_305 : i32 to vector<64x2xi32>
      %shift_left3A_307 = arith.shli %xor3A_303, %shift_left3A_306 : vector<64x2xi32>
      %shift_right_logical3A_308 = arith.constant 26 : i32
      %shift_right_logical3A_309 = vector.broadcast %shift_right_logical3A_308 : i32 to vector<64x2xi32>
      %shift_right_logical3A_310 = arith.shrui %xor3A_303, %shift_right_logical3A_309 : vector<64x2xi32>
      %or3A_311 = arith.ori %shift_left3A_307, %shift_right_logical3A_310 : vector<64x2xi32>
      %xor3A_312 = arith.xori %add3A_304, %or3A_311 : vector<64x2xi32>
      %add3A_313 = arith.constant 466689008 : i32
      %add3A_314 = vector.broadcast %add3A_313 : i32 to vector<64x2xi32>
      %add3A_315 = arith.addi %add3A_304, %add3A_314 : vector<64x2xi32>
      %add3A_316 = arith.constant 5 : i32
      %add3A_317 = vector.broadcast %add3A_316 : i32 to vector<64x2xi32>
      %add3A_318 = arith.addi %xor3A_312, %add3A_317 : vector<64x2xi32>
      %xor3A_319 = arith.xori %add3A_315, %add3A_318 : vector<64x2xi32>
      %shift_right_logical3A_320 = arith.constant 9 : i32
      %shift_right_logical3A_321 = vector.broadcast %shift_right_logical3A_320 : i32 to vector<64x2xi32>
      %shift_right_logical3A_322 = arith.shrui %xor3A_319, %shift_right_logical3A_321 : vector<64x2xi32>
      %or3A_323 = arith.constant 1065353216 : i32
      %or3A_324 = vector.broadcast %or3A_323 : i32 to vector<64x2xi32>
      %or3A_325 = arith.ori %shift_right_logical3A_322, %or3A_324 : vector<64x2xi32>
      %bitcast_convert_type3A = tpu.bitcast %or3A_325 : vector<64x2xi32> -> vector<64x2xf32>
      %sub3A_326 = arith.constant 1.000000e+00 : f32
      %sub3A_327 = vector.broadcast %sub3A_326 : f32 to vector<64x2xf32>
      %sub3A_328 = arith.subf %bitcast_convert_type3A, %sub3A_327 : vector<64x2xf32>
      %add3A_329 = arith.constant 1.17549435E-38 : f32
      %add3A_330 = vector.broadcast %add3A_329 : f32 to vector<64x2xf32>
      %add3A_331 = arith.addf %sub3A_328, %add3A_330 : vector<64x2xf32>
      %max3A = arith.constant 1.17549435E-38 : f32
      %max3A_332 = vector.broadcast %max3A : f32 to vector<64x2xf32>
      %max3A_333 = arith.maximumf %max3A_332, %add3A_331 : vector<64x2xf32>
      %log3A_334 = math.log %max3A_333 : vector<64x2xf32>
      %neg3A_335 = arith.constant 0.000000e+00 : f32
      %neg3A_336 = vector.broadcast %neg3A_335 : f32 to vector<64x2xf32>
      %neg3A_337 = arith.subf %neg3A_336, %log3A_334 : vector<64x2xf32>
      %log3A_338 = math.log %neg3A_337 : vector<64x2xf32>
      %neg3A_339 = arith.constant 0.000000e+00 : f32
      %neg3A_340 = vector.broadcast %neg3A_339 : f32 to vector<64x2xf32>
      %neg3A_341 = arith.subf %neg3A_340, %log3A_338 : vector<64x2xf32>
      %get3A_342 = arith.constant 0 : index
      %get3A_343 = arith.constant 0 : index
      %get3A_344 = vector.load %arg7[%get3A_342, %get3A_343] : memref<64x2xf32, #tpu.memory_space<vmem>>, vector<64x2xf32>
      %sub3A_345 = arith.subf %get3A_344, %neg3A_341 : vector<64x2xf32>
      %swap3A_346 = arith.constant 0 : index
      %swap3A_347 = arith.constant 0 : index
      %swap3A_348 = vector.load %arg5[%swap3A_346, %swap3A_347] : memref<64x2xf32, #tpu.memory_space<vmem>>, vector<64x2xf32>
      tpu.vector_store %arg5[%swap3A_346, %swap3A_347], %sub3A_345 {strides = array<i32>} : memref<64x2xf32, #tpu.memory_space<vmem>>, vector<64x2xf32>,
      %get3A_349 = arith.constant 0 : index
      %get3A_350 = arith.constant 0 : index
      %get3A_351 = vector.load %arg3[%get3A_349, %get3A_350] : memref<64x1xf32, #tpu.memory_space<vmem>>, vector<64x1xf32>
      %sub3A_352 = vector.broadcast %get3A_351 : vector<64x1xf32> to vector<64x2xf32>
      %sub3A_353 = arith.subf %sub3A_345, %sub3A_352 : vector<64x2xf32>
      %max3A_354 = arith.constant -27.6310215 : f32
      %max3A_355 = vector.broadcast %max3A_354 : f32 to vector<64x2xf32>
      %max3A_356 = arith.maximumf %sub3A_353, %max3A_355 : vector<64x2xf32>
      %swap3A_357 = arith.constant 0 : index
      %swap3A_358 = arith.constant 0 : index
      %swap3A_359 = vector.load %arg6[%swap3A_357, %swap3A_358] : memref<64x2xf32, #tpu.memory_space<vmem>>, vector<64x2xf32>
      tpu.vector_store %arg6[%swap3A_357, %swap3A_358], %max3A_356 {strides = array<i32>} : memref<64x2xf32, #tpu.memory_space<vmem>>, vector<64x2xf32>,
    } else {
    }
    return
  }
  func.func @transform_0(%arg0: i32) -> (i32, i32) {
    %c0_i32 = arith.constant 0 : i32
    %c0_i32_0 = arith.constant 0 : i32
    return %c0_i32, %arg0 : i32, i32
  }
  func.func @transform_1(%arg0: i32) -> (i32, i32) {
    %c0_i32 = arith.constant 0 : i32
    %c0_i32_0 = arith.constant 0 : i32
    return %c0_i32, %arg0 : i32, i32
  }
  func.func @transform_2(%arg0: i32) -> (i32, i32) {
    %c0_i32 = arith.constant 0 : i32
    %c0_i32_0 = arith.constant 0 : i32
    %c0_i32_1 = arith.constant 0 : i32
    return %c0_i32, %c0_i32_0 : i32, i32
  }
  func.func @transform_3(%arg0: i32) -> (i32, i32) {
    %c0_i32 = arith.constant 0 : i32
    %c0_i32_0 = arith.constant 0 : i32
    %c0_i32_1 = arith.constant 0 : i32
    return %c0_i32, %c0_i32_0 : i32, i32
  }
  func.func @transform_4(%arg0: i32) -> (i32, i32) {
    %c0_i32 = arith.constant 0 : i32
    %c0_i32_0 = arith.constant 0 : i32
    %c0_i32_1 = arith.constant 0 : i32
    return %c0_i32, %c0_i32_0 : i32, i32
  }
  func.func @transform_5(%arg0: i32) -> (i32, i32) {
    %c0_i32 = arith.constant 0 : i32
    %c0_i32_0 = arith.constant 0 : i32
    %c0_i32_1 = arith.constant 0 : i32
    return %c0_i32, %c0_i32_0 : i32, i32
  }
}

</mosaic_0001>

<sc_bundles>
// kernel: kernel.5.cloned.1.call-start
scs
__scs_entry_jumppad:
0x0: {  	(pc) =	sbr.rel $0x88, $3  }
0x1: {  	(tag) =	ssettag $0x0;
	lr =	simm.s32 $0x1  }
0x2: {  	[smem:$0x3FA0] =	sst lr;
	_ =	strace $0xD0000000  }
0x3: {  	_ = 	snop  }
0x4: {  	_ = 	snop  }
0x5: {  	_ = 	snop  }
0x6: {  	_ = 	snop  }
0x7: {  	_ = 	snop  }
__scs_overlays_trampoline_lowered:
0x8: {  	[smem:$0x3FAF] =	sst s0  }
0x9: {  	[smem:$0x3FB0] =	sst s1  }
0xa: {  	[smem:$0x3FB1] =	sst s2  }
0xb: {  	[smem:$0x3FB2] =	sst s3  }
0xc: {  	[smem:$0x3FB3] =	sst s4  }
0xd: {  	[smem:$0x3FB4] =	sst s5  }
0xe: {  	[smem:$0x3FB5] =	sst s6  }
0xf: {  	[smem:$0x3FB6] =	sst s7  }
0x10: {  	[smem:$0x3FB7] =	sst s8  }
0x11: {  	[smem:$0x3FB8] =	sst s9;
	s0 =	simm.s32 @!p0 $0x0  }
0x12: {  	s1 =	sld [smem:$0x3F9E];
	s0 =	simm.s32 @p0 $0x1  }
0x13: {  	[smem:$0x3FB9] =	sst s0;
	s0 =	simm.s32 @!p1 $0x0  }
0x14: {  	s2 =	sld [smem:$0x3F9D];
	s0 =	simm.s32 @p1 $0x1  }
0x15: {  	[smem:$0x3FBA] =	sst s0;
	s0 =	simm.s32 @!p2 $0x0  }
0x16: {  	s3 =	sld [smem:$0x3FDB];
	s0 =	simm.s32 @p2 $0x1  }
0x17: {  	s4 =	simm.s32 $0x1BF5;
	[smem:$0x3FBC] =	sst s0  }
0x18: {  	s0 =	sld [smem:$0x3F9F];
	_ =	swait.ge [sflag:s4], $0x0  }
0x19: {  	s7 =	sld [smem:$0x3FA0]  }
0x1a: {  	s8 =	sadd.s32 $0xFFFFE003, lr  }
0x1b: {  	s9 =	sadd.s32 $0xFFFFFEF7, lr;
	s5 =	simm.s32 $0xFFFFFFFF;
	p2 =	slt.u32 s8, $0xFFFFF086  }
0x1c: {  	p1 =	slt.u32 s9, $0xF7A;
	s5 =	simm.s32 @!p2 $0x0  }
0x1d: {  	s5 =	simm.s32 @p1 $0x1;
	p0 =	seq.s32 s7, s2  }
0x1e: {  	s7 =	smul.u32 @!p0 $0xF7A, s2;
	p2 =	seq.s32 @!p0 s5, $0x0  }
0x1f: {  	s9 =	smul.u32 $0xF7A, s1;
	s8 =	simm.s32 @!p0 $0x1BF5;
	p2 =	por !p2, p0  }
0x20: {  	[sflag:s8] =	ssyncset.s32 @!p0 $0xFFFFF086;
	s6 =	sadd.s32 @!p0 s3, s7;
	s7 =	simm.s32 @!p0 $0x108  }
0x21: {  	s3 =	sadd.s32 s3, s9;
	s6 =	sadd.s32 @!p0 $0x88, s6;
	s7 =	simm.s32 @p2 $0x1082  }
0x22: {  	[simem:s7], [sflag:s8] =	dma.local @!p0 [hbm:s6], $0xF7A  }
0x23: {  	s9 =	sor.u32 $0xD0000000, s2;
	s6 =	simm.s32 $0x108;
	_ =	swait.ge @!p0 [sflag:s8], $0x0  }
0x24: {  	s3 =	sadd.s32 $0x88, s3;
	s6 =	simm.s32 @!p1 $0x1082;
	[sflag:s4] =	ssyncset.s32 $0xFFFFF086  }
0x25: {  	[simem:s6], [sflag:s4] =	dma.local [hbm:s3], $0xF7A  }
0x26: {  	[smem:$0x3FA0] =	sst s1;
	(tag) =	ssettag s2;
	_ =	strace s9  }
0x27: {  	s1 =	sld [smem:$0x3FB0]  }
0x28: {  	s2 =	sld [smem:$0x3FB1]  }
0x29: {  	s4 =	sld [smem:$0x3FB3]  }
0x2a: {  	p0 =	seq.s32 s5, $0x0;
	s5 =	sld [smem:$0x3FB4]  }
0x2b: {  	s6 =	sld [smem:$0x3FB5]  }
0x2c: {  	s7 =	sld [smem:$0x3FB6]  }
0x2d: {  	s3 =	simm.s32 $0x108;
	s8 =	sld [smem:$0x3FB7]  }
0x2e: {  	s3 =	simm.s32 @!p0 $0x1082;
	s9 =	sld [smem:$0x3FB8]  }
0x2f: {  	lr =	sadd.s32 s0, s3;
	s0 =	sld [smem:$0x3FAF]  }
0x30: {  	s3 =	sld [smem:$0x3FB2]  }
0x31: {  	[smem:$0x3FBB] =	sst s10  }
0x32: {  	s10 =	sld [smem:$0x3FB9];
	_ =	sdelay $0x3  }
0x33: {  	p0 =	seq.s32 s10, $0x1;
	s10 =	sld [smem:$0x3FBB];
	_ =	sdelay $0x3  }
0x34: {  	[smem:$0x3FBB] =	sst s10  }
0x35: {  	s10 =	sld [smem:$0x3FBA];
	_ =	sdelay $0x3  }
0x36: {  	p1 =	seq.s32 s10, $0x1;
	s10 =	sld [smem:$0x3FBB];
	_ =	sdelay $0x3  }
0x37: {  	[smem:$0x3FBB] =	sst s10  }
0x38: {  	s10 =	sld [smem:$0x3FBC]  }
0x39: {  	_ = 	snop;
	(pc) =	sbr.ind lr, $3  }
0x3a: {  	_ = 	snop  }
0x3b: {  	_ = 	snop  }
0x3c: {  	p2 =	seq.s32 s10, $0x1;
	s10 =	sld [smem:$0x3FBB]  }
0x3d: {  	_ =	shalt  }
0x3e: {  	_ =	shalt  }
0x3f: {  	_ =	shalt  }
0x40: {  	_ =	shalt  }
0x41: {  	_ =	shalt  }
0x42: {  	_ =	shalt  }
0x43: {  	_ =	shalt  }
0x44: {  	_ =	shalt  }
0x45: {  	_ =	shalt  }
0x46: {  	_ =	shalt  }
0x47: {  	_ =	shalt  }
0x48: {  	_ =	shalt  }
0x49: {  	_ =	shalt  }
0x4a: {  	_ =	shalt  }
0x4b: {  	_ =	shalt  }
0x4c: {  	_ =	shalt  }
0x4d: {  	_ =	shalt  }
0x4e: {  	_ =	shalt  }
0x4f: {  	_ =	shalt  }
0x50: {  	_ =	shalt  }
0x51: {  	_ =	shalt  }
0x52: {  	_ =	shalt  }
0x53: {  	_ =	shalt  }
0x54: {  	_ =	shalt  }
0x55: {  	_ =	shalt  }
0x56: {  	_ =	shalt  }
0x57: {  	_ =	shalt  }
0x58: {  	_ =	shalt  }
0x59: {  	_ =	shalt  }
0x5a: {  	_ =	shalt  }
0x5b: {  	_ =	shalt  }
0x5c: {  	_ =	shalt  }
0x5d: {  	_ =	shalt  }
0x5e: {  	_ =	shalt  }
0x5f: {  	_ =	shalt  }
0x60: {  	_ =	shalt  }
0x61: {  	_ =	shalt  }
0x62: {  	_ =	shalt  }
0x63: {  	_ =	shalt  }
0x64: {  	_ =	shalt  }
0x65: {  	_ =	shalt  }
0x66: {  	_ =	shalt  }
0x67: {  	_ =	shalt  }
0x68: {  	_ =	shalt  }
0x69: {  	_ =	shalt  }
0x6a: {  	_ =	shalt  }
0x6b: {  	_ =	shalt  }
0x6c: {  	_ =	shalt  }
0x6d: {  	_ =	shalt  }
0x6e: {  	_ =	shalt  }
0x6f: {  	_ =	shalt  }
0x70: {  	_ =	shalt  }
0x71: {  	_ =	shalt  }
0x72: {  	_ =	shalt  }
0x73: {  	_ =	shalt  }
0x74: {  	_ =	shalt  }
0x75: {  	_ =	shalt  }
0x76: {  	_ =	shalt  }
0x77: {  	_ =	shalt  }
0x78: {  	_ =	shalt  }
0x79: {  	_ =	shalt  }
0x7a: {  	_ =	shalt  }
0x7b: {  	_ =	shalt  }
0x7c: {  	_ =	shalt  }
0x7d: {  	_ =	shalt  }
0x7e: {  	_ =	shalt  }
0x7f: {  	_ =	shalt  }
0x80: {  	_ =	shalt  }
0x81: {  	_ =	shalt  }
0x82: {  	_ =	shalt  }
0x83: {  	_ =	shalt  }
0x84: {  	_ =	shalt  }
0x85: {  	_ =	shalt  }
0x86: {  	_ =	shalt  }
0x87: {  	_ =	shalt  }
.Lfunc_end0:
.L_simem_size_0:
called_computation_lowered:
.L_overlay_start_0:
0x88: {  	s2 =	sld [smem:$0x3FD9]  }
0x89: {  	s3 =	sld [smem:$0x3FFE];
	_ =	sdelay $0x1  }
0x8a: {  	s1 =	srdreg.scid  }
0x8b: {  	s0 =	sand.u32 $0x1, s1  }
0x8c: {  	s16 =	sshll.u32 s0, $0xA;
	s2 =	sadd.s32 s3, s2  }
0x8d: {  	s2 =	sadd.s32 s2, s16  }
0x8e: {  	[smem:$0x3FC7] =	sst s2  }
0x8f: {  	_ = 	snop  }
0x90: {  	(tm) =	ssettm $0x1  }
0x91: {  	s17 =	sld [smem:$0x3FFB];
	_ =	sdelay $0x3  }
0x92: {  	_ =	strace s17  }
0x93: {  	s2 =	sld [smem:$0x3FFC];
	_ =	sdelay $0x3  }
0x94: {  	_ =	strace s2  }
0x95: {  	s2 =	sld [smem:$0x3FFD];
	_ =	sdelay $0x3  }
0x96: {  	_ =	strace s2  }
0x97: {  	_ =	strace $0x8FFFFFFF  }
0x98: {  	s18 =	sld [smem:$0x3FDB];
	_ =	sdelay $0x1  }
0x99: {  	s19 =	simm.s32 $_scs_section_size  }
0x9a: {  	s4 =	simm.s32 $_size__tile_overlayer_lowered;
	s5 =	simm.s32 $_tile_overlayer_lowered  }
0x9b: {  	s22 =	simm.s32 $0x1BFF;
	s21 =	sshll.u32 s5, $0x1;
	s2 =	sadd.s32 s19, s18  }
0x9c: {  	s6 =	simm.s32 $0x0;
	s20 =	sshll.u32 s4, $0x1;
	s4 =	sadd.s32 s21, s2  }
0x9d: {  	[timem:s6], [sflag:s22] =	dma.local [hbm:s4], s20  }
0x9e: {  	_ =	swait.ge [sflag:s22], s20  }
0x9f: {  	s3 =	ssub.s32 $0x0, s20;
	[sflag:s22] =	ssyncset.done $0x0  }
0xa0: {  	[sflag:s22] =	ssyncadd.s32 s3;
	_ =	sdelay $0x1  }
0xa1: {  	s23 =	simm.s32 $0x1B8B  }
0xa2: {  	_ =	swait.ge [sflag:s23], $0x1  }
0xa3: {  	[sflag:s23] =	ssyncset.done $0x0  }
0xa4: {  	s25 =	simm.s32 $0x1B8E;
	s24 =	sld [smem:$0x3FFE];
	[sflag:s23] =	ssyncadd.s32 $0xFFFFFFFF  }
0xa5: {  	s26 =	simm.s32 $execute0_lowered;
	[smem:$0x3FD2] =	sst s25  }
0xa6: {  	s4 =	sshll.u32 s26, $0x1;
	_ =	strace $0x80000046;
	[dreg:$0x1] =	wrdreg $0xFFFFFFFF  }
0xa7: {  	s28 =	simm.s32 $_size_execute0_lowered;
	s2 =	sadd.s32 s2, s4;
	[dreg:$0x0] =	wrdreg $0x0  }
0xa8: {  	s4 =	sshll.u32 s28, $0x1;
	[dreg:$0x2] =	wrdreg s2  }
0xa9: {  	[dreg:$0x3] =	wrdreg s4  }
0xaa: {  	[dreg:$0x4] =	wrdreg $0xC0  }
0xab: {  	_ =	task [dreg:s6], $0x5FFFF  }
0xac: {  	[dreg:$0x1] =	wrdreg $0xFFFFFFFF  }
0xad: {  	[dreg:$0x0] =	wrdreg $0x60  }
0xae: {  	[dreg:$0x2] =	wrdreg s24  }
0xaf: {  	[dreg:$0x3] =	wrdreg $0x9  }
0xb0: {  	_ =	task.clear_ibuf [dreg:s6], $0x4FFFF;
	_ =	strace $0x90000046  }
0xb1: {  	s29 =	simm.s32 $0x9;
	_ =	strace $0x80000048  }
0xb2: {  	_ =	swait.ge [sflag:s29], $0x1  }
0xb3: {  	[sflag:s29] =	ssyncadd.s32 $0xFFFFFFFF  }
0xb4: {  	_ =	strace $0x90000048  }
0xb5: {  	_ =	sfence  }
0xb6: {  	s30 =	sld [smem:$0x0];
	_ =	sdelay $0x2  }
0xb7: {  	s31 =	sshll.u32 s1, $0xD;
	s1 =	sshrl.u32 s1, $0x2  }
0xb8: {  	s3 =	sand.u32 $0x4000, s31;
	s1 =	sadd.s32 s1, s30  }
0xb9: {  	s0 =	sor.u32 s3, s0;
	s1 =	sshll.u32 s1, $0x11  }
0xba: {  	s0 =	sor.u32 s1, s0  }
0xbb: {  	s0 =	sadd.s32 $0x8F2B, s0  }
0xbc: {  	[sflag:s0] =	ssyncadd.remote.s32 $0x1  }
0xbd: {  	_ =	sfence.sel $0xFFFF  }
0xbe: {  	[dreg:$0x0] =	wrdreg $0xFFFFFFFF;
	(pc) =	sbr.abs _section_cstart, $3  }
0xbf: {  	[dreg:$0x1] =	wrdreg $0xFFFFFFFF  }
0xc0: {  	_ =	task.clear_ibuf [dreg:s6], $0x2FFFF;
	_ =	strace $0x9FFFFFFF  }
0xc1: {  	(tm) =	ssettm $0x7FFFFFFF  }
tec
execute0_lowered:
.L_overlay_start_1:
0x0: {  	(tag) =	ssettag $0x1  }
0x1: {  	s1 =	srdreg.scid  }
0x2: {  	s0 =	stileid.u32;
	s4 =	rddreg [dreg:$0x0];
	s2 =	simm.s32 $0x0  }
0x3: {  	s11 =	simm.s32 $0x4E80;
	s12 =	simm.s32 $0x9D00;
	s13 =	simm.s32 $0xEB80  }
0x4: {  	s14 =	simm.s32 $0x0;
	s5 =	sand.u32 $0x1, s1;
	s1 =	rddreg [dreg:$0x1]  }
0x5: {  	s3 =	sshll.u32 s0, $0x1;
	[smem:$0x7FF] =	sst s2;
	s9 =	smul.u32 $0x7A1200, s0  }
0x6: {  	s3 =	sor.u32 s5, s3;
	s6 =	ssub.s32 $0x2, s5;
	s10 =	smul.u32 $0x3D0900, s5  }
0x7: {  	s4 =	sadd.s32 $0x1200, s4;
	s3 =	smul.u32 $0x3D0900, s3;
	s7 =	sshrl.u32 s6, $0x1  }
0x8: {  	_ =	strace $0x80000047;
	s8 =	ssub.s32 s6, s7;
	s9 =	sadd.s32 s10, s9  }
0x9: {  	s10 =	simm.s32 $0x1;
	s5 =	sadd.s32 $0xF4240, s3;
	s6 =	sadd.s32 $0x1E8480, s3  }
0xa: {  	v0 =	vlaneseq.u32;
	s7 =	sadd.s32 $0x2DC6C0, s3;
	s8 =	smax.u32 s8, $0x1;
	s9 =	sadd.s32 $0x16E3602A, s9  }
.LBB2_1:
0xb: {  	s15 =	smov.u32 s9;
	s16 =	simm.s32 $0x0  }
.LBB2_2:
0xc: {  	v1 =	vadd.s32 s15, v0;
	s17 =	sadd.s32 $0xF4240, s15;
	s18 =	sadd.s32 $0x2DC6C0, s15  }
0xd: {  	s31 =	sadd.s32 $0x1E8480, s15;
	v2 =	vshrl.u32 v1, $0x13;
	v3 =	vadd.s32 s17, v0;
	v4 =	vadd.s32 s18, v0  }
0xe: {  	v5 =	vadd.s32 s31, v0;
	v11 =	vshll.u32 v1, $0xD;
	v6 =	vshrl.u32 v4, $0x13  }
0xf: {  	v7 =	vshll.u32 v4, $0xD;
	v8 =	vshrl.u32 v3, $0x13;
	v9 =	vshll.u32 v3, $0xD  }
0x10: {  	v10 =	vshll.u32 v5, $0xD;
	v2 =	vor.u32 v2, v11;
	v6 =	vor.u32 v6, v7  }
0x11: {  	v7 =	vshrl.u32 v5, $0x13;
	v8 =	vor.u32 v8, v9;
	v6 =	vxor.u32 v4, v6  }
0x12: {  	v2 =	vxor.u32 v1, v2;
	v12 =	vshrl.u32 v6, $0x11;
	v13 =	vshll.u32 v6, $0xF  }
0x13: {  	v7 =	vor.u32 v7, v10;
	v4 =	vadd.s32 v4, v6;
	v6 =	vor.u32 v12, v13  }
0x14: {  	v8 =	vxor.u32 v3, v8;
	v36 =	vshrl.u32 v2, $0x11;
	v6 =	vxor.u32 v6, v4  }
0x15: {  	v14 =	vshll.u32 v2, $0xF;
	v29 =	vshrl.u32 v6, $0x6;
	v30 =	vshll.u32 v6, $0x1A  }
0x16: {  	v1 =	vadd.s32 v1, v2;
	v4 =	vadd.s32 v4, v6;
	v6 =	vor.u32 v29, v30  }
0x17: {  	v7 =	vxor.u32 v5, v7;
	v31 =	vshrl.u32 v8, $0x11;
	v6 =	vxor.u32 v6, v4  }
0x18: {  	v32 =	vshll.u32 v8, $0xF;
	v33 =	vshrl.u32 v6, $0x1A;
	v34 =	vshll.u32 v6, $0x6  }
0x19: {  	v39 =	vor.u32 v36, v14;
	v4 =	vadd.s32 v4, v6;
	v6 =	vor.u32 v33, v34  }
0x1a: {  	v3 =	vadd.s32 v3, v8;
	v35 =	vshrl.u32 v7, $0x11;
	v6 =	vxor.u32 v6, v4  }
0x1b: {  	v37 =	vshll.u32 v7, $0xF;
	v9 =	vor.u32 v31, v32;
	v6 =	vadd.s32 $0x1BD11BF1, v6  }
0x1c: {  	v4 =	vadd.s32 v6, v4;
	v38 =	vshrl.u32 v6, $0xF;
	v6 =	vshll.u32 v6, $0x11  }
0x1d: {  	v5 =	vadd.s32 v5, v7;
	v4 =	vadd.s32 $0x2A, v4;
	v6 =	vor.u32 v38, v6  }
0x1e: {  	v41 =	vxor.u32 v39, v1;
	v12 =	vor.u32 v35, v37;
	v6 =	vxor.u32 v6, v4  }
0x1f: {  	v15 =	vshrl.u32 v41, $0x6;
	v7 =	vshrl.u32 v6, $0x3;
	v40 =	vshll.u32 v6, $0x1D  }
0x20: {  	v49 =	vshll.u32 v41, $0x1A;
	v2 =	vadd.s32 v4, v6;
	v4 =	vor.u32 v7, v40  }
0x21: {  	v1 =	vadd.s32 v1, v41;
	v50 =	vor.u32 v15, v49;
	v4 =	vxor.u32 v4, v2  }
0x22: {  	v6 =	vxor.u32 v9, v3;
	v42 =	vshrl.u32 v4, $0x10;
	v43 =	vshll.u32 v4, $0x10  }
0x23: {  	v7 =	vxor.u32 v12, v5;
	v2 =	vadd.s32 v2, v4;
	v4 =	vor.u32 v42, v43  }
0x24: {  	v44 =	vshrl.u32 v6, $0x6;
	v45 =	vshll.u32 v6, $0x1A;
	v4 =	vxor.u32 v4, v2  }
0x25: {  	v3 =	vadd.s32 v3, v6;
	v47 =	vshrl.u32 v4, $0x8;
	v48 =	vshll.u32 v4, $0x18  }
0x26: {  	v46 =	vshrl.u32 v7, $0x6;
	v2 =	vadd.s32 v2, v4;
	v4 =	vor.u32 v47, v48  }
0x27: {  	v12 =	vshll.u32 v7, $0x1A;
	v9 =	vor.u32 v44, v45;
	v4 =	vxor.u32 v4, v2  }
0x28: {  	v5 =	vadd.s32 v5, v7;
	v10 =	vor.u32 v46, v12;
	v4 =	vadd.s32 $0x2, v4  }
0x29: {  	v2 =	vadd.s32 v4, v2;
	v51 =	vshrl.u32 v4, $0x13;
	v4 =	vshll.u32 v4, $0xD  }
0x2a: {  	v6 =	vxor.u32 v9, v3;
	v2 =	vadd.s32 $0x1BD11BF0, v2;
	v4 =	vor.u32 v51, v4  }
0x2b: {  	v53 =	vxor.u32 v10, v5;
	v54 =	vshrl.u32 v6, $0x1A;
	v4 =	vxor.u32 v4, v2  }
0x2c: {  	v55 =	vshll.u32 v6, $0x6;
	v7 =	vshrl.u32 v4, $0x11;
	v52 =	vshll.u32 v4, $0xF  }
0x2d: {  	v3 =	vadd.s32 v3, v6;
	v2 =	vadd.s32 v2, v4;
	v4 =	vor.u32 v7, v52  }
0x2e: {  	v58 =	vshrl.u32 v53, $0x1A;
	v60 =	vshll.u32 v53, $0x6;
	v4 =	vxor.u32 v4, v2  }
0x2f: {  	v8 =	vor.u32 v54, v55;
	v56 =	vshrl.u32 v4, $0x6;
	v57 =	vshll.u32 v4, $0x1A  }
0x30: {  	v5 =	vadd.s32 v5, v53;
	v2 =	vadd.s32 v2, v4;
	v4 =	vor.u32 v56, v57  }
0x31: {  	v14 =	vor.u32 v58, v60;
	v8 =	vxor.u32 v8, v3;
	v4 =	vxor.u32 v4, v2  }
0x32: {  	v8 =	vadd.s32 $0x1BD11BF1, v8;
	v62 =	vshrl.u32 v4, $0x1A;
	v16 =	vshll.u32 v4, $0x6  }
0x33: {  	v3 =	vadd.s32 v8, v3;
	v2 =	vadd.s32 v2, v4;
	v4 =	vor.u32 v62, v16  }
0x34: {  	v17 =	vshrl.u32 v8, $0xF;
	v7 =	vxor.u32 v50, v1;
	v4 =	vxor.u32 v4, v2  }
0x35: {  	v59 =	vshrl.u32 v7, $0x1A;
	v61 =	vshll.u32 v7, $0x6;
	v4 =	vadd.s32 $0x2D, v4  }
0x36: {  	v1 =	vadd.s32 v1, v7;
	v6 =	vshrl.u32 v4, $0xF;
	v7 =	vshll.u32 v4, $0x11  }
0x37: {  	v8 =	vshll.u32 v8, $0x11;
	v2 =	vadd.s32 v2, v4;
	v4 =	vor.u32 v6, v7  }
0x38: {  	v3 =	vadd.s32 $0x2A, v3;
	v8 =	vor.u32 v17, v8;
	v4 =	vxor.u32 v4, v2  }
0x39: {  	v8 =	vxor.u32 v8, v3;
	v15 =	vshrl.u32 v4, $0x3;
	v16 =	vshll.u32 v4, $0x1D  }
0x3a: {  	v27 =	vshrl.u32 v8, $0x3;
	v2 =	vadd.s32 v2, v4;
	v4 =	vor.u32 v15, v16  }
0x3b: {  	v30 =	vshll.u32 v8, $0x1D;
	v3 =	vadd.s32 v3, v8;
	v4 =	vxor.u32 v4, v2  }
0x3c: {  	v9 =	vor.u32 v27, v30;
	v18 =	vshrl.u32 v4, $0x10;
	v19 =	vshll.u32 v4, $0x10  }
0x3d: {  	v63 =	vor.u32 v59, v61;
	v2 =	vadd.s32 v2, v4;
	v4 =	vor.u32 v18, v19  }
0x3e: {  	v6 =	vxor.u32 v63, v1;
	v7 =	vxor.u32 v14, v5;
	v4 =	vxor.u32 v4, v2  }
0x3f: {  	v7 =	vadd.s32 $0x1BD11BF1, v7;
	v21 =	vshrl.u32 v4, $0x8;
	v22 =	vshll.u32 v4, $0x18  }
0x40: {  	v6 =	vadd.s32 $0x1BD11BF1, v6;
	v2 =	vadd.s32 v2, v4;
	v4 =	vor.u32 v21, v22  }
0x41: {  	v5 =	vadd.s32 v7, v5;
	v20 =	vshrl.u32 v7, $0xF;
	v4 =	vxor.u32 v4, v2  }
0x42: {  	v7 =	vshll.u32 v7, $0x11;
	v1 =	vadd.s32 v6, v1;
	v4 =	vadd.s32 $0x1BD11BF4, v4  }
0x43: {  	v2 =	vadd.s32 v4, v2;
	v24 =	vshrl.u32 v4, $0x13;
	v4 =	vshll.u32 v4, $0xD  }
0x44: {  	v23 =	vshrl.u32 v6, $0xF;
	v2 =	vadd.s32 $0x2A, v2;
	v4 =	vor.u32 v24, v4  }
0x45: {  	v6 =	vshll.u32 v6, $0x11;
	v5 =	vadd.s32 $0x2A, v5;
	v4 =	vxor.u32 v4, v2  }
0x46: {  	v1 =	vadd.s32 $0x2A, v1;
	v25 =	vshrl.u32 v4, $0x11;
	v26 =	vshll.u32 v4, $0xF  }
0x47: {  	v6 =	vor.u32 v23, v6;
	v2 =	vadd.s32 v2, v4;
	v4 =	vor.u32 v25, v26  }
0x48: {  	v7 =	vor.u32 v20, v7;
	v6 =	vxor.u32 v6, v1;
	v4 =	vxor.u32 v4, v2  }
0x49: {  	v7 =	vxor.u32 v7, v5;
	v28 =	vshrl.u32 v4, $0x6;
	v29 =	vshll.u32 v4, $0x1A  }
0x4a: {  	v31 =	vshrl.u32 v7, $0x3;
	v2 =	vadd.s32 v2, v4;
	v4 =	vor.u32 v28, v29  }
0x4b: {  	v32 =	vshll.u32 v7, $0x1D;
	v33 =	vshrl.u32 v6, $0x3;
	v4 =	vxor.u32 v4, v2  }
0x4c: {  	v36 =	vshll.u32 v6, $0x1D;
	v34 =	vshrl.u32 v4, $0x1A;
	v35 =	vshll.u32 v4, $0x6  }
0x4d: {  	v5 =	vadd.s32 v5, v7;
	v2 =	vadd.s32 v2, v4;
	v4 =	vor.u32 v34, v35  }
0x4e: {  	v10 =	vor.u32 v31, v32;
	v37 =	vor.u32 v33, v36;
	v4 =	vxor.u32 v4, v2  }
0x4f: {  	v7 =	vxor.u32 v10, v5;
	v2 =	vadd.s32 $0x1BD11BF0, v2;
	v4 =	vadd.s32 $0x5, v4  }
0x50: {  	v40 =	vshrl.u32 v7, $0x10;
	v41 =	vshll.u32 v7, $0x10;
	v2 =	vxor.u32 v2, v4  }
0x51: {  	v4 =	vadd.s32 v1, v6;
	v6 =	vxor.u32 v9, v3;
	v1 =	vshrl.u32 v2, $0x9  }
0x52: {  	v2 =	vxor.u32 v37, v4;
	v38 =	vshrl.u32 v6, $0x10;
	v9 =	vshll.u32 v6, $0x10  }
0x53: {  	v3 =	vadd.s32 v3, v6;
	v6 =	vor.u32 v40, v41;
	v1 =	vor.u32 $0x3F800000, v1  }
0x54: {  	v39 =	vshrl.u32 v2, $0x10;
	v42 =	vshll.u32 v2, $0x10;
	v8 =	vor.u32 v38, v9  }
0x55: {  	v2 =	vadd.s32 v4, v2;
	v4 =	vadd.s32 v5, v7;
	v1 =	vadd.f32 $-1.000000000e+00, v1  }
0x56: {  	v43 =	vor.u32 v39, v42;
	v5 =	vxor.u32 v8, v3;
	v6 =	vxor.u32 v6, v4  }
0x57: {  	v7 =	vxor.u32 v43, v2;
	v8 =	vshrl.u32 v5, $0x8;
	v44 =	vshll.u32 v5, $0x18  }
0x58: {  	v47 =	vshrl.u32 v6, $0x8;
	v48 =	vshll.u32 v6, $0x18;
	v3 =	vadd.s32 v3, v5  }
0x59: {  	v4 =	vadd.s32 v4, v6;
	v1 =	vadd.f32 $1.175494350e-38, v1;
	v45 =	vshrl.u32 v7, $0x8  }
0x5a: {  	v46 =	vshll.u32 v7, $0x18;
	v8 =	vor.u32 v8, v44;
	v49 =	vor.u32 v47, v48  }
0x5b: {  	v2 =	vadd.s32 v2, v7;
	v10 =	vor.u32 v45, v46;
	v5 =	vxor.u32 v8, v3  }
0x5c: {  	v7 =	vxor.u32 v49, v4;
	v6 =	vxor.u32 v10, v2;
	v5 =	vadd.s32 $0x2, v5  }
0x5d: {  	v7 =	vadd.s32 $0x2, v7;
	v6 =	vadd.s32 $0x2, v6;
	v3 =	vadd.s32 v5, v3  }
0x5e: {  	v50 =	vshrl.u32 v5, $0x13;
	v5 =	vshll.u32 v5, $0xD;
	v4 =	vadd.s32 v7, v4  }
0x5f: {  	v51 =	vshrl.u32 v7, $0x13;
	v7 =	vshll.u32 v7, $0xD;
	v2 =	vadd.s32 v6, v2  }
0x60: {  	v52 =	vshrl.u32 v6, $0x13;
	v6 =	vshll.u32 v6, $0xD;
	v3 =	vadd.s32 $0x1BD11BF0, v3  }
0x61: {  	v5 =	vor.u32 v50, v5;
	v4 =	vadd.s32 $0x1BD11BF0, v4;
	v7 =	vor.u32 v51, v7  }
0x62: {  	v2 =	vadd.s32 $0x1BD11BF0, v2;
	v6 =	vor.u32 v52, v6;
	v5 =	vxor.u32 v5, v3  }
0x63: {  	v7 =	vxor.u32 v7, v4;
	v6 =	vxor.u32 v6, v2;
	v53 =	vshrl.u32 v5, $0x11  }
0x64: {  	v54 =	vshll.u32 v5, $0xF;
	v57 =	vshrl.u32 v7, $0x11;
	v58 =	vshll.u32 v7, $0xF  }
0x65: {  	v3 =	vadd.s32 v3, v5;
	v4 =	vadd.s32 v4, v7;
	v55 =	vshrl.u32 v6, $0x11  }
0x66: {  	v56 =	vshll.u32 v6, $0xF;
	v8 =	vor.u32 v53, v54;
	v59 =	vor.u32 v57, v58  }
0x67: {  	v2 =	vadd.s32 v2, v6;
	v10 =	vor.u32 v55, v56;
	v5 =	vxor.u32 v8, v3  }
0x68: {  	v7 =	vxor.u32 v59, v4;
	v6 =	vxor.u32 v10, v2;
	v8 =	vshrl.u32 v5, $0x6  }
0x69: {  	v60 =	vshll.u32 v5, $0x1A;
	v62 =	vshrl.u32 v7, $0x6;
	v63 =	vshll.u32 v7, $0x1A  }
0x6a: {  	v3 =	vadd.s32 v3, v5;
	v4 =	vadd.s32 v4, v7;
	v10 =	vshrl.u32 v6, $0x6  }
0x6b: {  	v61 =	vshll.u32 v6, $0x1A;
	v8 =	vor.u32 v8, v60;
	v16 =	vor.u32 v62, v63  }
0x6c: {  	v2 =	vadd.s32 v2, v6;
	v10 =	vor.u32 v10, v61;
	v5 =	vxor.u32 v8, v3  }
0x6d: {  	v7 =	vxor.u32 v16, v4;
	v6 =	vxor.u32 v10, v2;
	v8 =	vshrl.u32 v5, $0x1A  }
0x6e: {  	v17 =	vshll.u32 v5, $0x6;
	v19 =	vshrl.u32 v7, $0x1A;
	v20 =	vshll.u32 v7, $0x6  }
0x6f: {  	v3 =	vadd.s32 v3, v5;
	v4 =	vadd.s32 v4, v7;
	v10 =	vshrl.u32 v6, $0x1A  }
0x70: {  	v18 =	vshll.u32 v6, $0x6;
	v8 =	vor.u32 v8, v17;
	v21 =	vor.u32 v19, v20  }
0x71: {  	v2 =	vadd.s32 v2, v6;
	v10 =	vor.u32 v10, v18;
	v5 =	vxor.u32 v8, v3  }
0x72: {  	v7 =	vxor.u32 v21, v4;
	v6 =	vxor.u32 v10, v2;
	v5 =	vadd.s32 $0x2D, v5  }
0x73: {  	v7 =	vadd.s32 $0x2D, v7;
	v6 =	vadd.s32 $0x2D, v6;
	v22 =	vshrl.u32 v5, $0xF  }
0x74: {  	v23 =	vshll.u32 v5, $0x11;
	v26 =	vshrl.u32 v7, $0xF;
	v27 =	vshll.u32 v7, $0x11  }
0x75: {  	v3 =	vadd.s32 v3, v5;
	v4 =	vadd.s32 v4, v7;
	v24 =	vshrl.u32 v6, $0xF  }
0x76: {  	v25 =	vshll.u32 v6, $0x11;
	v8 =	vor.u32 v22, v23;
	v28 =	vor.u32 v26, v27  }
0x77: {  	v2 =	vadd.s32 v2, v6;
	v10 =	vor.u32 v24, v25;
	v5 =	vxor.u32 v8, v3  }
0x78: {  	v7 =	vxor.u32 v28, v4;
	v6 =	vxor.u32 v10, v2;
	v8 =	vshrl.u32 v5, $0x3  }
0x79: {  	v29 =	vshll.u32 v5, $0x1D;
	v31 =	vshrl.u32 v7, $0x3;
	v32 =	vshll.u32 v7, $0x1D  }
0x7a: {  	v3 =	vadd.s32 v3, v5;
	v4 =	vadd.s32 v4, v7;
	v10 =	vshrl.u32 v6, $0x3  }
0x7b: {  	v30 =	vshll.u32 v6, $0x1D;
	v8 =	vor.u32 v8, v29;
	v33 =	vor.u32 v31, v32  }
0x7c: {  	v2 =	vadd.s32 v2, v6;
	v10 =	vor.u32 v10, v30;
	v5 =	vxor.u32 v8, v3  }
0x7d: {  	v7 =	vxor.u32 v33, v4;
	v6 =	vxor.u32 v10, v2;
	v8 =	vshrl.u32 v5, $0x10  }
0x7e: {  	v34 =	vshll.u32 v5, $0x10;
	v36 =	vshrl.u32 v7, $0x10;
	v37 =	vshll.u32 v7, $0x10  }
0x7f: {  	v3 =	vadd.s32 v3, v5;
	v4 =	vadd.s32 v4, v7;
	v10 =	vshrl.u32 v6, $0x10  }
0x80: {  	v35 =	vshll.u32 v6, $0x10;
	v8 =	vor.u32 v8, v34;
	v38 =	vor.u32 v36, v37  }
0x81: {  	v2 =	vadd.s32 v2, v6;
	v10 =	vor.u32 v10, v35;
	v5 =	vxor.u32 v8, v3  }
0x82: {  	v7 =	vxor.u32 v38, v4;
	v6 =	vxor.u32 v10, v2;
	v8 =	vshrl.u32 v5, $0x8  }
0x83: {  	v39 =	vshll.u32 v5, $0x18;
	v41 =	vshrl.u32 v7, $0x8;
	v42 =	vshll.u32 v7, $0x18  }
0x84: {  	v3 =	vadd.s32 v3, v5;
	v4 =	vadd.s32 v4, v7;
	v10 =	vshrl.u32 v6, $0x8  }
0x85: {  	v40 =	vshll.u32 v6, $0x18;
	v8 =	vor.u32 v8, v39;
	v43 =	vor.u32 v41, v42  }
0x86: {  	v2 =	vadd.s32 v2, v6;
	v10 =	vor.u32 v10, v40;
	v5 =	vxor.u32 v8, v3  }
0x87: {  	v7 =	vxor.u32 v43, v4;
	v6 =	vxor.u32 v10, v2;
	v5 =	vadd.s32 $0x1BD11BF4, v5  }
0x88: {  	v7 =	vadd.s32 $0x1BD11BF4, v7;
	v6 =	vadd.s32 $0x1BD11BF4, v6;
	v3 =	vadd.s32 v5, v3  }
0x89: {  	v44 =	vshrl.u32 v5, $0x13;
	v5 =	vshll.u32 v5, $0xD;
	v4 =	vadd.s32 v7, v4  }
0x8a: {  	v45 =	vshrl.u32 v7, $0x13;
	v7 =	vshll.u32 v7, $0xD;
	v2 =	vadd.s32 v6, v2  }
0x8b: {  	v46 =	vshrl.u32 v6, $0x13;
	v6 =	vshll.u32 v6, $0xD;
	v3 =	vadd.s32 $0x2A, v3  }
0x8c: {  	v5 =	vor.u32 v44, v5;
	v4 =	vadd.s32 $0x2A, v4;
	v7 =	vor.u32 v45, v7  }
0x8d: {  	v2 =	vadd.s32 $0x2A, v2;
	v6 =	vor.u32 v46, v6;
	v5 =	vxor.u32 v5, v3  }
0x8e: {  	v7 =	vxor.u32 v7, v4;
	v6 =	vxor.u32 v6, v2;
	v47 =	vshrl.u32 v5, $0x11  }
0x8f: {  	v48 =	vshll.u32 v5, $0xF;
	v51 =	vshrl.u32 v7, $0x11;
	v52 =	vshll.u32 v7, $0xF  }
0x90: {  	v3 =	vadd.s32 v3, v5;
	v4 =	vadd.s32 v4, v7;
	v49 =	vshrl.u32 v6, $0x11  }
0x91: {  	v50 =	vshll.u32 v6, $0xF;
	v8 =	vor.u32 v47, v48;
	v53 =	vor.u32 v51, v52  }
0x92: {  	v2 =	vadd.s32 v2, v6;
	v10 =	vor.u32 v49, v50;
	v5 =	vxor.u32 v8, v3  }
0x93: {  	v7 =	vxor.u32 v53, v4;
	v6 =	vxor.u32 v10, v2;
	v8 =	vshrl.u32 v5, $0x6  }
0x94: {  	v54 =	vshll.u32 v5, $0x1A;
	v56 =	vshrl.u32 v7, $0x6;
	v57 =	vshll.u32 v7, $0x1A  }
0x95: {  	v3 =	vadd.s32 v3, v5;
	v4 =	vadd.s32 v4, v7;
	v10 =	vshrl.u32 v6, $0x6  }
0x96: {  	v55 =	vshll.u32 v6, $0x1A;
	v8 =	vor.u32 v8, v54;
	v58 =	vor.u32 v56, v57  }
0x97: {  	v2 =	vadd.s32 v2, v6;
	v10 =	vor.u32 v10, v55;
	v5 =	vxor.u32 v8, v3  }
0x98: {  	v7 =	vxor.u32 v58, v4;
	v6 =	vxor.u32 v10, v2;
	v8 =	vshrl.u32 v5, $0x1A  }
0x99: {  	v59 =	vshll.u32 v5, $0x6;
	v61 =	vshrl.u32 v7, $0x1A;
	v62 =	vshll.u32 v7, $0x6  }
0x9a: {  	v3 =	vadd.s32 v3, v5;
	v4 =	vadd.s32 v4, v7;
	v10 =	vshrl.u32 v6, $0x1A  }
0x9b: {  	v60 =	vshll.u32 v6, $0x6;
	v8 =	vor.u32 v8, v59;
	v63 =	vor.u32 v61, v62  }
0x9c: {  	v2 =	vadd.s32 v2, v6;
	v10 =	vor.u32 v10, v60;
	v6 =	vxor.u32 v8, v3  }
0x9d: {  	v7 =	vxor.u32 v63, v4;
	v3 =	vadd.s32 $0x1BD11BF0, v3;
	v4 =	vadd.s32 $0x1BD11BF0, v4  }
0x9e: {  	v5 =	vxor.u32 v10, v2;
	v6 =	vadd.s32 $0x5, v6;
	v7 =	vadd.s32 $0x5, v7  }
0x9f: {  	v2 =	vadd.s32 $0x1BD11BF0, v2;
	v5 =	vadd.s32 $0x5, v5;
	v3 =	vxor.u32 v3, v6  }
0xa0: {  	v4 =	vxor.u32 v4, v7;
	v2 =	vxor.u32 v2, v5;
	v3 =	vshrl.u32 v3, $0x9  }
0xa1: {  	v4 =	vshrl.u32 v4, $0x9;
	v2 =	vshrl.u32 v2, $0x9;
	v3 =	vor.u32 $0x3F800000, v3  }
0xa2: {  	v4 =	vor.u32 $0x3F800000, v4;
	v2 =	vor.u32 $0x3F800000, v2;
	v3 =	vadd.f32 $-1.000000000e+00, v3  }
0xa3: {  	s19 =	simm.s32 $0x0;
	v4 =	vadd.f32 $-1.000000000e+00, v4;
	v5 =	vadd.f32 $-1.000000000e+00, v2  }
0xa4: {  	s20 =	sadd.s32 $0x10, s15;
	s21 =	simm.s32 $0x80;
	s17 =	smul.u32 $0x4E20, s16;
	v1 =	vmax.f32 v1, $1.175494350e-38;
	v2 =	vadd.f32 $1.175494350e-38, v3  }
0xa5: {  	s18 =	simm.s32 $0x40;
	s24 =	sadd.s32 $0xF4240, s20;
	s23 =	sadd.s32 $0x2DC6C0, s20;
	[tilespmem:s19+$0xEB80] =	vst v1;
	v1 =	vadd.f32 $1.175494350e-38, v4;
	v4 =	vadd.s32 s20, v0;
	v3 =	vadd.f32 $1.175494350e-38, v5  }
.LBB2_3:
0xa6: {  	p0 =	sne.s32 s21, $0x13840;
	v5 =	vshrl.u32 v4, $0x13;
	v6 =	vadd.s32 s24, v0;
	s24 =	sadd.s32 $0x1E8480, s20;
	v7 =	vadd.s32 s23, v0;
	s22 =	smov.u32 s19  }
0xa7: {  	v8 =	vadd.s32 s24, v0;
	v9 =	vshrl.u32 v7, $0x13;
	v10 =	vshll.u32 v7, $0xD  }
0xa8: {  	v11 =	vshrl.u32 v6, $0x13;
	v12 =	vshll.u32 v6, $0xD;
	v9 =	vor.u32 v9, v10  }
0xa9: {  	v10 =	vshrl.u32 v8, $0x13;
	v13 =	vshll.u32 v8, $0xD;
	v9 =	vxor.u32 v7, v9  }
0xaa: {  	v14 =	vshll.u32 v4, $0xD;
	v15 =	vshrl.u32 v9, $0x11;
	v16 =	vshll.u32 v9, $0xF  }
0xab: {  	v11 =	vor.u32 v11, v12;
	v7 =	vadd.s32 v7, v9;
	v9 =	vor.u32 v15, v16  }
0xac: {  	v5 =	vor.u32 v5, v14;
	v10 =	vor.u32 v10, v13;
	v9 =	vxor.u32 v9, v7  }
0xad: {  	v11 =	vxor.u32 v6, v11;
	v12 =	vshrl.u32 v9, $0x6;
	v13 =	vshll.u32 v9, $0x1A  }
0xae: {  	v10 =	vxor.u32 v8, v10;
	v7 =	vadd.s32 v7, v9;
	v9 =	vor.u32 v12, v13  }
0xaf: {  	v5 =	vxor.u32 v4, v5;
	v12 =	vshrl.u32 v11, $0x11;
	v9 =	vxor.u32 v9, v7  }
0xb0: {  	v13 =	vshll.u32 v11, $0xF;
	v14 =	vshrl.u32 v9, $0x1A;
	v15 =	vshll.u32 v9, $0x6  }
0xb1: {  	v16 =	vshrl.u32 v10, $0x11;
	v7 =	vadd.s32 v7, v9;
	v9 =	vor.u32 v14, v15  }
0xb2: {  	v14 =	vshrl.u32 v5, $0x11;
	v15 =	vshll.u32 v10, $0xF;
	v9 =	vxor.u32 v9, v7  }
0xb3: {  	v17 =	vshll.u32 v5, $0xF;
	v12 =	vor.u32 v12, v13;
	v9 =	vadd.s32 $0x1BD11BF1, v9  }
0xb4: {  	v7 =	vadd.s32 v9, v7;
	v13 =	vshrl.u32 v9, $0xF;
	v9 =	vshll.u32 v9, $0x11  }
0xb5: {  	v15 =	vor.u32 v16, v15;
	v7 =	vadd.s32 $0x2A, v7;
	v9 =	vor.u32 v13, v9  }
0xb6: {  	v6 =	vadd.s32 v6, v11;
	v13 =	vor.u32 v14, v17;
	v9 =	vxor.u32 v9, v7  }
0xb7: {  	v8 =	vadd.s32 v8, v10;
	v10 =	vshrl.u32 v9, $0x3;
	v11 =	vshll.u32 v9, $0x1D  }
0xb8: {  	v4 =	vadd.s32 v4, v5;
	v5 =	vadd.s32 v7, v9;
	v7 =	vor.u32 v10, v11  }
0xb9: {  	v9 =	vxor.u32 v12, v6;
	v10 =	vxor.u32 v15, v8;
	v7 =	vxor.u32 v7, v5  }
0xba: {  	v11 =	vxor.u32 v13, v4;
	v12 =	vshrl.u32 v7, $0x10;
	v13 =	vshll.u32 v7, $0x10  }
0xbb: {  	v14 =	vshrl.u32 v9, $0x6;
	v5 =	vadd.s32 v5, v7;
	v7 =	vor.u32 v12, v13  }
0xbc: {  	v12 =	vshll.u32 v9, $0x1A;
	v13 =	vshrl.u32 v10, $0x6;
	v7 =	vxor.u32 v7, v5  }
0xbd: {  	v15 =	vshll.u32 v10, $0x1A;
	v16 =	vshrl.u32 v7, $0x8;
	v17 =	vshll.u32 v7, $0x18  }
0xbe: {  	v18 =	vshrl.u32 v11, $0x6;
	v5 =	vadd.s32 v5, v7;
	v7 =	vor.u32 v16, v17  }
0xbf: {  	v12 =	vor.u32 v14, v12;
	v16 =	vshll.u32 v11, $0x1A;
	v7 =	vxor.u32 v7, v5  }
0xc0: {  	v13 =	vor.u32 v13, v15;
	v14 =	vor.u32 v18, v16;
	v7 =	vadd.s32 $0x2, v7  }
0xc1: {  	v5 =	vadd.s32 v7, v5;
	v15 =	vshrl.u32 v7, $0x13;
	v7 =	vshll.u32 v7, $0xD  }
0xc2: {  	v6 =	vadd.s32 v6, v9;
	v5 =	vadd.s32 $0x1BD11BF0, v5;
	v7 =	vor.u32 v15, v7  }
0xc3: {  	v4 =	vadd.s32 v4, v11;
	v8 =	vadd.s32 v8, v10;
	v7 =	vxor.u32 v7, v5  }
0xc4: {  	v9 =	vxor.u32 v12, v6;
	v10 =	vshrl.u32 v7, $0x11;
	v11 =	vshll.u32 v7, $0xF  }
0xc5: {  	v12 =	vxor.u32 v13, v8;
	v5 =	vadd.s32 v5, v7;
	v7 =	vor.u32 v10, v11  }
0xc6: {  	v10 =	vxor.u32 v14, v4;
	v11 =	vshrl.u32 v9, $0x1A;
	v7 =	vxor.u32 v7, v5  }
0xc7: {  	v13 =	vshll.u32 v9, $0x6;
	v14 =	vshrl.u32 v7, $0x6;
	v15 =	vshll.u32 v7, $0x1A  }
0xc8: {  	v16 =	vshrl.u32 v12, $0x1A;
	v5 =	vadd.s32 v5, v7;
	v7 =	vor.u32 v14, v15  }
0xc9: {  	v14 =	vshrl.u32 v10, $0x1A;
	v15 =	vshll.u32 v12, $0x6;
	v7 =	vxor.u32 v7, v5  }
0xca: {  	v17 =	vshll.u32 v10, $0x6;
	v18 =	vshrl.u32 v7, $0x1A;
	v19 =	vshll.u32 v7, $0x6  }
0xcb: {  	v11 =	vor.u32 v11, v13;
	v5 =	vadd.s32 v5, v7;
	v7 =	vor.u32 v18, v19  }
0xcc: {  	v13 =	vor.u32 v14, v17;
	v14 =	vor.u32 v16, v15;
	v7 =	vxor.u32 v7, v5  }
0xcd: {  	v6 =	vadd.s32 v6, v9;
	v8 =	vadd.s32 v8, v12;
	v7 =	vadd.s32 $0x2D, v7  }
0xce: {  	v4 =	vadd.s32 v4, v10;
	v9 =	vshrl.u32 v7, $0xF;
	v10 =	vshll.u32 v7, $0x11  }
0xcf: {  	v11 =	vxor.u32 v11, v6;
	v5 =	vadd.s32 v5, v7;
	v7 =	vor.u32 v9, v10  }
0xd0: {  	v9 =	vxor.u32 v13, v4;
	v10 =	vxor.u32 v14, v8;
	v7 =	vxor.u32 v7, v5  }
0xd1: {  	v11 =	vadd.s32 $0x1BD11BF1, v11;
	v12 =	vshrl.u32 v7, $0x3;
	v13 =	vshll.u32 v7, $0x1D  }
0xd2: {  	v10 =	vadd.s32 $0x1BD11BF1, v10;
	v5 =	vadd.s32 v5, v7;
	v7 =	vor.u32 v12, v13  }
0xd3: {  	v6 =	vadd.s32 v11, v6;
	v9 =	vadd.s32 $0x1BD11BF1, v9;
	v7 =	vxor.u32 v7, v5  }
0xd4: {  	v12 =	vshrl.u32 v11, $0xF;
	v13 =	vshrl.u32 v7, $0x10;
	v14 =	vshll.u32 v7, $0x10  }
0xd5: {  	v11 =	vshll.u32 v11, $0x11;
	v5 =	vadd.s32 v5, v7;
	v7 =	vor.u32 v13, v14  }
0xd6: {  	v8 =	vadd.s32 v10, v8;
	v13 =	vshrl.u32 v10, $0xF;
	v7 =	vxor.u32 v7, v5  }
0xd7: {  	v10 =	vshll.u32 v10, $0x11;
	v14 =	vshrl.u32 v7, $0x8;
	v15 =	vshll.u32 v7, $0x18  }
0xd8: {  	v4 =	vadd.s32 v9, v4;
	v5 =	vadd.s32 v5, v7;
	v7 =	vor.u32 v14, v15  }
0xd9: {  	v14 =	vshrl.u32 v9, $0xF;
	v9 =	vshll.u32 v9, $0x11;
	v7 =	vxor.u32 v7, v5  }
0xda: {  	v6 =	vadd.s32 $0x2A, v6;
	v11 =	vor.u32 v12, v11;
	v7 =	vadd.s32 $0x1BD11BF4, v7  }
0xdb: {  	v5 =	vadd.s32 v7, v5;
	v12 =	vshrl.u32 v7, $0x13;
	v7 =	vshll.u32 v7, $0xD  }
0xdc: {  	v8 =	vadd.s32 $0x2A, v8;
	v5 =	vadd.s32 $0x2A, v5;
	v7 =	vor.u32 v12, v7  }
0xdd: {  	v4 =	vadd.s32 $0x2A, v4;
	v10 =	vor.u32 v13, v10;
	v7 =	vxor.u32 v7, v5  }
0xde: {  	v9 =	vor.u32 v14, v9;
	v12 =	vshrl.u32 v7, $0x11;
	v13 =	vshll.u32 v7, $0xF  }
0xdf: {  	v11 =	vxor.u32 v11, v6;
	v5 =	vadd.s32 v5, v7;
	v7 =	vor.u32 v12, v13  }
0xe0: {  	v10 =	vxor.u32 v10, v8;
	v9 =	vxor.u32 v9, v4;
	v7 =	vxor.u32 v7, v5  }
0xe1: {  	v12 =	vshrl.u32 v11, $0x3;
	v13 =	vshrl.u32 v7, $0x6;
	v14 =	vshll.u32 v7, $0x1A  }
0xe2: {  	v15 =	vshll.u32 v11, $0x1D;
	v5 =	vadd.s32 v5, v7;
	v7 =	vor.u32 v13, v14  }
0xe3: {  	v13 =	vshrl.u32 v10, $0x3;
	v14 =	vshll.u32 v10, $0x1D;
	v7 =	vxor.u32 v7, v5  }
0xe4: {  	v16 =	vshrl.u32 v9, $0x3;
	v17 =	vshrl.u32 v7, $0x1A;
	v18 =	vshll.u32 v7, $0x6  }
0xe5: {  	v19 =	vshll.u32 v9, $0x1D;
	v5 =	vadd.s32 v5, v7;
	v7 =	vor.u32 v17, v18  }
0xe6: {  	v12 =	vor.u32 v12, v15;
	v13 =	vor.u32 v13, v14;
	v7 =	vxor.u32 v7, v5  }
0xe7: {  	v14 =	vor.u32 v16, v19;
	v5 =	vadd.s32 $0x1BD11BF0, v5;
	v7 =	vadd.s32 $0x5, v7  }
0xe8: {  	v6 =	vadd.s32 v6, v11;
	v8 =	vadd.s32 v8, v10;
	v5 =	vxor.u32 v5, v7  }
0xe9: {  	v4 =	vadd.s32 v4, v9;
	v7 =	vxor.u32 v12, v6;
	v5 =	vshrl.u32 v5, $0x9  }
0xea: {  	v9 =	vxor.u32 v14, v4;
	v10 =	vxor.u32 v13, v8;
	v5 =	vor.u32 $0x3F800000, v5  }
0xeb: {  	v11 =	vshrl.u32 v7, $0x10;
	v12 =	vshll.u32 v7, $0x10;
	v5 =	vadd.f32 $-1.000000000e+00, v5  }
0xec: {  	v13 =	vshrl.u32 v9, $0x10;
	v14 =	vshrl.u32 v10, $0x10;
	v15 =	vshll.u32 v10, $0x10  }
0xed: {  	v16 =	vshll.u32 v9, $0x10;
	v11 =	vor.u32 v11, v12;
	v5 =	vadd.f32 $1.175494350e-38, v5  }
0xee: {  	v6 =	vadd.s32 v6, v7;
	v7 =	vor.u32 v14, v15;
	v12 =	vor.u32 v13, v16  }
0xef: {  	s19 =	sshra.s32 s18, $0x2;
	s18 =	smov.u32 s21;
	v4 =	vadd.s32 v4, v9;
	v8 =	vadd.s32 v8, v10;
	v5 =	vmax.f32 v5, $1.175494350e-38  }
0xf0: {  	v7 =	vxor.u32 v7, v8;
	v9 =	vxor.u32 v12, v4;
	v10 =	vxor.u32 v11, v6;
	[tilespmem:s19+$0xEB80] =	vst v5  }
0xf1: {  	v12 =	vshrl.u32 v7, $0x8;
	v11 =	vshll.u32 v10, $0x18;
	v5 =	vshrl.u32 v10, $0x8  }
0xf2: {  	v15 =	vshll.u32 v7, $0x18;
	v13 =	vshrl.u32 v9, $0x8;
	v14 =	vshll.u32 v9, $0x18  }
0xf3: {  	v13 =	vor.u32 v13, v14;
	v5 =	vor.u32 v5, v11;
	v11 =	vor.u32 v12, v15  }
0xf4: {  	v7 =	vadd.s32 v8, v7;
	v4 =	vadd.s32 v4, v9;
	v6 =	vadd.s32 v6, v10  }
0xf5: {  	v8 =	vxor.u32 v13, v4;
	v5 =	vxor.u32 v5, v6;
	v9 =	vxor.u32 v11, v7  }
0xf6: {  	v8 =	vadd.s32 $0x2, v8;
	v5 =	vadd.s32 $0x2, v5;
	v9 =	vadd.s32 $0x2, v9  }
0xf7: {  	v6 =	vadd.s32 v5, v6;
	v10 =	vshrl.u32 v5, $0x13;
	v5 =	vshll.u32 v5, $0xD  }
0xf8: {  	v7 =	vadd.s32 v9, v7;
	v11 =	vshrl.u32 v9, $0x13;
	v9 =	vshll.u32 v9, $0xD  }
0xf9: {  	v4 =	vadd.s32 v8, v4;
	v12 =	vshrl.u32 v8, $0x13;
	v8 =	vshll.u32 v8, $0xD  }
0xfa: {  	v6 =	vadd.s32 $0x1BD11BF0, v6;
	v5 =	vor.u32 v10, v5;
	v7 =	vadd.s32 $0x1BD11BF0, v7  }
0xfb: {  	v4 =	vadd.s32 $0x1BD11BF0, v4;
	v8 =	vor.u32 v12, v8;
	v9 =	vor.u32 v11, v9  }
0xfc: {  	v8 =	vxor.u32 v8, v4;
	v5 =	vxor.u32 v5, v6;
	v9 =	vxor.u32 v9, v7  }
0xfd: {  	v10 =	vshrl.u32 v5, $0x11;
	v11 =	vshll.u32 v5, $0xF;
	v12 =	vshrl.u32 v9, $0x11  }
0xfe: {  	v13 =	vshrl.u32 v8, $0x11;
	v14 =	vshll.u32 v8, $0xF;
	v15 =	vshll.u32 v9, $0xF  }
0xff: {  	v13 =	vor.u32 v13, v14;
	v10 =	vor.u32 v10, v11;
	v11 =	vor.u32 v12, v15  }
0x100: {  	v4 =	vadd.s32 v4, v8;
	v5 =	vadd.s32 v6, v5;
	v6 =	vadd.s32 v7, v9  }
0x101: {  	v7 =	vxor.u32 v13, v4;
	v8 =	vxor.u32 v10, v5;
	v9 =	vxor.u32 v11, v6  }
0x102: {  	v10 =	vshrl.u32 v8, $0x6;
	v11 =	vshll.u32 v8, $0x1A;
	v12 =	vshrl.u32 v9, $0x6  }
0x103: {  	v13 =	vshrl.u32 v7, $0x6;
	v14 =	vshll.u32 v7, $0x1A;
	v15 =	vshll.u32 v9, $0x1A  }
0x104: {  	v13 =	vor.u32 v13, v14;
	v10 =	vor.u32 v10, v11;
	v11 =	vor.u32 v12, v15  }
0x105: {  	v4 =	vadd.s32 v4, v7;
	v5 =	vadd.s32 v5, v8;
	v6 =	vadd.s32 v6, v9  }
0x106: {  	v7 =	vxor.u32 v13, v4;
	v8 =	vxor.u32 v10, v5;
	v9 =	vxor.u32 v11, v6  }
0x107: {  	v10 =	vshrl.u32 v8, $0x1A;
	v11 =	vshll.u32 v8, $0x6;
	v12 =	vshrl.u32 v9, $0x1A  }
0x108: {  	v13 =	vshrl.u32 v7, $0x1A;
	v14 =	vshll.u32 v7, $0x6;
	v15 =	vshll.u32 v9, $0x6  }
0x109: {  	v13 =	vor.u32 v13, v14;
	v10 =	vor.u32 v10, v11;
	v11 =	vor.u32 v12, v15  }
0x10a: {  	v4 =	vadd.s32 v4, v7;
	v5 =	vadd.s32 v5, v8;
	v6 =	vadd.s32 v6, v9  }
0x10b: {  	v7 =	vxor.u32 v13, v4;
	v8 =	vxor.u32 v10, v5;
	v9 =	vxor.u32 v11, v6  }
0x10c: {  	v7 =	vadd.s32 $0x2D, v7;
	v8 =	vadd.s32 $0x2D, v8;
	v9 =	vadd.s32 $0x2D, v9  }
0x10d: {  	v10 =	vshrl.u32 v8, $0xF;
	v11 =	vshll.u32 v8, $0x11;
	v12 =	vshrl.u32 v9, $0xF  }
0x10e: {  	v13 =	vshrl.u32 v7, $0xF;
	v14 =	vshll.u32 v7, $0x11;
	v15 =	vshll.u32 v9, $0x11  }
0x10f: {  	v13 =	vor.u32 v13, v14;
	v10 =	vor.u32 v10, v11;
	v11 =	vor.u32 v12, v15  }
0x110: {  	v4 =	vadd.s32 v4, v7;
	v5 =	vadd.s32 v5, v8;
	v6 =	vadd.s32 v6, v9  }
0x111: {  	v7 =	vxor.u32 v13, v4;
	v8 =	vxor.u32 v10, v5;
	v9 =	vxor.u32 v11, v6  }
0x112: {  	v10 =	vshrl.u32 v8, $0x3;
	v11 =	vshll.u32 v8, $0x1D;
	v12 =	vshrl.u32 v9, $0x3  }
0x113: {  	v13 =	vshrl.u32 v7, $0x3;
	v14 =	vshll.u32 v7, $0x1D;
	v15 =	vshll.u32 v9, $0x1D  }
0x114: {  	v13 =	vor.u32 v13, v14;
	v10 =	vor.u32 v10, v11;
	v11 =	vor.u32 v12, v15  }
0x115: {  	v4 =	vadd.s32 v4, v7;
	v5 =	vadd.s32 v5, v8;
	v6 =	vadd.s32 v6, v9  }
0x116: {  	v7 =	vxor.u32 v13, v4;
	v8 =	vxor.u32 v10, v5;
	v9 =	vxor.u32 v11, v6  }
0x117: {  	v10 =	vshrl.u32 v8, $0x10;
	v11 =	vshll.u32 v8, $0x10;
	v12 =	vshrl.u32 v9, $0x10  }
0x118: {  	v13 =	vshrl.u32 v7, $0x10;
	v14 =	vshll.u32 v7, $0x10;
	v15 =	vshll.u32 v9, $0x10  }
0x119: {  	v13 =	vor.u32 v13, v14;
	v10 =	vor.u32 v10, v11;
	v11 =	vor.u32 v12, v15  }
0x11a: {  	v4 =	vadd.s32 v4, v7;
	v5 =	vadd.s32 v5, v8;
	v6 =	vadd.s32 v6, v9  }
0x11b: {  	v7 =	vxor.u32 v13, v4;
	v8 =	vxor.u32 v10, v5;
	v9 =	vxor.u32 v11, v6  }
0x11c: {  	v10 =	vshrl.u32 v8, $0x8;
	v11 =	vshll.u32 v8, $0x18;
	v12 =	vshrl.u32 v9, $0x8  }
0x11d: {  	v13 =	vshrl.u32 v7, $0x8;
	v14 =	vshll.u32 v7, $0x18;
	v15 =	vshll.u32 v9, $0x18  }
0x11e: {  	v13 =	vor.u32 v13, v14;
	v10 =	vor.u32 v10, v11;
	v11 =	vor.u32 v12, v15  }
0x11f: {  	v4 =	vadd.s32 v4, v7;
	v5 =	vadd.s32 v5, v8;
	v6 =	vadd.s32 v6, v9  }
0x120: {  	v7 =	vxor.u32 v13, v4;
	v8 =	vxor.u32 v10, v5;
	v9 =	vxor.u32 v11, v6  }
0x121: {  	v7 =	vadd.s32 $0x1BD11BF4, v7;
	v8 =	vadd.s32 $0x1BD11BF4, v8;
	v9 =	vadd.s32 $0x1BD11BF4, v9  }
0x122: {  	v5 =	vadd.s32 v8, v5;
	v10 =	vshrl.u32 v8, $0x13;
	v8 =	vshll.u32 v8, $0xD  }
0x123: {  	v6 =	vadd.s32 v9, v6;
	v11 =	vshrl.u32 v9, $0x13;
	v9 =	vshll.u32 v9, $0xD  }
0x124: {  	v4 =	vadd.s32 v7, v4;
	v12 =	vshrl.u32 v7, $0x13;
	v7 =	vshll.u32 v7, $0xD  }
0x125: {  	v5 =	vadd.s32 $0x2A, v5;
	v8 =	vor.u32 v10, v8;
	v6 =	vadd.s32 $0x2A, v6  }
0x126: {  	v4 =	vadd.s32 $0x2A, v4;
	v7 =	vor.u32 v12, v7;
	v9 =	vor.u32 v11, v9  }
0x127: {  	v7 =	vxor.u32 v7, v4;
	v8 =	vxor.u32 v8, v5;
	v9 =	vxor.u32 v9, v6  }
0x128: {  	v10 =	vshrl.u32 v8, $0x11;
	v11 =	vshll.u32 v8, $0xF;
	v12 =	vshrl.u32 v9, $0x11  }
0x129: {  	v13 =	vshrl.u32 v7, $0x11;
	v14 =	vshll.u32 v7, $0xF;
	v15 =	vshll.u32 v9, $0xF  }
0x12a: {  	v13 =	vor.u32 v13, v14;
	v10 =	vor.u32 v10, v11;
	v11 =	vor.u32 v12, v15  }
0x12b: {  	v4 =	vadd.s32 v4, v7;
	v5 =	vadd.s32 v5, v8;
	v6 =	vadd.s32 v6, v9  }
0x12c: {  	v7 =	vxor.u32 v13, v4;
	v8 =	vxor.u32 v10, v5;
	v9 =	vxor.u32 v11, v6  }
0x12d: {  	v10 =	vshrl.u32 v8, $0x6;
	v11 =	vshll.u32 v8, $0x1A;
	v12 =	vshrl.u32 v9, $0x6  }
0x12e: {  	v13 =	vshrl.u32 v7, $0x6;
	v14 =	vshll.u32 v7, $0x1A;
	v15 =	vshll.u32 v9, $0x1A  }
0x12f: {  	v13 =	vor.u32 v13, v14;
	v10 =	vor.u32 v10, v11;
	v11 =	vor.u32 v12, v15  }
0x130: {  	v4 =	vadd.s32 v4, v7;
	v5 =	vadd.s32 v5, v8;
	v6 =	vadd.s32 v6, v9  }
0x131: {  	v7 =	vxor.u32 v13, v4;
	v8 =	vxor.u32 v10, v5;
	v9 =	vxor.u32 v11, v6  }
0x132: {  	v10 =	vshrl.u32 v8, $0x1A;
	v11 =	vshll.u32 v8, $0x6;
	v12 =	vshrl.u32 v9, $0x1A  }
0x133: {  	v13 =	vshrl.u32 v7, $0x1A;
	v14 =	vshll.u32 v7, $0x6;
	v15 =	vshll.u32 v9, $0x6  }
0x134: {  	v13 =	vor.u32 v13, v14;
	v10 =	vor.u32 v10, v11;
	v11 =	vor.u32 v12, v15  }
0x135: {  	v4 =	vadd.s32 v4, v7;
	v5 =	vadd.s32 v5, v8;
	v6 =	vadd.s32 v6, v9  }
0x136: {  	v7 =	vxor.u32 v13, v4;
	v8 =	vxor.u32 v10, v5;
	v9 =	vxor.u32 v11, v6  }
0x137: {  	v7 =	vadd.s32 $0x5, v7;
	v8 =	vadd.s32 $0x5, v8;
	v9 =	vadd.s32 $0x5, v9  }
0x138: {  	v4 =	vadd.s32 $0x1BD11BF0, v4;
	v5 =	vadd.s32 $0x1BD11BF0, v5;
	v6 =	vadd.s32 $0x1BD11BF0, v6  }
0x139: {  	v4 =	vxor.u32 v4, v7;
	v5 =	vxor.u32 v5, v8;
	v6 =	vxor.u32 v6, v9  }
0x13a: {  	v4 =	vshrl.u32 v4, $0x9;
	v5 =	vshrl.u32 v5, $0x9;
	v6 =	vshrl.u32 v6, $0x9  }
.Ltmp0:
0x13b: {  	v4 =	vor.u32 $0x3F800000, v4;
	v5 =	vor.u32 $0x3F800000, v5;
	v6 =	vor.u32 $0x3F800000, v6;
	(pc) =	sbr.rel @p0 .LBB2_3-.Ltmp0, $4  }
0x13c: {  	v2 =	vmax.f32 v2, $1.175494350e-38;
	v5 =	vadd.f32 $-1.000000000e+00, v5;
	v6 =	vadd.f32 $-1.000000000e+00, v6  }
0x13d: {  	v8 =	vmax.f32 v3, $1.175494350e-38;
	v3 =	vmax.f32 v1, $1.175494350e-38;
	v7 =	vadd.f32 $-1.000000000e+00, v4;
	[tilespmem:s22+$0x4E80] =	vst v2  }
0x13e: {  	s20 =	sadd.s32 $0x10, s20;
	v1 =	vadd.f32 $1.175494350e-38, v6;
	v2 =	vadd.f32 $1.175494350e-38, v5;
	[tilespmem:s22+$0x9D00] =	vst v3  }
0x13f: {  	s21 =	sadd.s32 $0x40, s21;
	s24 =	sadd.s32 $0xF4240, s20;
	s23 =	sadd.s32 $0x2DC6C0, s20;
	v4 =	vadd.s32 s20, v0;
	v3 =	vadd.f32 $1.175494350e-38, v7;
	[tilespmem:s22+$0x0] =	vst v8  }
0x140: {  	v5 =	vshrl.u32 v4, $0x13;
	v6 =	vadd.s32 s24, v0;
	s20 =	sadd.s32 $0x1E8480, s20;
	v7 =	vadd.s32 s23, v0  }
0x141: {  	v14 =	vshll.u32 v4, $0xD;
	v8 =	vadd.s32 s20, v0;
	v9 =	vshrl.u32 v7, $0x13  }
0x142: {  	v10 =	vshll.u32 v7, $0xD;
	v11 =	vshrl.u32 v6, $0x13;
	v12 =	vshll.u32 v6, $0xD  }
0x143: {  	v5 =	vor.u32 v5, v14;
	v9 =	vor.u32 v9, v10;
	v27 =	vshrl.u32 v8, $0x13  }
0x144: {  	v13 =	vshll.u32 v8, $0xD;
	v11 =	vor.u32 v11, v12;
	v5 =	vxor.u32 v4, v5  }
0x145: {  	v9 =	vxor.u32 v7, v9;
	v10 =	vor.u32 v27, v13;
	v11 =	vxor.u32 v6, v11  }
0x146: {  	v38 =	vshrl.u32 v5, $0x11;
	v17 =	vshll.u32 v5, $0xF;
	v4 =	vadd.s32 v4, v5  }
0x147: {  	v15 =	vshrl.u32 v9, $0x11;
	v16 =	vshll.u32 v9, $0xF;
	v7 =	vadd.s32 v7, v9  }
0x148: {  	v10 =	vxor.u32 v8, v10;
	v32 =	vshrl.u32 v11, $0x11;
	v33 =	vshll.u32 v11, $0xF  }
0x149: {  	v41 =	vor.u32 v38, v17;
	v6 =	vadd.s32 v6, v11;
	v28 =	vor.u32 v15, v16  }
0x14a: {  	v36 =	vshrl.u32 v10, $0x11;
	v39 =	vshll.u32 v10, $0xF;
	v12 =	vor.u32 v32, v33  }
0x14b: {  	v8 =	vadd.s32 v8, v10;
	v48 =	vxor.u32 v41, v4;
	v9 =	vxor.u32 v28, v7  }
0x14c: {  	v15 =	vor.u32 v36, v39;
	v46 =	vxor.u32 v12, v6;
	v18 =	vshrl.u32 v48, $0x6  }
0x14d: {  	v58 =	vshll.u32 v48, $0x1A;
	v4 =	vadd.s32 v4, v48;
	v29 =	vshrl.u32 v9, $0x6  }
0x14e: {  	v30 =	vshll.u32 v9, $0x1A;
	v7 =	vadd.s32 v7, v9;
	v47 =	vxor.u32 v15, v8  }
0x14f: {  	v51 =	vshrl.u32 v46, $0x6;
	v53 =	vshll.u32 v46, $0x1A;
	v31 =	vor.u32 v29, v30  }
0x150: {  	v59 =	vor.u32 v18, v58;
	v6 =	vadd.s32 v6, v46;
	v9 =	vxor.u32 v31, v7  }
0x151: {  	v54 =	vshrl.u32 v47, $0x6;
	v34 =	vshrl.u32 v9, $0x1A;
	v35 =	vshll.u32 v9, $0x6  }
0x152: {  	v15 =	vshll.u32 v47, $0x1A;
	v7 =	vadd.s32 v7, v9;
	v37 =	vor.u32 v34, v35  }
0x153: {  	v12 =	vor.u32 v51, v53;
	v8 =	vadd.s32 v8, v47;
	v9 =	vxor.u32 v37, v7  }
0x154: {  	v21 =	vxor.u32 v59, v4;
	v13 =	vor.u32 v54, v15;
	v9 =	vadd.s32 $0x1BD11BF1, v9  }
0x155: {  	v7 =	vadd.s32 v9, v7;
	v40 =	vshrl.u32 v9, $0xF;
	v9 =	vshll.u32 v9, $0x11  }
0x156: {  	v28 =	vshrl.u32 v21, $0x1A;
	v7 =	vadd.s32 $0x2A, v7;
	v9 =	vor.u32 v40, v9  }
0x157: {  	v30 =	vshll.u32 v21, $0x6;
	v4 =	vadd.s32 v4, v21;
	v9 =	vxor.u32 v9, v7  }
0x158: {  	v63 =	vxor.u32 v13, v8;
	v42 =	vshrl.u32 v9, $0x3;
	v43 =	vshll.u32 v9, $0x1D  }
0x159: {  	v33 =	vor.u32 v28, v30;
	v44 =	vadd.s32 v7, v9;
	v45 =	vor.u32 v42, v43  }
0x15a: {  	v26 =	vshrl.u32 v63, $0x1A;
	v29 =	vshll.u32 v63, $0x6;
	v7 =	vxor.u32 v45, v44  }
0x15b: {  	v8 =	vadd.s32 v8, v63;
	v49 =	vshrl.u32 v7, $0x10;
	v50 =	vshll.u32 v7, $0x10  }
0x15c: {  	v34 =	vor.u32 v26, v29;
	v5 =	vadd.s32 v44, v7;
	v52 =	vor.u32 v49, v50  }
0x15d: {  	v38 =	vxor.u32 v33, v4;
	v39 =	vxor.u32 v34, v8;
	v7 =	vxor.u32 v52, v5  }
0x15e: {  	v10 =	vadd.s32 $0x1BD11BF1, v39;
	v55 =	vshrl.u32 v7, $0x8;
	v56 =	vshll.u32 v7, $0x18  }
0x15f: {  	v8 =	vadd.s32 v10, v8;
	v5 =	vadd.s32 v5, v7;
	v57 =	vor.u32 v55, v56  }
0x160: {  	v47 =	vshrl.u32 v10, $0xF;
	v10 =	vshll.u32 v10, $0x11;
	v7 =	vxor.u32 v57, v5  }
0x161: {  	v8 =	vadd.s32 $0x2A, v8;
	v10 =	vor.u32 v47, v10;
	v7 =	vadd.s32 $0x2, v7  }
0x162: {  	v5 =	vadd.s32 v7, v5;
	v60 =	vshrl.u32 v7, $0x13;
	v7 =	vshll.u32 v7, $0xD  }
0x163: {  	v9 =	vxor.u32 v12, v6;
	v5 =	vadd.s32 $0x1BD11BF0, v5;
	v7 =	vor.u32 v60, v7  }
0x164: {  	v10 =	vxor.u32 v10, v8;
	v22 =	vshrl.u32 v9, $0x1A;
	v7 =	vxor.u32 v7, v5  }
0x165: {  	v23 =	vshll.u32 v9, $0x6;
	v61 =	vshrl.u32 v7, $0x11;
	v62 =	vshll.u32 v7, $0xF  }
0x166: {  	v6 =	vadd.s32 v6, v9;
	v5 =	vadd.s32 v5, v7;
	v20 =	vor.u32 v61, v62  }
0x167: {  	v9 =	vadd.s32 $0x1BD11BF1, v38;
	v8 =	vadd.s32 v8, v10;
	v7 =	vxor.u32 v20, v5  }
0x168: {  	v11 =	vor.u32 v22, v23;
	v24 =	vshrl.u32 v7, $0x6;
	v25 =	vshll.u32 v7, $0x1A  }
0x169: {  	v4 =	vadd.s32 v9, v4;
	v5 =	vadd.s32 v5, v7;
	v27 =	vor.u32 v24, v25  }
0x16a: {  	v51 =	vshrl.u32 v9, $0xF;
	v9 =	vshll.u32 v9, $0x11;
	v7 =	vxor.u32 v27, v5  }
0x16b: {  	v11 =	vxor.u32 v11, v6;
	v31 =	vshrl.u32 v7, $0x1A;
	v19 =	vshll.u32 v7, $0x6  }
0x16c: {  	v4 =	vadd.s32 $0x2A, v4;
	v5 =	vadd.s32 v5, v7;
	v32 =	vor.u32 v31, v19  }
0x16d: {  	v9 =	vor.u32 v51, v9;
	v11 =	vadd.s32 $0x1BD11BF1, v11;
	v7 =	vxor.u32 v32, v5  }
0x16e: {  	v9 =	vxor.u32 v9, v4;
	v6 =	vadd.s32 v11, v6;
	v7 =	vadd.s32 $0x2D, v7  }
0x16f: {  	v43 =	vshrl.u32 v11, $0xF;
	v35 =	vshrl.u32 v7, $0xF;
	v36 =	vshll.u32 v7, $0x11  }
0x170: {  	v11 =	vshll.u32 v11, $0x11;
	v5 =	vadd.s32 v5, v7;
	v37 =	vor.u32 v35, v36  }
0x171: {  	v63 =	vshrl.u32 v9, $0x3;
	v23 =	vshll.u32 v9, $0x1D;
	v7 =	vxor.u32 v37, v5  }
0x172: {  	v6 =	vadd.s32 $0x2A, v6;
	v40 =	vshrl.u32 v7, $0x3;
	v41 =	vshll.u32 v7, $0x1D  }
0x173: {  	v11 =	vor.u32 v43, v11;
	v5 =	vadd.s32 v5, v7;
	v42 =	vor.u32 v40, v41  }
0x174: {  	v4 =	vadd.s32 v4, v9;
	v11 =	vxor.u32 v11, v6;
	v7 =	vxor.u32 v42, v5  }
0x175: {  	v56 =	vshrl.u32 v11, $0x3;
	v44 =	vshrl.u32 v7, $0x10;
	v45 =	vshll.u32 v7, $0x10  }
0x176: {  	v59 =	vshll.u32 v11, $0x1D;
	v5 =	vadd.s32 v5, v7;
	v46 =	vor.u32 v44, v45  }
0x177: {  	v6 =	vadd.s32 v6, v11;
	v12 =	vor.u32 v56, v59;
	v7 =	vxor.u32 v46, v5  }
0x178: {  	v26 =	vxor.u32 v12, v6;
	v48 =	vshrl.u32 v7, $0x8;
	v49 =	vshll.u32 v7, $0x18  }
0x179: {  	v12 =	vshll.u32 v26, $0x10;
	v5 =	vadd.s32 v5, v7;
	v50 =	vor.u32 v48, v49  }
0x17a: {  	v61 =	vshrl.u32 v10, $0x3;
	v62 =	vshll.u32 v10, $0x1D;
	v7 =	vxor.u32 v50, v5  }
0x17b: {  	v6 =	vadd.s32 v6, v26;
	v13 =	vor.u32 v61, v62;
	v7 =	vadd.s32 $0x1BD11BF4, v7  }
0x17c: {  	v5 =	vadd.s32 v7, v5;
	v52 =	vshrl.u32 v7, $0x13;
	v7 =	vshll.u32 v7, $0xD  }
0x17d: {  	v10 =	vxor.u32 v13, v8;
	v5 =	vadd.s32 $0x2A, v5;
	v7 =	vor.u32 v52, v7  }
0x17e: {  	v25 =	vor.u32 v63, v23;
	v29 =	vshrl.u32 v10, $0x10;
	v7 =	vxor.u32 v7, v5  }
0x17f: {  	v30 =	vshll.u32 v10, $0x10;
	v53 =	vshrl.u32 v7, $0x11;
	v54 =	vshll.u32 v7, $0xF  }
0x180: {  	v8 =	vadd.s32 v8, v10;
	v5 =	vadd.s32 v5, v7;
	v55 =	vor.u32 v53, v54  }
0x181: {  	v9 =	vxor.u32 v25, v4;
	v27 =	vshrl.u32 v26, $0x10;
	v7 =	vxor.u32 v55, v5  }
0x182: {  	v33 =	vor.u32 v29, v30;
	v57 =	vshrl.u32 v7, $0x6;
	v58 =	vshll.u32 v7, $0x1A  }
0x183: {  	v28 =	vshrl.u32 v9, $0x10;
	v5 =	vadd.s32 v5, v7;
	v60 =	vor.u32 v57, v58  }
0x184: {  	v31 =	vshll.u32 v9, $0x10;
	v9 =	vadd.s32 v4, v9;
	v7 =	vxor.u32 v60, v5  }
0x185: {  	v32 =	vor.u32 v28, v31;
	v21 =	vshrl.u32 v7, $0x1A;
	v22 =	vshll.u32 v7, $0x6  }
0x186: {  	v34 =	vxor.u32 v32, v9;
	v5 =	vadd.s32 v5, v7;
	v24 =	vor.u32 v21, v22  }
0x187: {  	v11 =	vor.u32 v27, v12;
	v38 =	vshrl.u32 v34, $0x8;
	v7 =	vxor.u32 v24, v5  }
0x188: {  	v39 =	vshll.u32 v34, $0x18;
	v5 =	vadd.s32 $0x1BD11BF0, v5;
	v7 =	vadd.s32 $0x5, v7  }
0x189: {  	v35 =	vxor.u32 v11, v6;
	v14 =	vor.u32 v38, v39;
	v5 =	vxor.u32 v5, v7  }
0x18a: {  	v11 =	vshrl.u32 v35, $0x8;
	v7 =	vxor.u32 v33, v8;
	v5 =	vshrl.u32 v5, $0x9  }
0x18b: {  	v37 =	vshrl.u32 v7, $0x8;
	v40 =	vshll.u32 v7, $0x18;
	v5 =	vor.u32 $0x3F800000, v5  }
0x18c: {  	v7 =	vadd.s32 v8, v7;
	v41 =	vor.u32 v37, v40;
	v5 =	vadd.f32 $-1.000000000e+00, v5  }
0x18d: {  	v36 =	vshll.u32 v35, $0x18;
	v6 =	vadd.s32 v6, v35;
	v44 =	vxor.u32 v41, v7  }
0x18e: {  	v11 =	vor.u32 v11, v36;
	v10 =	vadd.s32 $0x2, v44;
	v5 =	vadd.f32 $1.175494350e-38, v5  }
0x18f: {  	v7 =	vadd.s32 v10, v7;
	v46 =	vshrl.u32 v10, $0x13;
	v10 =	vshll.u32 v10, $0xD  }
0x190: {  	v43 =	vxor.u32 v11, v6;
	v7 =	vadd.s32 $0x1BD11BF0, v7;
	v10 =	vor.u32 v46, v10  }
0x191: {  	v4 =	vmax.f32 v5, $1.175494350e-38;
	v5 =	vadd.s32 v9, v34;
	v9 =	vadd.s32 $0x2, v43  }
0x192: {  	v10 =	vxor.u32 v10, v7;
	v42 =	vxor.u32 v14, v5;
	v6 =	vadd.s32 v9, v6  }
0x193: {  	v45 =	vshrl.u32 v9, $0x13;
	v9 =	vshll.u32 v9, $0xD;
	v50 =	vshrl.u32 v10, $0x11  }
0x194: {  	v53 =	vshll.u32 v10, $0xF;
	v7 =	vadd.s32 v7, v10;
	v8 =	vadd.s32 $0x2, v42  }
0x195: {  	v6 =	vadd.s32 $0x1BD11BF0, v6;
	v9 =	vor.u32 v45, v9;
	v54 =	vor.u32 v50, v53  }
0x196: {  	v5 =	vadd.s32 v8, v5;
	v47 =	vshrl.u32 v8, $0x13;
	v8 =	vshll.u32 v8, $0xD  }
0x197: {  	v9 =	vxor.u32 v9, v6;
	v10 =	vxor.u32 v54, v7;
	v5 =	vadd.s32 $0x1BD11BF0, v5  }
0x198: {  	v8 =	vor.u32 v47, v8;
	v48 =	vshrl.u32 v9, $0x11;
	v49 =	vshll.u32 v9, $0xF  }
0x199: {  	v6 =	vadd.s32 v6, v9;
	v56 =	vshrl.u32 v10, $0x6;
	v58 =	vshll.u32 v10, $0x1A  }
0x19a: {  	v7 =	vadd.s32 v7, v10;
	v8 =	vxor.u32 v8, v5;
	v11 =	vor.u32 v48, v49  }
0x19b: {  	v59 =	vor.u32 v56, v58;
	v51 =	vshrl.u32 v8, $0x11;
	v52 =	vshll.u32 v8, $0xF  }
0x19c: {  	v5 =	vadd.s32 v5, v8;
	v9 =	vxor.u32 v11, v6;
	v10 =	vxor.u32 v59, v7  }
0x19d: {  	v14 =	vor.u32 v51, v52;
	v11 =	vshrl.u32 v9, $0x6;
	v55 =	vshll.u32 v9, $0x1A  }
0x19e: {  	v6 =	vadd.s32 v6, v9;
	v61 =	vshrl.u32 v10, $0x1A;
	v63 =	vshll.u32 v10, $0x6  }
0x19f: {  	v7 =	vadd.s32 v7, v10;
	v8 =	vxor.u32 v14, v5;
	v11 =	vor.u32 v11, v55  }
0x1a0: {  	v19 =	vor.u32 v61, v63;
	v14 =	vshrl.u32 v8, $0x6;
	v57 =	vshll.u32 v8, $0x1A  }
0x1a1: {  	v5 =	vadd.s32 v5, v8;
	v9 =	vxor.u32 v11, v6;
	v10 =	vxor.u32 v19, v7  }
0x1a2: {  	v14 =	vor.u32 v14, v57;
	v11 =	vshrl.u32 v9, $0x1A;
	v60 =	vshll.u32 v9, $0x6  }
0x1a3: {  	v6 =	vadd.s32 v6, v9;
	v10 =	vadd.s32 $0x2D, v10;
	v8 =	vxor.u32 v14, v5  }
0x1a4: {  	v11 =	vor.u32 v11, v60;
	v22 =	vshrl.u32 v10, $0xF;
	v25 =	vshll.u32 v10, $0x11  }
0x1a5: {  	v7 =	vadd.s32 v7, v10;
	v14 =	vshrl.u32 v8, $0x1A;
	v62 =	vshll.u32 v8, $0x6  }
0x1a6: {  	v5 =	vadd.s32 v5, v8;
	v9 =	vxor.u32 v11, v6;
	v26 =	vor.u32 v22, v25  }
0x1a7: {  	v14 =	vor.u32 v14, v62;
	v9 =	vadd.s32 $0x2D, v9;
	v10 =	vxor.u32 v26, v7  }
0x1a8: {  	v8 =	vxor.u32 v14, v5;
	v20 =	vshrl.u32 v9, $0xF;
	v21 =	vshll.u32 v9, $0x11  }
0x1a9: {  	v6 =	vadd.s32 v6, v9;
	v28 =	vshrl.u32 v10, $0x3;
	v30 =	vshll.u32 v10, $0x1D  }
0x1aa: {  	v7 =	vadd.s32 v7, v10;
	v8 =	vadd.s32 $0x2D, v8;
	v11 =	vor.u32 v20, v21  }
0x1ab: {  	v31 =	vor.u32 v28, v30;
	v23 =	vshrl.u32 v8, $0xF;
	v24 =	vshll.u32 v8, $0x11  }
0x1ac: {  	v5 =	vadd.s32 v5, v8;
	v9 =	vxor.u32 v11, v6;
	v10 =	vxor.u32 v31, v7  }
0x1ad: {  	v14 =	vor.u32 v23, v24;
	v11 =	vshrl.u32 v9, $0x3;
	v27 =	vshll.u32 v9, $0x1D  }
0x1ae: {  	v6 =	vadd.s32 v6, v9;
	v33 =	vshrl.u32 v10, $0x10;
	v35 =	vshll.u32 v10, $0x10  }
0x1af: {  	v7 =	vadd.s32 v7, v10;
	v8 =	vxor.u32 v14, v5;
	v11 =	vor.u32 v11, v27  }
0x1b0: {  	v36 =	vor.u32 v33, v35;
	v14 =	vshrl.u32 v8, $0x3;
	v29 =	vshll.u32 v8, $0x1D  }
0x1b1: {  	v5 =	vadd.s32 v5, v8;
	v9 =	vxor.u32 v11, v6;
	v10 =	vxor.u32 v36, v7  }
0x1b2: {  	v14 =	vor.u32 v14, v29;
	v11 =	vshrl.u32 v9, $0x10;
	v32 =	vshll.u32 v9, $0x10  }
0x1b3: {  	v6 =	vadd.s32 v6, v9;
	v38 =	vshrl.u32 v10, $0x8;
	v40 =	vshll.u32 v10, $0x18  }
0x1b4: {  	v7 =	vadd.s32 v7, v10;
	v8 =	vxor.u32 v14, v5;
	v11 =	vor.u32 v11, v32  }
0x1b5: {  	v41 =	vor.u32 v38, v40;
	v14 =	vshrl.u32 v8, $0x10;
	v34 =	vshll.u32 v8, $0x10  }
0x1b6: {  	v5 =	vadd.s32 v5, v8;
	v9 =	vxor.u32 v11, v6;
	v10 =	vxor.u32 v41, v7  }
0x1b7: {  	v14 =	vor.u32 v14, v34;
	v11 =	vshrl.u32 v9, $0x8;
	v37 =	vshll.u32 v9, $0x18  }
0x1b8: {  	v6 =	vadd.s32 v6, v9;
	v10 =	vadd.s32 $0x1BD11BF4, v10;
	v8 =	vxor.u32 v14, v5  }
0x1b9: {  	v11 =	vor.u32 v11, v37;
	v7 =	vadd.s32 v10, v7;
	v43 =	vshrl.u32 v10, $0x13  }
0x1ba: {  	v10 =	vshll.u32 v10, $0xD;
	v14 =	vshrl.u32 v8, $0x8;
	v39 =	vshll.u32 v8, $0x18  }
0x1bb: {  	v5 =	vadd.s32 v5, v8;
	v9 =	vxor.u32 v11, v6;
	v7 =	vadd.s32 $0x2A, v7  }
0x1bc: {  	v10 =	vor.u32 v43, v10;
	v14 =	vor.u32 v14, v39;
	v9 =	vadd.s32 $0x1BD11BF4, v9  }
0x1bd: {  	v10 =	vxor.u32 v10, v7;
	v8 =	vxor.u32 v14, v5;
	v6 =	vadd.s32 v9, v6  }
0x1be: {  	v42 =	vshrl.u32 v9, $0x13;
	v9 =	vshll.u32 v9, $0xD;
	v47 =	vshrl.u32 v10, $0x11  }
0x1bf: {  	v50 =	vshll.u32 v10, $0xF;
	v7 =	vadd.s32 v7, v10;
	v8 =	vadd.s32 $0x1BD11BF4, v8  }
0x1c0: {  	v6 =	vadd.s32 $0x2A, v6;
	v9 =	vor.u32 v42, v9;
	v51 =	vor.u32 v47, v50  }
0x1c1: {  	v5 =	vadd.s32 v8, v5;
	v44 =	vshrl.u32 v8, $0x13;
	v8 =	vshll.u32 v8, $0xD  }
0x1c2: {  	v9 =	vxor.u32 v9, v6;
	v10 =	vxor.u32 v51, v7;
	v5 =	vadd.s32 $0x2A, v5  }
0x1c3: {  	v8 =	vor.u32 v44, v8;
	v45 =	vshrl.u32 v9, $0x11;
	v46 =	vshll.u32 v9, $0xF  }
0x1c4: {  	v6 =	vadd.s32 v6, v9;
	v53 =	vshrl.u32 v10, $0x6;
	v55 =	vshll.u32 v10, $0x1A  }
0x1c5: {  	v7 =	vadd.s32 v7, v10;
	v8 =	vxor.u32 v8, v5;
	v11 =	vor.u32 v45, v46  }
0x1c6: {  	v56 =	vor.u32 v53, v55;
	v48 =	vshrl.u32 v8, $0x11;
	v49 =	vshll.u32 v8, $0xF  }
0x1c7: {  	v5 =	vadd.s32 v5, v8;
	v9 =	vxor.u32 v11, v6;
	v10 =	vxor.u32 v56, v7  }
0x1c8: {  	v14 =	vor.u32 v48, v49;
	v11 =	vshrl.u32 v9, $0x6;
	v52 =	vshll.u32 v9, $0x1A  }
0x1c9: {  	v6 =	vadd.s32 v6, v9;
	v58 =	vshrl.u32 v10, $0x1A;
	v60 =	vshll.u32 v10, $0x6  }
0x1ca: {  	v7 =	vadd.s32 v7, v10;
	v8 =	vxor.u32 v14, v5;
	v11 =	vor.u32 v11, v52  }
0x1cb: {  	v61 =	vor.u32 v58, v60;
	v14 =	vshrl.u32 v8, $0x6;
	v54 =	vshll.u32 v8, $0x1A  }
0x1cc: {  	v5 =	vadd.s32 v5, v8;
	v9 =	vxor.u32 v11, v6;
	v10 =	vxor.u32 v61, v7  }
0x1cd: {  	v7 =	vadd.s32 $0x1BD11BF0, v7;
	v14 =	vor.u32 v14, v54;
	v11 =	vshrl.u32 v9, $0x1A  }
0x1ce: {  	v57 =	vshll.u32 v9, $0x6;
	v6 =	vadd.s32 v6, v9;
	v8 =	vxor.u32 v14, v5  }
0x1cf: {  	v10 =	vadd.s32 $0x5, v10;
	v11 =	vor.u32 v11, v57;
	v14 =	vshrl.u32 v8, $0x1A  }
0x1d0: {  	v59 =	vshll.u32 v8, $0x6;
	v5 =	vadd.s32 v5, v8;
	v9 =	vxor.u32 v11, v6  }
0x1d1: {  	v6 =	vadd.s32 $0x1BD11BF0, v6;
	v14 =	vor.u32 v14, v59;
	v9 =	vadd.s32 $0x5, v9  }
0x1d2: {  	v7 =	vxor.u32 v7, v10;
	v8 =	vxor.u32 v14, v5;
	v6 =	vxor.u32 v6, v9  }
0x1d3: {  	v5 =	vadd.s32 $0x1BD11BF0, v5;
	v8 =	vadd.s32 $0x5, v8;
	v6 =	vshrl.u32 v6, $0x9  }
0x1d4: {  	v7 =	vshrl.u32 v7, $0x9;
	v5 =	vxor.u32 v5, v8;
	v6 =	vor.u32 $0x3F800000, v6  }
0x1d5: {  	s18 =	sshra.s32 s18, $0x2;
	v7 =	vor.u32 $0x3F800000, v7;
	v5 =	vshrl.u32 v5, $0x9;
	v6 =	vadd.f32 $-1.000000000e+00, v6  }
0x1d6: {  	v2 =	vmax.f32 v2, $1.175494350e-38;
	[tilespmem:s18+$0xEB80] =	vst v4;
	v63 =	vadd.f32 $-1.000000000e+00, v7;
	v62 =	vor.u32 $0x3F800000, v5  }
0x1d7: {  	v1 =	vmax.f32 v1, $1.175494350e-38;
	[tilespmem:s19+$0x4E80] =	vst v2;
	v4 =	vadd.f32 $-1.000000000e+00, v62;
	v2 =	vadd.f32 $1.175494350e-38, v6  }
0x1d8: {  	v3 =	vmax.f32 v3, $1.175494350e-38;
	[tilespmem:s19+$0x9D00] =	vst v1;
	v5 =	vadd.f32 $1.175494350e-38, v63  }
0x1d9: {  	[tilespmem:s19+$0x0] =	vst v3;
	v1 =	vadd.f32 $1.175494350e-38, v4;
	v2 =	vmax.f32 v2, $1.175494350e-38  }
0x1da: {  	s26 =	sadd.s32 s3, s17;
	[tilespmem:s18+$0x4E80] =	vst v2;
	v2 =	vmax.f32 v5, $1.175494350e-38  }
0x1db: {  	s19 =	sshrl.u32 s26, $0x3;
	v1 =	vmax.f32 v1, $1.175494350e-38;
	[tilespmem:s18+$0x9D00] =	vst v2  }
0x1dc: {  	s28 =	sadd.s32 s4, s19;
	[tilespmem:s18+$0x0] =	vst v1  }
0x1dd: {  	[hbm4b:s28+s2] =	stream.linear.scatter [tilespmem:s2], [sflag:$0x1], $0x4E20, $0x38;
	[tilespmem:$0x13A00] =	vst v63  }
0x1de: {  	s29 =	sadd.s32 s17, s5;
	_ =	swait.ge [sflag:s10], $0x4E20  }
0x1df: {  	s18 =	sshrl.u32 s29, $0x3;
	[sflag:s10] =	ssyncset.done $0x0  }
0x1e0: {  	s18 =	sadd.s32 s4, s18;
	[sflag:s10] =	ssyncadd.s32 $0xFFFFB1E0  }
0x1e1: {  	[hbm4b:s18+s2] =	stream.linear.scatter [tilespmem:s11], [sflag:$0x1], $0x4E20, $0x38;
	[tilespmem:$0x13A00] =	vst v63  }
0x1e2: {  	s30 =	sadd.s32 s17, s6;
	_ =	swait.ge [sflag:s10], $0x4E20  }
0x1e3: {  	s18 =	sshrl.u32 s30, $0x3;
	[sflag:s10] =	ssyncset.done $0x0  }
0x1e4: {  	s18 =	sadd.s32 s4, s18;
	[sflag:s10] =	ssyncadd.s32 $0xFFFFB1E0  }
0x1e5: {  	[hbm4b:s18+s2] =	stream.linear.scatter [tilespmem:s12], [sflag:$0x1], $0x4E20, $0x38;
	[tilespmem:$0x13A00] =	vst v63  }
0x1e6: {  	s31 =	sadd.s32 s17, s7;
	s16 =	sadd.s32 $0x1, s16;
	_ =	swait.ge [sflag:s10], $0x4E20  }
0x1e7: {  	s17 =	sshrl.u32 s31, $0x3;
	p0 =	sne.s32 s16, $0x32;
	[sflag:s10] =	ssyncset.done $0x0  }
.Ltmp1:
0x1e8: {  	s17 =	sadd.s32 s4, s17;
	[sflag:s10] =	ssyncadd.s32 $0xFFFFB1E0;
	(pc) =	sbr.rel @p0 .LBB2_2-.Ltmp1, $4  }
0x1e9: {  	[hbm4b:s17+s2] =	stream.linear.scatter [tilespmem:s13], [sflag:$0x1], $0x4E20, $0x38;
	[tilespmem:$0x13A00] =	vst v63  }
0x1ea: {  	_ =	swait.ge [sflag:s10], $0x4E20  }
0x1eb: {  	[sflag:s10] =	ssyncset.done $0x0  }
0x1ec: {  	s15 =	sadd.s32 $0x4E20, s15;
	[sflag:s10] =	ssyncadd.s32 $0xFFFFB1E0  }
0x1ed: {  	s14 =	sadd.s32 $0x1, s14  }
0x1ee: {  	p0 =	sne.s32 s14, s8  }
.Ltmp2:
0x1ef: {  	_ = 	snop;
	(pc) =	sbr.rel @p0 .LBB2_1-.Ltmp2, $1  }
0x1f0: {  	_ =	sdelay $0x3  }
0x1f1: {  	_ =	sfence.sel $0x180000  }
0x1f2: {  	[bflag:$0x0] =	sbarrier.arrive $0xFFFF  }
0x1f3: {  	p0 =	sne.s32 s0, $0x0;
	_ =	strace $0x90000047  }
0x1f4: {  	s0 =	sadd.s32 @!p0 $0x100000, s1;
	[bflag:$0x2] =	sbarrier.arrive $0xFFFF  }
0x1f5: {  	[sflag:s0] =	ssyncadd.tile.s32 @!p0 $0x1;
	_ =	shalt  }
.Lfunc_end2:
_tile_overlayer_lowered:
.L_overlay_start_2:
0x1f6: {  	(tag) =	ssettag $0x2  }
0x1f7: {  	s0 =	rddreg [dreg:$0x0];
	s2 =	stileid.u32  }
0x1f8: {  	s1 =	rddreg [dreg:$0x1];
	p0 =	sne.s32 s2, $0x0  }
0x1f9: {  	s3 =	rddreg [dreg:$0x2];
	[bflag:$0x3] =	sbarrier.arrive $0xFFFF;
	s2 =	simm.s32 @!p0 $0x1C01  }
0x1fa: {  	[timem:s3], [sflag:s2] =	dma.local @!p0 [hbm:s0], s1  }
0x1fb: {  	s0 =	simm.s32 @!p0 $0x1  }
0x1fc: {  	_ =	swait.ge @!p0 [sflag:s0], s1  }
0x1fd: {  	s1 =	ssub.s32 @!p0 $0x0, s1;
	[sflag:s0] =	ssyncset.done @!p0 $0x0  }
0x1fe: {  	[sflag:s0] =	ssyncadd.s32 @!p0 s1  }
0x1ff: {  	[bflag:$0x3] =	sbarrier.arrive $0xFFFF  }
0x200: {  	_ =	shalt  }

</sc_bundles>
